<compile_context>
chip_gen: v7x
topology: tpu7x:2x2x1
jax: 0.10.2.dev20260603
libtpu: 0.0.44.dev20260713+nightly
codegen_flags: <defaults>
</compile_context>

<pallas_src>
import functools

import jax
import jax.numpy as jnp
from jax import lax
from jax.experimental import pallas as pl
from jax.experimental.pallas import tpu as pltpu
from jax.experimental.pallas import tpu_sc as plsc

_NV, _NS = 16, 100
_D = 256
_DS = 56
_SC_WORKERS = 32


def _sc_gather(table, idx, chunk=128, tc_tiling=True, depth=3):
    rows, d = table.shape
    b = idx.shape[0]
    bpw = b // _SC_WORKERS
    c = chunk
    while bpw % c or c > bpw:
        c //= 2
    nch = bpw // c
    mesh = plsc.VectorSubcoreMesh(core_axis_name="c", subcore_axis_name="s")

    @functools.partial(
        pl.kernel,
        mesh=mesh,
        compiler_params=pltpu.CompilerParams(use_tc_tiling_on_sc=tc_tiling),
        out_type=jax.ShapeDtypeStruct((b, d), jnp.float32),
        scratch_types=[
            pltpu.VMEM((nch, c), jnp.int32),
        ] + [pltpu.VMEM((c, d), jnp.float32)] * depth
          + [pltpu.SemaphoreType.DMA] * depth,
    )
    def k(table_hbm, idx_hbm, out_hbm, idx_all, *rows_and_sems):
        rows = rows_and_sems[:depth]
        sems = rows_and_sems[depth:]
        wid = lax.axis_index("s") * 2 + lax.axis_index("c")
        base0 = wid * bpw
        pltpu.sync_copy(idx_hbm.at[pl.ds(wid * nch, nch)], idx_all)

        def gstart(t, s):
            pltpu.async_copy(table_hbm.at[idx_all.at[t]], rows[s], sems[s])

        for s in range(depth):
            if s < nch:
                gstart(s, s)

        def body(p, _):
            for s in range(depth):
                t = depth * p + s

                @pl.when(t < nch)
                def _():
                    pltpu.make_async_copy(table_hbm.at[idx_all.at[t]],
                                          rows[s], sems[s]).wait()
                    pltpu.sync_copy(rows[s],
                                    out_hbm.at[pl.ds(base0 + t * c, c)])

                @pl.when(t + depth < nch)
                def _():
                    gstart(t + depth, s)

            return 0

        lax.fori_loop(0, (nch + depth - 1) // depth, body, 0)

    return k(table, idx.reshape(b // c, c))


def _tc_layer_body(hv_ref, x_ref, est_ref, mask_ref, *wrefs_and_out):
    *wrefs, out_ref = wrefs_and_out
    (a1, r1, b1m, ws1_hv, ws1_mid, ws1_x, ws1_vn, bs1, wv1,
     wh2, ws2_s, ws2_vn, bs2, wv2,
     wh3, ws3_s, ws3_vn, bs3, wv3,
     g0, be0,
     whd1, wsd1_s, wsd1_vn, bsd1, wvd1,
     whd2, wsd2_s, wsd2_vn, bsd2, wvd2,
     g1, be1) = [w[...] for w in wrefs]
    nb = hv_ref.shape[0]
    eb = x_ref.shape[0]
    kk = eb // nb
    f32 = jnp.float32

    def dot(a, b):
        return jnp.dot(a, b, preferred_element_type=f32)

    def sig(z):
        r = jnp.sqrt(z)
        return 1.0 / (1.0 + jnp.exp(-r))

    def rep(v):
        return jnp.broadcast_to(v[:, None, :], (nb, kk, v.shape[-1])).reshape(eb, v.shape[-1])

    def mean_k(v):
        return jnp.mean(v.reshape(nb, kk, v.shape[-1]), axis=1)

    hv = hv_ref[...]
    x = x_ref[...]
    est = est_ref[...]
    mask_n = mask_ref[...]

    hv_s = hv[:, 0:100]
    hv_v = [hv[:, 100 + 16 * c:116 + 16 * c] for c in range(3)]
    x_s = x[:, 0:100]
    x_v = [x[:, 100 + 16 * c:116 + 16 * c] for c in range(3)]
    mid = est[:, 0:52]
    e_v = [est[:, 52 + c:53 + c] for c in range(3)]

    vh = [rep(dot(hv_v[c], a1)) + dot(x_v[c], b1m) + e_v[c] * r1 for c in range(3)]
    vn = jnp.sqrt(vh[0] * vh[0] + vh[1] * vh[1] + vh[2] * vh[2] + 1e-8)
    so = rep(dot(hv_s, ws1_hv)) + dot(mid, ws1_mid) + dot(x_s, ws1_x) \
        + dot(vn, ws1_vn) + bs1
    so = jax.nn.relu(so)
    vo = [dot(vh[c], wv1) for c in range(3)]
    gate = sig(vo[0] * vo[0] + vo[1] * vo[1] + vo[2] * vo[2] + 1e-8)
    vo = [vo[c] * gate for c in range(3)]

    vh = [dot(vo[c], wh2) for c in range(3)]
    vn = jnp.sqrt(vh[0] * vh[0] + vh[1] * vh[1] + vh[2] * vh[2] + 1e-8)
    so = jax.nn.relu(dot(so, ws2_s) + dot(vn, ws2_vn) + bs2)
    vo = [dot(vh[c], wv2) for c in range(3)]
    gate = sig(vo[0] * vo[0] + vo[1] * vo[1] + vo[2] * vo[2] + 1e-8)
    vo = [vo[c] * gate for c in range(3)]

    vh = [dot(vo[c], wh3) for c in range(3)]
    vn = jnp.sqrt(vh[0] * vh[0] + vh[1] * vh[1] + vh[2] * vh[2] + 1e-8)
    m_so = mean_k(so)
    m_vn = mean_k(vn)
    m_vh = [mean_k(vh[c]) for c in range(3)]

    hvv = [hv_v[c] + dot(m_vh[c], wv3) for c in range(3)]
    hs = hv_s + dot(m_so, ws3_s) + dot(m_vn, ws3_vn) + bs3
    vn2 = hvv[0] * hvv[0] + hvv[1] * hvv[1] + hvv[2] * hvv[2]
    rms = jnp.sqrt(jnp.mean(vn2, axis=-1, keepdims=True) + 1e-8)
    hvv = [hvv[c] / rms for c in range(3)]
    mu = jnp.mean(hs, axis=-1, keepdims=True)
    var = jnp.mean(jnp.square(hs - mu), axis=-1, keepdims=True)
    hs = (hs - mu) / jnp.sqrt(var + 1e-5) * g0 + be0

    vh = [dot(hvv[c], whd1) for c in range(3)]
    vn = jnp.sqrt(vh[0] * vh[0] + vh[1] * vh[1] + vh[2] * vh[2] + 1e-8)
    sd = jax.nn.relu(dot(hs, wsd1_s) + dot(vn, wsd1_vn) + bsd1)
    vd = [dot(vh[c], wvd1) for c in range(3)]
    gate = sig(vd[0] * vd[0] + vd[1] * vd[1] + vd[2] * vd[2] + 1e-8)
    vd = [vd[c] * gate for c in range(3)]

    vh = [dot(vd[c], whd2) for c in range(3)]
    vn = jnp.sqrt(vh[0] * vh[0] + vh[1] * vh[1] + vh[2] * vh[2] + 1e-8)
    sd = dot(sd, wsd2_s) + dot(vn, wsd2_vn) + bsd2
    vd = [dot(vh[c], wvd2) for c in range(3)]

    hvv = [hvv[c] + vd[c] for c in range(3)]
    hs = hs + sd
    vn2 = hvv[0] * hvv[0] + hvv[1] * hvv[1] + hvv[2] * hvv[2]
    rms = jnp.sqrt(jnp.mean(vn2, axis=-1, keepdims=True) + 1e-8)
    hvv = [hvv[c] / rms * mask_n for c in range(3)]
    mu = jnp.mean(hs, axis=-1, keepdims=True)
    var = jnp.mean(jnp.square(hs - mu), axis=-1, keepdims=True)
    hs = ((hs - mu) / jnp.sqrt(var + 1e-5) * g1 + be1) * mask_n

    pad = jnp.zeros((nb, _D - 148), f32)
    out_ref[...] = jnp.concatenate([hs, hvv[0], hvv[1], hvv[2], pad], axis=1)


def _prep_layer_weights(lp):
    w1, w2, w3 = lp['W_EV']
    d1, d2 = lp['W_dh']
    r2 = lambda v: v.reshape(1, -1)
    return (
        w1['wh'][0:16], w1['wh'][16:17], w1['wh'][17:33],
        w1['ws_w'][0:100], w1['ws_w'][100:152], w1['ws_w'][152:252],
        w1['ws_w'][252:285], r2(w1['ws_b']), w1['wv'],
        w2['wh'], w2['ws_w'][0:100], w2['ws_w'][100:116], r2(w2['ws_b']), w2['wv'],
        w3['wh'], w3['ws_w'][0:100], w3['ws_w'][100:116], r2(w3['ws_b']), w3['wv'],
        r2(lp['norm0']['gamma']), r2(lp['norm0']['beta']),
        d1['wh'], d1['ws_w'][0:100], d1['ws_w'][100:132], r2(d1['ws_b']), d1['wv'],
        d2['wh'], d2['ws_w'][0:400], d2['ws_w'][400:432], r2(d2['ws_b']), d2['wv'],
        r2(lp['norm1']['gamma']), r2(lp['norm1']['beta']),
    )


def _tc_layer(hv, x, est, mask_col, weights, nb):
    npad = hv.shape[0]
    kk = x.shape[0] // npad
    grid = npad // nb
    full = lambda w: pl.BlockSpec(w.shape, lambda i: (0,) * w.ndim)
    in_specs = [
        pl.BlockSpec((nb, _D), lambda i: (i, 0)),
        pl.BlockSpec((nb * kk, _D), lambda i: (i, 0)),
        pl.BlockSpec((nb * kk, _DS), lambda i: (i, 0)),
        pl.BlockSpec((nb, 1), lambda i: (i, 0)),
    ] + [full(w) for w in weights]
    return pl.pallas_call(
        _tc_layer_body,
        grid=(grid,),
        in_specs=in_specs,
        out_specs=pl.BlockSpec((nb, _D), lambda i: (i, 0)),
        out_shape=jax.ShapeDtypeStruct((npad, _D), jnp.float32),
    )(hv, x, est, mask_col, *weights)


def _deinterleave(hv):
    n = hv.shape[0]
    v = hv[:, :48].reshape(n, 16, 3)
    return jnp.concatenate(
        [hv[:, 48:], v[:, :, 0], v[:, :, 1], v[:, :, 2],
         jnp.zeros((n, _D - 148), hv.dtype)], axis=1)


def _reinterleave(hvt, n):
    v = jnp.stack([hvt[:n, 100:116], hvt[:n, 116:132], hvt[:n, 132:148]], axis=-1)
    return jnp.concatenate([v.reshape(n, 48), hvt[:n, 0:100]], axis=1)


def kernel(h_V, h_S, h_E, E_idx, mask, params):
    n, k = E_idx.shape[1], E_idx.shape[2]
    nb = 256
    npad = -(-n // nb) * nb
    epad = npad * k
    pn = npad - n

    hv0 = _deinterleave(h_V[0])
    hv0 = jnp.pad(hv0, ((0, pn), (0, 0)))
    mask_col = jnp.pad(mask[0].reshape(n, 1), ((0, pn), (0, 0)))

    idx = jnp.pad(E_idx[0], ((0, pn), (0, 0))).reshape(epad)
    ii = jnp.arange(npad, dtype=idx.dtype)[:, None]
    bw = (jnp.pad(E_idx[0], ((0, pn), (0, 0))) - ii < 0)
    bw_flat = bw.reshape(epad)
    idx_sel = idx + jnp.where(bw_flat, 0, npad).astype(idx.dtype)

    hs_tab = jnp.pad(h_S[0], ((0, 0), (0, 32 - h_S.shape[-1])))
    hs_g = _sc_gather(hs_tab, idx, tc_tiling=False)[:, :20]
    e_flat = jnp.pad(h_E[0], ((0, pn), (0, 0), (0, 0))).reshape(epad, 35)
    est = jnp.concatenate(
        [e_flat[:, 3:35], hs_g * bw_flat[:, None].astype(jnp.float32),
         e_flat[:, 0:3], jnp.zeros((epad, _DS - 55), jnp.float32)], axis=1)

    hv = hv0
    for lp in params['layers']:
        table = jnp.concatenate([hv, hv0], axis=0)
        x = _sc_gather(table, idx_sel)
        hv = _tc_layer(hv, x, est, mask_col, _prep_layer_weights(lp), nb)

    return _reinterleave(hv, n)[None]

# --- scband reference (transcript-rebuilt; emitter-appended) ---
"""Pipeline reference for scband-decoder-35347580846616 (READ-ONLY COPY).

The authoritative reference and input builder live on the scoring server;
editing this copy changes nothing except your own understanding.
"""

import jax, jax.numpy as jnp
import numpy as np

NV, NS = 16, 100
EV, ES = 1, 32
SV, SS = 0, 20
NUM_LAYERS = 3
B, N, K = 1, 10000, 16

def vs_split(x, nv):
    if nv == 0:
        return jnp.zeros(x.shape[:-1] + (0, 3), dtype=x.dtype), x
    v = x[..., :3 * nv].reshape(x.shape[:-1] + (nv, 3))
    s = x[..., 3 * nv:]
    return v, s

def vs_merge(v, s):
    v = v.reshape(v.shape[:-2] + (v.shape[-2] * 3,))
    return jnp.concatenate([v, s], axis=-1)

def vs_concat(x1, x2, nv1, nv2):
    v1, s1 = vs_split(x1, nv1)
    v2, s2 = vs_split(x2, nv2)
    return vs_merge(jnp.concatenate([v1, v2], axis=-2), jnp.concatenate([s1, s2], axis=-1))

def gather_nodes(nodes, neighbor_idx):
    b, n, k = neighbor_idx.shape
    flat = neighbor_idx.reshape(b, n * k)
    g = jnp.take_along_axis(nodes, flat[:, :, None], axis=1)
    return g.reshape(b, n, k, nodes.shape[-1])

def cat_neighbors_nodes(h_nodes, h_neighbors, E_idx, nv_nodes, nv_neighbors):
    g = gather_nodes(h_nodes, E_idx)
    return vs_concat(h_neighbors, g, nv_neighbors, nv_nodes)

def autoregressive_mask(E_idx):
    n = E_idx.shape[1]
    ii = jnp.arange(n, dtype=E_idx.dtype).reshape(1, -1, 1)
    return (E_idx - ii < 0).astype(jnp.float32)

def norm_no_nan(x, axis=-1, keepdims=False):
    return jnp.sqrt(jnp.sum(jnp.square(x), axis=axis, keepdims=keepdims) + 1e-8)

def gvp_apply(p, x, vi, nls, nlv):
    v, s = vs_split(x, vi)
    vh = jnp.einsum('...ic,ih->...hc', v, p['wh'])
    vn = norm_no_nan(vh, axis=-1)
    so = jnp.concatenate([s, vn], axis=-1) @ p['ws_w'] + p['ws_b']
    if nls is not None:
        so = nls(so)
    vo = jnp.einsum('...hc,ho->...oc', vh, p['wv'])
    if nlv is not None:
        vo = vo * nlv(norm_no_nan(vo, axis=-1, keepdims=True))
    return vs_merge(vo, so)

def gvp_layernorm(p, x, nv):
    v, s = vs_split(x, nv)
    vn2 = jnp.sum(jnp.square(v), axis=-1, keepdims=True)
    rms = jnp.sqrt(jnp.mean(vn2, axis=-2, keepdims=True) + 1e-8)
    v = v / rms
    mu = jnp.mean(s, axis=-1, keepdims=True)
    var = jnp.mean(jnp.square(s - mu), axis=-1, keepdims=True)
    s = (s - mu) / jnp.sqrt(var + 1e-5) * p['gamma'] + p['beta']
    return vs_merge(v, s)

def mpnn_layer(p, h_V, h_M, mask_V, vec_in, nv):
    k = h_M.shape[-2]
    h_V_expand = jnp.tile(h_V[:, :, None, :], (1, 1, k, 1))
    h_EV = vs_concat(h_V_expand, h_M, nv, vec_in)
    m = gvp_apply(p['W_EV'][0], h_EV, vec_in + nv, jax.nn.relu, jax.nn.sigmoid)
    m = gvp_apply(p['W_EV'][1], m, nv, jax.nn.relu, jax.nn.sigmoid)
    m = gvp_apply(p['W_EV'][2], m, nv, None, None)
    dh = jnp.mean(m, axis=-2)
    h_V = gvp_layernorm(p['norm0'], h_V + dh, nv)
    dh = gvp_apply(p['W_dh'][0], h_V, nv, jax.nn.relu, jax.nn.sigmoid)
    dh = gvp_apply(p['W_dh'][1], dh, 2 * nv, None, None)
    h_V = gvp_layernorm(p['norm1'], h_V + dh, nv)
    return mask_V[..., None] * h_V

def _gvp_params(key, vi, vo, si, so):
    h = max(vi, vo)
    k1, k2, k3 = jax.random.split(key, 3)
    return {'wh': jax.random.normal(k1, (vi, h), jnp.float32) / np.sqrt(vi),
            'ws_w': jax.random.normal(k2, (si + h, so), jnp.float32) / np.sqrt(si + h),
            'ws_b': jnp.zeros((so,), jnp.float32),
            'wv': jax.random.normal(k3, (h, vo), jnp.float32) / np.sqrt(h)}

def _make_params(key):
    layers = []
    s_ev = NS + ES + SS + NS
    vec_in = NV + EV
    for i in range(NUM_LAYERS):
        key, a, b2, c, d, e = jax.random.split(key, 6)
        layers.append({'W_EV': [_gvp_params(a, vec_in + NV, NV, s_ev, NS),
                                _gvp_params(b2, NV, NV, NS, NS),
                                _gvp_params(c, NV, NV, NS, NS)],
                       'W_dh': [_gvp_params(d, NV, 2 * NV, NS, 4 * NS),
                                _gvp_params(e, 2 * NV, NV, 4 * NS, NS)],
                       'norm0': {'gamma': jnp.ones((NS,), jnp.float32), 'beta': jnp.zeros((NS,), jnp.float32)},
                       'norm1': {'gamma': jnp.ones((NS,), jnp.float32), 'beta': jnp.zeros((NS,), jnp.float32)}})
    return {'layers': layers}

def setup_inputs(seed: int = 0):
    key = jax.random.key(seed)
    k1, k2, k3, k4, k5 = jax.random.split(key, 5)
    return {'h_V': jax.random.normal(k1, (B, N, 3 * NV + NS), jnp.float32),
            'h_S': jax.random.normal(k2, (B, N, 3 * SV + SS), jnp.float32),
            'h_E': jax.random.normal(k3, (B, N, K, 3 * EV + ES), jnp.float32),
            'E_idx': jax.random.randint(k4, (B, N, K), 0, N, jnp.int32),
            'mask': jnp.ones((B, N), jnp.float32),
            'params': _make_params(k5)}

def reference(h_V, h_S, h_E, E_idx, mask, params):
    h_ES = cat_neighbors_nodes(h_S, h_E, E_idx, 0, EV)
    h_ES_encoder = cat_neighbors_nodes(jnp.zeros_like(h_S), h_E, E_idx, SV, EV)
    h_ESV_encoder = cat_neighbors_nodes(h_V, h_ES_encoder, E_idx, NV, SV + EV)
    mask_attend = autoregressive_mask(E_idx)[..., None]
    mask_1D = mask[:, :, None, None]
    mask_bw = mask_1D * mask_attend
    mask_fw = mask_1D * (1.0 - mask_attend)
    h_ESV_encoder_fw = mask_fw * h_ESV_encoder
    for lp in params['layers']:
        h_ESV = cat_neighbors_nodes(h_V, h_ES, E_idx, NV, EV)
        h_M = mask_bw * h_ESV + h_ESV_encoder_fw
        h_V = mpnn_layer(lp, h_V, h_M, mask, NV + EV, NV)
    return h_V

if __name__ == "__main__":
    import jax
    _d = setup_inputs()
    print(jax.jit(kernel)(*tuple(_d.values())))

</pallas_src>

<mosaic_0001>
#map = affine_map<(d0, d1) -> (0, 0)>
module attributes {stable_mosaic.version = 14 : i64} {
  func.func @k(%arg0: i32, %arg1: i32, %arg2: memref<20480x256xf32, #tpu.memory_space<hbm>>, %arg3: memref<1280x128xi32, #tpu.memory_space<hbm>>, %arg4: memref<163840x256xf32, #tpu.memory_space<hbm>>, %arg5: memref<40x128xi32, #tpu.memory_space<vmem>>, %arg6: memref<128x256xf32, #tpu.memory_space<vmem>>, %arg7: memref<128x256xf32, #tpu.memory_space<vmem>>, %arg8: memref<128x256xf32, #tpu.memory_space<vmem>>, %arg9: memref<!tpu.dma_semaphore, #tpu.memory_space<semaphore_mem>>, %arg10: memref<!tpu.dma_semaphore, #tpu.memory_space<semaphore_mem>>, %arg11: memref<!tpu.dma_semaphore, #tpu.memory_space<semaphore_mem>>) attributes {dimension_semantics = [#tpu.dimension_semantics<core_parallel>, #tpu.dimension_semantics<subcore_parallel>], iteration_bounds = array<i64: 2, 16>, scalar_prefetch = 0 : i64, scratch_operands = 7 : i64, tpu.core_type = #tpu.core_type<sc_vector_subcore>, window_params = [{transform_indices = #map}, {transform_indices = #map}, {transform_indices = #map}]} {
    %mul3A = arith.constant 2 : i32
    %mul3A_0 = arith.muli %arg1, %mul3A : i32
    %add3A = arith.addi %mul3A_0, %arg0 : i32
    %mul3A_1 = arith.constant 5120 : i32
    %mul3A_2 = arith.muli %add3A, %mul3A_1 : i32
    %mul3A_3 = arith.constant 40 : i32
    %mul3A_4 = arith.muli %add3A, %mul3A_3 : i32
    "tpu.region"() ({
      %run_scoped3A = tpu.sem_alloc : memref<!tpu.dma_semaphore, #tpu.memory_space<semaphore_mem>>
      %dma_start3A_31 = arith.constant 0 : i32
      %dma_start3A_32 = tpu.memref_slice %arg3[%mul3A_4, %dma_start3A_31] : memref<1280x128xi32, #tpu.memory_space<hbm>> -> memref<40x128xi32, #tpu.memory_space<hbm>>
      %dma_start3A_33 = arith.constant 0 : i32
      %dma_start3A_34 = tpu.memref_slice %arg3[%mul3A_4, %dma_start3A_33] : memref<1280x128xi32, #tpu.memory_space<hbm>> -> memref<40x128xi32, #tpu.memory_space<hbm>>
      tpu.enqueue_dma source(%dma_start3A_34 : memref<40x128xi32, #tpu.memory_space<hbm>>) target(%arg5 : memref<40x128xi32, #tpu.memory_space<vmem>>) target_semaphore(%run_scoped3A : memref<!tpu.dma_semaphore, #tpu.memory_space<semaphore_mem>>)
      %dma_wait3A = arith.constant 0 : i32
      %dma_wait3A_35 = tpu.memref_slice %arg3[%mul3A_4, %dma_wait3A] : memref<1280x128xi32, #tpu.memory_space<hbm>> -> memref<40x128xi32, #tpu.memory_space<hbm>>
      %dma_wait3A_36 = arith.constant 0 : i32
      %dma_wait3A_37 = tpu.memref_slice %arg3[%mul3A_4, %dma_wait3A_36] : memref<1280x128xi32, #tpu.memory_space<hbm>> -> memref<40x128xi32, #tpu.memory_space<hbm>>
      tpu.wait_dma2 semaphore(%run_scoped3A : memref<!tpu.dma_semaphore, #tpu.memory_space<semaphore_mem>>) src(%dma_wait3A_37 : memref<40x128xi32, #tpu.memory_space<hbm>>) dst(%arg5 : memref<40x128xi32, #tpu.memory_space<vmem>>)
      tpu.yield
    }) : () -> ()
    %dma_start3A = arith.constant 0 : i32
    %dma_start3A_5 = arith.constant 0 : i32
    %dma_start3A_6 = tpu.memref_slice %arg5[%dma_start3A, %dma_start3A_5] : memref<40x128xi32, #tpu.memory_space<vmem>> -> memref<1x128xi32, #tpu.memory_space<vmem>>
    %dma_start3A_7 = tpu.memref_squeeze %dma_start3A_6 : memref<1x128xi32, #tpu.memory_space<vmem>> -> memref<128xi32, #tpu.memory_space<vmem>>
    %dma_start3A_8 = arith.constant 0 : i32
    %dma_start3A_9 = arith.constant 0 : i32
    %dma_start3A_10 = tpu.memref_slice %arg2[%dma_start3A_8, %dma_start3A_9] : memref<20480x256xf32, #tpu.memory_space<hbm>> -> memref<20480x256xf32, #tpu.memory_space<hbm>>
    tpu.enqueue_indirect_dma source(%dma_start3A_10 : memref<20480x256xf32, #tpu.memory_space<hbm>>) target(%arg6 : memref<128x256xf32, #tpu.memory_space<vmem>>) offsets(%dma_start3A_7 : memref<128xi32, #tpu.memory_space<vmem>>) semaphore(%arg9 : memref<!tpu.dma_semaphore, #tpu.memory_space<semaphore_mem>>)
    %dma_start3A_11 = arith.constant 1 : i32
    %dma_start3A_12 = arith.constant 0 : i32
    %dma_start3A_13 = tpu.memref_slice %arg5[%dma_start3A_11, %dma_start3A_12] : memref<40x128xi32, #tpu.memory_space<vmem>> -> memref<1x128xi32, #tpu.memory_space<vmem>>
    %dma_start3A_14 = tpu.memref_squeeze %dma_start3A_13 : memref<1x128xi32, #tpu.memory_space<vmem>> -> memref<128xi32, #tpu.memory_space<vmem>>
    %dma_start3A_15 = arith.constant 0 : i32
    %dma_start3A_16 = arith.constant 0 : i32
    %dma_start3A_17 = tpu.memref_slice %arg2[%dma_start3A_15, %dma_start3A_16] : memref<20480x256xf32, #tpu.memory_space<hbm>> -> memref<20480x256xf32, #tpu.memory_space<hbm>>
    tpu.enqueue_indirect_dma source(%dma_start3A_17 : memref<20480x256xf32, #tpu.memory_space<hbm>>) target(%arg7 : memref<128x256xf32, #tpu.memory_space<vmem>>) offsets(%dma_start3A_14 : memref<128xi32, #tpu.memory_space<vmem>>) semaphore(%arg10 : memref<!tpu.dma_semaphore, #tpu.memory_space<semaphore_mem>>)
    %dma_start3A_18 = arith.constant 2 : i32
    %dma_start3A_19 = arith.constant 0 : i32
    %dma_start3A_20 = tpu.memref_slice %arg5[%dma_start3A_18, %dma_start3A_19] : memref<40x128xi32, #tpu.memory_space<vmem>> -> memref<1x128xi32, #tpu.memory_space<vmem>>
    %dma_start3A_21 = tpu.memref_squeeze %dma_start3A_20 : memref<1x128xi32, #tpu.memory_space<vmem>> -> memref<128xi32, #tpu.memory_space<vmem>>
    %dma_start3A_22 = arith.constant 0 : i32
    %dma_start3A_23 = arith.constant 0 : i32
    %dma_start3A_24 = tpu.memref_slice %arg2[%dma_start3A_22, %dma_start3A_23] : memref<20480x256xf32, #tpu.memory_space<hbm>> -> memref<20480x256xf32, #tpu.memory_space<hbm>>
    tpu.enqueue_indirect_dma source(%dma_start3A_24 : memref<20480x256xf32, #tpu.memory_space<hbm>>) target(%arg8 : memref<128x256xf32, #tpu.memory_space<vmem>>) offsets(%dma_start3A_21 : memref<128xi32, #tpu.memory_space<vmem>>) semaphore(%arg11 : memref<!tpu.dma_semaphore, #tpu.memory_space<semaphore_mem>>)
    %scan3A = arith.constant 0 : i32
    %scan3A_25 = arith.constant 0 : i32
    %scan3A_26 = arith.constant 14 : i32
    %scan3A_27 = arith.addi %scan3A_25, %scan3A_26 : i32
    %scan3A_28 = arith.constant 1 : i32
    %scan3A_29 = scf.for %scan3A_31 = %scan3A_25 to %scan3A_27 step %scan3A_28 iter_args(%scan3A_32 = %scan3A) -> (i32)  : i32 {
      %mul3A_33 = arith.constant 3 : i32
      %mul3A_34 = arith.muli %mul3A_33, %scan3A_31 : i32
      %add3A_35 = arith.constant 0 : i32
      %add3A_36 = arith.addi %mul3A_34, %add3A_35 : i32
      %lt3A = arith.constant 40 : i32
      %lt3A_37 = arith.cmpi slt, %add3A_36, %lt3A : i32
      %convert_element_type3A = arith.extui %lt3A_37 : i1 to i32
      %cond3A = arith.constant 0 : i32
      %cond3A_38 = arith.cmpi ne, %convert_element_type3A, %cond3A : i32
      scf.if %cond3A_38 {
        %dma_wait3A = arith.constant 0 : i32
        %dma_wait3A_79 = tpu.memref_slice %arg5[%add3A_36, %dma_wait3A] : memref<40x128xi32, #tpu.memory_space<vmem>> -> memref<1x128xi32, #tpu.memory_space<vmem>>
        %dma_wait3A_80 = tpu.memref_squeeze %dma_wait3A_79 : memref<1x128xi32, #tpu.memory_space<vmem>> -> memref<128xi32, #tpu.memory_space<vmem>>
        %dma_wait3A_81 = arith.constant 0 : i32
        %dma_wait3A_82 = arith.constant 0 : i32
        %dma_wait3A_83 = tpu.memref_slice %arg2[%dma_wait3A_81, %dma_wait3A_82] : memref<20480x256xf32, #tpu.memory_space<hbm>> -> memref<20480x256xf32, #tpu.memory_space<hbm>>
        tpu.wait_indirect_dma semaphore(%arg9 : memref<!tpu.dma_semaphore, #tpu.memory_space<semaphore_mem>>) src(%dma_wait3A_83 : memref<20480x256xf32, #tpu.memory_space<hbm>>) dst(%arg6 : memref<128x256xf32, #tpu.memory_space<vmem>>)
        %mul3A_84 = arith.constant 128 : i32
        %mul3A_85 = arith.muli %add3A_36, %mul3A_84 : i32
        %add3A_86 = arith.addi %mul3A_2, %mul3A_85 : i32
        "tpu.region"() ({
          %run_scoped3A = tpu.sem_alloc : memref<!tpu.dma_semaphore, #tpu.memory_space<semaphore_mem>>
          %dma_start3A_87 = arith.constant 0 : i32
          %dma_start3A_88 = tpu.memref_slice %arg4[%add3A_86, %dma_start3A_87] : memref<163840x256xf32, #tpu.memory_space<hbm>> -> memref<128x256xf32, #tpu.memory_space<hbm>>
          %dma_start3A_89 = arith.constant 0 : i32
          %dma_start3A_90 = tpu.memref_slice %arg4[%add3A_86, %dma_start3A_89] : memref<163840x256xf32, #tpu.memory_space<hbm>> -> memref<128x256xf32, #tpu.memory_space<hbm>>
          tpu.enqueue_dma source(%arg6 : memref<128x256xf32, #tpu.memory_space<vmem>>) target(%dma_start3A_90 : memref<128x256xf32, #tpu.memory_space<hbm>>) target_semaphore(%run_scoped3A : memref<!tpu.dma_semaphore, #tpu.memory_space<semaphore_mem>>)
          %dma_wait3A_91 = arith.constant 0 : i32
          %dma_wait3A_92 = tpu.memref_slice %arg4[%add3A_86, %dma_wait3A_91] : memref<163840x256xf32, #tpu.memory_space<hbm>> -> memref<128x256xf32, #tpu.memory_space<hbm>>
          %dma_wait3A_93 = arith.constant 0 : i32
          %dma_wait3A_94 = tpu.memref_slice %arg4[%add3A_86, %dma_wait3A_93] : memref<163840x256xf32, #tpu.memory_space<hbm>> -> memref<128x256xf32, #tpu.memory_space<hbm>>
          tpu.wait_dma2 semaphore(%run_scoped3A : memref<!tpu.dma_semaphore, #tpu.memory_space<semaphore_mem>>) src(%arg6 : memref<128x256xf32, #tpu.memory_space<vmem>>) dst(%dma_wait3A_94 : memref<128x256xf32, #tpu.memory_space<hbm>>)
          tpu.yield
        }) : () -> ()
      } else {
      }
      %add3A_39 = arith.constant 3 : i32
      %add3A_40 = arith.addi %add3A_36, %add3A_39 : i32
      %lt3A_41 = arith.constant 40 : i32
      %lt3A_42 = arith.cmpi slt, %add3A_40, %lt3A_41 : i32
      %convert_element_type3A_43 = arith.extui %lt3A_42 : i1 to i32
      %cond3A_44 = arith.constant 0 : i32
      %cond3A_45 = arith.cmpi ne, %convert_element_type3A_43, %cond3A_44 : i32
      scf.if %cond3A_45 {
        %add3A_79 = arith.constant 3 : i32
        %add3A_80 = arith.addi %add3A_36, %add3A_79 : i32
        %dma_start3A_81 = arith.constant 0 : i32
        %dma_start3A_82 = tpu.memref_slice %arg5[%add3A_80, %dma_start3A_81] : memref<40x128xi32, #tpu.memory_space<vmem>> -> memref<1x128xi32, #tpu.memory_space<vmem>>
        %dma_start3A_83 = tpu.memref_squeeze %dma_start3A_82 : memref<1x128xi32, #tpu.memory_space<vmem>> -> memref<128xi32, #tpu.memory_space<vmem>>
        %dma_start3A_84 = arith.constant 0 : i32
        %dma_start3A_85 = arith.constant 0 : i32
        %dma_start3A_86 = tpu.memref_slice %arg2[%dma_start3A_84, %dma_start3A_85] : memref<20480x256xf32, #tpu.memory_space<hbm>> -> memref<20480x256xf32, #tpu.memory_space<hbm>>
        tpu.enqueue_indirect_dma source(%dma_start3A_86 : memref<20480x256xf32, #tpu.memory_space<hbm>>) target(%arg6 : memref<128x256xf32, #tpu.memory_space<vmem>>) offsets(%dma_start3A_83 : memref<128xi32, #tpu.memory_space<vmem>>) semaphore(%arg9 : memref<!tpu.dma_semaphore, #tpu.memory_space<semaphore_mem>>)
      } else {
      }
      %mul3A_46 = arith.constant 3 : i32
      %mul3A_47 = arith.muli %mul3A_46, %scan3A_31 : i32
      %add3A_48 = arith.constant 1 : i32
      %add3A_49 = arith.addi %mul3A_47, %add3A_48 : i32
      %lt3A_50 = arith.constant 40 : i32
      %lt3A_51 = arith.cmpi slt, %add3A_49, %lt3A_50 : i32
      %convert_element_type3A_52 = arith.extui %lt3A_51 : i1 to i32
      %cond3A_53 = arith.constant 0 : i32
      %cond3A_54 = arith.cmpi ne, %convert_element_type3A_52, %cond3A_53 : i32
      scf.if %cond3A_54 {
        %dma_wait3A = arith.constant 0 : i32
        %dma_wait3A_79 = tpu.memref_slice %arg5[%add3A_49, %dma_wait3A] : memref<40x128xi32, #tpu.memory_space<vmem>> -> memref<1x128xi32, #tpu.memory_space<vmem>>
        %dma_wait3A_80 = tpu.memref_squeeze %dma_wait3A_79 : memref<1x128xi32, #tpu.memory_space<vmem>> -> memref<128xi32, #tpu.memory_space<vmem>>
        %dma_wait3A_81 = arith.constant 0 : i32
        %dma_wait3A_82 = arith.constant 0 : i32
        %dma_wait3A_83 = tpu.memref_slice %arg2[%dma_wait3A_81, %dma_wait3A_82] : memref<20480x256xf32, #tpu.memory_space<hbm>> -> memref<20480x256xf32, #tpu.memory_space<hbm>>
        tpu.wait_indirect_dma semaphore(%arg10 : memref<!tpu.dma_semaphore, #tpu.memory_space<semaphore_mem>>) src(%dma_wait3A_83 : memref<20480x256xf32, #tpu.memory_space<hbm>>) dst(%arg7 : memref<128x256xf32, #tpu.memory_space<vmem>>)
        %mul3A_84 = arith.constant 128 : i32
        %mul3A_85 = arith.muli %add3A_49, %mul3A_84 : i32
        %add3A_86 = arith.addi %mul3A_2, %mul3A_85 : i32
        "tpu.region"() ({
          %run_scoped3A = tpu.sem_alloc : memref<!tpu.dma_semaphore, #tpu.memory_space<semaphore_mem>>
          %dma_start3A_87 = arith.constant 0 : i32
          %dma_start3A_88 = tpu.memref_slice %arg4[%add3A_86, %dma_start3A_87] : memref<163840x256xf32, #tpu.memory_space<hbm>> -> memref<128x256xf32, #tpu.memory_space<hbm>>
          %dma_start3A_89 = arith.constant 0 : i32
          %dma_start3A_90 = tpu.memref_slice %arg4[%add3A_86, %dma_start3A_89] : memref<163840x256xf32, #tpu.memory_space<hbm>> -> memref<128x256xf32, #tpu.memory_space<hbm>>
          tpu.enqueue_dma source(%arg7 : memref<128x256xf32, #tpu.memory_space<vmem>>) target(%dma_start3A_90 : memref<128x256xf32, #tpu.memory_space<hbm>>) target_semaphore(%run_scoped3A : memref<!tpu.dma_semaphore, #tpu.memory_space<semaphore_mem>>)
          %dma_wait3A_91 = arith.constant 0 : i32
          %dma_wait3A_92 = tpu.memref_slice %arg4[%add3A_86, %dma_wait3A_91] : memref<163840x256xf32, #tpu.memory_space<hbm>> -> memref<128x256xf32, #tpu.memory_space<hbm>>
          %dma_wait3A_93 = arith.constant 0 : i32
          %dma_wait3A_94 = tpu.memref_slice %arg4[%add3A_86, %dma_wait3A_93] : memref<163840x256xf32, #tpu.memory_space<hbm>> -> memref<128x256xf32, #tpu.memory_space<hbm>>
          tpu.wait_dma2 semaphore(%run_scoped3A : memref<!tpu.dma_semaphore, #tpu.memory_space<semaphore_mem>>) src(%arg7 : memref<128x256xf32, #tpu.memory_space<vmem>>) dst(%dma_wait3A_94 : memref<128x256xf32, #tpu.memory_space<hbm>>)
          tpu.yield
        }) : () -> ()
      } else {
      }
      %add3A_55 = arith.constant 3 : i32
      %add3A_56 = arith.addi %add3A_49, %add3A_55 : i32
      %lt3A_57 = arith.constant 40 : i32
      %lt3A_58 = arith.cmpi slt, %add3A_56, %lt3A_57 : i32
      %convert_element_type3A_59 = arith.extui %lt3A_58 : i1 to i32
      %cond3A_60 = arith.constant 0 : i32
      %cond3A_61 = arith.cmpi ne, %convert_element_type3A_59, %cond3A_60 : i32
      scf.if %cond3A_61 {
        %add3A_79 = arith.constant 3 : i32
        %add3A_80 = arith.addi %add3A_49, %add3A_79 : i32
        %dma_start3A_81 = arith.constant 0 : i32
        %dma_start3A_82 = tpu.memref_slice %arg5[%add3A_80, %dma_start3A_81] : memref<40x128xi32, #tpu.memory_space<vmem>> -> memref<1x128xi32, #tpu.memory_space<vmem>>
        %dma_start3A_83 = tpu.memref_squeeze %dma_start3A_82 : memref<1x128xi32, #tpu.memory_space<vmem>> -> memref<128xi32, #tpu.memory_space<vmem>>
        %dma_start3A_84 = arith.constant 0 : i32
        %dma_start3A_85 = arith.constant 0 : i32
        %dma_start3A_86 = tpu.memref_slice %arg2[%dma_start3A_84, %dma_start3A_85] : memref<20480x256xf32, #tpu.memory_space<hbm>> -> memref<20480x256xf32, #tpu.memory_space<hbm>>
        tpu.enqueue_indirect_dma source(%dma_start3A_86 : memref<20480x256xf32, #tpu.memory_space<hbm>>) target(%arg7 : memref<128x256xf32, #tpu.memory_space<vmem>>) offsets(%dma_start3A_83 : memref<128xi32, #tpu.memory_space<vmem>>) semaphore(%arg10 : memref<!tpu.dma_semaphore, #tpu.memory_space<semaphore_mem>>)
      } else {
      }
      %mul3A_62 = arith.constant 3 : i32
      %mul3A_63 = arith.muli %mul3A_62, %scan3A_31 : i32
      %add3A_64 = arith.constant 2 : i32
      %add3A_65 = arith.addi %mul3A_63, %add3A_64 : i32
      %lt3A_66 = arith.constant 40 : i32
      %lt3A_67 = arith.cmpi slt, %add3A_65, %lt3A_66 : i32
      %convert_element_type3A_68 = arith.extui %lt3A_67 : i1 to i32
      %cond3A_69 = arith.constant 0 : i32
      %cond3A_70 = arith.cmpi ne, %convert_element_type3A_68, %cond3A_69 : i32
      scf.if %cond3A_70 {
        %dma_wait3A = arith.constant 0 : i32
        %dma_wait3A_79 = tpu.memref_slice %arg5[%add3A_65, %dma_wait3A] : memref<40x128xi32, #tpu.memory_space<vmem>> -> memref<1x128xi32, #tpu.memory_space<vmem>>
        %dma_wait3A_80 = tpu.memref_squeeze %dma_wait3A_79 : memref<1x128xi32, #tpu.memory_space<vmem>> -> memref<128xi32, #tpu.memory_space<vmem>>
        %dma_wait3A_81 = arith.constant 0 : i32
        %dma_wait3A_82 = arith.constant 0 : i32
        %dma_wait3A_83 = tpu.memref_slice %arg2[%dma_wait3A_81, %dma_wait3A_82] : memref<20480x256xf32, #tpu.memory_space<hbm>> -> memref<20480x256xf32, #tpu.memory_space<hbm>>
        tpu.wait_indirect_dma semaphore(%arg11 : memref<!tpu.dma_semaphore, #tpu.memory_space<semaphore_mem>>) src(%dma_wait3A_83 : memref<20480x256xf32, #tpu.memory_space<hbm>>) dst(%arg8 : memref<128x256xf32, #tpu.memory_space<vmem>>)
        %mul3A_84 = arith.constant 128 : i32
        %mul3A_85 = arith.muli %add3A_65, %mul3A_84 : i32
        %add3A_86 = arith.addi %mul3A_2, %mul3A_85 : i32
        "tpu.region"() ({
          %run_scoped3A = tpu.sem_alloc : memref<!tpu.dma_semaphore, #tpu.memory_space<semaphore_mem>>
          %dma_start3A_87 = arith.constant 0 : i32
          %dma_start3A_88 = tpu.memref_slice %arg4[%add3A_86, %dma_start3A_87] : memref<163840x256xf32, #tpu.memory_space<hbm>> -> memref<128x256xf32, #tpu.memory_space<hbm>>
          %dma_start3A_89 = arith.constant 0 : i32
          %dma_start3A_90 = tpu.memref_slice %arg4[%add3A_86, %dma_start3A_89] : memref<163840x256xf32, #tpu.memory_space<hbm>> -> memref<128x256xf32, #tpu.memory_space<hbm>>
          tpu.enqueue_dma source(%arg8 : memref<128x256xf32, #tpu.memory_space<vmem>>) target(%dma_start3A_90 : memref<128x256xf32, #tpu.memory_space<hbm>>) target_semaphore(%run_scoped3A : memref<!tpu.dma_semaphore, #tpu.memory_space<semaphore_mem>>)
          %dma_wait3A_91 = arith.constant 0 : i32
          %dma_wait3A_92 = tpu.memref_slice %arg4[%add3A_86, %dma_wait3A_91] : memref<163840x256xf32, #tpu.memory_space<hbm>> -> memref<128x256xf32, #tpu.memory_space<hbm>>
          %dma_wait3A_93 = arith.constant 0 : i32
          %dma_wait3A_94 = tpu.memref_slice %arg4[%add3A_86, %dma_wait3A_93] : memref<163840x256xf32, #tpu.memory_space<hbm>> -> memref<128x256xf32, #tpu.memory_space<hbm>>
          tpu.wait_dma2 semaphore(%run_scoped3A : memref<!tpu.dma_semaphore, #tpu.memory_space<semaphore_mem>>) src(%arg8 : memref<128x256xf32, #tpu.memory_space<vmem>>) dst(%dma_wait3A_94 : memref<128x256xf32, #tpu.memory_space<hbm>>)
          tpu.yield
        }) : () -> ()
      } else {
      }
      %add3A_71 = arith.constant 3 : i32
      %add3A_72 = arith.addi %add3A_65, %add3A_71 : i32
      %lt3A_73 = arith.constant 40 : i32
      %lt3A_74 = arith.cmpi slt, %add3A_72, %lt3A_73 : i32
      %convert_element_type3A_75 = arith.extui %lt3A_74 : i1 to i32
      %cond3A_76 = arith.constant 0 : i32
      %cond3A_77 = arith.cmpi ne, %convert_element_type3A_75, %cond3A_76 : i32
      scf.if %cond3A_77 {
        %add3A_79 = arith.constant 3 : i32
        %add3A_80 = arith.addi %add3A_65, %add3A_79 : i32
        %dma_start3A_81 = arith.constant 0 : i32
        %dma_start3A_82 = tpu.memref_slice %arg5[%add3A_80, %dma_start3A_81] : memref<40x128xi32, #tpu.memory_space<vmem>> -> memref<1x128xi32, #tpu.memory_space<vmem>>
        %dma_start3A_83 = tpu.memref_squeeze %dma_start3A_82 : memref<1x128xi32, #tpu.memory_space<vmem>> -> memref<128xi32, #tpu.memory_space<vmem>>
        %dma_start3A_84 = arith.constant 0 : i32
        %dma_start3A_85 = arith.constant 0 : i32
        %dma_start3A_86 = tpu.memref_slice %arg2[%dma_start3A_84, %dma_start3A_85] : memref<20480x256xf32, #tpu.memory_space<hbm>> -> memref<20480x256xf32, #tpu.memory_space<hbm>>
        tpu.enqueue_indirect_dma source(%dma_start3A_86 : memref<20480x256xf32, #tpu.memory_space<hbm>>) target(%arg8 : memref<128x256xf32, #tpu.memory_space<vmem>>) offsets(%dma_start3A_83 : memref<128xi32, #tpu.memory_space<vmem>>) semaphore(%arg11 : memref<!tpu.dma_semaphore, #tpu.memory_space<semaphore_mem>>)
      } else {
      }
      %scan3A_78 = arith.constant 0 : i32
      scf.yield %scan3A_78 : i32
    }
    %scan3A_30 = arith.constant 14 : i32
    return
  }
}

#map = affine_map<(d0, d1) -> (0, 0)>
module attributes {stable_mosaic.version = 14 : i64} {
  func.func @k(%arg0: i32, %arg1: i32, %arg2: memref<10000x32xf32, #tpu.memory_space<hbm>>, %arg3: memref<1280x128xi32, #tpu.memory_space<hbm>>, %arg4: memref<163840x32xf32, #tpu.memory_space<hbm>>, %arg5: memref<40x128xi32, #tpu.memory_space<vmem>>, %arg6: memref<128x32xf32, #tpu.memory_space<vmem>>, %arg7: memref<128x32xf32, #tpu.memory_space<vmem>>, %arg8: memref<128x32xf32, #tpu.memory_space<vmem>>, %arg9: memref<!tpu.dma_semaphore, #tpu.memory_space<semaphore_mem>>, %arg10: memref<!tpu.dma_semaphore, #tpu.memory_space<semaphore_mem>>, %arg11: memref<!tpu.dma_semaphore, #tpu.memory_space<semaphore_mem>>) attributes {dimension_semantics = [#tpu.dimension_semantics<core_parallel>, #tpu.dimension_semantics<subcore_parallel>], iteration_bounds = array<i64: 2, 16>, scalar_prefetch = 0 : i64, scratch_operands = 7 : i64, tpu.core_type = #tpu.core_type<sc_vector_subcore>, window_params = [{transform_indices = #map}, {transform_indices = #map}, {transform_indices = #map}]} {
    %mul3A = arith.constant 2 : i32
    %mul3A_0 = arith.muli %arg1, %mul3A : i32
    %add3A = arith.addi %mul3A_0, %arg0 : i32
    %mul3A_1 = arith.constant 5120 : i32
    %mul3A_2 = arith.muli %add3A, %mul3A_1 : i32
    %mul3A_3 = arith.constant 40 : i32
    %mul3A_4 = arith.muli %add3A, %mul3A_3 : i32
    "tpu.region"() ({
      %run_scoped3A = tpu.sem_alloc : memref<!tpu.dma_semaphore, #tpu.memory_space<semaphore_mem>>
      %dma_start3A_31 = arith.constant 0 : i32
      %dma_start3A_32 = tpu.memref_slice %arg3[%mul3A_4, %dma_start3A_31] : memref<1280x128xi32, #tpu.memory_space<hbm>> -> memref<40x128xi32, #tpu.memory_space<hbm>>
      %dma_start3A_33 = arith.constant 0 : i32
      %dma_start3A_34 = tpu.memref_slice %arg3[%mul3A_4, %dma_start3A_33] : memref<1280x128xi32, #tpu.memory_space<hbm>> -> memref<40x128xi32, #tpu.memory_space<hbm>>
      tpu.enqueue_dma source(%dma_start3A_34 : memref<40x128xi32, #tpu.memory_space<hbm>>) target(%arg5 : memref<40x128xi32, #tpu.memory_space<vmem>>) target_semaphore(%run_scoped3A : memref<!tpu.dma_semaphore, #tpu.memory_space<semaphore_mem>>)
      %dma_wait3A = arith.constant 0 : i32
      %dma_wait3A_35 = tpu.memref_slice %arg3[%mul3A_4, %dma_wait3A] : memref<1280x128xi32, #tpu.memory_space<hbm>> -> memref<40x128xi32, #tpu.memory_space<hbm>>
      %dma_wait3A_36 = arith.constant 0 : i32
      %dma_wait3A_37 = tpu.memref_slice %arg3[%mul3A_4, %dma_wait3A_36] : memref<1280x128xi32, #tpu.memory_space<hbm>> -> memref<40x128xi32, #tpu.memory_space<hbm>>
      tpu.wait_dma2 semaphore(%run_scoped3A : memref<!tpu.dma_semaphore, #tpu.memory_space<semaphore_mem>>) src(%dma_wait3A_37 : memref<40x128xi32, #tpu.memory_space<hbm>>) dst(%arg5 : memref<40x128xi32, #tpu.memory_space<vmem>>)
      tpu.yield
    }) : () -> ()
    %dma_start3A = arith.constant 0 : i32
    %dma_start3A_5 = arith.constant 0 : i32
    %dma_start3A_6 = tpu.memref_slice %arg5[%dma_start3A, %dma_start3A_5] : memref<40x128xi32, #tpu.memory_space<vmem>> -> memref<1x128xi32, #tpu.memory_space<vmem>>
    %dma_start3A_7 = tpu.memref_squeeze %dma_start3A_6 : memref<1x128xi32, #tpu.memory_space<vmem>> -> memref<128xi32, #tpu.memory_space<vmem>>
    %dma_start3A_8 = arith.constant 0 : i32
    %dma_start3A_9 = arith.constant 0 : i32
    %dma_start3A_10 = tpu.memref_slice %arg2[%dma_start3A_8, %dma_start3A_9] : memref<10000x32xf32, #tpu.memory_space<hbm>> -> memref<10000x32xf32, #tpu.memory_space<hbm>>
    tpu.enqueue_indirect_dma source(%dma_start3A_10 : memref<10000x32xf32, #tpu.memory_space<hbm>>) target(%arg6 : memref<128x32xf32, #tpu.memory_space<vmem>>) offsets(%dma_start3A_7 : memref<128xi32, #tpu.memory_space<vmem>>) semaphore(%arg9 : memref<!tpu.dma_semaphore, #tpu.memory_space<semaphore_mem>>)
    %dma_start3A_11 = arith.constant 1 : i32
    %dma_start3A_12 = arith.constant 0 : i32
    %dma_start3A_13 = tpu.memref_slice %arg5[%dma_start3A_11, %dma_start3A_12] : memref<40x128xi32, #tpu.memory_space<vmem>> -> memref<1x128xi32, #tpu.memory_space<vmem>>
    %dma_start3A_14 = tpu.memref_squeeze %dma_start3A_13 : memref<1x128xi32, #tpu.memory_space<vmem>> -> memref<128xi32, #tpu.memory_space<vmem>>
    %dma_start3A_15 = arith.constant 0 : i32
    %dma_start3A_16 = arith.constant 0 : i32
    %dma_start3A_17 = tpu.memref_slice %arg2[%dma_start3A_15, %dma_start3A_16] : memref<10000x32xf32, #tpu.memory_space<hbm>> -> memref<10000x32xf32, #tpu.memory_space<hbm>>
    tpu.enqueue_indirect_dma source(%dma_start3A_17 : memref<10000x32xf32, #tpu.memory_space<hbm>>) target(%arg7 : memref<128x32xf32, #tpu.memory_space<vmem>>) offsets(%dma_start3A_14 : memref<128xi32, #tpu.memory_space<vmem>>) semaphore(%arg10 : memref<!tpu.dma_semaphore, #tpu.memory_space<semaphore_mem>>)
    %dma_start3A_18 = arith.constant 2 : i32
    %dma_start3A_19 = arith.constant 0 : i32
    %dma_start3A_20 = tpu.memref_slice %arg5[%dma_start3A_18, %dma_start3A_19] : memref<40x128xi32, #tpu.memory_space<vmem>> -> memref<1x128xi32, #tpu.memory_space<vmem>>
    %dma_start3A_21 = tpu.memref_squeeze %dma_start3A_20 : memref<1x128xi32, #tpu.memory_space<vmem>> -> memref<128xi32, #tpu.memory_space<vmem>>
    %dma_start3A_22 = arith.constant 0 : i32
    %dma_start3A_23 = arith.constant 0 : i32
    %dma_start3A_24 = tpu.memref_slice %arg2[%dma_start3A_22, %dma_start3A_23] : memref<10000x32xf32, #tpu.memory_space<hbm>> -> memref<10000x32xf32, #tpu.memory_space<hbm>>
    tpu.enqueue_indirect_dma source(%dma_start3A_24 : memref<10000x32xf32, #tpu.memory_space<hbm>>) target(%arg8 : memref<128x32xf32, #tpu.memory_space<vmem>>) offsets(%dma_start3A_21 : memref<128xi32, #tpu.memory_space<vmem>>) semaphore(%arg11 : memref<!tpu.dma_semaphore, #tpu.memory_space<semaphore_mem>>)
    %scan3A = arith.constant 0 : i32
    %scan3A_25 = arith.constant 0 : i32
    %scan3A_26 = arith.constant 14 : i32
    %scan3A_27 = arith.addi %scan3A_25, %scan3A_26 : i32
    %scan3A_28 = arith.constant 1 : i32
    %scan3A_29 = scf.for %scan3A_31 = %scan3A_25 to %scan3A_27 step %scan3A_28 iter_args(%scan3A_32 = %scan3A) -> (i32)  : i32 {
      %mul3A_33 = arith.constant 3 : i32
      %mul3A_34 = arith.muli %mul3A_33, %scan3A_31 : i32
      %add3A_35 = arith.constant 0 : i32
      %add3A_36 = arith.addi %mul3A_34, %add3A_35 : i32
      %lt3A = arith.constant 40 : i32
      %lt3A_37 = arith.cmpi slt, %add3A_36, %lt3A : i32
      %convert_element_type3A = arith.extui %lt3A_37 : i1 to i32
      %cond3A = arith.constant 0 : i32
      %cond3A_38 = arith.cmpi ne, %convert_element_type3A, %cond3A : i32
      scf.if %cond3A_38 {
        %dma_wait3A = arith.constant 0 : i32
        %dma_wait3A_79 = tpu.memref_slice %arg5[%add3A_36, %dma_wait3A] : memref<40x128xi32, #tpu.memory_space<vmem>> -> memref<1x128xi32, #tpu.memory_space<vmem>>
        %dma_wait3A_80 = tpu.memref_squeeze %dma_wait3A_79 : memref<1x128xi32, #tpu.memory_space<vmem>> -> memref<128xi32, #tpu.memory_space<vmem>>
        %dma_wait3A_81 = arith.constant 0 : i32
        %dma_wait3A_82 = arith.constant 0 : i32
        %dma_wait3A_83 = tpu.memref_slice %arg2[%dma_wait3A_81, %dma_wait3A_82] : memref<10000x32xf32, #tpu.memory_space<hbm>> -> memref<10000x32xf32, #tpu.memory_space<hbm>>
        tpu.wait_indirect_dma semaphore(%arg9 : memref<!tpu.dma_semaphore, #tpu.memory_space<semaphore_mem>>) src(%dma_wait3A_83 : memref<10000x32xf32, #tpu.memory_space<hbm>>) dst(%arg6 : memref<128x32xf32, #tpu.memory_space<vmem>>)
        %mul3A_84 = arith.constant 128 : i32
        %mul3A_85 = arith.muli %add3A_36, %mul3A_84 : i32
        %add3A_86 = arith.addi %mul3A_2, %mul3A_85 : i32
        "tpu.region"() ({
          %run_scoped3A = tpu.sem_alloc : memref<!tpu.dma_semaphore, #tpu.memory_space<semaphore_mem>>
          %dma_start3A_87 = arith.constant 0 : i32
          %dma_start3A_88 = tpu.memref_slice %arg4[%add3A_86, %dma_start3A_87] : memref<163840x32xf32, #tpu.memory_space<hbm>> -> memref<128x32xf32, #tpu.memory_space<hbm>>
          %dma_start3A_89 = arith.constant 0 : i32
          %dma_start3A_90 = tpu.memref_slice %arg4[%add3A_86, %dma_start3A_89] : memref<163840x32xf32, #tpu.memory_space<hbm>> -> memref<128x32xf32, #tpu.memory_space<hbm>>
          tpu.enqueue_dma source(%arg6 : memref<128x32xf32, #tpu.memory_space<vmem>>) target(%dma_start3A_90 : memref<128x32xf32, #tpu.memory_space<hbm>>) target_semaphore(%run_scoped3A : memref<!tpu.dma_semaphore, #tpu.memory_space<semaphore_mem>>)
          %dma_wait3A_91 = arith.constant 0 : i32
          %dma_wait3A_92 = tpu.memref_slice %arg4[%add3A_86, %dma_wait3A_91] : memref<163840x32xf32, #tpu.memory_space<hbm>> -> memref<128x32xf32, #tpu.memory_space<hbm>>
          %dma_wait3A_93 = arith.constant 0 : i32
          %dma_wait3A_94 = tpu.memref_slice %arg4[%add3A_86, %dma_wait3A_93] : memref<163840x32xf32, #tpu.memory_space<hbm>> -> memref<128x32xf32, #tpu.memory_space<hbm>>
          tpu.wait_dma2 semaphore(%run_scoped3A : memref<!tpu.dma_semaphore, #tpu.memory_space<semaphore_mem>>) src(%arg6 : memref<128x32xf32, #tpu.memory_space<vmem>>) dst(%dma_wait3A_94 : memref<128x32xf32, #tpu.memory_space<hbm>>)
          tpu.yield
        }) : () -> ()
      } else {
      }
      %add3A_39 = arith.constant 3 : i32
      %add3A_40 = arith.addi %add3A_36, %add3A_39 : i32
      %lt3A_41 = arith.constant 40 : i32
      %lt3A_42 = arith.cmpi slt, %add3A_40, %lt3A_41 : i32
      %convert_element_type3A_43 = arith.extui %lt3A_42 : i1 to i32
      %cond3A_44 = arith.constant 0 : i32
      %cond3A_45 = arith.cmpi ne, %convert_element_type3A_43, %cond3A_44 : i32
      scf.if %cond3A_45 {
        %add3A_79 = arith.constant 3 : i32
        %add3A_80 = arith.addi %add3A_36, %add3A_79 : i32
        %dma_start3A_81 = arith.constant 0 : i32
        %dma_start3A_82 = tpu.memref_slice %arg5[%add3A_80, %dma_start3A_81] : memref<40x128xi32, #tpu.memory_space<vmem>> -> memref<1x128xi32, #tpu.memory_space<vmem>>
        %dma_start3A_83 = tpu.memref_squeeze %dma_start3A_82 : memref<1x128xi32, #tpu.memory_space<vmem>> -> memref<128xi32, #tpu.memory_space<vmem>>
        %dma_start3A_84 = arith.constant 0 : i32
        %dma_start3A_85 = arith.constant 0 : i32
        %dma_start3A_86 = tpu.memref_slice %arg2[%dma_start3A_84, %dma_start3A_85] : memref<10000x32xf32, #tpu.memory_space<hbm>> -> memref<10000x32xf32, #tpu.memory_space<hbm>>
        tpu.enqueue_indirect_dma source(%dma_start3A_86 : memref<10000x32xf32, #tpu.memory_space<hbm>>) target(%arg6 : memref<128x32xf32, #tpu.memory_space<vmem>>) offsets(%dma_start3A_83 : memref<128xi32, #tpu.memory_space<vmem>>) semaphore(%arg9 : memref<!tpu.dma_semaphore, #tpu.memory_space<semaphore_mem>>)
      } else {
      }
      %mul3A_46 = arith.constant 3 : i32
      %mul3A_47 = arith.muli %mul3A_46, %scan3A_31 : i32
      %add3A_48 = arith.constant 1 : i32
      %add3A_49 = arith.addi %mul3A_47, %add3A_48 : i32
      %lt3A_50 = arith.constant 40 : i32
      %lt3A_51 = arith.cmpi slt, %add3A_49, %lt3A_50 : i32
      %convert_element_type3A_52 = arith.extui %lt3A_51 : i1 to i32
      %cond3A_53 = arith.constant 0 : i32
      %cond3A_54 = arith.cmpi ne, %convert_element_type3A_52, %cond3A_53 : i32
      scf.if %cond3A_54 {
        %dma_wait3A = arith.constant 0 : i32
        %dma_wait3A_79 = tpu.memref_slice %arg5[%add3A_49, %dma_wait3A] : memref<40x128xi32, #tpu.memory_space<vmem>> -> memref<1x128xi32, #tpu.memory_space<vmem>>
        %dma_wait3A_80 = tpu.memref_squeeze %dma_wait3A_79 : memref<1x128xi32, #tpu.memory_space<vmem>> -> memref<128xi32, #tpu.memory_space<vmem>>
        %dma_wait3A_81 = arith.constant 0 : i32
        %dma_wait3A_82 = arith.constant 0 : i32
        %dma_wait3A_83 = tpu.memref_slice %arg2[%dma_wait3A_81, %dma_wait3A_82] : memref<10000x32xf32, #tpu.memory_space<hbm>> -> memref<10000x32xf32, #tpu.memory_space<hbm>>
        tpu.wait_indirect_dma semaphore(%arg10 : memref<!tpu.dma_semaphore, #tpu.memory_space<semaphore_mem>>) src(%dma_wait3A_83 : memref<10000x32xf32, #tpu.memory_space<hbm>>) dst(%arg7 : memref<128x32xf32, #tpu.memory_space<vmem>>)
        %mul3A_84 = arith.constant 128 : i32
        %mul3A_85 = arith.muli %add3A_49, %mul3A_84 : i32
        %add3A_86 = arith.addi %mul3A_2, %mul3A_85 : i32
        "tpu.region"() ({
          %run_scoped3A = tpu.sem_alloc : memref<!tpu.dma_semaphore, #tpu.memory_space<semaphore_mem>>
          %dma_start3A_87 = arith.constant 0 : i32
          %dma_start3A_88 = tpu.memref_slice %arg4[%add3A_86, %dma_start3A_87] : memref<163840x32xf32, #tpu.memory_space<hbm>> -> memref<128x32xf32, #tpu.memory_space<hbm>>
          %dma_start3A_89 = arith.constant 0 : i32
          %dma_start3A_90 = tpu.memref_slice %arg4[%add3A_86, %dma_start3A_89] : memref<163840x32xf32, #tpu.memory_space<hbm>> -> memref<128x32xf32, #tpu.memory_space<hbm>>
          tpu.enqueue_dma source(%arg7 : memref<128x32xf32, #tpu.memory_space<vmem>>) target(%dma_start3A_90 : memref<128x32xf32, #tpu.memory_space<hbm>>) target_semaphore(%run_scoped3A : memref<!tpu.dma_semaphore, #tpu.memory_space<semaphore_mem>>)
          %dma_wait3A_91 = arith.constant 0 : i32
          %dma_wait3A_92 = tpu.memref_slice %arg4[%add3A_86, %dma_wait3A_91] : memref<163840x32xf32, #tpu.memory_space<hbm>> -> memref<128x32xf32, #tpu.memory_space<hbm>>
          %dma_wait3A_93 = arith.constant 0 : i32
          %dma_wait3A_94 = tpu.memref_slice %arg4[%add3A_86, %dma_wait3A_93] : memref<163840x32xf32, #tpu.memory_space<hbm>> -> memref<128x32xf32, #tpu.memory_space<hbm>>
          tpu.wait_dma2 semaphore(%run_scoped3A : memref<!tpu.dma_semaphore, #tpu.memory_space<semaphore_mem>>) src(%arg7 : memref<128x32xf32, #tpu.memory_space<vmem>>) dst(%dma_wait3A_94 : memref<128x32xf32, #tpu.memory_space<hbm>>)
          tpu.yield
        }) : () -> ()
      } else {
      }
      %add3A_55 = arith.constant 3 : i32
      %add3A_56 = arith.addi %add3A_49, %add3A_55 : i32
      %lt3A_57 = arith.constant 40 : i32
      %lt3A_58 = arith.cmpi slt, %add3A_56, %lt3A_57 : i32
      %convert_element_type3A_59 = arith.extui %lt3A_58 : i1 to i32
      %cond3A_60 = arith.constant 0 : i32
      %cond3A_61 = arith.cmpi ne, %convert_element_type3A_59, %cond3A_60 : i32
      scf.if %cond3A_61 {
        %add3A_79 = arith.constant 3 : i32
        %add3A_80 = arith.addi %add3A_49, %add3A_79 : i32
        %dma_start3A_81 = arith.constant 0 : i32
        %dma_start3A_82 = tpu.memref_slice %arg5[%add3A_80, %dma_start3A_81] : memref<40x128xi32, #tpu.memory_space<vmem>> -> memref<1x128xi32, #tpu.memory_space<vmem>>
        %dma_start3A_83 = tpu.memref_squeeze %dma_start3A_82 : memref<1x128xi32, #tpu.memory_space<vmem>> -> memref<128xi32, #tpu.memory_space<vmem>>
        %dma_start3A_84 = arith.constant 0 : i32
        %dma_start3A_85 = arith.constant 0 : i32
        %dma_start3A_86 = tpu.memref_slice %arg2[%dma_start3A_84, %dma_start3A_85] : memref<10000x32xf32, #tpu.memory_space<hbm>> -> memref<10000x32xf32, #tpu.memory_space<hbm>>
        tpu.enqueue_indirect_dma source(%dma_start3A_86 : memref<10000x32xf32, #tpu.memory_space<hbm>>) target(%arg7 : memref<128x32xf32, #tpu.memory_space<vmem>>) offsets(%dma_start3A_83 : memref<128xi32, #tpu.memory_space<vmem>>) semaphore(%arg10 : memref<!tpu.dma_semaphore, #tpu.memory_space<semaphore_mem>>)
      } else {
      }
      %mul3A_62 = arith.constant 3 : i32
      %mul3A_63 = arith.muli %mul3A_62, %scan3A_31 : i32
      %add3A_64 = arith.constant 2 : i32
      %add3A_65 = arith.addi %mul3A_63, %add3A_64 : i32
      %lt3A_66 = arith.constant 40 : i32
      %lt3A_67 = arith.cmpi slt, %add3A_65, %lt3A_66 : i32
      %convert_element_type3A_68 = arith.extui %lt3A_67 : i1 to i32
      %cond3A_69 = arith.constant 0 : i32
      %cond3A_70 = arith.cmpi ne, %convert_element_type3A_68, %cond3A_69 : i32
      scf.if %cond3A_70 {
        %dma_wait3A = arith.constant 0 : i32
        %dma_wait3A_79 = tpu.memref_slice %arg5[%add3A_65, %dma_wait3A] : memref<40x128xi32, #tpu.memory_space<vmem>> -> memref<1x128xi32, #tpu.memory_space<vmem>>
        %dma_wait3A_80 = tpu.memref_squeeze %dma_wait3A_79 : memref<1x128xi32, #tpu.memory_space<vmem>> -> memref<128xi32, #tpu.memory_space<vmem>>
        %dma_wait3A_81 = arith.constant 0 : i32
        %dma_wait3A_82 = arith.constant 0 : i32
        %dma_wait3A_83 = tpu.memref_slice %arg2[%dma_wait3A_81, %dma_wait3A_82] : memref<10000x32xf32, #tpu.memory_space<hbm>> -> memref<10000x32xf32, #tpu.memory_space<hbm>>
        tpu.wait_indirect_dma semaphore(%arg11 : memref<!tpu.dma_semaphore, #tpu.memory_space<semaphore_mem>>) src(%dma_wait3A_83 : memref<10000x32xf32, #tpu.memory_space<hbm>>) dst(%arg8 : memref<128x32xf32, #tpu.memory_space<vmem>>)
        %mul3A_84 = arith.constant 128 : i32
        %mul3A_85 = arith.muli %add3A_65, %mul3A_84 : i32
        %add3A_86 = arith.addi %mul3A_2, %mul3A_85 : i32
        "tpu.region"() ({
          %run_scoped3A = tpu.sem_alloc : memref<!tpu.dma_semaphore, #tpu.memory_space<semaphore_mem>>
          %dma_start3A_87 = arith.constant 0 : i32
          %dma_start3A_88 = tpu.memref_slice %arg4[%add3A_86, %dma_start3A_87] : memref<163840x32xf32, #tpu.memory_space<hbm>> -> memref<128x32xf32, #tpu.memory_space<hbm>>
          %dma_start3A_89 = arith.constant 0 : i32
          %dma_start3A_90 = tpu.memref_slice %arg4[%add3A_86, %dma_start3A_89] : memref<163840x32xf32, #tpu.memory_space<hbm>> -> memref<128x32xf32, #tpu.memory_space<hbm>>
          tpu.enqueue_dma source(%arg8 : memref<128x32xf32, #tpu.memory_space<vmem>>) target(%dma_start3A_90 : memref<128x32xf32, #tpu.memory_space<hbm>>) target_semaphore(%run_scoped3A : memref<!tpu.dma_semaphore, #tpu.memory_space<semaphore_mem>>)
          %dma_wait3A_91 = arith.constant 0 : i32
          %dma_wait3A_92 = tpu.memref_slice %arg4[%add3A_86, %dma_wait3A_91] : memref<163840x32xf32, #tpu.memory_space<hbm>> -> memref<128x32xf32, #tpu.memory_space<hbm>>
          %dma_wait3A_93 = arith.constant 0 : i32
          %dma_wait3A_94 = tpu.memref_slice %arg4[%add3A_86, %dma_wait3A_93] : memref<163840x32xf32, #tpu.memory_space<hbm>> -> memref<128x32xf32, #tpu.memory_space<hbm>>
          tpu.wait_dma2 semaphore(%run_scoped3A : memref<!tpu.dma_semaphore, #tpu.memory_space<semaphore_mem>>) src(%arg8 : memref<128x32xf32, #tpu.memory_space<vmem>>) dst(%dma_wait3A_94 : memref<128x32xf32, #tpu.memory_space<hbm>>)
          tpu.yield
        }) : () -> ()
      } else {
      }
      %add3A_71 = arith.constant 3 : i32
      %add3A_72 = arith.addi %add3A_65, %add3A_71 : i32
      %lt3A_73 = arith.constant 40 : i32
      %lt3A_74 = arith.cmpi slt, %add3A_72, %lt3A_73 : i32
      %convert_element_type3A_75 = arith.extui %lt3A_74 : i1 to i32
      %cond3A_76 = arith.constant 0 : i32
      %cond3A_77 = arith.cmpi ne, %convert_element_type3A_75, %cond3A_76 : i32
      scf.if %cond3A_77 {
        %add3A_79 = arith.constant 3 : i32
        %add3A_80 = arith.addi %add3A_65, %add3A_79 : i32
        %dma_start3A_81 = arith.constant 0 : i32
        %dma_start3A_82 = tpu.memref_slice %arg5[%add3A_80, %dma_start3A_81] : memref<40x128xi32, #tpu.memory_space<vmem>> -> memref<1x128xi32, #tpu.memory_space<vmem>>
        %dma_start3A_83 = tpu.memref_squeeze %dma_start3A_82 : memref<1x128xi32, #tpu.memory_space<vmem>> -> memref<128xi32, #tpu.memory_space<vmem>>
        %dma_start3A_84 = arith.constant 0 : i32
        %dma_start3A_85 = arith.constant 0 : i32
        %dma_start3A_86 = tpu.memref_slice %arg2[%dma_start3A_84, %dma_start3A_85] : memref<10000x32xf32, #tpu.memory_space<hbm>> -> memref<10000x32xf32, #tpu.memory_space<hbm>>
        tpu.enqueue_indirect_dma source(%dma_start3A_86 : memref<10000x32xf32, #tpu.memory_space<hbm>>) target(%arg8 : memref<128x32xf32, #tpu.memory_space<vmem>>) offsets(%dma_start3A_83 : memref<128xi32, #tpu.memory_space<vmem>>) semaphore(%arg11 : memref<!tpu.dma_semaphore, #tpu.memory_space<semaphore_mem>>)
      } else {
      }
      %scan3A_78 = arith.constant 0 : i32
      scf.yield %scan3A_78 : i32
    }
    %scan3A_30 = arith.constant 14 : i32
    return
  }
}

#map = affine_map<(d0, d1) -> (0, 0)>
module attributes {stable_mosaic.version = 14 : i64} {
  func.func @k(%arg0: i32, %arg1: i32, %arg2: memref<20480x256xf32, #tpu.memory_space<hbm>>, %arg3: memref<1280x128xi32, #tpu.memory_space<hbm>>, %arg4: memref<163840x256xf32, #tpu.memory_space<hbm>>, %arg5: memref<40x128xi32, #tpu.memory_space<vmem>>, %arg6: memref<128x256xf32, #tpu.memory_space<vmem>>, %arg7: memref<128x256xf32, #tpu.memory_space<vmem>>, %arg8: memref<128x256xf32, #tpu.memory_space<vmem>>, %arg9: memref<!tpu.dma_semaphore, #tpu.memory_space<semaphore_mem>>, %arg10: memref<!tpu.dma_semaphore, #tpu.memory_space<semaphore_mem>>, %arg11: memref<!tpu.dma_semaphore, #tpu.memory_space<semaphore_mem>>) attributes {dimension_semantics = [#tpu.dimension_semantics<core_parallel>, #tpu.dimension_semantics<subcore_parallel>], iteration_bounds = array<i64: 2, 16>, scalar_prefetch = 0 : i64, scratch_operands = 7 : i64, tpu.core_type = #tpu.core_type<sc_vector_subcore>, window_params = [{transform_indices = #map}, {transform_indices = #map}, {transform_indices = #map}]} {
    %mul3A = arith.constant 2 : i32
    %mul3A_0 = arith.muli %arg1, %mul3A : i32
    %add3A = arith.addi %mul3A_0, %arg0 : i32
    %mul3A_1 = arith.constant 5120 : i32
    %mul3A_2 = arith.muli %add3A, %mul3A_1 : i32
    %mul3A_3 = arith.constant 40 : i32
    %mul3A_4 = arith.muli %add3A, %mul3A_3 : i32
    "tpu.region"() ({
      %run_scoped3A = tpu.sem_alloc : memref<!tpu.dma_semaphore, #tpu.memory_space<semaphore_mem>>
      %dma_start3A_31 = arith.constant 0 : i32
      %dma_start3A_32 = tpu.memref_slice %arg3[%mul3A_4, %dma_start3A_31] : memref<1280x128xi32, #tpu.memory_space<hbm>> -> memref<40x128xi32, #tpu.memory_space<hbm>>
      %dma_start3A_33 = arith.constant 0 : i32
      %dma_start3A_34 = tpu.memref_slice %arg3[%mul3A_4, %dma_start3A_33] : memref<1280x128xi32, #tpu.memory_space<hbm>> -> memref<40x128xi32, #tpu.memory_space<hbm>>
      tpu.enqueue_dma source(%dma_start3A_34 : memref<40x128xi32, #tpu.memory_space<hbm>>) target(%arg5 : memref<40x128xi32, #tpu.memory_space<vmem>>) target_semaphore(%run_scoped3A : memref<!tpu.dma_semaphore, #tpu.memory_space<semaphore_mem>>)
      %dma_wait3A = arith.constant 0 : i32
      %dma_wait3A_35 = tpu.memref_slice %arg3[%mul3A_4, %dma_wait3A] : memref<1280x128xi32, #tpu.memory_space<hbm>> -> memref<40x128xi32, #tpu.memory_space<hbm>>
      %dma_wait3A_36 = arith.constant 0 : i32
      %dma_wait3A_37 = tpu.memref_slice %arg3[%mul3A_4, %dma_wait3A_36] : memref<1280x128xi32, #tpu.memory_space<hbm>> -> memref<40x128xi32, #tpu.memory_space<hbm>>
      tpu.wait_dma2 semaphore(%run_scoped3A : memref<!tpu.dma_semaphore, #tpu.memory_space<semaphore_mem>>) src(%dma_wait3A_37 : memref<40x128xi32, #tpu.memory_space<hbm>>) dst(%arg5 : memref<40x128xi32, #tpu.memory_space<vmem>>)
      tpu.yield
    }) : () -> ()
    %dma_start3A = arith.constant 0 : i32
    %dma_start3A_5 = arith.constant 0 : i32
    %dma_start3A_6 = tpu.memref_slice %arg5[%dma_start3A, %dma_start3A_5] : memref<40x128xi32, #tpu.memory_space<vmem>> -> memref<1x128xi32, #tpu.memory_space<vmem>>
    %dma_start3A_7 = tpu.memref_squeeze %dma_start3A_6 : memref<1x128xi32, #tpu.memory_space<vmem>> -> memref<128xi32, #tpu.memory_space<vmem>>
    %dma_start3A_8 = arith.constant 0 : i32
    %dma_start3A_9 = arith.constant 0 : i32
    %dma_start3A_10 = tpu.memref_slice %arg2[%dma_start3A_8, %dma_start3A_9] : memref<20480x256xf32, #tpu.memory_space<hbm>> -> memref<20480x256xf32, #tpu.memory_space<hbm>>
    tpu.enqueue_indirect_dma source(%dma_start3A_10 : memref<20480x256xf32, #tpu.memory_space<hbm>>) target(%arg6 : memref<128x256xf32, #tpu.memory_space<vmem>>) offsets(%dma_start3A_7 : memref<128xi32, #tpu.memory_space<vmem>>) semaphore(%arg9 : memref<!tpu.dma_semaphore, #tpu.memory_space<semaphore_mem>>)
    %dma_start3A_11 = arith.constant 1 : i32
    %dma_start3A_12 = arith.constant 0 : i32
    %dma_start3A_13 = tpu.memref_slice %arg5[%dma_start3A_11, %dma_start3A_12] : memref<40x128xi32, #tpu.memory_space<vmem>> -> memref<1x128xi32, #tpu.memory_space<vmem>>
    %dma_start3A_14 = tpu.memref_squeeze %dma_start3A_13 : memref<1x128xi32, #tpu.memory_space<vmem>> -> memref<128xi32, #tpu.memory_space<vmem>>
    %dma_start3A_15 = arith.constant 0 : i32
    %dma_start3A_16 = arith.constant 0 : i32
    %dma_start3A_17 = tpu.memref_slice %arg2[%dma_start3A_15, %dma_start3A_16] : memref<20480x256xf32, #tpu.memory_space<hbm>> -> memref<20480x256xf32, #tpu.memory_space<hbm>>
    tpu.enqueue_indirect_dma source(%dma_start3A_17 : memref<20480x256xf32, #tpu.memory_space<hbm>>) target(%arg7 : memref<128x256xf32, #tpu.memory_space<vmem>>) offsets(%dma_start3A_14 : memref<128xi32, #tpu.memory_space<vmem>>) semaphore(%arg10 : memref<!tpu.dma_semaphore, #tpu.memory_space<semaphore_mem>>)
    %dma_start3A_18 = arith.constant 2 : i32
    %dma_start3A_19 = arith.constant 0 : i32
    %dma_start3A_20 = tpu.memref_slice %arg5[%dma_start3A_18, %dma_start3A_19] : memref<40x128xi32, #tpu.memory_space<vmem>> -> memref<1x128xi32, #tpu.memory_space<vmem>>
    %dma_start3A_21 = tpu.memref_squeeze %dma_start3A_20 : memref<1x128xi32, #tpu.memory_space<vmem>> -> memref<128xi32, #tpu.memory_space<vmem>>
    %dma_start3A_22 = arith.constant 0 : i32
    %dma_start3A_23 = arith.constant 0 : i32
    %dma_start3A_24 = tpu.memref_slice %arg2[%dma_start3A_22, %dma_start3A_23] : memref<20480x256xf32, #tpu.memory_space<hbm>> -> memref<20480x256xf32, #tpu.memory_space<hbm>>
    tpu.enqueue_indirect_dma source(%dma_start3A_24 : memref<20480x256xf32, #tpu.memory_space<hbm>>) target(%arg8 : memref<128x256xf32, #tpu.memory_space<vmem>>) offsets(%dma_start3A_21 : memref<128xi32, #tpu.memory_space<vmem>>) semaphore(%arg11 : memref<!tpu.dma_semaphore, #tpu.memory_space<semaphore_mem>>)
    %scan3A = arith.constant 0 : i32
    %scan3A_25 = arith.constant 0 : i32
    %scan3A_26 = arith.constant 14 : i32
    %scan3A_27 = arith.addi %scan3A_25, %scan3A_26 : i32
    %scan3A_28 = arith.constant 1 : i32
    %scan3A_29 = scf.for %scan3A_31 = %scan3A_25 to %scan3A_27 step %scan3A_28 iter_args(%scan3A_32 = %scan3A) -> (i32)  : i32 {
      %mul3A_33 = arith.constant 3 : i32
      %mul3A_34 = arith.muli %mul3A_33, %scan3A_31 : i32
      %add3A_35 = arith.constant 0 : i32
      %add3A_36 = arith.addi %mul3A_34, %add3A_35 : i32
      %lt3A = arith.constant 40 : i32
      %lt3A_37 = arith.cmpi slt, %add3A_36, %lt3A : i32
      %convert_element_type3A = arith.extui %lt3A_37 : i1 to i32
      %cond3A = arith.constant 0 : i32
      %cond3A_38 = arith.cmpi ne, %convert_element_type3A, %cond3A : i32
      scf.if %cond3A_38 {
        %dma_wait3A = arith.constant 0 : i32
        %dma_wait3A_79 = tpu.memref_slice %arg5[%add3A_36, %dma_wait3A] : memref<40x128xi32, #tpu.memory_space<vmem>> -> memref<1x128xi32, #tpu.memory_space<vmem>>
        %dma_wait3A_80 = tpu.memref_squeeze %dma_wait3A_79 : memref<1x128xi32, #tpu.memory_space<vmem>> -> memref<128xi32, #tpu.memory_space<vmem>>
        %dma_wait3A_81 = arith.constant 0 : i32
        %dma_wait3A_82 = arith.constant 0 : i32
        %dma_wait3A_83 = tpu.memref_slice %arg2[%dma_wait3A_81, %dma_wait3A_82] : memref<20480x256xf32, #tpu.memory_space<hbm>> -> memref<20480x256xf32, #tpu.memory_space<hbm>>
        tpu.wait_indirect_dma semaphore(%arg9 : memref<!tpu.dma_semaphore, #tpu.memory_space<semaphore_mem>>) src(%dma_wait3A_83 : memref<20480x256xf32, #tpu.memory_space<hbm>>) dst(%arg6 : memref<128x256xf32, #tpu.memory_space<vmem>>)
        %mul3A_84 = arith.constant 128 : i32
        %mul3A_85 = arith.muli %add3A_36, %mul3A_84 : i32
        %add3A_86 = arith.addi %mul3A_2, %mul3A_85 : i32
        "tpu.region"() ({
          %run_scoped3A = tpu.sem_alloc : memref<!tpu.dma_semaphore, #tpu.memory_space<semaphore_mem>>
          %dma_start3A_87 = arith.constant 0 : i32
          %dma_start3A_88 = tpu.memref_slice %arg4[%add3A_86, %dma_start3A_87] : memref<163840x256xf32, #tpu.memory_space<hbm>> -> memref<128x256xf32, #tpu.memory_space<hbm>>
          %dma_start3A_89 = arith.constant 0 : i32
          %dma_start3A_90 = tpu.memref_slice %arg4[%add3A_86, %dma_start3A_89] : memref<163840x256xf32, #tpu.memory_space<hbm>> -> memref<128x256xf32, #tpu.memory_space<hbm>>
          tpu.enqueue_dma source(%arg6 : memref<128x256xf32, #tpu.memory_space<vmem>>) target(%dma_start3A_90 : memref<128x256xf32, #tpu.memory_space<hbm>>) target_semaphore(%run_scoped3A : memref<!tpu.dma_semaphore, #tpu.memory_space<semaphore_mem>>)
          %dma_wait3A_91 = arith.constant 0 : i32
          %dma_wait3A_92 = tpu.memref_slice %arg4[%add3A_86, %dma_wait3A_91] : memref<163840x256xf32, #tpu.memory_space<hbm>> -> memref<128x256xf32, #tpu.memory_space<hbm>>
          %dma_wait3A_93 = arith.constant 0 : i32
          %dma_wait3A_94 = tpu.memref_slice %arg4[%add3A_86, %dma_wait3A_93] : memref<163840x256xf32, #tpu.memory_space<hbm>> -> memref<128x256xf32, #tpu.memory_space<hbm>>
          tpu.wait_dma2 semaphore(%run_scoped3A : memref<!tpu.dma_semaphore, #tpu.memory_space<semaphore_mem>>) src(%arg6 : memref<128x256xf32, #tpu.memory_space<vmem>>) dst(%dma_wait3A_94 : memref<128x256xf32, #tpu.memory_space<hbm>>)
          tpu.yield
        }) : () -> ()
      } else {
      }
      %add3A_39 = arith.constant 3 : i32
      %add3A_40 = arith.addi %add3A_36, %add3A_39 : i32
      %lt3A_41 = arith.constant 40 : i32
      %lt3A_42 = arith.cmpi slt, %add3A_40, %lt3A_41 : i32
      %convert_element_type3A_43 = arith.extui %lt3A_42 : i1 to i32
      %cond3A_44 = arith.constant 0 : i32
      %cond3A_45 = arith.cmpi ne, %convert_element_type3A_43, %cond3A_44 : i32
      scf.if %cond3A_45 {
        %add3A_79 = arith.constant 3 : i32
        %add3A_80 = arith.addi %add3A_36, %add3A_79 : i32
        %dma_start3A_81 = arith.constant 0 : i32
        %dma_start3A_82 = tpu.memref_slice %arg5[%add3A_80, %dma_start3A_81] : memref<40x128xi32, #tpu.memory_space<vmem>> -> memref<1x128xi32, #tpu.memory_space<vmem>>
        %dma_start3A_83 = tpu.memref_squeeze %dma_start3A_82 : memref<1x128xi32, #tpu.memory_space<vmem>> -> memref<128xi32, #tpu.memory_space<vmem>>
        %dma_start3A_84 = arith.constant 0 : i32
        %dma_start3A_85 = arith.constant 0 : i32
        %dma_start3A_86 = tpu.memref_slice %arg2[%dma_start3A_84, %dma_start3A_85] : memref<20480x256xf32, #tpu.memory_space<hbm>> -> memref<20480x256xf32, #tpu.memory_space<hbm>>
        tpu.enqueue_indirect_dma source(%dma_start3A_86 : memref<20480x256xf32, #tpu.memory_space<hbm>>) target(%arg6 : memref<128x256xf32, #tpu.memory_space<vmem>>) offsets(%dma_start3A_83 : memref<128xi32, #tpu.memory_space<vmem>>) semaphore(%arg9 : memref<!tpu.dma_semaphore, #tpu.memory_space<semaphore_mem>>)
      } else {
      }
      %mul3A_46 = arith.constant 3 : i32
      %mul3A_47 = arith.muli %mul3A_46, %scan3A_31 : i32
      %add3A_48 = arith.constant 1 : i32
      %add3A_49 = arith.addi %mul3A_47, %add3A_48 : i32
      %lt3A_50 = arith.constant 40 : i32
      %lt3A_51 = arith.cmpi slt, %add3A_49, %lt3A_50 : i32
      %convert_element_type3A_52 = arith.extui %lt3A_51 : i1 to i32
      %cond3A_53 = arith.constant 0 : i32
      %cond3A_54 = arith.cmpi ne, %convert_element_type3A_52, %cond3A_53 : i32
      scf.if %cond3A_54 {
        %dma_wait3A = arith.constant 0 : i32
        %dma_wait3A_79 = tpu.memref_slice %arg5[%add3A_49, %dma_wait3A] : memref<40x128xi32, #tpu.memory_space<vmem>> -> memref<1x128xi32, #tpu.memory_space<vmem>>
        %dma_wait3A_80 = tpu.memref_squeeze %dma_wait3A_79 : memref<1x128xi32, #tpu.memory_space<vmem>> -> memref<128xi32, #tpu.memory_space<vmem>>
        %dma_wait3A_81 = arith.constant 0 : i32
        %dma_wait3A_82 = arith.constant 0 : i32
        %dma_wait3A_83 = tpu.memref_slice %arg2[%dma_wait3A_81, %dma_wait3A_82] : memref<20480x256xf32, #tpu.memory_space<hbm>> -> memref<20480x256xf32, #tpu.memory_space<hbm>>
        tpu.wait_indirect_dma semaphore(%arg10 : memref<!tpu.dma_semaphore, #tpu.memory_space<semaphore_mem>>) src(%dma_wait3A_83 : memref<20480x256xf32, #tpu.memory_space<hbm>>) dst(%arg7 : memref<128x256xf32, #tpu.memory_space<vmem>>)
        %mul3A_84 = arith.constant 128 : i32
        %mul3A_85 = arith.muli %add3A_49, %mul3A_84 : i32
        %add3A_86 = arith.addi %mul3A_2, %mul3A_85 : i32
        "tpu.region"() ({
          %run_scoped3A = tpu.sem_alloc : memref<!tpu.dma_semaphore, #tpu.memory_space<semaphore_mem>>
          %dma_start3A_87 = arith.constant 0 : i32
          %dma_start3A_88 = tpu.memref_slice %arg4[%add3A_86, %dma_start3A_87] : memref<163840x256xf32, #tpu.memory_space<hbm>> -> memref<128x256xf32, #tpu.memory_space<hbm>>
          %dma_start3A_89 = arith.constant 0 : i32
          %dma_start3A_90 = tpu.memref_slice %arg4[%add3A_86, %dma_start3A_89] : memref<163840x256xf32, #tpu.memory_space<hbm>> -> memref<128x256xf32, #tpu.memory_space<hbm>>
          tpu.enqueue_dma source(%arg7 : memref<128x256xf32, #tpu.memory_space<vmem>>) target(%dma_start3A_90 : memref<128x256xf32, #tpu.memory_space<hbm>>) target_semaphore(%run_scoped3A : memref<!tpu.dma_semaphore, #tpu.memory_space<semaphore_mem>>)
          %dma_wait3A_91 = arith.constant 0 : i32
          %dma_wait3A_92 = tpu.memref_slice %arg4[%add3A_86, %dma_wait3A_91] : memref<163840x256xf32, #tpu.memory_space<hbm>> -> memref<128x256xf32, #tpu.memory_space<hbm>>
          %dma_wait3A_93 = arith.constant 0 : i32
          %dma_wait3A_94 = tpu.memref_slice %arg4[%add3A_86, %dma_wait3A_93] : memref<163840x256xf32, #tpu.memory_space<hbm>> -> memref<128x256xf32, #tpu.memory_space<hbm>>
          tpu.wait_dma2 semaphore(%run_scoped3A : memref<!tpu.dma_semaphore, #tpu.memory_space<semaphore_mem>>) src(%arg7 : memref<128x256xf32, #tpu.memory_space<vmem>>) dst(%dma_wait3A_94 : memref<128x256xf32, #tpu.memory_space<hbm>>)
          tpu.yield
        }) : () -> ()
      } else {
      }
      %add3A_55 = arith.constant 3 : i32
      %add3A_56 = arith.addi %add3A_49, %add3A_55 : i32
      %lt3A_57 = arith.constant 40 : i32
      %lt3A_58 = arith.cmpi slt, %add3A_56, %lt3A_57 : i32
      %convert_element_type3A_59 = arith.extui %lt3A_58 : i1 to i32
      %cond3A_60 = arith.constant 0 : i32
      %cond3A_61 = arith.cmpi ne, %convert_element_type3A_59, %cond3A_60 : i32
      scf.if %cond3A_61 {
        %add3A_79 = arith.constant 3 : i32
        %add3A_80 = arith.addi %add3A_49, %add3A_79 : i32
        %dma_start3A_81 = arith.constant 0 : i32
        %dma_start3A_82 = tpu.memref_slice %arg5[%add3A_80, %dma_start3A_81] : memref<40x128xi32, #tpu.memory_space<vmem>> -> memref<1x128xi32, #tpu.memory_space<vmem>>
        %dma_start3A_83 = tpu.memref_squeeze %dma_start3A_82 : memref<1x128xi32, #tpu.memory_space<vmem>> -> memref<128xi32, #tpu.memory_space<vmem>>
        %dma_start3A_84 = arith.constant 0 : i32
        %dma_start3A_85 = arith.constant 0 : i32
        %dma_start3A_86 = tpu.memref_slice %arg2[%dma_start3A_84, %dma_start3A_85] : memref<20480x256xf32, #tpu.memory_space<hbm>> -> memref<20480x256xf32, #tpu.memory_space<hbm>>
        tpu.enqueue_indirect_dma source(%dma_start3A_86 : memref<20480x256xf32, #tpu.memory_space<hbm>>) target(%arg7 : memref<128x256xf32, #tpu.memory_space<vmem>>) offsets(%dma_start3A_83 : memref<128xi32, #tpu.memory_space<vmem>>) semaphore(%arg10 : memref<!tpu.dma_semaphore, #tpu.memory_space<semaphore_mem>>)
      } else {
      }
      %mul3A_62 = arith.constant 3 : i32
      %mul3A_63 = arith.muli %mul3A_62, %scan3A_31 : i32
      %add3A_64 = arith.constant 2 : i32
      %add3A_65 = arith.addi %mul3A_63, %add3A_64 : i32
      %lt3A_66 = arith.constant 40 : i32
      %lt3A_67 = arith.cmpi slt, %add3A_65, %lt3A_66 : i32
      %convert_element_type3A_68 = arith.extui %lt3A_67 : i1 to i32
      %cond3A_69 = arith.constant 0 : i32
      %cond3A_70 = arith.cmpi ne, %convert_element_type3A_68, %cond3A_69 : i32
      scf.if %cond3A_70 {
        %dma_wait3A = arith.constant 0 : i32
        %dma_wait3A_79 = tpu.memref_slice %arg5[%add3A_65, %dma_wait3A] : memref<40x128xi32, #tpu.memory_space<vmem>> -> memref<1x128xi32, #tpu.memory_space<vmem>>
        %dma_wait3A_80 = tpu.memref_squeeze %dma_wait3A_79 : memref<1x128xi32, #tpu.memory_space<vmem>> -> memref<128xi32, #tpu.memory_space<vmem>>
        %dma_wait3A_81 = arith.constant 0 : i32
        %dma_wait3A_82 = arith.constant 0 : i32
        %dma_wait3A_83 = tpu.memref_slice %arg2[%dma_wait3A_81, %dma_wait3A_82] : memref<20480x256xf32, #tpu.memory_space<hbm>> -> memref<20480x256xf32, #tpu.memory_space<hbm>>
        tpu.wait_indirect_dma semaphore(%arg11 : memref<!tpu.dma_semaphore, #tpu.memory_space<semaphore_mem>>) src(%dma_wait3A_83 : memref<20480x256xf32, #tpu.memory_space<hbm>>) dst(%arg8 : memref<128x256xf32, #tpu.memory_space<vmem>>)
        %mul3A_84 = arith.constant 128 : i32
        %mul3A_85 = arith.muli %add3A_65, %mul3A_84 : i32
        %add3A_86 = arith.addi %mul3A_2, %mul3A_85 : i32
        "tpu.region"() ({
          %run_scoped3A = tpu.sem_alloc : memref<!tpu.dma_semaphore, #tpu.memory_space<semaphore_mem>>
          %dma_start3A_87 = arith.constant 0 : i32
          %dma_start3A_88 = tpu.memref_slice %arg4[%add3A_86, %dma_start3A_87] : memref<163840x256xf32, #tpu.memory_space<hbm>> -> memref<128x256xf32, #tpu.memory_space<hbm>>
          %dma_start3A_89 = arith.constant 0 : i32
          %dma_start3A_90 = tpu.memref_slice %arg4[%add3A_86, %dma_start3A_89] : memref<163840x256xf32, #tpu.memory_space<hbm>> -> memref<128x256xf32, #tpu.memory_space<hbm>>
          tpu.enqueue_dma source(%arg8 : memref<128x256xf32, #tpu.memory_space<vmem>>) target(%dma_start3A_90 : memref<128x256xf32, #tpu.memory_space<hbm>>) target_semaphore(%run_scoped3A : memref<!tpu.dma_semaphore, #tpu.memory_space<semaphore_mem>>)
          %dma_wait3A_91 = arith.constant 0 : i32
          %dma_wait3A_92 = tpu.memref_slice %arg4[%add3A_86, %dma_wait3A_91] : memref<163840x256xf32, #tpu.memory_space<hbm>> -> memref<128x256xf32, #tpu.memory_space<hbm>>
          %dma_wait3A_93 = arith.constant 0 : i32
          %dma_wait3A_94 = tpu.memref_slice %arg4[%add3A_86, %dma_wait3A_93] : memref<163840x256xf32, #tpu.memory_space<hbm>> -> memref<128x256xf32, #tpu.memory_space<hbm>>
          tpu.wait_dma2 semaphore(%run_scoped3A : memref<!tpu.dma_semaphore, #tpu.memory_space<semaphore_mem>>) src(%arg8 : memref<128x256xf32, #tpu.memory_space<vmem>>) dst(%dma_wait3A_94 : memref<128x256xf32, #tpu.memory_space<hbm>>)
          tpu.yield
        }) : () -> ()
      } else {
      }
      %add3A_71 = arith.constant 3 : i32
      %add3A_72 = arith.addi %add3A_65, %add3A_71 : i32
      %lt3A_73 = arith.constant 40 : i32
      %lt3A_74 = arith.cmpi slt, %add3A_72, %lt3A_73 : i32
      %convert_element_type3A_75 = arith.extui %lt3A_74 : i1 to i32
      %cond3A_76 = arith.constant 0 : i32
      %cond3A_77 = arith.cmpi ne, %convert_element_type3A_75, %cond3A_76 : i32
      scf.if %cond3A_77 {
        %add3A_79 = arith.constant 3 : i32
        %add3A_80 = arith.addi %add3A_65, %add3A_79 : i32
        %dma_start3A_81 = arith.constant 0 : i32
        %dma_start3A_82 = tpu.memref_slice %arg5[%add3A_80, %dma_start3A_81] : memref<40x128xi32, #tpu.memory_space<vmem>> -> memref<1x128xi32, #tpu.memory_space<vmem>>
        %dma_start3A_83 = tpu.memref_squeeze %dma_start3A_82 : memref<1x128xi32, #tpu.memory_space<vmem>> -> memref<128xi32, #tpu.memory_space<vmem>>
        %dma_start3A_84 = arith.constant 0 : i32
        %dma_start3A_85 = arith.constant 0 : i32
        %dma_start3A_86 = tpu.memref_slice %arg2[%dma_start3A_84, %dma_start3A_85] : memref<20480x256xf32, #tpu.memory_space<hbm>> -> memref<20480x256xf32, #tpu.memory_space<hbm>>
        tpu.enqueue_indirect_dma source(%dma_start3A_86 : memref<20480x256xf32, #tpu.memory_space<hbm>>) target(%arg8 : memref<128x256xf32, #tpu.memory_space<vmem>>) offsets(%dma_start3A_83 : memref<128xi32, #tpu.memory_space<vmem>>) semaphore(%arg11 : memref<!tpu.dma_semaphore, #tpu.memory_space<semaphore_mem>>)
      } else {
      }
      %scan3A_78 = arith.constant 0 : i32
      scf.yield %scan3A_78 : i32
    }
    %scan3A_30 = arith.constant 14 : i32
    return
  }
}

#map = affine_map<(d0, d1) -> (0, 0)>
module attributes {stable_mosaic.version = 14 : i64} {
  func.func @k(%arg0: i32, %arg1: i32, %arg2: memref<20480x256xf32, #tpu.memory_space<hbm>>, %arg3: memref<1280x128xi32, #tpu.memory_space<hbm>>, %arg4: memref<163840x256xf32, #tpu.memory_space<hbm>>, %arg5: memref<40x128xi32, #tpu.memory_space<vmem>>, %arg6: memref<128x256xf32, #tpu.memory_space<vmem>>, %arg7: memref<128x256xf32, #tpu.memory_space<vmem>>, %arg8: memref<128x256xf32, #tpu.memory_space<vmem>>, %arg9: memref<!tpu.dma_semaphore, #tpu.memory_space<semaphore_mem>>, %arg10: memref<!tpu.dma_semaphore, #tpu.memory_space<semaphore_mem>>, %arg11: memref<!tpu.dma_semaphore, #tpu.memory_space<semaphore_mem>>) attributes {dimension_semantics = [#tpu.dimension_semantics<core_parallel>, #tpu.dimension_semantics<subcore_parallel>], iteration_bounds = array<i64: 2, 16>, scalar_prefetch = 0 : i64, scratch_operands = 7 : i64, tpu.core_type = #tpu.core_type<sc_vector_subcore>, window_params = [{transform_indices = #map}, {transform_indices = #map}, {transform_indices = #map}]} {
    %mul3A = arith.constant 2 : i32
    %mul3A_0 = arith.muli %arg1, %mul3A : i32
    %add3A = arith.addi %mul3A_0, %arg0 : i32
    %mul3A_1 = arith.constant 5120 : i32
    %mul3A_2 = arith.muli %add3A, %mul3A_1 : i32
    %mul3A_3 = arith.constant 40 : i32
    %mul3A_4 = arith.muli %add3A, %mul3A_3 : i32
    "tpu.region"() ({
      %run_scoped3A = tpu.sem_alloc : memref<!tpu.dma_semaphore, #tpu.memory_space<semaphore_mem>>
      %dma_start3A_31 = arith.constant 0 : i32
      %dma_start3A_32 = tpu.memref_slice %arg3[%mul3A_4, %dma_start3A_31] : memref<1280x128xi32, #tpu.memory_space<hbm>> -> memref<40x128xi32, #tpu.memory_space<hbm>>
      %dma_start3A_33 = arith.constant 0 : i32
      %dma_start3A_34 = tpu.memref_slice %arg3[%mul3A_4, %dma_start3A_33] : memref<1280x128xi32, #tpu.memory_space<hbm>> -> memref<40x128xi32, #tpu.memory_space<hbm>>
      tpu.enqueue_dma source(%dma_start3A_34 : memref<40x128xi32, #tpu.memory_space<hbm>>) target(%arg5 : memref<40x128xi32, #tpu.memory_space<vmem>>) target_semaphore(%run_scoped3A : memref<!tpu.dma_semaphore, #tpu.memory_space<semaphore_mem>>)
      %dma_wait3A = arith.constant 0 : i32
      %dma_wait3A_35 = tpu.memref_slice %arg3[%mul3A_4, %dma_wait3A] : memref<1280x128xi32, #tpu.memory_space<hbm>> -> memref<40x128xi32, #tpu.memory_space<hbm>>
      %dma_wait3A_36 = arith.constant 0 : i32
      %dma_wait3A_37 = tpu.memref_slice %arg3[%mul3A_4, %dma_wait3A_36] : memref<1280x128xi32, #tpu.memory_space<hbm>> -> memref<40x128xi32, #tpu.memory_space<hbm>>
      tpu.wait_dma2 semaphore(%run_scoped3A : memref<!tpu.dma_semaphore, #tpu.memory_space<semaphore_mem>>) src(%dma_wait3A_37 : memref<40x128xi32, #tpu.memory_space<hbm>>) dst(%arg5 : memref<40x128xi32, #tpu.memory_space<vmem>>)
      tpu.yield
    }) : () -> ()
    %dma_start3A = arith.constant 0 : i32
    %dma_start3A_5 = arith.constant 0 : i32
    %dma_start3A_6 = tpu.memref_slice %arg5[%dma_start3A, %dma_start3A_5] : memref<40x128xi32, #tpu.memory_space<vmem>> -> memref<1x128xi32, #tpu.memory_space<vmem>>
    %dma_start3A_7 = tpu.memref_squeeze %dma_start3A_6 : memref<1x128xi32, #tpu.memory_space<vmem>> -> memref<128xi32, #tpu.memory_space<vmem>>
    %dma_start3A_8 = arith.constant 0 : i32
    %dma_start3A_9 = arith.constant 0 : i32
    %dma_start3A_10 = tpu.memref_slice %arg2[%dma_start3A_8, %dma_start3A_9] : memref<20480x256xf32, #tpu.memory_space<hbm>> -> memref<20480x256xf32, #tpu.memory_space<hbm>>
    tpu.enqueue_indirect_dma source(%dma_start3A_10 : memref<20480x256xf32, #tpu.memory_space<hbm>>) target(%arg6 : memref<128x256xf32, #tpu.memory_space<vmem>>) offsets(%dma_start3A_7 : memref<128xi32, #tpu.memory_space<vmem>>) semaphore(%arg9 : memref<!tpu.dma_semaphore, #tpu.memory_space<semaphore_mem>>)
    %dma_start3A_11 = arith.constant 1 : i32
    %dma_start3A_12 = arith.constant 0 : i32
    %dma_start3A_13 = tpu.memref_slice %arg5[%dma_start3A_11, %dma_start3A_12] : memref<40x128xi32, #tpu.memory_space<vmem>> -> memref<1x128xi32, #tpu.memory_space<vmem>>
    %dma_start3A_14 = tpu.memref_squeeze %dma_start3A_13 : memref<1x128xi32, #tpu.memory_space<vmem>> -> memref<128xi32, #tpu.memory_space<vmem>>
    %dma_start3A_15 = arith.constant 0 : i32
    %dma_start3A_16 = arith.constant 0 : i32
    %dma_start3A_17 = tpu.memref_slice %arg2[%dma_start3A_15, %dma_start3A_16] : memref<20480x256xf32, #tpu.memory_space<hbm>> -> memref<20480x256xf32, #tpu.memory_space<hbm>>
    tpu.enqueue_indirect_dma source(%dma_start3A_17 : memref<20480x256xf32, #tpu.memory_space<hbm>>) target(%arg7 : memref<128x256xf32, #tpu.memory_space<vmem>>) offsets(%dma_start3A_14 : memref<128xi32, #tpu.memory_space<vmem>>) semaphore(%arg10 : memref<!tpu.dma_semaphore, #tpu.memory_space<semaphore_mem>>)
    %dma_start3A_18 = arith.constant 2 : i32
    %dma_start3A_19 = arith.constant 0 : i32
    %dma_start3A_20 = tpu.memref_slice %arg5[%dma_start3A_18, %dma_start3A_19] : memref<40x128xi32, #tpu.memory_space<vmem>> -> memref<1x128xi32, #tpu.memory_space<vmem>>
    %dma_start3A_21 = tpu.memref_squeeze %dma_start3A_20 : memref<1x128xi32, #tpu.memory_space<vmem>> -> memref<128xi32, #tpu.memory_space<vmem>>
    %dma_start3A_22 = arith.constant 0 : i32
    %dma_start3A_23 = arith.constant 0 : i32
    %dma_start3A_24 = tpu.memref_slice %arg2[%dma_start3A_22, %dma_start3A_23] : memref<20480x256xf32, #tpu.memory_space<hbm>> -> memref<20480x256xf32, #tpu.memory_space<hbm>>
    tpu.enqueue_indirect_dma source(%dma_start3A_24 : memref<20480x256xf32, #tpu.memory_space<hbm>>) target(%arg8 : memref<128x256xf32, #tpu.memory_space<vmem>>) offsets(%dma_start3A_21 : memref<128xi32, #tpu.memory_space<vmem>>) semaphore(%arg11 : memref<!tpu.dma_semaphore, #tpu.memory_space<semaphore_mem>>)
    %scan3A = arith.constant 0 : i32
    %scan3A_25 = arith.constant 0 : i32
    %scan3A_26 = arith.constant 14 : i32
    %scan3A_27 = arith.addi %scan3A_25, %scan3A_26 : i32
    %scan3A_28 = arith.constant 1 : i32
    %scan3A_29 = scf.for %scan3A_31 = %scan3A_25 to %scan3A_27 step %scan3A_28 iter_args(%scan3A_32 = %scan3A) -> (i32)  : i32 {
      %mul3A_33 = arith.constant 3 : i32
      %mul3A_34 = arith.muli %mul3A_33, %scan3A_31 : i32
      %add3A_35 = arith.constant 0 : i32
      %add3A_36 = arith.addi %mul3A_34, %add3A_35 : i32
      %lt3A = arith.constant 40 : i32
      %lt3A_37 = arith.cmpi slt, %add3A_36, %lt3A : i32
      %convert_element_type3A = arith.extui %lt3A_37 : i1 to i32
      %cond3A = arith.constant 0 : i32
      %cond3A_38 = arith.cmpi ne, %convert_element_type3A, %cond3A : i32
      scf.if %cond3A_38 {
        %dma_wait3A = arith.constant 0 : i32
        %dma_wait3A_79 = tpu.memref_slice %arg5[%add3A_36, %dma_wait3A] : memref<40x128xi32, #tpu.memory_space<vmem>> -> memref<1x128xi32, #tpu.memory_space<vmem>>
        %dma_wait3A_80 = tpu.memref_squeeze %dma_wait3A_79 : memref<1x128xi32, #tpu.memory_space<vmem>> -> memref<128xi32, #tpu.memory_space<vmem>>
        %dma_wait3A_81 = arith.constant 0 : i32
        %dma_wait3A_82 = arith.constant 0 : i32
        %dma_wait3A_83 = tpu.memref_slice %arg2[%dma_wait3A_81, %dma_wait3A_82] : memref<20480x256xf32, #tpu.memory_space<hbm>> -> memref<20480x256xf32, #tpu.memory_space<hbm>>
        tpu.wait_indirect_dma semaphore(%arg9 : memref<!tpu.dma_semaphore, #tpu.memory_space<semaphore_mem>>) src(%dma_wait3A_83 : memref<20480x256xf32, #tpu.memory_space<hbm>>) dst(%arg6 : memref<128x256xf32, #tpu.memory_space<vmem>>)
        %mul3A_84 = arith.constant 128 : i32
        %mul3A_85 = arith.muli %add3A_36, %mul3A_84 : i32
        %add3A_86 = arith.addi %mul3A_2, %mul3A_85 : i32
        "tpu.region"() ({
          %run_scoped3A = tpu.sem_alloc : memref<!tpu.dma_semaphore, #tpu.memory_space<semaphore_mem>>
          %dma_start3A_87 = arith.constant 0 : i32
          %dma_start3A_88 = tpu.memref_slice %arg4[%add3A_86, %dma_start3A_87] : memref<163840x256xf32, #tpu.memory_space<hbm>> -> memref<128x256xf32, #tpu.memory_space<hbm>>
          %dma_start3A_89 = arith.constant 0 : i32
          %dma_start3A_90 = tpu.memref_slice %arg4[%add3A_86, %dma_start3A_89] : memref<163840x256xf32, #tpu.memory_space<hbm>> -> memref<128x256xf32, #tpu.memory_space<hbm>>
          tpu.enqueue_dma source(%arg6 : memref<128x256xf32, #tpu.memory_space<vmem>>) target(%dma_start3A_90 : memref<128x256xf32, #tpu.memory_space<hbm>>) target_semaphore(%run_scoped3A : memref<!tpu.dma_semaphore, #tpu.memory_space<semaphore_mem>>)
          %dma_wait3A_91 = arith.constant 0 : i32
          %dma_wait3A_92 = tpu.memref_slice %arg4[%add3A_86, %dma_wait3A_91] : memref<163840x256xf32, #tpu.memory_space<hbm>> -> memref<128x256xf32, #tpu.memory_space<hbm>>
          %dma_wait3A_93 = arith.constant 0 : i32
          %dma_wait3A_94 = tpu.memref_slice %arg4[%add3A_86, %dma_wait3A_93] : memref<163840x256xf32, #tpu.memory_space<hbm>> -> memref<128x256xf32, #tpu.memory_space<hbm>>
          tpu.wait_dma2 semaphore(%run_scoped3A : memref<!tpu.dma_semaphore, #tpu.memory_space<semaphore_mem>>) src(%arg6 : memref<128x256xf32, #tpu.memory_space<vmem>>) dst(%dma_wait3A_94 : memref<128x256xf32, #tpu.memory_space<hbm>>)
          tpu.yield
        }) : () -> ()
      } else {
      }
      %add3A_39 = arith.constant 3 : i32
      %add3A_40 = arith.addi %add3A_36, %add3A_39 : i32
      %lt3A_41 = arith.constant 40 : i32
      %lt3A_42 = arith.cmpi slt, %add3A_40, %lt3A_41 : i32
      %convert_element_type3A_43 = arith.extui %lt3A_42 : i1 to i32
      %cond3A_44 = arith.constant 0 : i32
      %cond3A_45 = arith.cmpi ne, %convert_element_type3A_43, %cond3A_44 : i32
      scf.if %cond3A_45 {
        %add3A_79 = arith.constant 3 : i32
        %add3A_80 = arith.addi %add3A_36, %add3A_79 : i32
        %dma_start3A_81 = arith.constant 0 : i32
        %dma_start3A_82 = tpu.memref_slice %arg5[%add3A_80, %dma_start3A_81] : memref<40x128xi32, #tpu.memory_space<vmem>> -> memref<1x128xi32, #tpu.memory_space<vmem>>
        %dma_start3A_83 = tpu.memref_squeeze %dma_start3A_82 : memref<1x128xi32, #tpu.memory_space<vmem>> -> memref<128xi32, #tpu.memory_space<vmem>>
        %dma_start3A_84 = arith.constant 0 : i32
        %dma_start3A_85 = arith.constant 0 : i32
        %dma_start3A_86 = tpu.memref_slice %arg2[%dma_start3A_84, %dma_start3A_85] : memref<20480x256xf32, #tpu.memory_space<hbm>> -> memref<20480x256xf32, #tpu.memory_space<hbm>>
        tpu.enqueue_indirect_dma source(%dma_start3A_86 : memref<20480x256xf32, #tpu.memory_space<hbm>>) target(%arg6 : memref<128x256xf32, #tpu.memory_space<vmem>>) offsets(%dma_start3A_83 : memref<128xi32, #tpu.memory_space<vmem>>) semaphore(%arg9 : memref<!tpu.dma_semaphore, #tpu.memory_space<semaphore_mem>>)
      } else {
      }
      %mul3A_46 = arith.constant 3 : i32
      %mul3A_47 = arith.muli %mul3A_46, %scan3A_31 : i32
      %add3A_48 = arith.constant 1 : i32
      %add3A_49 = arith.addi %mul3A_47, %add3A_48 : i32
      %lt3A_50 = arith.constant 40 : i32
      %lt3A_51 = arith.cmpi slt, %add3A_49, %lt3A_50 : i32
      %convert_element_type3A_52 = arith.extui %lt3A_51 : i1 to i32
      %cond3A_53 = arith.constant 0 : i32
      %cond3A_54 = arith.cmpi ne, %convert_element_type3A_52, %cond3A_53 : i32
      scf.if %cond3A_54 {
        %dma_wait3A = arith.constant 0 : i32
        %dma_wait3A_79 = tpu.memref_slice %arg5[%add3A_49, %dma_wait3A] : memref<40x128xi32, #tpu.memory_space<vmem>> -> memref<1x128xi32, #tpu.memory_space<vmem>>
        %dma_wait3A_80 = tpu.memref_squeeze %dma_wait3A_79 : memref<1x128xi32, #tpu.memory_space<vmem>> -> memref<128xi32, #tpu.memory_space<vmem>>
        %dma_wait3A_81 = arith.constant 0 : i32
        %dma_wait3A_82 = arith.constant 0 : i32
        %dma_wait3A_83 = tpu.memref_slice %arg2[%dma_wait3A_81, %dma_wait3A_82] : memref<20480x256xf32, #tpu.memory_space<hbm>> -> memref<20480x256xf32, #tpu.memory_space<hbm>>
        tpu.wait_indirect_dma semaphore(%arg10 : memref<!tpu.dma_semaphore, #tpu.memory_space<semaphore_mem>>) src(%dma_wait3A_83 : memref<20480x256xf32, #tpu.memory_space<hbm>>) dst(%arg7 : memref<128x256xf32, #tpu.memory_space<vmem>>)
        %mul3A_84 = arith.constant 128 : i32
        %mul3A_85 = arith.muli %add3A_49, %mul3A_84 : i32
        %add3A_86 = arith.addi %mul3A_2, %mul3A_85 : i32
        "tpu.region"() ({
          %run_scoped3A = tpu.sem_alloc : memref<!tpu.dma_semaphore, #tpu.memory_space<semaphore_mem>>
          %dma_start3A_87 = arith.constant 0 : i32
          %dma_start3A_88 = tpu.memref_slice %arg4[%add3A_86, %dma_start3A_87] : memref<163840x256xf32, #tpu.memory_space<hbm>> -> memref<128x256xf32, #tpu.memory_space<hbm>>
          %dma_start3A_89 = arith.constant 0 : i32
          %dma_start3A_90 = tpu.memref_slice %arg4[%add3A_86, %dma_start3A_89] : memref<163840x256xf32, #tpu.memory_space<hbm>> -> memref<128x256xf32, #tpu.memory_space<hbm>>
          tpu.enqueue_dma source(%arg7 : memref<128x256xf32, #tpu.memory_space<vmem>>) target(%dma_start3A_90 : memref<128x256xf32, #tpu.memory_space<hbm>>) target_semaphore(%run_scoped3A : memref<!tpu.dma_semaphore, #tpu.memory_space<semaphore_mem>>)
          %dma_wait3A_91 = arith.constant 0 : i32
          %dma_wait3A_92 = tpu.memref_slice %arg4[%add3A_86, %dma_wait3A_91] : memref<163840x256xf32, #tpu.memory_space<hbm>> -> memref<128x256xf32, #tpu.memory_space<hbm>>
          %dma_wait3A_93 = arith.constant 0 : i32
          %dma_wait3A_94 = tpu.memref_slice %arg4[%add3A_86, %dma_wait3A_93] : memref<163840x256xf32, #tpu.memory_space<hbm>> -> memref<128x256xf32, #tpu.memory_space<hbm>>
          tpu.wait_dma2 semaphore(%run_scoped3A : memref<!tpu.dma_semaphore, #tpu.memory_space<semaphore_mem>>) src(%arg7 : memref<128x256xf32, #tpu.memory_space<vmem>>) dst(%dma_wait3A_94 : memref<128x256xf32, #tpu.memory_space<hbm>>)
          tpu.yield
        }) : () -> ()
      } else {
      }
      %add3A_55 = arith.constant 3 : i32
      %add3A_56 = arith.addi %add3A_49, %add3A_55 : i32
      %lt3A_57 = arith.constant 40 : i32
      %lt3A_58 = arith.cmpi slt, %add3A_56, %lt3A_57 : i32
      %convert_element_type3A_59 = arith.extui %lt3A_58 : i1 to i32
      %cond3A_60 = arith.constant 0 : i32
      %cond3A_61 = arith.cmpi ne, %convert_element_type3A_59, %cond3A_60 : i32
      scf.if %cond3A_61 {
        %add3A_79 = arith.constant 3 : i32
        %add3A_80 = arith.addi %add3A_49, %add3A_79 : i32
        %dma_start3A_81 = arith.constant 0 : i32
        %dma_start3A_82 = tpu.memref_slice %arg5[%add3A_80, %dma_start3A_81] : memref<40x128xi32, #tpu.memory_space<vmem>> -> memref<1x128xi32, #tpu.memory_space<vmem>>
        %dma_start3A_83 = tpu.memref_squeeze %dma_start3A_82 : memref<1x128xi32, #tpu.memory_space<vmem>> -> memref<128xi32, #tpu.memory_space<vmem>>
        %dma_start3A_84 = arith.constant 0 : i32
        %dma_start3A_85 = arith.constant 0 : i32
        %dma_start3A_86 = tpu.memref_slice %arg2[%dma_start3A_84, %dma_start3A_85] : memref<20480x256xf32, #tpu.memory_space<hbm>> -> memref<20480x256xf32, #tpu.memory_space<hbm>>
        tpu.enqueue_indirect_dma source(%dma_start3A_86 : memref<20480x256xf32, #tpu.memory_space<hbm>>) target(%arg7 : memref<128x256xf32, #tpu.memory_space<vmem>>) offsets(%dma_start3A_83 : memref<128xi32, #tpu.memory_space<vmem>>) semaphore(%arg10 : memref<!tpu.dma_semaphore, #tpu.memory_space<semaphore_mem>>)
      } else {
      }
      %mul3A_62 = arith.constant 3 : i32
      %mul3A_63 = arith.muli %mul3A_62, %scan3A_31 : i32
      %add3A_64 = arith.constant 2 : i32
      %add3A_65 = arith.addi %mul3A_63, %add3A_64 : i32
      %lt3A_66 = arith.constant 40 : i32
      %lt3A_67 = arith.cmpi slt, %add3A_65, %lt3A_66 : i32
      %convert_element_type3A_68 = arith.extui %lt3A_67 : i1 to i32
      %cond3A_69 = arith.constant 0 : i32
      %cond3A_70 = arith.cmpi ne, %convert_element_type3A_68, %cond3A_69 : i32
      scf.if %cond3A_70 {
        %dma_wait3A = arith.constant 0 : i32
        %dma_wait3A_79 = tpu.memref_slice %arg5[%add3A_65, %dma_wait3A] : memref<40x128xi32, #tpu.memory_space<vmem>> -> memref<1x128xi32, #tpu.memory_space<vmem>>
        %dma_wait3A_80 = tpu.memref_squeeze %dma_wait3A_79 : memref<1x128xi32, #tpu.memory_space<vmem>> -> memref<128xi32, #tpu.memory_space<vmem>>
        %dma_wait3A_81 = arith.constant 0 : i32
        %dma_wait3A_82 = arith.constant 0 : i32
        %dma_wait3A_83 = tpu.memref_slice %arg2[%dma_wait3A_81, %dma_wait3A_82] : memref<20480x256xf32, #tpu.memory_space<hbm>> -> memref<20480x256xf32, #tpu.memory_space<hbm>>
        tpu.wait_indirect_dma semaphore(%arg11 : memref<!tpu.dma_semaphore, #tpu.memory_space<semaphore_mem>>) src(%dma_wait3A_83 : memref<20480x256xf32, #tpu.memory_space<hbm>>) dst(%arg8 : memref<128x256xf32, #tpu.memory_space<vmem>>)
        %mul3A_84 = arith.constant 128 : i32
        %mul3A_85 = arith.muli %add3A_65, %mul3A_84 : i32
        %add3A_86 = arith.addi %mul3A_2, %mul3A_85 : i32
        "tpu.region"() ({
          %run_scoped3A = tpu.sem_alloc : memref<!tpu.dma_semaphore, #tpu.memory_space<semaphore_mem>>
          %dma_start3A_87 = arith.constant 0 : i32
          %dma_start3A_88 = tpu.memref_slice %arg4[%add3A_86, %dma_start3A_87] : memref<163840x256xf32, #tpu.memory_space<hbm>> -> memref<128x256xf32, #tpu.memory_space<hbm>>
          %dma_start3A_89 = arith.constant 0 : i32
          %dma_start3A_90 = tpu.memref_slice %arg4[%add3A_86, %dma_start3A_89] : memref<163840x256xf32, #tpu.memory_space<hbm>> -> memref<128x256xf32, #tpu.memory_space<hbm>>
          tpu.enqueue_dma source(%arg8 : memref<128x256xf32, #tpu.memory_space<vmem>>) target(%dma_start3A_90 : memref<128x256xf32, #tpu.memory_space<hbm>>) target_semaphore(%run_scoped3A : memref<!tpu.dma_semaphore, #tpu.memory_space<semaphore_mem>>)
          %dma_wait3A_91 = arith.constant 0 : i32
          %dma_wait3A_92 = tpu.memref_slice %arg4[%add3A_86, %dma_wait3A_91] : memref<163840x256xf32, #tpu.memory_space<hbm>> -> memref<128x256xf32, #tpu.memory_space<hbm>>
          %dma_wait3A_93 = arith.constant 0 : i32
          %dma_wait3A_94 = tpu.memref_slice %arg4[%add3A_86, %dma_wait3A_93] : memref<163840x256xf32, #tpu.memory_space<hbm>> -> memref<128x256xf32, #tpu.memory_space<hbm>>
          tpu.wait_dma2 semaphore(%run_scoped3A : memref<!tpu.dma_semaphore, #tpu.memory_space<semaphore_mem>>) src(%arg8 : memref<128x256xf32, #tpu.memory_space<vmem>>) dst(%dma_wait3A_94 : memref<128x256xf32, #tpu.memory_space<hbm>>)
          tpu.yield
        }) : () -> ()
      } else {
      }
      %add3A_71 = arith.constant 3 : i32
      %add3A_72 = arith.addi %add3A_65, %add3A_71 : i32
      %lt3A_73 = arith.constant 40 : i32
      %lt3A_74 = arith.cmpi slt, %add3A_72, %lt3A_73 : i32
      %convert_element_type3A_75 = arith.extui %lt3A_74 : i1 to i32
      %cond3A_76 = arith.constant 0 : i32
      %cond3A_77 = arith.cmpi ne, %convert_element_type3A_75, %cond3A_76 : i32
      scf.if %cond3A_77 {
        %add3A_79 = arith.constant 3 : i32
        %add3A_80 = arith.addi %add3A_65, %add3A_79 : i32
        %dma_start3A_81 = arith.constant 0 : i32
        %dma_start3A_82 = tpu.memref_slice %arg5[%add3A_80, %dma_start3A_81] : memref<40x128xi32, #tpu.memory_space<vmem>> -> memref<1x128xi32, #tpu.memory_space<vmem>>
        %dma_start3A_83 = tpu.memref_squeeze %dma_start3A_82 : memref<1x128xi32, #tpu.memory_space<vmem>> -> memref<128xi32, #tpu.memory_space<vmem>>
        %dma_start3A_84 = arith.constant 0 : i32
        %dma_start3A_85 = arith.constant 0 : i32
        %dma_start3A_86 = tpu.memref_slice %arg2[%dma_start3A_84, %dma_start3A_85] : memref<20480x256xf32, #tpu.memory_space<hbm>> -> memref<20480x256xf32, #tpu.memory_space<hbm>>
        tpu.enqueue_indirect_dma source(%dma_start3A_86 : memref<20480x256xf32, #tpu.memory_space<hbm>>) target(%arg8 : memref<128x256xf32, #tpu.memory_space<vmem>>) offsets(%dma_start3A_83 : memref<128xi32, #tpu.memory_space<vmem>>) semaphore(%arg11 : memref<!tpu.dma_semaphore, #tpu.memory_space<semaphore_mem>>)
      } else {
      }
      %scan3A_78 = arith.constant 0 : i32
      scf.yield %scan3A_78 : i32
    }
    %scan3A_30 = arith.constant 14 : i32
    return
  }
}

module attributes {stable_mosaic.version = 14 : i64} {
  func.func @_tc_layer_body(%arg0: i32, %arg1: memref<256x256xf32, #tpu.memory_space<vmem>>, %arg2: memref<4096x256xf32, #tpu.memory_space<vmem>>, %arg3: memref<4096x56xf32, #tpu.memory_space<vmem>>, %arg4: memref<256x1xf32, #tpu.memory_space<vmem>>, %arg5: memref<16x33xf32, #tpu.memory_space<vmem>>, %arg6: memref<1x33xf32, #tpu.memory_space<vmem>>, %arg7: memref<16x33xf32, #tpu.memory_space<vmem>>, %arg8: memref<100x100xf32, #tpu.memory_space<vmem>>, %arg9: memref<52x100xf32, #tpu.memory_space<vmem>>, %arg10: memref<100x100xf32, #tpu.memory_space<vmem>>, %arg11: memref<33x100xf32, #tpu.memory_space<vmem>>, %arg12: memref<1x100xf32, #tpu.memory_space<vmem>>, %arg13: memref<33x16xf32, #tpu.memory_space<vmem>>, %arg14: memref<16x16xf32, #tpu.memory_space<vmem>>, %arg15: memref<100x100xf32, #tpu.memory_space<vmem>>, %arg16: memref<16x100xf32, #tpu.memory_space<vmem>>, %arg17: memref<1x100xf32, #tpu.memory_space<vmem>>, %arg18: memref<16x16xf32, #tpu.memory_space<vmem>>, %arg19: memref<16x16xf32, #tpu.memory_space<vmem>>, %arg20: memref<100x100xf32, #tpu.memory_space<vmem>>, %arg21: memref<16x100xf32, #tpu.memory_space<vmem>>, %arg22: memref<1x100xf32, #tpu.memory_space<vmem>>, %arg23: memref<16x16xf32, #tpu.memory_space<vmem>>, %arg24: memref<1x100xf32, #tpu.memory_space<vmem>>, %arg25: memref<1x100xf32, #tpu.memory_space<vmem>>, %arg26: memref<16x32xf32, #tpu.memory_space<vmem>>, %arg27: memref<100x400xf32, #tpu.memory_space<vmem>>, %arg28: memref<32x400xf32, #tpu.memory_space<vmem>>, %arg29: memref<1x400xf32, #tpu.memory_space<vmem>>, %arg30: memref<32x32xf32, #tpu.memory_space<vmem>>, %arg31: memref<32x32xf32, #tpu.memory_space<vmem>>, %arg32: memref<400x100xf32, #tpu.memory_space<vmem>>, %arg33: memref<32x100xf32, #tpu.memory_space<vmem>>, %arg34: memref<1x100xf32, #tpu.memory_space<vmem>>, %arg35: memref<32x16xf32, #tpu.memory_space<vmem>>, %arg36: memref<1x100xf32, #tpu.memory_space<vmem>>, %arg37: memref<1x100xf32, #tpu.memory_space<vmem>>, %arg38: memref<256x256xf32, #tpu.memory_space<vmem>>) attributes {dimension_semantics = [#tpu.dimension_semantics<arbitrary>], iteration_bounds = array<i64: 40>, scalar_prefetch = 0 : i64, scratch_operands = 0 : i64, tpu.core_type = #tpu.core_type<tc>, window_params = [{transform_indices = @transform_0, window_bounds = array<i64: 256, 256>}, {transform_indices = @transform_1, window_bounds = array<i64: 4096, 256>}, {transform_indices = @transform_2, window_bounds = array<i64: 4096, 56>}, {transform_indices = @transform_3, window_bounds = array<i64: 256, 1>}, {pipeline_mode = #tpu.pipeline_mode<synchronous>, transform_indices = @transform_4, window_bounds = array<i64: 16, 33>}, {pipeline_mode = #tpu.pipeline_mode<synchronous>, transform_indices = @transform_5, window_bounds = array<i64: 1, 33>}, {pipeline_mode = #tpu.pipeline_mode<synchronous>, transform_indices = @transform_6, window_bounds = array<i64: 16, 33>}, {pipeline_mode = #tpu.pipeline_mode<synchronous>, transform_indices = @transform_7, window_bounds = array<i64: 100, 100>}, {pipeline_mode = #tpu.pipeline_mode<synchronous>, transform_indices = @transform_8, window_bounds = array<i64: 52, 100>}, {pipeline_mode = #tpu.pipeline_mode<synchronous>, transform_indices = @transform_9, window_bounds = array<i64: 100, 100>}, {pipeline_mode = #tpu.pipeline_mode<synchronous>, transform_indices = @transform_10, window_bounds = array<i64: 33, 100>}, {pipeline_mode = #tpu.pipeline_mode<synchronous>, transform_indices = @transform_11, window_bounds = array<i64: 1, 100>}, {pipeline_mode = #tpu.pipeline_mode<synchronous>, transform_indices = @transform_12, window_bounds = array<i64: 33, 16>}, {pipeline_mode = #tpu.pipeline_mode<synchronous>, transform_indices = @transform_13, window_bounds = array<i64: 16, 16>}, {pipeline_mode = #tpu.pipeline_mode<synchronous>, transform_indices = @transform_14, window_bounds = array<i64: 100, 100>}, {pipeline_mode = #tpu.pipeline_mode<synchronous>, transform_indices = @transform_15, window_bounds = array<i64: 16, 100>}, {pipeline_mode = #tpu.pipeline_mode<synchronous>, transform_indices = @transform_16, window_bounds = array<i64: 1, 100>}, {pipeline_mode = #tpu.pipeline_mode<synchronous>, transform_indices = @transform_17, window_bounds = array<i64: 16, 16>}, {pipeline_mode = #tpu.pipeline_mode<synchronous>, transform_indices = @transform_18, window_bounds = array<i64: 16, 16>}, {pipeline_mode = #tpu.pipeline_mode<synchronous>, transform_indices = @transform_19, window_bounds = array<i64: 100, 100>}, {pipeline_mode = #tpu.pipeline_mode<synchronous>, transform_indices = @transform_20, window_bounds = array<i64: 16, 100>}, {pipeline_mode = #tpu.pipeline_mode<synchronous>, transform_indices = @transform_21, window_bounds = array<i64: 1, 100>}, {pipeline_mode = #tpu.pipeline_mode<synchronous>, transform_indices = @transform_22, window_bounds = array<i64: 16, 16>}, {pipeline_mode = #tpu.pipeline_mode<synchronous>, transform_indices = @transform_23, window_bounds = array<i64: 1, 100>}, {pipeline_mode = #tpu.pipeline_mode<synchronous>, transform_indices = @transform_24, window_bounds = array<i64: 1, 100>}, {pipeline_mode = #tpu.pipeline_mode<synchronous>, transform_indices = @transform_25, window_bounds = array<i64: 16, 32>}, {pipeline_mode = #tpu.pipeline_mode<synchronous>, transform_indices = @transform_26, window_bounds = array<i64: 100, 400>}, {pipeline_mode = #tpu.pipeline_mode<synchronous>, transform_indices = @transform_27, window_bounds = array<i64: 32, 400>}, {pipeline_mode = #tpu.pipeline_mode<synchronous>, transform_indices = @transform_28, window_bounds = array<i64: 1, 400>}, {pipeline_mode = #tpu.pipeline_mode<synchronous>, transform_indices = @transform_29, window_bounds = array<i64: 32, 32>}, {pipeline_mode = #tpu.pipeline_mode<synchronous>, transform_indices = @transform_30, window_bounds = array<i64: 32, 32>}, {pipeline_mode = #tpu.pipeline_mode<synchronous>, transform_indices = @transform_31, window_bounds = array<i64: 400, 100>}, {pipeline_mode = #tpu.pipeline_mode<synchronous>, transform_indices = @transform_32, window_bounds = array<i64: 32, 100>}, {pipeline_mode = #tpu.pipeline_mode<synchronous>, transform_indices = @transform_33, window_bounds = array<i64: 1, 100>}, {pipeline_mode = #tpu.pipeline_mode<synchronous>, transform_indices = @transform_34, window_bounds = array<i64: 32, 16>}, {pipeline_mode = #tpu.pipeline_mode<synchronous>, transform_indices = @transform_35, window_bounds = array<i64: 1, 100>}, {pipeline_mode = #tpu.pipeline_mode<synchronous>, transform_indices = @transform_36, window_bounds = array<i64: 1, 100>}, {transform_indices = @transform_37, window_bounds = array<i64: 256, 256>}]} {
    %get3A = arith.constant 0 : index
    %get3A_0 = arith.constant 0 : index
    %get3A_1 = vector.load %arg5[%get3A, %get3A_0] : memref<16x33xf32, #tpu.memory_space<vmem>>, vector<16x33xf32>
    %get3A_2 = arith.constant 0 : index
    %get3A_3 = arith.constant 0 : index
    %get3A_4 = vector.load %arg6[%get3A_2, %get3A_3] : memref<1x33xf32, #tpu.memory_space<vmem>>, vector<1x33xf32>
    %get3A_5 = arith.constant 0 : index
    %get3A_6 = arith.constant 0 : index
    %get3A_7 = vector.load %arg7[%get3A_5, %get3A_6] : memref<16x33xf32, #tpu.memory_space<vmem>>, vector<16x33xf32>
    %get3A_8 = arith.constant 0 : index
    %get3A_9 = arith.constant 0 : index
    %get3A_10 = vector.load %arg8[%get3A_8, %get3A_9] : memref<100x100xf32, #tpu.memory_space<vmem>>, vector<100x100xf32>
    %get3A_11 = arith.constant 0 : index
    %get3A_12 = arith.constant 0 : index
    %get3A_13 = vector.load %arg9[%get3A_11, %get3A_12] : memref<52x100xf32, #tpu.memory_space<vmem>>, vector<52x100xf32>
    %get3A_14 = arith.constant 0 : index
    %get3A_15 = arith.constant 0 : index
    %get3A_16 = vector.load %arg10[%get3A_14, %get3A_15] : memref<100x100xf32, #tpu.memory_space<vmem>>, vector<100x100xf32>
    %get3A_17 = arith.constant 0 : index
    %get3A_18 = arith.constant 0 : index
    %get3A_19 = vector.load %arg11[%get3A_17, %get3A_18] : memref<33x100xf32, #tpu.memory_space<vmem>>, vector<33x100xf32>
    %get3A_20 = arith.constant 0 : index
    %get3A_21 = arith.constant 0 : index
    %get3A_22 = vector.load %arg12[%get3A_20, %get3A_21] : memref<1x100xf32, #tpu.memory_space<vmem>>, vector<1x100xf32>
    %get3A_23 = arith.constant 0 : index
    %get3A_24 = arith.constant 0 : index
    %get3A_25 = vector.load %arg13[%get3A_23, %get3A_24] : memref<33x16xf32, #tpu.memory_space<vmem>>, vector<33x16xf32>
    %get3A_26 = arith.constant 0 : index
    %get3A_27 = arith.constant 0 : index
    %get3A_28 = vector.load %arg14[%get3A_26, %get3A_27] : memref<16x16xf32, #tpu.memory_space<vmem>>, vector<16x16xf32>
    %get3A_29 = arith.constant 0 : index
    %get3A_30 = arith.constant 0 : index
    %get3A_31 = vector.load %arg15[%get3A_29, %get3A_30] : memref<100x100xf32, #tpu.memory_space<vmem>>, vector<100x100xf32>
    %get3A_32 = arith.constant 0 : index
    %get3A_33 = arith.constant 0 : index
    %get3A_34 = vector.load %arg16[%get3A_32, %get3A_33] : memref<16x100xf32, #tpu.memory_space<vmem>>, vector<16x100xf32>
    %get3A_35 = arith.constant 0 : index
    %get3A_36 = arith.constant 0 : index
    %get3A_37 = vector.load %arg17[%get3A_35, %get3A_36] : memref<1x100xf32, #tpu.memory_space<vmem>>, vector<1x100xf32>
    %get3A_38 = arith.constant 0 : index
    %get3A_39 = arith.constant 0 : index
    %get3A_40 = vector.load %arg18[%get3A_38, %get3A_39] : memref<16x16xf32, #tpu.memory_space<vmem>>, vector<16x16xf32>
    %get3A_41 = arith.constant 0 : index
    %get3A_42 = arith.constant 0 : index
    %get3A_43 = vector.load %arg19[%get3A_41, %get3A_42] : memref<16x16xf32, #tpu.memory_space<vmem>>, vector<16x16xf32>
    %get3A_44 = arith.constant 0 : index
    %get3A_45 = arith.constant 0 : index
    %get3A_46 = vector.load %arg20[%get3A_44, %get3A_45] : memref<100x100xf32, #tpu.memory_space<vmem>>, vector<100x100xf32>
    %get3A_47 = arith.constant 0 : index
    %get3A_48 = arith.constant 0 : index
    %get3A_49 = vector.load %arg21[%get3A_47, %get3A_48] : memref<16x100xf32, #tpu.memory_space<vmem>>, vector<16x100xf32>
    %get3A_50 = arith.constant 0 : index
    %get3A_51 = arith.constant 0 : index
    %get3A_52 = vector.load %arg22[%get3A_50, %get3A_51] : memref<1x100xf32, #tpu.memory_space<vmem>>, vector<1x100xf32>
    %get3A_53 = arith.constant 0 : index
    %get3A_54 = arith.constant 0 : index
    %get3A_55 = vector.load %arg23[%get3A_53, %get3A_54] : memref<16x16xf32, #tpu.memory_space<vmem>>, vector<16x16xf32>
    %get3A_56 = arith.constant 0 : index
    %get3A_57 = arith.constant 0 : index
    %get3A_58 = vector.load %arg24[%get3A_56, %get3A_57] : memref<1x100xf32, #tpu.memory_space<vmem>>, vector<1x100xf32>
    %get3A_59 = arith.constant 0 : index
    %get3A_60 = arith.constant 0 : index
    %get3A_61 = vector.load %arg25[%get3A_59, %get3A_60] : memref<1x100xf32, #tpu.memory_space<vmem>>, vector<1x100xf32>
    %get3A_62 = arith.constant 0 : index
    %get3A_63 = arith.constant 0 : index
    %get3A_64 = vector.load %arg26[%get3A_62, %get3A_63] : memref<16x32xf32, #tpu.memory_space<vmem>>, vector<16x32xf32>
    %get3A_65 = arith.constant 0 : index
    %get3A_66 = arith.constant 0 : index
    %get3A_67 = vector.load %arg27[%get3A_65, %get3A_66] : memref<100x400xf32, #tpu.memory_space<vmem>>, vector<100x400xf32>
    %get3A_68 = arith.constant 0 : index
    %get3A_69 = arith.constant 0 : index
    %get3A_70 = vector.load %arg28[%get3A_68, %get3A_69] : memref<32x400xf32, #tpu.memory_space<vmem>>, vector<32x400xf32>
    %get3A_71 = arith.constant 0 : index
    %get3A_72 = arith.constant 0 : index
    %get3A_73 = vector.load %arg29[%get3A_71, %get3A_72] : memref<1x400xf32, #tpu.memory_space<vmem>>, vector<1x400xf32>
    %get3A_74 = arith.constant 0 : index
    %get3A_75 = arith.constant 0 : index
    %get3A_76 = vector.load %arg30[%get3A_74, %get3A_75] : memref<32x32xf32, #tpu.memory_space<vmem>>, vector<32x32xf32>
    %get3A_77 = arith.constant 0 : index
    %get3A_78 = arith.constant 0 : index
    %get3A_79 = vector.load %arg31[%get3A_77, %get3A_78] : memref<32x32xf32, #tpu.memory_space<vmem>>, vector<32x32xf32>
    %get3A_80 = arith.constant 0 : index
    %get3A_81 = arith.constant 0 : index
    %get3A_82 = vector.load %arg32[%get3A_80, %get3A_81] : memref<400x100xf32, #tpu.memory_space<vmem>>, vector<400x100xf32>
    %get3A_83 = arith.constant 0 : index
    %get3A_84 = arith.constant 0 : index
    %get3A_85 = vector.load %arg33[%get3A_83, %get3A_84] : memref<32x100xf32, #tpu.memory_space<vmem>>, vector<32x100xf32>
    %get3A_86 = arith.constant 0 : index
    %get3A_87 = arith.constant 0 : index
    %get3A_88 = vector.load %arg34[%get3A_86, %get3A_87] : memref<1x100xf32, #tpu.memory_space<vmem>>, vector<1x100xf32>
    %get3A_89 = arith.constant 0 : index
    %get3A_90 = arith.constant 0 : index
    %get3A_91 = vector.load %arg35[%get3A_89, %get3A_90] : memref<32x16xf32, #tpu.memory_space<vmem>>, vector<32x16xf32>
    %get3A_92 = arith.constant 0 : index
    %get3A_93 = arith.constant 0 : index
    %get3A_94 = vector.load %arg36[%get3A_92, %get3A_93] : memref<1x100xf32, #tpu.memory_space<vmem>>, vector<1x100xf32>
    %get3A_95 = arith.constant 0 : index
    %get3A_96 = arith.constant 0 : index
    %get3A_97 = vector.load %arg37[%get3A_95, %get3A_96] : memref<1x100xf32, #tpu.memory_space<vmem>>, vector<1x100xf32>
    %get3A_98 = arith.constant 0 : index
    %get3A_99 = arith.constant 0 : index
    %get3A_100 = vector.load %arg1[%get3A_98, %get3A_99] : memref<256x256xf32, #tpu.memory_space<vmem>>, vector<256x256xf32>
    %get3A_101 = arith.constant 0 : index
    %get3A_102 = arith.constant 0 : index
    %get3A_103 = vector.load %arg2[%get3A_101, %get3A_102] : memref<4096x256xf32, #tpu.memory_space<vmem>>, vector<4096x256xf32>
    %get3A_104 = arith.constant 0 : index
    %get3A_105 = arith.constant 0 : index
    %get3A_106 = vector.load %arg3[%get3A_104, %get3A_105] : memref<4096x56xf32, #tpu.memory_space<vmem>>, vector<4096x56xf32>
    %get3A_107 = arith.constant 0 : index
    %get3A_108 = arith.constant 0 : index
    %get3A_109 = vector.load %arg4[%get3A_107, %get3A_108] : memref<256x1xf32, #tpu.memory_space<vmem>>, vector<256x1xf32>
    %slice3A = vector.extract_strided_slice %get3A_100 {offsets = [0, 0], sizes = [256, 100], strides = [1, 1]} : vector<256x256xf32> to vector<256x100xf32>
    %slice3A_110 = vector.extract_strided_slice %get3A_100 {offsets = [0, 100], sizes = [256, 16], strides = [1, 1]} : vector<256x256xf32> to vector<256x16xf32>
    %slice3A_111 = vector.extract_strided_slice %get3A_100 {offsets = [0, 116], sizes = [256, 16], strides = [1, 1]} : vector<256x256xf32> to vector<256x16xf32>
    %slice3A_112 = vector.extract_strided_slice %get3A_100 {offsets = [0, 132], sizes = [256, 16], strides = [1, 1]} : vector<256x256xf32> to vector<256x16xf32>
    %slice3A_113 = vector.extract_strided_slice %get3A_103 {offsets = [0, 0], sizes = [4096, 100], strides = [1, 1]} : vector<4096x256xf32> to vector<4096x100xf32>
    %slice3A_114 = vector.extract_strided_slice %get3A_103 {offsets = [0, 100], sizes = [4096, 16], strides = [1, 1]} : vector<4096x256xf32> to vector<4096x16xf32>
    %slice3A_115 = vector.extract_strided_slice %get3A_103 {offsets = [0, 116], sizes = [4096, 16], strides = [1, 1]} : vector<4096x256xf32> to vector<4096x16xf32>
    %slice3A_116 = vector.extract_strided_slice %get3A_103 {offsets = [0, 132], sizes = [4096, 16], strides = [1, 1]} : vector<4096x256xf32> to vector<4096x16xf32>
    %slice3A_117 = vector.extract_strided_slice %get3A_106 {offsets = [0, 0], sizes = [4096, 52], strides = [1, 1]} : vector<4096x56xf32> to vector<4096x52xf32>
    %slice3A_118 = vector.extract_strided_slice %get3A_106 {offsets = [0, 52], sizes = [4096, 1], strides = [1, 1]} : vector<4096x56xf32> to vector<4096x1xf32>
    %slice3A_119 = vector.extract_strided_slice %get3A_106 {offsets = [0, 53], sizes = [4096, 1], strides = [1, 1]} : vector<4096x56xf32> to vector<4096x1xf32>
    %slice3A_120 = vector.extract_strided_slice %get3A_106 {offsets = [0, 54], sizes = [4096, 1], strides = [1, 1]} : vector<4096x56xf32> to vector<4096x1xf32>
    %dot_general3A = arith.constant dense<0.000000e+00> : vector<256x33xf32>
    %dot_general3A_121 = tpu.matmul %slice3A_110, %get3A_1, %dot_general3A {dimension_numbers = #tpu.dot_dimension_numbers<[1], [0], [0], [1], [0, 0, 1, 1], [], []>, transpose_lhs_hint = false} : vector<256x16xf32>, vector<16x33xf32>, vector<256x33xf32> -> vector<256x33xf32>
    %broadcast_in_dim3A = vector.shape_cast %dot_general3A_121 : vector<256x33xf32> to vector<256x1x33xf32>
    %broadcast_in_dim3A_122 = vector.shape_cast %broadcast_in_dim3A : vector<256x1x33xf32> to vector<256x1x33xf32>
    %broadcast_in_dim3A_123 = vector.broadcast %broadcast_in_dim3A_122 : vector<256x1x33xf32> to vector<256x16x33xf32>
    %reshape3A = vector.shape_cast %broadcast_in_dim3A_123 : vector<256x16x33xf32> to vector<4096x33xf32>
    %dot_general3A_124 = arith.constant dense<0.000000e+00> : vector<4096x33xf32>
    %dot_general3A_125 = tpu.matmul %slice3A_114, %get3A_7, %dot_general3A_124 {dimension_numbers = #tpu.dot_dimension_numbers<[1], [0], [0], [1], [0, 0, 1, 1], [], []>, transpose_lhs_hint = false} : vector<4096x16xf32>, vector<16x33xf32>, vector<4096x33xf32> -> vector<4096x33xf32>
    %add3A = arith.addf %reshape3A, %dot_general3A_125 : vector<4096x33xf32>
    %mul3A = vector.broadcast %slice3A_118 : vector<4096x1xf32> to vector<4096x33xf32>
    %mul3A_126 = vector.broadcast %get3A_4 : vector<1x33xf32> to vector<4096x33xf32>
    %mul3A_127 = arith.mulf %mul3A, %mul3A_126 : vector<4096x33xf32>
    %add3A_128 = arith.addf %add3A, %mul3A_127 : vector<4096x33xf32>
    %dot_general3A_129 = arith.constant dense<0.000000e+00> : vector<256x33xf32>
    %dot_general3A_130 = tpu.matmul %slice3A_111, %get3A_1, %dot_general3A_129 {dimension_numbers = #tpu.dot_dimension_numbers<[1], [0], [0], [1], [0, 0, 1, 1], [], []>, transpose_lhs_hint = false} : vector<256x16xf32>, vector<16x33xf32>, vector<256x33xf32> -> vector<256x33xf32>
    %broadcast_in_dim3A_131 = vector.shape_cast %dot_general3A_130 : vector<256x33xf32> to vector<256x1x33xf32>
    %broadcast_in_dim3A_132 = vector.shape_cast %broadcast_in_dim3A_131 : vector<256x1x33xf32> to vector<256x1x33xf32>
    %broadcast_in_dim3A_133 = vector.broadcast %broadcast_in_dim3A_132 : vector<256x1x33xf32> to vector<256x16x33xf32>
    %reshape3A_134 = vector.shape_cast %broadcast_in_dim3A_133 : vector<256x16x33xf32> to vector<4096x33xf32>
    %dot_general3A_135 = arith.constant dense<0.000000e+00> : vector<4096x33xf32>
    %dot_general3A_136 = tpu.matmul %slice3A_115, %get3A_7, %dot_general3A_135 {dimension_numbers = #tpu.dot_dimension_numbers<[1], [0], [0], [1], [0, 0, 1, 1], [], []>, transpose_lhs_hint = false} : vector<4096x16xf32>, vector<16x33xf32>, vector<4096x33xf32> -> vector<4096x33xf32>
    %add3A_137 = arith.addf %reshape3A_134, %dot_general3A_136 : vector<4096x33xf32>
    %mul3A_138 = vector.broadcast %slice3A_119 : vector<4096x1xf32> to vector<4096x33xf32>
    %mul3A_139 = vector.broadcast %get3A_4 : vector<1x33xf32> to vector<4096x33xf32>
    %mul3A_140 = arith.mulf %mul3A_138, %mul3A_139 : vector<4096x33xf32>
    %add3A_141 = arith.addf %add3A_137, %mul3A_140 : vector<4096x33xf32>
    %dot_general3A_142 = arith.constant dense<0.000000e+00> : vector<256x33xf32>
    %dot_general3A_143 = tpu.matmul %slice3A_112, %get3A_1, %dot_general3A_142 {dimension_numbers = #tpu.dot_dimension_numbers<[1], [0], [0], [1], [0, 0, 1, 1], [], []>, transpose_lhs_hint = false} : vector<256x16xf32>, vector<16x33xf32>, vector<256x33xf32> -> vector<256x33xf32>
    %broadcast_in_dim3A_144 = vector.shape_cast %dot_general3A_143 : vector<256x33xf32> to vector<256x1x33xf32>
    %broadcast_in_dim3A_145 = vector.shape_cast %broadcast_in_dim3A_144 : vector<256x1x33xf32> to vector<256x1x33xf32>
    %broadcast_in_dim3A_146 = vector.broadcast %broadcast_in_dim3A_145 : vector<256x1x33xf32> to vector<256x16x33xf32>
    %reshape3A_147 = vector.shape_cast %broadcast_in_dim3A_146 : vector<256x16x33xf32> to vector<4096x33xf32>
    %dot_general3A_148 = arith.constant dense<0.000000e+00> : vector<4096x33xf32>
    %dot_general3A_149 = tpu.matmul %slice3A_116, %get3A_7, %dot_general3A_148 {dimension_numbers = #tpu.dot_dimension_numbers<[1], [0], [0], [1], [0, 0, 1, 1], [], []>, transpose_lhs_hint = false} : vector<4096x16xf32>, vector<16x33xf32>, vector<4096x33xf32> -> vector<4096x33xf32>
    %add3A_150 = arith.addf %reshape3A_147, %dot_general3A_149 : vector<4096x33xf32>
    %mul3A_151 = vector.broadcast %slice3A_120 : vector<4096x1xf32> to vector<4096x33xf32>
    %mul3A_152 = vector.broadcast %get3A_4 : vector<1x33xf32> to vector<4096x33xf32>
    %mul3A_153 = arith.mulf %mul3A_151, %mul3A_152 : vector<4096x33xf32>
    %add3A_154 = arith.addf %add3A_150, %mul3A_153 : vector<4096x33xf32>
    %mul3A_155 = arith.mulf %add3A_128, %add3A_128 : vector<4096x33xf32>
    %mul3A_156 = arith.mulf %add3A_141, %add3A_141 : vector<4096x33xf32>
    %add3A_157 = arith.addf %mul3A_155, %mul3A_156 : vector<4096x33xf32>
    %mul3A_158 = arith.mulf %add3A_154, %add3A_154 : vector<4096x33xf32>
    %add3A_159 = arith.addf %add3A_157, %mul3A_158 : vector<4096x33xf32>
    %add3A_160 = arith.constant 9.99999993E-9 : f32
    %add3A_161 = vector.broadcast %add3A_160 : f32 to vector<4096x33xf32>
    %add3A_162 = arith.addf %add3A_159, %add3A_161 : vector<4096x33xf32>
    %sqrt3A = math.sqrt %add3A_162 : vector<4096x33xf32>
    %dot_general3A_163 = arith.constant dense<0.000000e+00> : vector<256x100xf32>
    %dot_general3A_164 = tpu.matmul %slice3A, %get3A_10, %dot_general3A_163 {dimension_numbers = #tpu.dot_dimension_numbers<[1], [0], [0], [1], [0, 0, 1, 1], [], []>, transpose_lhs_hint = false} : vector<256x100xf32>, vector<100x100xf32>, vector<256x100xf32> -> vector<256x100xf32>
    %broadcast_in_dim3A_165 = vector.shape_cast %dot_general3A_164 : vector<256x100xf32> to vector<256x1x100xf32>
    %broadcast_in_dim3A_166 = vector.shape_cast %broadcast_in_dim3A_165 : vector<256x1x100xf32> to vector<256x1x100xf32>
    %broadcast_in_dim3A_167 = vector.broadcast %broadcast_in_dim3A_166 : vector<256x1x100xf32> to vector<256x16x100xf32>
    %reshape3A_168 = vector.shape_cast %broadcast_in_dim3A_167 : vector<256x16x100xf32> to vector<4096x100xf32>
    %dot_general3A_169 = arith.constant dense<0.000000e+00> : vector<4096x100xf32>
    %dot_general3A_170 = tpu.matmul %slice3A_117, %get3A_13, %dot_general3A_169 {dimension_numbers = #tpu.dot_dimension_numbers<[1], [0], [0], [1], [0, 0, 1, 1], [], []>, transpose_lhs_hint = false} : vector<4096x52xf32>, vector<52x100xf32>, vector<4096x100xf32> -> vector<4096x100xf32>
    %add3A_171 = arith.addf %reshape3A_168, %dot_general3A_170 : vector<4096x100xf32>
    %dot_general3A_172 = arith.constant dense<0.000000e+00> : vector<4096x100xf32>
    %dot_general3A_173 = tpu.matmul %slice3A_113, %get3A_16, %dot_general3A_172 {dimension_numbers = #tpu.dot_dimension_numbers<[1], [0], [0], [1], [0, 0, 1, 1], [], []>, transpose_lhs_hint = false} : vector<4096x100xf32>, vector<100x100xf32>, vector<4096x100xf32> -> vector<4096x100xf32>
    %add3A_174 = arith.addf %add3A_171, %dot_general3A_173 : vector<4096x100xf32>
    %dot_general3A_175 = arith.constant dense<0.000000e+00> : vector<4096x100xf32>
    %dot_general3A_176 = tpu.matmul %sqrt3A, %get3A_19, %dot_general3A_175 {dimension_numbers = #tpu.dot_dimension_numbers<[1], [0], [0], [1], [0, 0, 1, 1], [], []>, transpose_lhs_hint = false} : vector<4096x33xf32>, vector<33x100xf32>, vector<4096x100xf32> -> vector<4096x100xf32>
    %add3A_177 = arith.addf %add3A_174, %dot_general3A_176 : vector<4096x100xf32>
    %add3A_178 = vector.broadcast %get3A_22 : vector<1x100xf32> to vector<4096x100xf32>
    %add3A_179 = arith.addf %add3A_177, %add3A_178 : vector<4096x100xf32>
    %max3A = arith.constant 0.000000e+00 : f32
    %max3A_180 = vector.broadcast %max3A : f32 to vector<4096x100xf32>
    %max3A_181 = arith.maximumf %add3A_179, %max3A_180 : vector<4096x100xf32>
    %dot_general3A_182 = arith.constant dense<0.000000e+00> : vector<4096x16xf32>
    %dot_general3A_183 = tpu.matmul %add3A_128, %get3A_25, %dot_general3A_182 {dimension_numbers = #tpu.dot_dimension_numbers<[1], [0], [0], [1], [0, 0, 1, 1], [], []>, transpose_lhs_hint = false} : vector<4096x33xf32>, vector<33x16xf32>, vector<4096x16xf32> -> vector<4096x16xf32>
    %dot_general3A_184 = arith.constant dense<0.000000e+00> : vector<4096x16xf32>
    %dot_general3A_185 = tpu.matmul %add3A_141, %get3A_25, %dot_general3A_184 {dimension_numbers = #tpu.dot_dimension_numbers<[1], [0], [0], [1], [0, 0, 1, 1], [], []>, transpose_lhs_hint = false} : vector<4096x33xf32>, vector<33x16xf32>, vector<4096x16xf32> -> vector<4096x16xf32>
    %dot_general3A_186 = arith.constant dense<0.000000e+00> : vector<4096x16xf32>
    %dot_general3A_187 = tpu.matmul %add3A_154, %get3A_25, %dot_general3A_186 {dimension_numbers = #tpu.dot_dimension_numbers<[1], [0], [0], [1], [0, 0, 1, 1], [], []>, transpose_lhs_hint = false} : vector<4096x33xf32>, vector<33x16xf32>, vector<4096x16xf32> -> vector<4096x16xf32>
    %mul3A_188 = arith.mulf %dot_general3A_183, %dot_general3A_183 : vector<4096x16xf32>
    %mul3A_189 = arith.mulf %dot_general3A_185, %dot_general3A_185 : vector<4096x16xf32>
    %add3A_190 = arith.addf %mul3A_188, %mul3A_189 : vector<4096x16xf32>
    %mul3A_191 = arith.mulf %dot_general3A_187, %dot_general3A_187 : vector<4096x16xf32>
    %add3A_192 = arith.addf %add3A_190, %mul3A_191 : vector<4096x16xf32>
    %add3A_193 = arith.constant 9.99999993E-9 : f32
    %add3A_194 = vector.broadcast %add3A_193 : f32 to vector<4096x16xf32>
    %add3A_195 = arith.addf %add3A_192, %add3A_194 : vector<4096x16xf32>
    %sqrt3A_196 = math.sqrt %add3A_195 : vector<4096x16xf32>
    %neg3A = arith.constant 0.000000e+00 : f32
    %neg3A_197 = vector.broadcast %neg3A : f32 to vector<4096x16xf32>
    %neg3A_198 = arith.subf %neg3A_197, %sqrt3A_196 : vector<4096x16xf32>
    %exp3A = math.exp %neg3A_198 : vector<4096x16xf32>
    %add3A_199 = arith.constant 1.000000e+00 : f32
    %add3A_200 = vector.broadcast %add3A_199 : f32 to vector<4096x16xf32>
    %add3A_201 = arith.addf %add3A_200, %exp3A : vector<4096x16xf32>
    %div3A = arith.constant 1.000000e+00 : f32
    %div3A_202 = vector.broadcast %div3A : f32 to vector<4096x16xf32>
    %div3A_203 = arith.divf %div3A_202, %add3A_201 : vector<4096x16xf32>
    %mul3A_204 = arith.mulf %dot_general3A_183, %div3A_203 : vector<4096x16xf32>
    %mul3A_205 = arith.mulf %dot_general3A_185, %div3A_203 : vector<4096x16xf32>
    %mul3A_206 = arith.mulf %dot_general3A_187, %div3A_203 : vector<4096x16xf32>
    %dot_general3A_207 = arith.constant dense<0.000000e+00> : vector<4096x16xf32>
    %dot_general3A_208 = tpu.matmul %mul3A_204, %get3A_28, %dot_general3A_207 {dimension_numbers = #tpu.dot_dimension_numbers<[1], [0], [0], [1], [0, 0, 1, 1], [], []>, transpose_lhs_hint = false} : vector<4096x16xf32>, vector<16x16xf32>, vector<4096x16xf32> -> vector<4096x16xf32>
    %dot_general3A_209 = arith.constant dense<0.000000e+00> : vector<4096x16xf32>
    %dot_general3A_210 = tpu.matmul %mul3A_205, %get3A_28, %dot_general3A_209 {dimension_numbers = #tpu.dot_dimension_numbers<[1], [0], [0], [1], [0, 0, 1, 1], [], []>, transpose_lhs_hint = false} : vector<4096x16xf32>, vector<16x16xf32>, vector<4096x16xf32> -> vector<4096x16xf32>
    %dot_general3A_211 = arith.constant dense<0.000000e+00> : vector<4096x16xf32>
    %dot_general3A_212 = tpu.matmul %mul3A_206, %get3A_28, %dot_general3A_211 {dimension_numbers = #tpu.dot_dimension_numbers<[1], [0], [0], [1], [0, 0, 1, 1], [], []>, transpose_lhs_hint = false} : vector<4096x16xf32>, vector<16x16xf32>, vector<4096x16xf32> -> vector<4096x16xf32>
    %mul3A_213 = arith.mulf %dot_general3A_208, %dot_general3A_208 : vector<4096x16xf32>
    %mul3A_214 = arith.mulf %dot_general3A_210, %dot_general3A_210 : vector<4096x16xf32>
    %add3A_215 = arith.addf %mul3A_213, %mul3A_214 : vector<4096x16xf32>
    %mul3A_216 = arith.mulf %dot_general3A_212, %dot_general3A_212 : vector<4096x16xf32>
    %add3A_217 = arith.addf %add3A_215, %mul3A_216 : vector<4096x16xf32>
    %add3A_218 = arith.constant 9.99999993E-9 : f32
    %add3A_219 = vector.broadcast %add3A_218 : f32 to vector<4096x16xf32>
    %add3A_220 = arith.addf %add3A_217, %add3A_219 : vector<4096x16xf32>
    %sqrt3A_221 = math.sqrt %add3A_220 : vector<4096x16xf32>
    %dot_general3A_222 = arith.constant dense<0.000000e+00> : vector<4096x100xf32>
    %dot_general3A_223 = tpu.matmul %max3A_181, %get3A_31, %dot_general3A_222 {dimension_numbers = #tpu.dot_dimension_numbers<[1], [0], [0], [1], [0, 0, 1, 1], [], []>, transpose_lhs_hint = false} : vector<4096x100xf32>, vector<100x100xf32>, vector<4096x100xf32> -> vector<4096x100xf32>
    %dot_general3A_224 = arith.constant dense<0.000000e+00> : vector<4096x100xf32>
    %dot_general3A_225 = tpu.matmul %sqrt3A_221, %get3A_34, %dot_general3A_224 {dimension_numbers = #tpu.dot_dimension_numbers<[1], [0], [0], [1], [0, 0, 1, 1], [], []>, transpose_lhs_hint = false} : vector<4096x16xf32>, vector<16x100xf32>, vector<4096x100xf32> -> vector<4096x100xf32>
    %add3A_226 = arith.addf %dot_general3A_223, %dot_general3A_225 : vector<4096x100xf32>
    %add3A_227 = vector.broadcast %get3A_37 : vector<1x100xf32> to vector<4096x100xf32>
    %add3A_228 = arith.addf %add3A_226, %add3A_227 : vector<4096x100xf32>
    %max3A_229 = arith.constant 0.000000e+00 : f32
    %max3A_230 = vector.broadcast %max3A_229 : f32 to vector<4096x100xf32>
    %max3A_231 = arith.maximumf %add3A_228, %max3A_230 : vector<4096x100xf32>
    %dot_general3A_232 = arith.constant dense<0.000000e+00> : vector<4096x16xf32>
    %dot_general3A_233 = tpu.matmul %dot_general3A_208, %get3A_40, %dot_general3A_232 {dimension_numbers = #tpu.dot_dimension_numbers<[1], [0], [0], [1], [0, 0, 1, 1], [], []>, transpose_lhs_hint = false} : vector<4096x16xf32>, vector<16x16xf32>, vector<4096x16xf32> -> vector<4096x16xf32>
    %dot_general3A_234 = arith.constant dense<0.000000e+00> : vector<4096x16xf32>
    %dot_general3A_235 = tpu.matmul %dot_general3A_210, %get3A_40, %dot_general3A_234 {dimension_numbers = #tpu.dot_dimension_numbers<[1], [0], [0], [1], [0, 0, 1, 1], [], []>, transpose_lhs_hint = false} : vector<4096x16xf32>, vector<16x16xf32>, vector<4096x16xf32> -> vector<4096x16xf32>
    %dot_general3A_236 = arith.constant dense<0.000000e+00> : vector<4096x16xf32>
    %dot_general3A_237 = tpu.matmul %dot_general3A_212, %get3A_40, %dot_general3A_236 {dimension_numbers = #tpu.dot_dimension_numbers<[1], [0], [0], [1], [0, 0, 1, 1], [], []>, transpose_lhs_hint = false} : vector<4096x16xf32>, vector<16x16xf32>, vector<4096x16xf32> -> vector<4096x16xf32>
    %mul3A_238 = arith.mulf %dot_general3A_233, %dot_general3A_233 : vector<4096x16xf32>
    %mul3A_239 = arith.mulf %dot_general3A_235, %dot_general3A_235 : vector<4096x16xf32>
    %add3A_240 = arith.addf %mul3A_238, %mul3A_239 : vector<4096x16xf32>
    %mul3A_241 = arith.mulf %dot_general3A_237, %dot_general3A_237 : vector<4096x16xf32>
    %add3A_242 = arith.addf %add3A_240, %mul3A_241 : vector<4096x16xf32>
    %add3A_243 = arith.constant 9.99999993E-9 : f32
    %add3A_244 = vector.broadcast %add3A_243 : f32 to vector<4096x16xf32>
    %add3A_245 = arith.addf %add3A_242, %add3A_244 : vector<4096x16xf32>
    %sqrt3A_246 = math.sqrt %add3A_245 : vector<4096x16xf32>
    %neg3A_247 = arith.constant 0.000000e+00 : f32
    %neg3A_248 = vector.broadcast %neg3A_247 : f32 to vector<4096x16xf32>
    %neg3A_249 = arith.subf %neg3A_248, %sqrt3A_246 : vector<4096x16xf32>
    %exp3A_250 = math.exp %neg3A_249 : vector<4096x16xf32>
    %add3A_251 = arith.constant 1.000000e+00 : f32
    %add3A_252 = vector.broadcast %add3A_251 : f32 to vector<4096x16xf32>
    %add3A_253 = arith.addf %add3A_252, %exp3A_250 : vector<4096x16xf32>
    %div3A_254 = arith.constant 1.000000e+00 : f32
    %div3A_255 = vector.broadcast %div3A_254 : f32 to vector<4096x16xf32>
    %div3A_256 = arith.divf %div3A_255, %add3A_253 : vector<4096x16xf32>
    %mul3A_257 = arith.mulf %dot_general3A_233, %div3A_256 : vector<4096x16xf32>
    %mul3A_258 = arith.mulf %dot_general3A_235, %div3A_256 : vector<4096x16xf32>
    %mul3A_259 = arith.mulf %dot_general3A_237, %div3A_256 : vector<4096x16xf32>
    %dot_general3A_260 = arith.constant dense<0.000000e+00> : vector<4096x16xf32>
    %dot_general3A_261 = tpu.matmul %mul3A_257, %get3A_43, %dot_general3A_260 {dimension_numbers = #tpu.dot_dimension_numbers<[1], [0], [0], [1], [0, 0, 1, 1], [], []>, transpose_lhs_hint = false} : vector<4096x16xf32>, vector<16x16xf32>, vector<4096x16xf32> -> vector<4096x16xf32>
    %dot_general3A_262 = arith.constant dense<0.000000e+00> : vector<4096x16xf32>
    %dot_general3A_263 = tpu.matmul %mul3A_258, %get3A_43, %dot_general3A_262 {dimension_numbers = #tpu.dot_dimension_numbers<[1], [0], [0], [1], [0, 0, 1, 1], [], []>, transpose_lhs_hint = false} : vector<4096x16xf32>, vector<16x16xf32>, vector<4096x16xf32> -> vector<4096x16xf32>
    %dot_general3A_264 = arith.constant dense<0.000000e+00> : vector<4096x16xf32>
    %dot_general3A_265 = tpu.matmul %mul3A_259, %get3A_43, %dot_general3A_264 {dimension_numbers = #tpu.dot_dimension_numbers<[1], [0], [0], [1], [0, 0, 1, 1], [], []>, transpose_lhs_hint = false} : vector<4096x16xf32>, vector<16x16xf32>, vector<4096x16xf32> -> vector<4096x16xf32>
    %mul3A_266 = arith.mulf %dot_general3A_261, %dot_general3A_261 : vector<4096x16xf32>
    %mul3A_267 = arith.mulf %dot_general3A_263, %dot_general3A_263 : vector<4096x16xf32>
    %add3A_268 = arith.addf %mul3A_266, %mul3A_267 : vector<4096x16xf32>
    %mul3A_269 = arith.mulf %dot_general3A_265, %dot_general3A_265 : vector<4096x16xf32>
    %add3A_270 = arith.addf %add3A_268, %mul3A_269 : vector<4096x16xf32>
    %add3A_271 = arith.constant 9.99999993E-9 : f32
    %add3A_272 = vector.broadcast %add3A_271 : f32 to vector<4096x16xf32>
    %add3A_273 = arith.addf %add3A_270, %add3A_272 : vector<4096x16xf32>
    %sqrt3A_274 = math.sqrt %add3A_273 : vector<4096x16xf32>
    %reshape3A_275 = vector.shape_cast %max3A_231 : vector<4096x100xf32> to vector<256x16x100xf32>
    %reduce_sum3A = arith.constant dense<0.000000e+00> : vector<256x100xf32>
    %reduce_sum3A_276 = vector.multi_reduction <add>, %reshape3A_275, %reduce_sum3A [1] : vector<256x16x100xf32> to vector<256x100xf32>
    %div3A_277 = arith.constant 1.600000e+01 : f32
    %div3A_278 = vector.broadcast %div3A_277 : f32 to vector<256x100xf32>
    %div3A_279 = arith.divf %reduce_sum3A_276, %div3A_278 : vector<256x100xf32>
    %reshape3A_280 = vector.shape_cast %sqrt3A_274 : vector<4096x16xf32> to vector<256x16x16xf32>
    %reduce_sum3A_281 = arith.constant dense<0.000000e+00> : vector<256x16xf32>
    %reduce_sum3A_282 = vector.multi_reduction <add>, %reshape3A_280, %reduce_sum3A_281 [1] : vector<256x16x16xf32> to vector<256x16xf32>
    %div3A_283 = arith.constant 1.600000e+01 : f32
    %div3A_284 = vector.broadcast %div3A_283 : f32 to vector<256x16xf32>
    %div3A_285 = arith.divf %reduce_sum3A_282, %div3A_284 : vector<256x16xf32>
    %reshape3A_286 = vector.shape_cast %dot_general3A_261 : vector<4096x16xf32> to vector<256x16x16xf32>
    %reduce_sum3A_287 = arith.constant dense<0.000000e+00> : vector<256x16xf32>
    %reduce_sum3A_288 = vector.multi_reduction <add>, %reshape3A_286, %reduce_sum3A_287 [1] : vector<256x16x16xf32> to vector<256x16xf32>
    %div3A_289 = arith.constant 1.600000e+01 : f32
    %div3A_290 = vector.broadcast %div3A_289 : f32 to vector<256x16xf32>
    %div3A_291 = arith.divf %reduce_sum3A_288, %div3A_290 : vector<256x16xf32>
    %reshape3A_292 = vector.shape_cast %dot_general3A_263 : vector<4096x16xf32> to vector<256x16x16xf32>
    %reduce_sum3A_293 = arith.constant dense<0.000000e+00> : vector<256x16xf32>
    %reduce_sum3A_294 = vector.multi_reduction <add>, %reshape3A_292, %reduce_sum3A_293 [1] : vector<256x16x16xf32> to vector<256x16xf32>
    %div3A_295 = arith.constant 1.600000e+01 : f32
    %div3A_296 = vector.broadcast %div3A_295 : f32 to vector<256x16xf32>
    %div3A_297 = arith.divf %reduce_sum3A_294, %div3A_296 : vector<256x16xf32>
    %reshape3A_298 = vector.shape_cast %dot_general3A_265 : vector<4096x16xf32> to vector<256x16x16xf32>
    %reduce_sum3A_299 = arith.constant dense<0.000000e+00> : vector<256x16xf32>
    %reduce_sum3A_300 = vector.multi_reduction <add>, %reshape3A_298, %reduce_sum3A_299 [1] : vector<256x16x16xf32> to vector<256x16xf32>
    %div3A_301 = arith.constant 1.600000e+01 : f32
    %div3A_302 = vector.broadcast %div3A_301 : f32 to vector<256x16xf32>
    %div3A_303 = arith.divf %reduce_sum3A_300, %div3A_302 : vector<256x16xf32>
    %dot_general3A_304 = arith.constant dense<0.000000e+00> : vector<256x16xf32>
    %dot_general3A_305 = tpu.matmul %div3A_291, %get3A_55, %dot_general3A_304 {dimension_numbers = #tpu.dot_dimension_numbers<[1], [0], [0], [1], [0, 0, 1, 1], [], []>, transpose_lhs_hint = false} : vector<256x16xf32>, vector<16x16xf32>, vector<256x16xf32> -> vector<256x16xf32>
    %add3A_306 = arith.addf %slice3A_110, %dot_general3A_305 : vector<256x16xf32>
    %dot_general3A_307 = arith.constant dense<0.000000e+00> : vector<256x16xf32>
    %dot_general3A_308 = tpu.matmul %div3A_297, %get3A_55, %dot_general3A_307 {dimension_numbers = #tpu.dot_dimension_numbers<[1], [0], [0], [1], [0, 0, 1, 1], [], []>, transpose_lhs_hint = false} : vector<256x16xf32>, vector<16x16xf32>, vector<256x16xf32> -> vector<256x16xf32>
    %add3A_309 = arith.addf %slice3A_111, %dot_general3A_308 : vector<256x16xf32>
    %dot_general3A_310 = arith.constant dense<0.000000e+00> : vector<256x16xf32>
    %dot_general3A_311 = tpu.matmul %div3A_303, %get3A_55, %dot_general3A_310 {dimension_numbers = #tpu.dot_dimension_numbers<[1], [0], [0], [1], [0, 0, 1, 1], [], []>, transpose_lhs_hint = false} : vector<256x16xf32>, vector<16x16xf32>, vector<256x16xf32> -> vector<256x16xf32>
    %add3A_312 = arith.addf %slice3A_112, %dot_general3A_311 : vector<256x16xf32>
    %dot_general3A_313 = arith.constant dense<0.000000e+00> : vector<256x100xf32>
    %dot_general3A_314 = tpu.matmul %div3A_279, %get3A_46, %dot_general3A_313 {dimension_numbers = #tpu.dot_dimension_numbers<[1], [0], [0], [1], [0, 0, 1, 1], [], []>, transpose_lhs_hint = false} : vector<256x100xf32>, vector<100x100xf32>, vector<256x100xf32> -> vector<256x100xf32>
    %add3A_315 = arith.addf %slice3A, %dot_general3A_314 : vector<256x100xf32>
    %dot_general3A_316 = arith.constant dense<0.000000e+00> : vector<256x100xf32>
    %dot_general3A_317 = tpu.matmul %div3A_285, %get3A_49, %dot_general3A_316 {dimension_numbers = #tpu.dot_dimension_numbers<[1], [0], [0], [1], [0, 0, 1, 1], [], []>, transpose_lhs_hint = false} : vector<256x16xf32>, vector<16x100xf32>, vector<256x100xf32> -> vector<256x100xf32>
    %add3A_318 = arith.addf %add3A_315, %dot_general3A_317 : vector<256x100xf32>
    %add3A_319 = vector.broadcast %get3A_52 : vector<1x100xf32> to vector<256x100xf32>
    %add3A_320 = arith.addf %add3A_318, %add3A_319 : vector<256x100xf32>
    %mul3A_321 = arith.mulf %add3A_306, %add3A_306 : vector<256x16xf32>
    %mul3A_322 = arith.mulf %add3A_309, %add3A_309 : vector<256x16xf32>
    %add3A_323 = arith.addf %mul3A_321, %mul3A_322 : vector<256x16xf32>
    %mul3A_324 = arith.mulf %add3A_312, %add3A_312 : vector<256x16xf32>
    %add3A_325 = arith.addf %add3A_323, %mul3A_324 : vector<256x16xf32>
    %reduce_sum3A_326 = arith.constant dense<0.000000e+00> : vector<256xf32>
    %reduce_sum3A_327 = vector.multi_reduction <add>, %add3A_325, %reduce_sum3A_326 [1] : vector<256x16xf32> to vector<256xf32>
    %broadcast_in_dim3A_328 = vector.shape_cast %reduce_sum3A_327 : vector<256xf32> to vector<256x1xf32>
    %div3A_329 = arith.constant 1.600000e+01 : f32
    %div3A_330 = vector.broadcast %div3A_329 : f32 to vector<256x1xf32>
    %div3A_331 = arith.divf %broadcast_in_dim3A_328, %div3A_330 : vector<256x1xf32>
    %add3A_332 = arith.constant 9.99999993E-9 : f32
    %add3A_333 = vector.broadcast %add3A_332 : f32 to vector<256x1xf32>
    %add3A_334 = arith.addf %div3A_331, %add3A_333 : vector<256x1xf32>
    %sqrt3A_335 = math.sqrt %add3A_334 : vector<256x1xf32>
    %div3A_336 = vector.broadcast %sqrt3A_335 : vector<256x1xf32> to vector<256x16xf32>
    %div3A_337 = arith.divf %add3A_306, %div3A_336 : vector<256x16xf32>
    %div3A_338 = vector.broadcast %sqrt3A_335 : vector<256x1xf32> to vector<256x16xf32>
    %div3A_339 = arith.divf %add3A_309, %div3A_338 : vector<256x16xf32>
    %div3A_340 = vector.broadcast %sqrt3A_335 : vector<256x1xf32> to vector<256x16xf32>
    %div3A_341 = arith.divf %add3A_312, %div3A_340 : vector<256x16xf32>
    %reduce_sum3A_342 = arith.constant dense<0.000000e+00> : vector<256xf32>
    %reduce_sum3A_343 = vector.multi_reduction <add>, %add3A_320, %reduce_sum3A_342 [1] : vector<256x100xf32> to vector<256xf32>
    %broadcast_in_dim3A_344 = vector.shape_cast %reduce_sum3A_343 : vector<256xf32> to vector<256x1xf32>
    %div3A_345 = arith.constant 1.000000e+02 : f32
    %div3A_346 = vector.broadcast %div3A_345 : f32 to vector<256x1xf32>
    %div3A_347 = arith.divf %broadcast_in_dim3A_344, %div3A_346 : vector<256x1xf32>
    %sub3A = vector.broadcast %div3A_347 : vector<256x1xf32> to vector<256x100xf32>
    %sub3A_348 = arith.subf %add3A_320, %sub3A : vector<256x100xf32>
    %square3A = arith.mulf %sub3A_348, %sub3A_348 : vector<256x100xf32>
    %reduce_sum3A_349 = arith.constant dense<0.000000e+00> : vector<256xf32>
    %reduce_sum3A_350 = vector.multi_reduction <add>, %square3A, %reduce_sum3A_349 [1] : vector<256x100xf32> to vector<256xf32>
    %broadcast_in_dim3A_351 = vector.shape_cast %reduce_sum3A_350 : vector<256xf32> to vector<256x1xf32>
    %div3A_352 = arith.constant 1.000000e+02 : f32
    %div3A_353 = vector.broadcast %div3A_352 : f32 to vector<256x1xf32>
    %div3A_354 = arith.divf %broadcast_in_dim3A_351, %div3A_353 : vector<256x1xf32>
    %sub3A_355 = vector.broadcast %div3A_347 : vector<256x1xf32> to vector<256x100xf32>
    %sub3A_356 = arith.subf %add3A_320, %sub3A_355 : vector<256x100xf32>
    %add3A_357 = arith.constant 9.99999974E-6 : f32
    %add3A_358 = vector.broadcast %add3A_357 : f32 to vector<256x1xf32>
    %add3A_359 = arith.addf %div3A_354, %add3A_358 : vector<256x1xf32>
    %sqrt3A_360 = math.sqrt %add3A_359 : vector<256x1xf32>
    %div3A_361 = vector.broadcast %sqrt3A_360 : vector<256x1xf32> to vector<256x100xf32>
    %div3A_362 = arith.divf %sub3A_356, %div3A_361 : vector<256x100xf32>
    %mul3A_363 = vector.broadcast %get3A_58 : vector<1x100xf32> to vector<256x100xf32>
    %mul3A_364 = arith.mulf %div3A_362, %mul3A_363 : vector<256x100xf32>
    %add3A_365 = vector.broadcast %get3A_61 : vector<1x100xf32> to vector<256x100xf32>
    %add3A_366 = arith.addf %mul3A_364, %add3A_365 : vector<256x100xf32>
    %dot_general3A_367 = arith.constant dense<0.000000e+00> : vector<256x32xf32>
    %dot_general3A_368 = tpu.matmul %div3A_337, %get3A_64, %dot_general3A_367 {dimension_numbers = #tpu.dot_dimension_numbers<[1], [0], [0], [1], [0, 0, 1, 1], [], []>, transpose_lhs_hint = false} : vector<256x16xf32>, vector<16x32xf32>, vector<256x32xf32> -> vector<256x32xf32>
    %dot_general3A_369 = arith.constant dense<0.000000e+00> : vector<256x32xf32>
    %dot_general3A_370 = tpu.matmul %div3A_339, %get3A_64, %dot_general3A_369 {dimension_numbers = #tpu.dot_dimension_numbers<[1], [0], [0], [1], [0, 0, 1, 1], [], []>, transpose_lhs_hint = false} : vector<256x16xf32>, vector<16x32xf32>, vector<256x32xf32> -> vector<256x32xf32>
    %dot_general3A_371 = arith.constant dense<0.000000e+00> : vector<256x32xf32>
    %dot_general3A_372 = tpu.matmul %div3A_341, %get3A_64, %dot_general3A_371 {dimension_numbers = #tpu.dot_dimension_numbers<[1], [0], [0], [1], [0, 0, 1, 1], [], []>, transpose_lhs_hint = false} : vector<256x16xf32>, vector<16x32xf32>, vector<256x32xf32> -> vector<256x32xf32>
    %mul3A_373 = arith.mulf %dot_general3A_368, %dot_general3A_368 : vector<256x32xf32>
    %mul3A_374 = arith.mulf %dot_general3A_370, %dot_general3A_370 : vector<256x32xf32>
    %add3A_375 = arith.addf %mul3A_373, %mul3A_374 : vector<256x32xf32>
    %mul3A_376 = arith.mulf %dot_general3A_372, %dot_general3A_372 : vector<256x32xf32>
    %add3A_377 = arith.addf %add3A_375, %mul3A_376 : vector<256x32xf32>
    %add3A_378 = arith.constant 9.99999993E-9 : f32
    %add3A_379 = vector.broadcast %add3A_378 : f32 to vector<256x32xf32>
    %add3A_380 = arith.addf %add3A_377, %add3A_379 : vector<256x32xf32>
    %sqrt3A_381 = math.sqrt %add3A_380 : vector<256x32xf32>
    %dot_general3A_382 = arith.constant dense<0.000000e+00> : vector<256x400xf32>
    %dot_general3A_383 = tpu.matmul %add3A_366, %get3A_67, %dot_general3A_382 {dimension_numbers = #tpu.dot_dimension_numbers<[1], [0], [0], [1], [0, 0, 1, 1], [], []>, transpose_lhs_hint = false} : vector<256x100xf32>, vector<100x400xf32>, vector<256x400xf32> -> vector<256x400xf32>
    %dot_general3A_384 = arith.constant dense<0.000000e+00> : vector<256x400xf32>
    %dot_general3A_385 = tpu.matmul %sqrt3A_381, %get3A_70, %dot_general3A_384 {dimension_numbers = #tpu.dot_dimension_numbers<[1], [0], [0], [1], [0, 0, 1, 1], [], []>, transpose_lhs_hint = false} : vector<256x32xf32>, vector<32x400xf32>, vector<256x400xf32> -> vector<256x400xf32>
    %add3A_386 = arith.addf %dot_general3A_383, %dot_general3A_385 : vector<256x400xf32>
    %add3A_387 = vector.broadcast %get3A_73 : vector<1x400xf32> to vector<256x400xf32>
    %add3A_388 = arith.addf %add3A_386, %add3A_387 : vector<256x400xf32>
    %max3A_389 = arith.constant 0.000000e+00 : f32
    %max3A_390 = vector.broadcast %max3A_389 : f32 to vector<256x400xf32>
    %max3A_391 = arith.maximumf %add3A_388, %max3A_390 : vector<256x400xf32>
    %dot_general3A_392 = arith.constant dense<0.000000e+00> : vector<256x32xf32>
    %dot_general3A_393 = tpu.matmul %dot_general3A_368, %get3A_76, %dot_general3A_392 {dimension_numbers = #tpu.dot_dimension_numbers<[1], [0], [0], [1], [0, 0, 1, 1], [], []>, transpose_lhs_hint = false} : vector<256x32xf32>, vector<32x32xf32>, vector<256x32xf32> -> vector<256x32xf32>
    %dot_general3A_394 = arith.constant dense<0.000000e+00> : vector<256x32xf32>
    %dot_general3A_395 = tpu.matmul %dot_general3A_370, %get3A_76, %dot_general3A_394 {dimension_numbers = #tpu.dot_dimension_numbers<[1], [0], [0], [1], [0, 0, 1, 1], [], []>, transpose_lhs_hint = false} : vector<256x32xf32>, vector<32x32xf32>, vector<256x32xf32> -> vector<256x32xf32>
    %dot_general3A_396 = arith.constant dense<0.000000e+00> : vector<256x32xf32>
    %dot_general3A_397 = tpu.matmul %dot_general3A_372, %get3A_76, %dot_general3A_396 {dimension_numbers = #tpu.dot_dimension_numbers<[1], [0], [0], [1], [0, 0, 1, 1], [], []>, transpose_lhs_hint = false} : vector<256x32xf32>, vector<32x32xf32>, vector<256x32xf32> -> vector<256x32xf32>
    %mul3A_398 = arith.mulf %dot_general3A_393, %dot_general3A_393 : vector<256x32xf32>
    %mul3A_399 = arith.mulf %dot_general3A_395, %dot_general3A_395 : vector<256x32xf32>
    %add3A_400 = arith.addf %mul3A_398, %mul3A_399 : vector<256x32xf32>
    %mul3A_401 = arith.mulf %dot_general3A_397, %dot_general3A_397 : vector<256x32xf32>
    %add3A_402 = arith.addf %add3A_400, %mul3A_401 : vector<256x32xf32>
    %add3A_403 = arith.constant 9.99999993E-9 : f32
    %add3A_404 = vector.broadcast %add3A_403 : f32 to vector<256x32xf32>
    %add3A_405 = arith.addf %add3A_402, %add3A_404 : vector<256x32xf32>
    %sqrt3A_406 = math.sqrt %add3A_405 : vector<256x32xf32>
    %neg3A_407 = arith.constant 0.000000e+00 : f32
    %neg3A_408 = vector.broadcast %neg3A_407 : f32 to vector<256x32xf32>
    %neg3A_409 = arith.subf %neg3A_408, %sqrt3A_406 : vector<256x32xf32>
    %exp3A_410 = math.exp %neg3A_409 : vector<256x32xf32>
    %add3A_411 = arith.constant 1.000000e+00 : f32
    %add3A_412 = vector.broadcast %add3A_411 : f32 to vector<256x32xf32>
    %add3A_413 = arith.addf %add3A_412, %exp3A_410 : vector<256x32xf32>
    %div3A_414 = arith.constant 1.000000e+00 : f32
    %div3A_415 = vector.broadcast %div3A_414 : f32 to vector<256x32xf32>
    %div3A_416 = arith.divf %div3A_415, %add3A_413 : vector<256x32xf32>
    %mul3A_417 = arith.mulf %dot_general3A_393, %div3A_416 : vector<256x32xf32>
    %mul3A_418 = arith.mulf %dot_general3A_395, %div3A_416 : vector<256x32xf32>
    %mul3A_419 = arith.mulf %dot_general3A_397, %div3A_416 : vector<256x32xf32>
    %dot_general3A_420 = arith.constant dense<0.000000e+00> : vector<256x32xf32>
    %dot_general3A_421 = tpu.matmul %mul3A_417, %get3A_79, %dot_general3A_420 {dimension_numbers = #tpu.dot_dimension_numbers<[1], [0], [0], [1], [0, 0, 1, 1], [], []>, transpose_lhs_hint = false} : vector<256x32xf32>, vector<32x32xf32>, vector<256x32xf32> -> vector<256x32xf32>
    %dot_general3A_422 = arith.constant dense<0.000000e+00> : vector<256x32xf32>
    %dot_general3A_423 = tpu.matmul %mul3A_418, %get3A_79, %dot_general3A_422 {dimension_numbers = #tpu.dot_dimension_numbers<[1], [0], [0], [1], [0, 0, 1, 1], [], []>, transpose_lhs_hint = false} : vector<256x32xf32>, vector<32x32xf32>, vector<256x32xf32> -> vector<256x32xf32>
    %dot_general3A_424 = arith.constant dense<0.000000e+00> : vector<256x32xf32>
    %dot_general3A_425 = tpu.matmul %mul3A_419, %get3A_79, %dot_general3A_424 {dimension_numbers = #tpu.dot_dimension_numbers<[1], [0], [0], [1], [0, 0, 1, 1], [], []>, transpose_lhs_hint = false} : vector<256x32xf32>, vector<32x32xf32>, vector<256x32xf32> -> vector<256x32xf32>
    %mul3A_426 = arith.mulf %dot_general3A_421, %dot_general3A_421 : vector<256x32xf32>
    %mul3A_427 = arith.mulf %dot_general3A_423, %dot_general3A_423 : vector<256x32xf32>
    %add3A_428 = arith.addf %mul3A_426, %mul3A_427 : vector<256x32xf32>
    %mul3A_429 = arith.mulf %dot_general3A_425, %dot_general3A_425 : vector<256x32xf32>
    %add3A_430 = arith.addf %add3A_428, %mul3A_429 : vector<256x32xf32>
    %add3A_431 = arith.constant 9.99999993E-9 : f32
    %add3A_432 = vector.broadcast %add3A_431 : f32 to vector<256x32xf32>
    %add3A_433 = arith.addf %add3A_430, %add3A_432 : vector<256x32xf32>
    %sqrt3A_434 = math.sqrt %add3A_433 : vector<256x32xf32>
    %dot_general3A_435 = arith.constant dense<0.000000e+00> : vector<256x100xf32>
    %dot_general3A_436 = tpu.matmul %max3A_391, %get3A_82, %dot_general3A_435 {dimension_numbers = #tpu.dot_dimension_numbers<[1], [0], [0], [1], [0, 0, 1, 1], [], []>, transpose_lhs_hint = false} : vector<256x400xf32>, vector<400x100xf32>, vector<256x100xf32> -> vector<256x100xf32>
    %dot_general3A_437 = arith.constant dense<0.000000e+00> : vector<256x100xf32>
    %dot_general3A_438 = tpu.matmul %sqrt3A_434, %get3A_85, %dot_general3A_437 {dimension_numbers = #tpu.dot_dimension_numbers<[1], [0], [0], [1], [0, 0, 1, 1], [], []>, transpose_lhs_hint = false} : vector<256x32xf32>, vector<32x100xf32>, vector<256x100xf32> -> vector<256x100xf32>
    %add3A_439 = arith.addf %dot_general3A_436, %dot_general3A_438 : vector<256x100xf32>
    %add3A_440 = vector.broadcast %get3A_88 : vector<1x100xf32> to vector<256x100xf32>
    %add3A_441 = arith.addf %add3A_439, %add3A_440 : vector<256x100xf32>
    %dot_general3A_442 = arith.constant dense<0.000000e+00> : vector<256x16xf32>
    %dot_general3A_443 = tpu.matmul %dot_general3A_421, %get3A_91, %dot_general3A_442 {dimension_numbers = #tpu.dot_dimension_numbers<[1], [0], [0], [1], [0, 0, 1, 1], [], []>, transpose_lhs_hint = false} : vector<256x32xf32>, vector<32x16xf32>, vector<256x16xf32> -> vector<256x16xf32>
    %dot_general3A_444 = arith.constant dense<0.000000e+00> : vector<256x16xf32>
    %dot_general3A_445 = tpu.matmul %dot_general3A_423, %get3A_91, %dot_general3A_444 {dimension_numbers = #tpu.dot_dimension_numbers<[1], [0], [0], [1], [0, 0, 1, 1], [], []>, transpose_lhs_hint = false} : vector<256x32xf32>, vector<32x16xf32>, vector<256x16xf32> -> vector<256x16xf32>
    %dot_general3A_446 = arith.constant dense<0.000000e+00> : vector<256x16xf32>
    %dot_general3A_447 = tpu.matmul %dot_general3A_425, %get3A_91, %dot_general3A_446 {dimension_numbers = #tpu.dot_dimension_numbers<[1], [0], [0], [1], [0, 0, 1, 1], [], []>, transpose_lhs_hint = false} : vector<256x32xf32>, vector<32x16xf32>, vector<256x16xf32> -> vector<256x16xf32>
    %add3A_448 = arith.addf %div3A_337, %dot_general3A_443 : vector<256x16xf32>
    %add3A_449 = arith.addf %div3A_339, %dot_general3A_445 : vector<256x16xf32>
    %add3A_450 = arith.addf %div3A_341, %dot_general3A_447 : vector<256x16xf32>
    %add3A_451 = arith.addf %add3A_366, %add3A_441 : vector<256x100xf32>
    %mul3A_452 = arith.mulf %add3A_448, %add3A_448 : vector<256x16xf32>
    %mul3A_453 = arith.mulf %add3A_449, %add3A_449 : vector<256x16xf32>
    %add3A_454 = arith.addf %mul3A_452, %mul3A_453 : vector<256x16xf32>
    %mul3A_455 = arith.mulf %add3A_450, %add3A_450 : vector<256x16xf32>
    %add3A_456 = arith.addf %add3A_454, %mul3A_455 : vector<256x16xf32>
    %reduce_sum3A_457 = arith.constant dense<0.000000e+00> : vector<256xf32>
    %reduce_sum3A_458 = vector.multi_reduction <add>, %add3A_456, %reduce_sum3A_457 [1] : vector<256x16xf32> to vector<256xf32>
    %broadcast_in_dim3A_459 = vector.shape_cast %reduce_sum3A_458 : vector<256xf32> to vector<256x1xf32>
    %div3A_460 = arith.constant 1.600000e+01 : f32
    %div3A_461 = vector.broadcast %div3A_460 : f32 to vector<256x1xf32>
    %div3A_462 = arith.divf %broadcast_in_dim3A_459, %div3A_461 : vector<256x1xf32>
    %add3A_463 = arith.constant 9.99999993E-9 : f32
    %add3A_464 = vector.broadcast %add3A_463 : f32 to vector<256x1xf32>
    %add3A_465 = arith.addf %div3A_462, %add3A_464 : vector<256x1xf32>
    %sqrt3A_466 = math.sqrt %add3A_465 : vector<256x1xf32>
    %div3A_467 = vector.broadcast %sqrt3A_466 : vector<256x1xf32> to vector<256x16xf32>
    %div3A_468 = arith.divf %add3A_448, %div3A_467 : vector<256x16xf32>
    %mul3A_469 = vector.broadcast %get3A_109 : vector<256x1xf32> to vector<256x16xf32>
    %mul3A_470 = arith.mulf %div3A_468, %mul3A_469 : vector<256x16xf32>
    %div3A_471 = vector.broadcast %sqrt3A_466 : vector<256x1xf32> to vector<256x16xf32>
    %div3A_472 = arith.divf %add3A_449, %div3A_471 : vector<256x16xf32>
    %mul3A_473 = vector.broadcast %get3A_109 : vector<256x1xf32> to vector<256x16xf32>
    %mul3A_474 = arith.mulf %div3A_472, %mul3A_473 : vector<256x16xf32>
    %div3A_475 = vector.broadcast %sqrt3A_466 : vector<256x1xf32> to vector<256x16xf32>
    %div3A_476 = arith.divf %add3A_450, %div3A_475 : vector<256x16xf32>
    %mul3A_477 = vector.broadcast %get3A_109 : vector<256x1xf32> to vector<256x16xf32>
    %mul3A_478 = arith.mulf %div3A_476, %mul3A_477 : vector<256x16xf32>
    %reduce_sum3A_479 = arith.constant dense<0.000000e+00> : vector<256xf32>
    %reduce_sum3A_480 = vector.multi_reduction <add>, %add3A_451, %reduce_sum3A_479 [1] : vector<256x100xf32> to vector<256xf32>
    %broadcast_in_dim3A_481 = vector.shape_cast %reduce_sum3A_480 : vector<256xf32> to vector<256x1xf32>
    %div3A_482 = arith.constant 1.000000e+02 : f32
    %div3A_483 = vector.broadcast %div3A_482 : f32 to vector<256x1xf32>
    %div3A_484 = arith.divf %broadcast_in_dim3A_481, %div3A_483 : vector<256x1xf32>
    %sub3A_485 = vector.broadcast %div3A_484 : vector<256x1xf32> to vector<256x100xf32>
    %sub3A_486 = arith.subf %add3A_451, %sub3A_485 : vector<256x100xf32>
    %square3A_487 = arith.mulf %sub3A_486, %sub3A_486 : vector<256x100xf32>
    %reduce_sum3A_488 = arith.constant dense<0.000000e+00> : vector<256xf32>
    %reduce_sum3A_489 = vector.multi_reduction <add>, %square3A_487, %reduce_sum3A_488 [1] : vector<256x100xf32> to vector<256xf32>
    %broadcast_in_dim3A_490 = vector.shape_cast %reduce_sum3A_489 : vector<256xf32> to vector<256x1xf32>
    %div3A_491 = arith.constant 1.000000e+02 : f32
    %div3A_492 = vector.broadcast %div3A_491 : f32 to vector<256x1xf32>
    %div3A_493 = arith.divf %broadcast_in_dim3A_490, %div3A_492 : vector<256x1xf32>
    %sub3A_494 = vector.broadcast %div3A_484 : vector<256x1xf32> to vector<256x100xf32>
    %sub3A_495 = arith.subf %add3A_451, %sub3A_494 : vector<256x100xf32>
    %add3A_496 = arith.constant 9.99999974E-6 : f32
    %add3A_497 = vector.broadcast %add3A_496 : f32 to vector<256x1xf32>
    %add3A_498 = arith.addf %div3A_493, %add3A_497 : vector<256x1xf32>
    %sqrt3A_499 = math.sqrt %add3A_498 : vector<256x1xf32>
    %div3A_500 = vector.broadcast %sqrt3A_499 : vector<256x1xf32> to vector<256x100xf32>
    %div3A_501 = arith.divf %sub3A_495, %div3A_500 : vector<256x100xf32>
    %mul3A_502 = vector.broadcast %get3A_94 : vector<1x100xf32> to vector<256x100xf32>
    %mul3A_503 = arith.mulf %div3A_501, %mul3A_502 : vector<256x100xf32>
    %add3A_504 = vector.broadcast %get3A_97 : vector<1x100xf32> to vector<256x100xf32>
    %add3A_505 = arith.addf %mul3A_503, %add3A_504 : vector<256x100xf32>
    %mul3A_506 = vector.broadcast %get3A_109 : vector<256x1xf32> to vector<256x100xf32>
    %mul3A_507 = arith.mulf %add3A_505, %mul3A_506 : vector<256x100xf32>
    %broadcast_in_dim3A_508 = arith.constant 0.000000e+00 : f32
    %broadcast_in_dim3A_509 = vector.broadcast %broadcast_in_dim3A_508 : f32 to vector<256x108xf32>
    %concatenate3A = tpu.concatenate %mul3A_507, %mul3A_470, %mul3A_474, %mul3A_478, %broadcast_in_dim3A_509 in 1 : vector<256x100xf32>, vector<256x16xf32>, vector<256x16xf32>, vector<256x16xf32>, vector<256x108xf32> -> vector<256x256xf32>
    %swap3A = arith.constant 0 : index
    %swap3A_510 = arith.constant 0 : index
    %swap3A_511 = vector.load %arg38[%swap3A, %swap3A_510] : memref<256x256xf32, #tpu.memory_space<vmem>>, vector<256x256xf32>
    tpu.vector_store %arg38[%swap3A, %swap3A_510], %concatenate3A {strides = array<i32>} : memref<256x256xf32, #tpu.memory_space<vmem>>, vector<256x256xf32>,
    return
  }
  func.func @transform_0(%arg0: i32) -> (i32, i32) {
    %c0_i32 = arith.constant 0 : i32
    %c0_i32_0 = arith.constant 0 : i32
    return %arg0, %c0_i32 : i32, i32
  }
  func.func @transform_1(%arg0: i32) -> (i32, i32) {
    %c0_i32 = arith.constant 0 : i32
    %c0_i32_0 = arith.constant 0 : i32
    return %arg0, %c0_i32 : i32, i32
  }
  func.func @transform_2(%arg0: i32) -> (i32, i32) {
    %c0_i32 = arith.constant 0 : i32
    %c0_i32_0 = arith.constant 0 : i32
    return %arg0, %c0_i32 : i32, i32
  }
  func.func @transform_3(%arg0: i32) -> (i32, i32) {
    %c0_i32 = arith.constant 0 : i32
    %c0_i32_0 = arith.constant 0 : i32
    return %arg0, %c0_i32 : i32, i32
  }
  func.func @transform_4(%arg0: i32) -> (i32, i32) {
    %c0_i32 = arith.constant 0 : i32
    %c0_i32_0 = arith.constant 0 : i32
    %c0_i32_1 = arith.constant 0 : i32
    return %c0_i32, %c0_i32_0 : i32, i32
  }
  func.func @transform_5(%arg0: i32) -> (i32, i32) {
    %c0_i32 = arith.constant 0 : i32
    %c0_i32_0 = arith.constant 0 : i32
    %c0_i32_1 = arith.constant 0 : i32
    return %c0_i32, %c0_i32_0 : i32, i32
  }
  func.func @transform_6(%arg0: i32) -> (i32, i32) {
    %c0_i32 = arith.constant 0 : i32
    %c0_i32_0 = arith.constant 0 : i32
    %c0_i32_1 = arith.constant 0 : i32
    return %c0_i32, %c0_i32_0 : i32, i32
  }
  func.func @transform_7(%arg0: i32) -> (i32, i32) {
    %c0_i32 = arith.constant 0 : i32
    %c0_i32_0 = arith.constant 0 : i32
    %c0_i32_1 = arith.constant 0 : i32
    return %c0_i32, %c0_i32_0 : i32, i32
  }
  func.func @transform_8(%arg0: i32) -> (i32, i32) {
    %c0_i32 = arith.constant 0 : i32
    %c0_i32_0 = arith.constant 0 : i32
    %c0_i32_1 = arith.constant 0 : i32
    return %c0_i32, %c0_i32_0 : i32, i32
  }
  func.func @transform_9(%arg0: i32) -> (i32, i32) {
    %c0_i32 = arith.constant 0 : i32
    %c0_i32_0 = arith.constant 0 : i32
    %c0_i32_1 = arith.constant 0 : i32
    return %c0_i32, %c0_i32_0 : i32, i32
  }
  func.func @transform_10(%arg0: i32) -> (i32, i32) {
    %c0_i32 = arith.constant 0 : i32
    %c0_i32_0 = arith.constant 0 : i32
    %c0_i32_1 = arith.constant 0 : i32
    return %c0_i32, %c0_i32_0 : i32, i32
  }
  func.func @transform_11(%arg0: i32) -> (i32, i32) {
    %c0_i32 = arith.constant 0 : i32
    %c0_i32_0 = arith.constant 0 : i32
    %c0_i32_1 = arith.constant 0 : i32
    return %c0_i32, %c0_i32_0 : i32, i32
  }
  func.func @transform_12(%arg0: i32) -> (i32, i32) {
    %c0_i32 = arith.constant 0 : i32
    %c0_i32_0 = arith.constant 0 : i32
    %c0_i32_1 = arith.constant 0 : i32
    return %c0_i32, %c0_i32_0 : i32, i32
  }
  func.func @transform_13(%arg0: i32) -> (i32, i32) {
    %c0_i32 = arith.constant 0 : i32
    %c0_i32_0 = arith.constant 0 : i32
    %c0_i32_1 = arith.constant 0 : i32
    return %c0_i32, %c0_i32_0 : i32, i32
  }
  func.func @transform_14(%arg0: i32) -> (i32, i32) {
    %c0_i32 = arith.constant 0 : i32
    %c0_i32_0 = arith.constant 0 : i32
    %c0_i32_1 = arith.constant 0 : i32
    return %c0_i32, %c0_i32_0 : i32, i32
  }
  func.func @transform_15(%arg0: i32) -> (i32, i32) {
    %c0_i32 = arith.constant 0 : i32
    %c0_i32_0 = arith.constant 0 : i32
    %c0_i32_1 = arith.constant 0 : i32
    return %c0_i32, %c0_i32_0 : i32, i32
  }
  func.func @transform_16(%arg0: i32) -> (i32, i32) {
    %c0_i32 = arith.constant 0 : i32
    %c0_i32_0 = arith.constant 0 : i32
    %c0_i32_1 = arith.constant 0 : i32
    return %c0_i32, %c0_i32_0 : i32, i32
  }
  func.func @transform_17(%arg0: i32) -> (i32, i32) {
    %c0_i32 = arith.constant 0 : i32
    %c0_i32_0 = arith.constant 0 : i32
    %c0_i32_1 = arith.constant 0 : i32
    return %c0_i32, %c0_i32_0 : i32, i32
  }
  func.func @transform_18(%arg0: i32) -> (i32, i32) {
    %c0_i32 = arith.constant 0 : i32
    %c0_i32_0 = arith.constant 0 : i32
    %c0_i32_1 = arith.constant 0 : i32
    return %c0_i32, %c0_i32_0 : i32, i32
  }
  func.func @transform_19(%arg0: i32) -> (i32, i32) {
    %c0_i32 = arith.constant 0 : i32
    %c0_i32_0 = arith.constant 0 : i32
    %c0_i32_1 = arith.constant 0 : i32
    return %c0_i32, %c0_i32_0 : i32, i32
  }
  func.func @transform_20(%arg0: i32) -> (i32, i32) {
    %c0_i32 = arith.constant 0 : i32
    %c0_i32_0 = arith.constant 0 : i32
    %c0_i32_1 = arith.constant 0 : i32
    return %c0_i32, %c0_i32_0 : i32, i32
  }
  func.func @transform_21(%arg0: i32) -> (i32, i32) {
    %c0_i32 = arith.constant 0 : i32
    %c0_i32_0 = arith.constant 0 : i32
    %c0_i32_1 = arith.constant 0 : i32
    return %c0_i32, %c0_i32_0 : i32, i32
  }
  func.func @transform_22(%arg0: i32) -> (i32, i32) {
    %c0_i32 = arith.constant 0 : i32
    %c0_i32_0 = arith.constant 0 : i32
    %c0_i32_1 = arith.constant 0 : i32
    return %c0_i32, %c0_i32_0 : i32, i32
  }
  func.func @transform_23(%arg0: i32) -> (i32, i32) {
    %c0_i32 = arith.constant 0 : i32
    %c0_i32_0 = arith.constant 0 : i32
    %c0_i32_1 = arith.constant 0 : i32
    return %c0_i32, %c0_i32_0 : i32, i32
  }
  func.func @transform_24(%arg0: i32) -> (i32, i32) {
    %c0_i32 = arith.constant 0 : i32
    %c0_i32_0 = arith.constant 0 : i32
    %c0_i32_1 = arith.constant 0 : i32
    return %c0_i32, %c0_i32_0 : i32, i32
  }
  func.func @transform_25(%arg0: i32) -> (i32, i32) {
    %c0_i32 = arith.constant 0 : i32
    %c0_i32_0 = arith.constant 0 : i32
    %c0_i32_1 = arith.constant 0 : i32
    return %c0_i32, %c0_i32_0 : i32, i32
  }
  func.func @transform_26(%arg0: i32) -> (i32, i32) {
    %c0_i32 = arith.constant 0 : i32
    %c0_i32_0 = arith.constant 0 : i32
    %c0_i32_1 = arith.constant 0 : i32
    return %c0_i32, %c0_i32_0 : i32, i32
  }
  func.func @transform_27(%arg0: i32) -> (i32, i32) {
    %c0_i32 = arith.constant 0 : i32
    %c0_i32_0 = arith.constant 0 : i32
    %c0_i32_1 = arith.constant 0 : i32
    return %c0_i32, %c0_i32_0 : i32, i32
  }
  func.func @transform_28(%arg0: i32) -> (i32, i32) {
    %c0_i32 = arith.constant 0 : i32
    %c0_i32_0 = arith.constant 0 : i32
    %c0_i32_1 = arith.constant 0 : i32
    return %c0_i32, %c0_i32_0 : i32, i32
  }
  func.func @transform_29(%arg0: i32) -> (i32, i32) {
    %c0_i32 = arith.constant 0 : i32
    %c0_i32_0 = arith.constant 0 : i32
    %c0_i32_1 = arith.constant 0 : i32
    return %c0_i32, %c0_i32_0 : i32, i32
  }
  func.func @transform_30(%arg0: i32) -> (i32, i32) {
    %c0_i32 = arith.constant 0 : i32
    %c0_i32_0 = arith.constant 0 : i32
    %c0_i32_1 = arith.constant 0 : i32
    return %c0_i32, %c0_i32_0 : i32, i32
  }
  func.func @transform_31(%arg0: i32) -> (i32, i32) {
    %c0_i32 = arith.constant 0 : i32
    %c0_i32_0 = arith.constant 0 : i32
    %c0_i32_1 = arith.constant 0 : i32
    return %c0_i32, %c0_i32_0 : i32, i32
  }
  func.func @transform_32(%arg0: i32) -> (i32, i32) {
    %c0_i32 = arith.constant 0 : i32
    %c0_i32_0 = arith.constant 0 : i32
    %c0_i32_1 = arith.constant 0 : i32
    return %c0_i32, %c0_i32_0 : i32, i32
  }
  func.func @transform_33(%arg0: i32) -> (i32, i32) {
    %c0_i32 = arith.constant 0 : i32
    %c0_i32_0 = arith.constant 0 : i32
    %c0_i32_1 = arith.constant 0 : i32
    return %c0_i32, %c0_i32_0 : i32, i32
  }
  func.func @transform_34(%arg0: i32) -> (i32, i32) {
    %c0_i32 = arith.constant 0 : i32
    %c0_i32_0 = arith.constant 0 : i32
    %c0_i32_1 = arith.constant 0 : i32
    return %c0_i32, %c0_i32_0 : i32, i32
  }
  func.func @transform_35(%arg0: i32) -> (i32, i32) {
    %c0_i32 = arith.constant 0 : i32
    %c0_i32_0 = arith.constant 0 : i32
    %c0_i32_1 = arith.constant 0 : i32
    return %c0_i32, %c0_i32_0 : i32, i32
  }
  func.func @transform_36(%arg0: i32) -> (i32, i32) {
    %c0_i32 = arith.constant 0 : i32
    %c0_i32_0 = arith.constant 0 : i32
    %c0_i32_1 = arith.constant 0 : i32
    return %c0_i32, %c0_i32_0 : i32, i32
  }
  func.func @transform_37(%arg0: i32) -> (i32, i32) {
    %c0_i32 = arith.constant 0 : i32
    %c0_i32_0 = arith.constant 0 : i32
    return %arg0, %c0_i32 : i32, i32
  }
}

</mosaic_0001>

<sc_bundles>
// kernel: kernel.12.cloned.1.call-start
scs
__scs_entry_jumppad:
0x0: {  	(pc) =	sbr.rel $0x88, $3  }
0x1: {  	(tag) =	ssettag $0x0;
	lr =	simm.s32 $0x1  }
0x2: {  	[smem:$0x3F54] =	sst lr;
	_ =	strace $0xD0000000  }
0x3: {  	_ = 	snop  }
0x4: {  	_ = 	snop  }
0x5: {  	_ = 	snop  }
0x6: {  	_ = 	snop  }
0x7: {  	_ = 	snop  }
__scs_overlays_trampoline_lowered:
0x8: {  	[smem:$0x3F63] =	sst s0  }
0x9: {  	[smem:$0x3F64] =	sst s1  }
0xa: {  	[smem:$0x3F65] =	sst s2  }
0xb: {  	[smem:$0x3F66] =	sst s3  }
0xc: {  	[smem:$0x3F67] =	sst s4  }
0xd: {  	[smem:$0x3F68] =	sst s5  }
0xe: {  	[smem:$0x3F69] =	sst s6  }
0xf: {  	[smem:$0x3F6A] =	sst s7  }
0x10: {  	[smem:$0x3F6B] =	sst s8  }
0x11: {  	[smem:$0x3F6C] =	sst s9;
	s0 =	simm.s32 @!p0 $0x0  }
0x12: {  	s1 =	sld [smem:$0x3F52];
	s0 =	simm.s32 @p0 $0x1  }
0x13: {  	[smem:$0x3F6D] =	sst s0;
	s0 =	simm.s32 @!p1 $0x0  }
0x14: {  	s2 =	sld [smem:$0x3F51];
	s0 =	simm.s32 @p1 $0x1  }
0x15: {  	[smem:$0x3F6E] =	sst s0;
	s0 =	simm.s32 @!p2 $0x0  }
0x16: {  	s3 =	sld [smem:$0x3FDB];
	s0 =	simm.s32 @p2 $0x1  }
0x17: {  	s4 =	simm.s32 $0x1BF5;
	[smem:$0x3F70] =	sst s0  }
0x18: {  	s0 =	sld [smem:$0x3F53];
	_ =	swait.ge [sflag:s4], $0x0  }
0x19: {  	s7 =	sld [smem:$0x3F54]  }
0x1a: {  	s8 =	sadd.s32 $0xFFFFE003, lr  }
0x1b: {  	s9 =	sadd.s32 $0xFFFFFEF7, lr;
	s5 =	simm.s32 $0xFFFFFFFF;
	p2 =	slt.u32 s8, $0xFFFFF086  }
0x1c: {  	p1 =	slt.u32 s9, $0xF7A;
	s5 =	simm.s32 @!p2 $0x0  }
0x1d: {  	s5 =	simm.s32 @p1 $0x1;
	p0 =	seq.s32 s7, s2  }
0x1e: {  	s7 =	smul.u32 @!p0 $0xF7A, s2;
	p2 =	seq.s32 @!p0 s5, $0x0  }
0x1f: {  	s9 =	smul.u32 $0xF7A, s1;
	s8 =	simm.s32 @!p0 $0x1BF5;
	p2 =	por !p2, p0  }
0x20: {  	[sflag:s8] =	ssyncset.s32 @!p0 $0xFFFFF086;
	s6 =	sadd.s32 @!p0 s3, s7;
	s7 =	simm.s32 @!p0 $0x108  }
0x21: {  	s3 =	sadd.s32 s3, s9;
	s6 =	sadd.s32 @!p0 $0x88, s6;
	s7 =	simm.s32 @p2 $0x1082  }
0x22: {  	[simem:s7], [sflag:s8] =	dma.local @!p0 [hbm:s6], $0xF7A  }
0x23: {  	s9 =	sor.u32 $0xD0000000, s2;
	s6 =	simm.s32 $0x108;
	_ =	swait.ge @!p0 [sflag:s8], $0x0  }
0x24: {  	s3 =	sadd.s32 $0x88, s3;
	s6 =	simm.s32 @!p1 $0x1082;
	[sflag:s4] =	ssyncset.s32 $0xFFFFF086  }
0x25: {  	[simem:s6], [sflag:s4] =	dma.local [hbm:s3], $0xF7A  }
0x26: {  	[smem:$0x3F54] =	sst s1;
	(tag) =	ssettag s2;
	_ =	strace s9  }
0x27: {  	s1 =	sld [smem:$0x3F64]  }
0x28: {  	s2 =	sld [smem:$0x3F65]  }
0x29: {  	s4 =	sld [smem:$0x3F67]  }
0x2a: {  	p0 =	seq.s32 s5, $0x0;
	s5 =	sld [smem:$0x3F68]  }
0x2b: {  	s6 =	sld [smem:$0x3F69]  }
0x2c: {  	s7 =	sld [smem:$0x3F6A]  }
0x2d: {  	s3 =	simm.s32 $0x108;
	s8 =	sld [smem:$0x3F6B]  }
0x2e: {  	s3 =	simm.s32 @!p0 $0x1082;
	s9 =	sld [smem:$0x3F6C]  }
0x2f: {  	lr =	sadd.s32 s0, s3;
	s0 =	sld [smem:$0x3F63]  }
0x30: {  	s3 =	sld [smem:$0x3F66]  }
0x31: {  	[smem:$0x3F6F] =	sst s10  }
0x32: {  	s10 =	sld [smem:$0x3F6D];
	_ =	sdelay $0x3  }
0x33: {  	p0 =	seq.s32 s10, $0x1;
	s10 =	sld [smem:$0x3F6F];
	_ =	sdelay $0x3  }
0x34: {  	[smem:$0x3F6F] =	sst s10  }
0x35: {  	s10 =	sld [smem:$0x3F6E];
	_ =	sdelay $0x3  }
0x36: {  	p1 =	seq.s32 s10, $0x1;
	s10 =	sld [smem:$0x3F6F];
	_ =	sdelay $0x3  }
0x37: {  	[smem:$0x3F6F] =	sst s10  }
0x38: {  	s10 =	sld [smem:$0x3F70]  }
0x39: {  	_ = 	snop;
	(pc) =	sbr.ind lr, $3  }
0x3a: {  	_ = 	snop  }
0x3b: {  	_ = 	snop  }
0x3c: {  	p2 =	seq.s32 s10, $0x1;
	s10 =	sld [smem:$0x3F6F]  }
0x3d: {  	_ =	shalt  }
0x3e: {  	_ =	shalt  }
0x3f: {  	_ =	shalt  }
0x40: {  	_ =	shalt  }
0x41: {  	_ =	shalt  }
0x42: {  	_ =	shalt  }
0x43: {  	_ =	shalt  }
0x44: {  	_ =	shalt  }
0x45: {  	_ =	shalt  }
0x46: {  	_ =	shalt  }
0x47: {  	_ =	shalt  }
0x48: {  	_ =	shalt  }
0x49: {  	_ =	shalt  }
0x4a: {  	_ =	shalt  }
0x4b: {  	_ =	shalt  }
0x4c: {  	_ =	shalt  }
0x4d: {  	_ =	shalt  }
0x4e: {  	_ =	shalt  }
0x4f: {  	_ =	shalt  }
0x50: {  	_ =	shalt  }
0x51: {  	_ =	shalt  }
0x52: {  	_ =	shalt  }
0x53: {  	_ =	shalt  }
0x54: {  	_ =	shalt  }
0x55: {  	_ =	shalt  }
0x56: {  	_ =	shalt  }
0x57: {  	_ =	shalt  }
0x58: {  	_ =	shalt  }
0x59: {  	_ =	shalt  }
0x5a: {  	_ =	shalt  }
0x5b: {  	_ =	shalt  }
0x5c: {  	_ =	shalt  }
0x5d: {  	_ =	shalt  }
0x5e: {  	_ =	shalt  }
0x5f: {  	_ =	shalt  }
0x60: {  	_ =	shalt  }
0x61: {  	_ =	shalt  }
0x62: {  	_ =	shalt  }
0x63: {  	_ =	shalt  }
0x64: {  	_ =	shalt  }
0x65: {  	_ =	shalt  }
0x66: {  	_ =	shalt  }
0x67: {  	_ =	shalt  }
0x68: {  	_ =	shalt  }
0x69: {  	_ =	shalt  }
0x6a: {  	_ =	shalt  }
0x6b: {  	_ =	shalt  }
0x6c: {  	_ =	shalt  }
0x6d: {  	_ =	shalt  }
0x6e: {  	_ =	shalt  }
0x6f: {  	_ =	shalt  }
0x70: {  	_ =	shalt  }
0x71: {  	_ =	shalt  }
0x72: {  	_ =	shalt  }
0x73: {  	_ =	shalt  }
0x74: {  	_ =	shalt  }
0x75: {  	_ =	shalt  }
0x76: {  	_ =	shalt  }
0x77: {  	_ =	shalt  }
0x78: {  	_ =	shalt  }
0x79: {  	_ =	shalt  }
0x7a: {  	_ =	shalt  }
0x7b: {  	_ =	shalt  }
0x7c: {  	_ =	shalt  }
0x7d: {  	_ =	shalt  }
0x7e: {  	_ =	shalt  }
0x7f: {  	_ =	shalt  }
0x80: {  	_ =	shalt  }
0x81: {  	_ =	shalt  }
0x82: {  	_ =	shalt  }
0x83: {  	_ =	shalt  }
0x84: {  	_ =	shalt  }
0x85: {  	_ =	shalt  }
0x86: {  	_ =	shalt  }
0x87: {  	_ =	shalt  }
.Lfunc_end0:
.L_simem_size_0:
called_computation.1_lowered:
.L_overlay_start_0:
0x88: {  	s2 =	sld [smem:$0x3FD9]  }
0x89: {  	s3 =	sld [smem:$0x3FFE];
	_ =	sdelay $0x1  }
0x8a: {  	s1 =	srdreg.scid  }
0x8b: {  	s0 =	sand.u32 $0x1, s1  }
0x8c: {  	s17 =	sshll.u32 s0, $0xA;
	s2 =	sadd.s32 s3, s2  }
0x8d: {  	s2 =	sadd.s32 s2, s17  }
0x8e: {  	[smem:$0x3F7B] =	sst s2  }
0x8f: {  	_ = 	snop  }
0x90: {  	(tm) =	ssettm $0x1  }
0x91: {  	s18 =	sld [smem:$0x3FFB];
	_ =	sdelay $0x3  }
0x92: {  	_ =	strace s18  }
0x93: {  	s2 =	sld [smem:$0x3FFC];
	_ =	sdelay $0x3  }
0x94: {  	_ =	strace s2  }
0x95: {  	s2 =	sld [smem:$0x3FFD];
	_ =	sdelay $0x3  }
0x96: {  	_ =	strace s2  }
0x97: {  	_ =	strace $0x8FFFFFFF  }
0x98: {  	s19 =	sld [smem:$0x3FDB];
	_ =	sdelay $0x1  }
0x99: {  	s20 =	simm.s32 $_scs_section_size  }
0x9a: {  	s4 =	simm.s32 $_size__tile_overlayer_lowered;
	s5 =	simm.s32 $_tile_overlayer_lowered  }
0x9b: {  	s6 =	simm.s32 $0x1BFF;
	s21 =	sshll.u32 s5, $0x1;
	s3 =	sadd.s32 s20, s19  }
0x9c: {  	s22 =	simm.s32 $0x0;
	s4 =	sshll.u32 s4, $0x1;
	s5 =	sadd.s32 s21, s3  }
0x9d: {  	[timem:s22], [sflag:s6] =	dma.local [hbm:s5], s4  }
0x9e: {  	_ =	swait.ge [sflag:s6], s4  }
0x9f: {  	s4 =	ssub.s32 $0x0, s4;
	[sflag:s6] =	ssyncset.done $0x0  }
0xa0: {  	[sflag:s6] =	ssyncadd.s32 s4;
	_ =	sdelay $0x1  }
0xa1: {  	s23 =	simm.s32 $0x1B8B  }
0xa2: {  	_ =	swait.ge [sflag:s23], $0x1  }
0xa3: {  	[sflag:s23] =	ssyncset.done $0x0  }
0xa4: {  	[sflag:s23] =	ssyncadd.s32 $0xFFFFFFFF  }
0xa5: {  	s4 =	sld [smem:$0x0]  }
0xa6: {  	s5 =	sand.u32 $0xFFFFFFFE, s1  }
0xa7: {  	p0 =	sne.s32 s1, s5  }
0xa8: {  	s5 =	sshll.u32 @p0 s5, $0xE  }
0xa9: {  	s5 =	sadd.s32 @p0 $0x11B8D, s5;
	s6 =	sshll.u32 @p0 s4, $0x11  }
0xaa: {  	s5 =	sor.u32 @p0 s6, s5  }
0xab: {  	[sflag:s5] =	ssyncadd.remote.s32 @p0 $0x1;
	_ =	sdelay $0x1  }
0xac: {  	s5 =	simm.s32 @p0 $0x1B8D  }
0xad: {  	_ =	swait.eq @p0 [sflag:s5], $0x1  }
0xae: {  	[sflag:s5] =	ssyncadd.s32 @p0 $0xFFFFFFFF  }
0xaf: {  	s6 =	sshll.u32 @!p0 s1, $0xE  }
0xb0: {  	s6 =	sor.u32 @!p0 $0x4000, s6;
	s5 =	simm.s32 @!p0 $0x1B8D  }
0xb1: {  	s4 =	sshll.u32 @!p0 s4, $0x11;
	s6 =	sadd.s32 @!p0 $0x11B8D, s6;
	_ =	swait.eq @!p0 [sflag:s5], $0x1  }
0xb2: {  	s4 =	sor.u32 @!p0 s4, s6;
	[sflag:s5] =	ssyncadd.s32 @!p0 $0xFFFFFFFF  }
0xb3: {  	s25 =	simm.s32 $0x1B8E;
	s24 =	sld [smem:$0x3FFE];
	[sflag:s4] =	ssyncadd.remote.s32 @!p0 $0x1  }
0xb4: {  	s26 =	simm.s32 $execute0_lowered;
	[smem:$0x3FD2] =	sst s25  }
0xb5: {  	s5 =	sshll.u32 s26, $0x1;
	_ =	strace $0x80000049;
	[dreg:$0x1] =	wrdreg $0xFFFFFFFF  }
0xb6: {  	s28 =	simm.s32 $_size_execute0_lowered;
	s3 =	sadd.s32 s3, s5;
	[dreg:$0x0] =	wrdreg $0x0  }
0xb7: {  	s5 =	sshll.u32 s28, $0x1;
	[dreg:$0x2] =	wrdreg s3  }
0xb8: {  	[dreg:$0x3] =	wrdreg s5  }
0xb9: {  	[dreg:$0x4] =	wrdreg $0xC0  }
0xba: {  	_ =	task [dreg:s22], $0x5FFFF  }
0xbb: {  	[dreg:$0x1] =	wrdreg $0xFFFFFFFF  }
0xbc: {  	[dreg:$0x0] =	wrdreg $0x60  }
0xbd: {  	[dreg:$0x2] =	wrdreg s24  }
0xbe: {  	[dreg:$0x3] =	wrdreg $0xA  }
0xbf: {  	_ =	task.clear_ibuf [dreg:s22], $0x4FFFF;
	_ =	strace $0x90000049  }
0xc0: {  	s29 =	simm.s32 $0xA;
	_ =	strace $0x8000004B  }
0xc1: {  	_ =	swait.ge [sflag:s29], $0x1  }
0xc2: {  	[sflag:s29] =	ssyncadd.s32 $0xFFFFFFFF  }
0xc3: {  	_ =	strace $0x9000004B  }
0xc4: {  	_ =	sfence  }
0xc5: {  	s30 =	sld [smem:$0x0];
	_ =	sdelay $0x2  }
0xc6: {  	s31 =	sshll.u32 s1, $0xD;
	s1 =	sshrl.u32 s1, $0x2  }
0xc7: {  	s4 =	sand.u32 $0x4000, s31;
	s1 =	sadd.s32 s1, s30  }
0xc8: {  	s0 =	sor.u32 s4, s0;
	s1 =	sshll.u32 s1, $0x11  }
0xc9: {  	s0 =	sor.u32 s1, s0  }
0xca: {  	s0 =	sadd.s32 $0x8F2B, s0  }
0xcb: {  	[sflag:s0] =	ssyncadd.remote.s32 $0x1  }
0xcc: {  	_ =	sfence.sel $0xFFFF  }
0xcd: {  	[dreg:$0x0] =	wrdreg $0xFFFFFFFF;
	(pc) =	sbr.abs _section_cstart, $3  }
0xce: {  	[dreg:$0x1] =	wrdreg $0xFFFFFFFF  }
0xcf: {  	_ =	task.clear_ibuf [dreg:s22], $0x2FFFF;
	_ =	strace $0x9FFFFFFF  }
0xd0: {  	(tm) =	ssettm $0x7FFFFFFF  }
0xd1: {  	_ =	shalt  }
tec
execute0_lowered:
.L_overlay_start_1:
0x0: {  	(tag) =	ssettag $0x1  }
0x1: {  	s0 =	srdreg.scid  }
0x2: {  	s9 =	stileid.u32;
	s1 =	rddreg [dreg:$0x0]  }
0x3: {  	s2 =	simm.s32 $0x0;
	s10 =	simm.s32 $0x1400;
	s11 =	simm.s32 $0x1C00  }
0x4: {  	s12 =	simm.s32 $0x2400;
	s13 =	simm.s32 $0x2C00;
	s14 =	simm.s32 $0x3400  }
0x5: {  	s15 =	simm.s32 $0x3C00;
	s16 =	simm.s32 $0x4400;
	s17 =	simm.s32 $0x4C00  }
0x6: {  	s18 =	simm.s32 $0x5400;
	s19 =	simm.s32 $0x5C00;
	s20 =	simm.s32 $0x6400  }
0x7: {  	s21 =	simm.s32 $0x6C00;
	s22 =	simm.s32 $0x7400;
	s23 =	simm.s32 $0x7C00  }
0x8: {  	s24 =	simm.s32 $0x8400;
	s29 =	simm.s32 $0x1;
	s30 =	simm.s32 $0x2  }
0x9: {  	s31 =	simm.s32 $0x3;
	s0 =	sand.u32 $0x1, s0;
	s6 =	smul.u32 $0x280000, s9  }
0xa: {  	s3 =	sshll.u32 s9, $0x1;
	[smem:$0x7FF] =	sst s2;
	s25 =	smul.u32 $0x50000, s9  }
0xb: {  	s9 =	simm.s32 $0x4;
	s3 =	sor.u32 s0, s3;
	s8 =	smul.u32 $0x140000, s0  }
0xc: {  	_ =	strace $0x8000004A;
	s5 =	ssub.s32 $0x2, s0;
	s4 =	smul.u32 $0x280, s3  }
0xd: {  	s0 =	smul.u32 $0x28000, s0;
	s3 =	sadd.s32 $0x118A00, s1;
	s7 =	sshrl.u32 s5, $0x1  }
0xe: {  	s5 =	ssub.s32 s5, s7;
	s6 =	sadd.s32 s8, s6;
	s4 =	sadd.s32 s4, s1  }
0xf: {  	s1 =	sadd.s32 $0x1B8A00, s1;
	s5 =	smax.u32 s5, $0x1;
	s26 =	sor.u32 $0x8000, s6  }
.Ltmp0:
0x10: {  	s8 =	sor.u32 $0x10000, s6;
	s4 =	sadd.s32 $0x113A00, s4;
	(pc) =	sbr.rel .LBB2_1-.Ltmp0, $4  }
0x11: {  	[dreg:$0x3] =	wrdreg s5;
	s5 =	sshrl.u32 s26, $0x3;
	s28 =	sshrl.u32 s8, $0x3  }
0x12: {  	v2 =	vlaneseq.u32;
	s26 =	simm.s32 $0x9400;
	[dreg:$0x2] =	wrdreg s4;
	s4 =	sadd.s32 s25, s1  }
0x13: {  	vm0 =	vmmov $0xffff;
	v1 =	vshrl.u32 v2, $0x3;
	s7 =	sadd.s32 s5, s1;
	s8 =	sadd.s32 s28, s1;
	s25 =	simm.s32 $0x8C00  }
0x14: {  	v0 =	vand.u32 $0x7, v2;
	v2 =	vor.u32 $0x8, v2;
	v1 =	vmul.u32 $0x8, v1;
	s5 =	simm.s32 $0x11400;
	s1 =	simm.s32 $0x0;
	s6 =	sadd.s32 s0, s4  }
.LBB2_8:
0x15: {  	s1 =	rddreg [dreg:$0x4]  }
0x16: {  	s0 =	rddreg [dreg:$0x3];
	s1 =	sadd.s32 $0x1, s1  }
0x17: {  	p0 =	sne.s32 s1, s0  }
.Ltmp1:
0x18: {  	_ = 	snop;
	(pc) =	sbr.rel @!p0 .LBB2_9-.Ltmp1, $1  }
0x19: {  	_ =	sdelay $0x3  }
.LBB2_1:
0x1a: {  	[dreg:$0x4] =	wrdreg s1  }
0x1b: {  	s0 =	rddreg [dreg:$0x2]  }
0x1c: {  	[tilespmem:s2], [sflag:$0x4] =	stream.linear.gather [hbm4b:s0+s2], $0x1400, $0x38;
	[tilespmem:$0x19400] =	vst v63  }
0x1d: {  	_ =	swait.ge [sflag:s9], $0x1400  }
0x1e: {  	[sflag:s9] =	ssyncset.done $0x0  }
0x1f: {  	[sflag:s9] =	ssyncadd.s32 $0xFFFFEC00  }
0x20: {  	v3 =	vld [tilespmem:$0x0];
	_ =	sdelay $0x4  }
0x21: {  	v4 =	vshll.u32 v3, $0x1  }
0x22: {  	v3 =	vand.u32 $0x7, v3;
	v4 =	vand.u32 $0xFFFFFFF0, v4  }
0x23: {  	v3 =	vor.u32 v3, v4  }
0x24: {  	v4 =	vperm.xlane v3, v0;
	_ =	sdelay $0x1  }
0x25: {  	v3 =	vperm.xlane v3, v2;
	v4 =	vadd.s32 v1, v4;
	_ =	sdelay $0x1  }
0x26: {  	v3 =	vadd.s32 v1, v3;
	_ =	sdelay $0x2  }
0x27: {  	[tilespmem:s10], [sflag:$0x1] =	stream.indirect_vreg.gather [hbm4b:s3+s2], $0x80, v4, vm0, $0xb8;
	[tilespmem:$0x19400] =	vst v63  }
0x28: {  	_ = 	snop  }
0x29: {  	[tilespmem:s11], [sflag:$0x1] =	stream.indirect_vreg.gather [hbm4b:s3+s2], $0x80, v3, vm0, $0xb8;
	[tilespmem:$0x19400] =	vst v63  }
0x2a: {  	v3 =	vld [tilespmem:$0x10];
	_ =	sdelay $0x4  }
0x2b: {  	v41 =	vshll.u32 v3, $0x1  }
0x2c: {  	v3 =	vand.u32 $0x7, v3;
	v4 =	vand.u32 $0xFFFFFFF0, v41  }
0x2d: {  	v3 =	vor.u32 v3, v4  }
0x2e: {  	v4 =	vperm.xlane v3, v0;
	_ =	sdelay $0x1  }
0x2f: {  	v3 =	vperm.xlane v3, v2;
	v4 =	vadd.s32 v1, v4;
	_ =	sdelay $0x1  }
0x30: {  	v3 =	vadd.s32 v1, v3;
	_ =	sdelay $0x2  }
0x31: {  	[tilespmem:s12], [sflag:$0x1] =	stream.indirect_vreg.gather [hbm4b:s3+s2], $0x80, v4, vm0, $0xb8;
	[tilespmem:$0x19400] =	vst v63  }
0x32: {  	_ = 	snop  }
0x33: {  	[tilespmem:s13], [sflag:$0x1] =	stream.indirect_vreg.gather [hbm4b:s3+s2], $0x80, v3, vm0, $0xb8;
	[tilespmem:$0x19400] =	vst v63  }
0x34: {  	v3 =	vld [tilespmem:$0x20];
	_ =	sdelay $0x4  }
0x35: {  	v42 =	vshll.u32 v3, $0x1  }
0x36: {  	v3 =	vand.u32 $0x7, v3;
	v4 =	vand.u32 $0xFFFFFFF0, v42  }
0x37: {  	v3 =	vor.u32 v3, v4  }
0x38: {  	v4 =	vperm.xlane v3, v0;
	_ =	sdelay $0x1  }
0x39: {  	v3 =	vperm.xlane v3, v2;
	v4 =	vadd.s32 v1, v4;
	_ =	sdelay $0x1  }
0x3a: {  	v3 =	vadd.s32 v1, v3;
	_ =	sdelay $0x2  }
0x3b: {  	[tilespmem:s14], [sflag:$0x1] =	stream.indirect_vreg.gather [hbm4b:s3+s2], $0x80, v4, vm0, $0xb8;
	[tilespmem:$0x19400] =	vst v63  }
0x3c: {  	_ = 	snop  }
0x3d: {  	[tilespmem:s15], [sflag:$0x1] =	stream.indirect_vreg.gather [hbm4b:s3+s2], $0x80, v3, vm0, $0xb8;
	[tilespmem:$0x19400] =	vst v63  }
0x3e: {  	v3 =	vld [tilespmem:$0x30];
	_ =	sdelay $0x4  }
0x3f: {  	v43 =	vshll.u32 v3, $0x1  }
0x40: {  	v3 =	vand.u32 $0x7, v3;
	v4 =	vand.u32 $0xFFFFFFF0, v43  }
0x41: {  	v3 =	vor.u32 v3, v4  }
0x42: {  	v4 =	vperm.xlane v3, v0;
	_ =	sdelay $0x1  }
0x43: {  	v3 =	vperm.xlane v3, v2;
	v4 =	vadd.s32 v1, v4;
	_ =	sdelay $0x1  }
0x44: {  	v3 =	vadd.s32 v1, v3;
	_ =	sdelay $0x2  }
0x45: {  	[tilespmem:s16], [sflag:$0x1] =	stream.indirect_vreg.gather [hbm4b:s3+s2], $0x80, v4, vm0, $0xb8;
	[tilespmem:$0x19400] =	vst v63  }
0x46: {  	_ = 	snop  }
0x47: {  	[tilespmem:s17], [sflag:$0x1] =	stream.indirect_vreg.gather [hbm4b:s3+s2], $0x80, v3, vm0, $0xb8;
	[tilespmem:$0x19400] =	vst v63  }
0x48: {  	v3 =	vld [tilespmem:$0x40];
	_ =	sdelay $0x4  }
0x49: {  	v44 =	vshll.u32 v3, $0x1  }
0x4a: {  	v3 =	vand.u32 $0x7, v3;
	v4 =	vand.u32 $0xFFFFFFF0, v44  }
0x4b: {  	v3 =	vor.u32 v3, v4  }
0x4c: {  	v4 =	vperm.xlane v3, v0;
	_ =	sdelay $0x1  }
0x4d: {  	v3 =	vperm.xlane v3, v2;
	v4 =	vadd.s32 v1, v4;
	_ =	sdelay $0x1  }
0x4e: {  	v3 =	vadd.s32 v1, v3;
	_ =	sdelay $0x2  }
0x4f: {  	[tilespmem:s18], [sflag:$0x1] =	stream.indirect_vreg.gather [hbm4b:s3+s2], $0x80, v4, vm0, $0xb8;
	[tilespmem:$0x19400] =	vst v63  }
0x50: {  	_ = 	snop  }
0x51: {  	[tilespmem:s19], [sflag:$0x1] =	stream.indirect_vreg.gather [hbm4b:s3+s2], $0x80, v3, vm0, $0xb8;
	[tilespmem:$0x19400] =	vst v63  }
0x52: {  	v3 =	vld [tilespmem:$0x50];
	_ =	sdelay $0x4  }
0x53: {  	v45 =	vshll.u32 v3, $0x1  }
0x54: {  	v3 =	vand.u32 $0x7, v3;
	v4 =	vand.u32 $0xFFFFFFF0, v45  }
0x55: {  	v3 =	vor.u32 v3, v4  }
0x56: {  	v4 =	vperm.xlane v3, v0;
	_ =	sdelay $0x1  }
0x57: {  	v3 =	vperm.xlane v3, v2;
	v4 =	vadd.s32 v1, v4;
	_ =	sdelay $0x1  }
0x58: {  	v3 =	vadd.s32 v1, v3;
	_ =	sdelay $0x2  }
0x59: {  	[tilespmem:s20], [sflag:$0x1] =	stream.indirect_vreg.gather [hbm4b:s3+s2], $0x80, v4, vm0, $0xb8;
	[tilespmem:$0x19400] =	vst v63  }
0x5a: {  	_ = 	snop  }
0x5b: {  	[tilespmem:s21], [sflag:$0x1] =	stream.indirect_vreg.gather [hbm4b:s3+s2], $0x80, v3, vm0, $0xb8;
	[tilespmem:$0x19400] =	vst v63  }
0x5c: {  	v3 =	vld [tilespmem:$0x60];
	_ =	sdelay $0x4  }
0x5d: {  	v46 =	vshll.u32 v3, $0x1  }
0x5e: {  	v3 =	vand.u32 $0x7, v3;
	v4 =	vand.u32 $0xFFFFFFF0, v46  }
0x5f: {  	v3 =	vor.u32 v3, v4  }
0x60: {  	v4 =	vperm.xlane v3, v0;
	_ =	sdelay $0x1  }
0x61: {  	v3 =	vperm.xlane v3, v2;
	v4 =	vadd.s32 v1, v4;
	_ =	sdelay $0x1  }
0x62: {  	v3 =	vadd.s32 v1, v3;
	_ =	sdelay $0x2  }
0x63: {  	[tilespmem:s22], [sflag:$0x1] =	stream.indirect_vreg.gather [hbm4b:s3+s2], $0x80, v4, vm0, $0xb8;
	[tilespmem:$0x19400] =	vst v63  }
0x64: {  	_ = 	snop  }
0x65: {  	[tilespmem:s23], [sflag:$0x1] =	stream.indirect_vreg.gather [hbm4b:s3+s2], $0x80, v3, vm0, $0xb8;
	[tilespmem:$0x19400] =	vst v63  }
0x66: {  	v3 =	vld [tilespmem:$0x70];
	_ =	sdelay $0x4  }
0x67: {  	v47 =	vshll.u32 v3, $0x1  }
0x68: {  	v3 =	vand.u32 $0x7, v3;
	v4 =	vand.u32 $0xFFFFFFF0, v47  }
0x69: {  	v3 =	vor.u32 v3, v4  }
0x6a: {  	v4 =	vperm.xlane v3, v0;
	_ =	sdelay $0x1  }
0x6b: {  	v3 =	vperm.xlane v3, v2;
	v4 =	vadd.s32 v1, v4;
	_ =	sdelay $0x1  }
0x6c: {  	v3 =	vadd.s32 v1, v3;
	_ =	sdelay $0x2  }
0x6d: {  	[tilespmem:s24], [sflag:$0x1] =	stream.indirect_vreg.gather [hbm4b:s3+s2], $0x80, v4, vm0, $0xb8;
	[tilespmem:$0x19400] =	vst v63  }
0x6e: {  	_ = 	snop  }
0x6f: {  	[tilespmem:s25], [sflag:$0x1] =	stream.indirect_vreg.gather [hbm4b:s3+s2], $0x80, v3, vm0, $0xb8;
	[tilespmem:$0x19400] =	vst v63  }
0x70: {  	v3 =	vld [tilespmem:$0x80];
	_ =	sdelay $0x4  }
0x71: {  	v48 =	vshll.u32 v3, $0x1  }
0x72: {  	v3 =	vand.u32 $0x7, v3;
	v4 =	vand.u32 $0xFFFFFFF0, v48  }
0x73: {  	v3 =	vor.u32 v3, v4  }
0x74: {  	v4 =	vperm.xlane v3, v0;
	_ =	sdelay $0x1  }
0x75: {  	v3 =	vperm.xlane v3, v2;
	v4 =	vadd.s32 v1, v4;
	_ =	sdelay $0x1  }
0x76: {  	v3 =	vadd.s32 v1, v3;
	_ =	sdelay $0x2  }
0x77: {  	[tilespmem:s26], [sflag:$0x2] =	stream.indirect_vreg.gather [hbm4b:s3+s2], $0x80, v4, vm0, $0xb8;
	[tilespmem:$0x19400] =	vst v63  }
0x78: {  	s1 =	simm.s32 $0x9C00  }
0x79: {  	[tilespmem:s1], [sflag:$0x2] =	stream.indirect_vreg.gather [hbm4b:s3+s2], $0x80, v3, vm0, $0xb8;
	[tilespmem:$0x19400] =	vst v63  }
0x7a: {  	v3 =	vld [tilespmem:$0x90];
	_ =	sdelay $0x4  }
0x7b: {  	v49 =	vshll.u32 v3, $0x1  }
0x7c: {  	v3 =	vand.u32 $0x7, v3;
	v4 =	vand.u32 $0xFFFFFFF0, v49  }
0x7d: {  	v3 =	vor.u32 v3, v4  }
0x7e: {  	v4 =	vperm.xlane v3, v0;
	_ =	sdelay $0x1  }
0x7f: {  	v3 =	vperm.xlane v3, v2;
	v4 =	vadd.s32 v1, v4;
	_ =	sdelay $0x1  }
0x80: {  	v3 =	vadd.s32 v1, v3;
	_ =	sdelay $0x1  }
0x81: {  	s4 =	simm.s32 $0xA400  }
0x82: {  	[tilespmem:s4], [sflag:$0x2] =	stream.indirect_vreg.gather [hbm4b:s3+s2], $0x80, v4, vm0, $0xb8;
	[tilespmem:$0x19400] =	vst v63  }
0x83: {  	s1 =	simm.s32 $0xAC00  }
0x84: {  	[tilespmem:s1], [sflag:$0x2] =	stream.indirect_vreg.gather [hbm4b:s3+s2], $0x80, v3, vm0, $0xb8;
	[tilespmem:$0x19400] =	vst v63  }
0x85: {  	v3 =	vld [tilespmem:$0xA0];
	_ =	sdelay $0x4  }
0x86: {  	v50 =	vshll.u32 v3, $0x1  }
0x87: {  	v3 =	vand.u32 $0x7, v3;
	v4 =	vand.u32 $0xFFFFFFF0, v50  }
0x88: {  	v3 =	vor.u32 v3, v4  }
0x89: {  	v4 =	vperm.xlane v3, v0;
	_ =	sdelay $0x1  }
0x8a: {  	v3 =	vperm.xlane v3, v2;
	v4 =	vadd.s32 v1, v4;
	_ =	sdelay $0x1  }
0x8b: {  	v3 =	vadd.s32 v1, v3;
	_ =	sdelay $0x1  }
0x8c: {  	s4 =	simm.s32 $0xB400  }
0x8d: {  	[tilespmem:s4], [sflag:$0x2] =	stream.indirect_vreg.gather [hbm4b:s3+s2], $0x80, v4, vm0, $0xb8;
	[tilespmem:$0x19400] =	vst v63  }
0x8e: {  	s1 =	simm.s32 $0xBC00  }
0x8f: {  	[tilespmem:s1], [sflag:$0x2] =	stream.indirect_vreg.gather [hbm4b:s3+s2], $0x80, v3, vm0, $0xb8;
	[tilespmem:$0x19400] =	vst v63  }
0x90: {  	v3 =	vld [tilespmem:$0xB0];
	_ =	sdelay $0x4  }
0x91: {  	v51 =	vshll.u32 v3, $0x1  }
0x92: {  	v3 =	vand.u32 $0x7, v3;
	v4 =	vand.u32 $0xFFFFFFF0, v51  }
0x93: {  	v3 =	vor.u32 v3, v4  }
0x94: {  	v4 =	vperm.xlane v3, v0;
	_ =	sdelay $0x1  }
0x95: {  	v3 =	vperm.xlane v3, v2;
	v4 =	vadd.s32 v1, v4;
	_ =	sdelay $0x1  }
0x96: {  	v3 =	vadd.s32 v1, v3;
	_ =	sdelay $0x1  }
0x97: {  	s4 =	simm.s32 $0xC400  }
0x98: {  	[tilespmem:s4], [sflag:$0x2] =	stream.indirect_vreg.gather [hbm4b:s3+s2], $0x80, v4, vm0, $0xb8;
	[tilespmem:$0x19400] =	vst v63  }
0x99: {  	s1 =	simm.s32 $0xCC00  }
0x9a: {  	[tilespmem:s1], [sflag:$0x2] =	stream.indirect_vreg.gather [hbm4b:s3+s2], $0x80, v3, vm0, $0xb8;
	[tilespmem:$0x19400] =	vst v63  }
0x9b: {  	v3 =	vld [tilespmem:$0xC0];
	_ =	sdelay $0x4  }
0x9c: {  	v52 =	vshll.u32 v3, $0x1  }
0x9d: {  	v3 =	vand.u32 $0x7, v3;
	v4 =	vand.u32 $0xFFFFFFF0, v52  }
0x9e: {  	v3 =	vor.u32 v3, v4  }
0x9f: {  	v4 =	vperm.xlane v3, v0;
	_ =	sdelay $0x1  }
0xa0: {  	v3 =	vperm.xlane v3, v2;
	v4 =	vadd.s32 v1, v4;
	_ =	sdelay $0x1  }
0xa1: {  	v3 =	vadd.s32 v1, v3;
	_ =	sdelay $0x1  }
0xa2: {  	s4 =	simm.s32 $0xD400  }
0xa3: {  	[tilespmem:s4], [sflag:$0x2] =	stream.indirect_vreg.gather [hbm4b:s3+s2], $0x80, v4, vm0, $0xb8;
	[tilespmem:$0x19400] =	vst v63  }
0xa4: {  	s1 =	simm.s32 $0xDC00  }
0xa5: {  	[tilespmem:s1], [sflag:$0x2] =	stream.indirect_vreg.gather [hbm4b:s3+s2], $0x80, v3, vm0, $0xb8;
	[tilespmem:$0x19400] =	vst v63  }
0xa6: {  	v3 =	vld [tilespmem:$0xD0];
	_ =	sdelay $0x4  }
0xa7: {  	v53 =	vshll.u32 v3, $0x1  }
0xa8: {  	v3 =	vand.u32 $0x7, v3;
	v4 =	vand.u32 $0xFFFFFFF0, v53  }
0xa9: {  	v3 =	vor.u32 v3, v4  }
0xaa: {  	v4 =	vperm.xlane v3, v0;
	_ =	sdelay $0x1  }
0xab: {  	v3 =	vperm.xlane v3, v2;
	v4 =	vadd.s32 v1, v4;
	_ =	sdelay $0x1  }
0xac: {  	v3 =	vadd.s32 v1, v3;
	_ =	sdelay $0x1  }
0xad: {  	s4 =	simm.s32 $0xE400  }
0xae: {  	[tilespmem:s4], [sflag:$0x2] =	stream.indirect_vreg.gather [hbm4b:s3+s2], $0x80, v4, vm0, $0xb8;
	[tilespmem:$0x19400] =	vst v63  }
0xaf: {  	s1 =	simm.s32 $0xEC00  }
0xb0: {  	[tilespmem:s1], [sflag:$0x2] =	stream.indirect_vreg.gather [hbm4b:s3+s2], $0x80, v3, vm0, $0xb8;
	[tilespmem:$0x19400] =	vst v63  }
0xb1: {  	v3 =	vld [tilespmem:$0xE0];
	_ =	sdelay $0x4  }
0xb2: {  	v54 =	vshll.u32 v3, $0x1  }
0xb3: {  	v3 =	vand.u32 $0x7, v3;
	v4 =	vand.u32 $0xFFFFFFF0, v54  }
0xb4: {  	v3 =	vor.u32 v3, v4  }
0xb5: {  	v4 =	vperm.xlane v3, v0;
	_ =	sdelay $0x1  }
0xb6: {  	v3 =	vperm.xlane v3, v2;
	v4 =	vadd.s32 v1, v4;
	_ =	sdelay $0x1  }
0xb7: {  	v3 =	vadd.s32 v1, v3;
	_ =	sdelay $0x1  }
0xb8: {  	s4 =	simm.s32 $0xF400  }
0xb9: {  	[tilespmem:s4], [sflag:$0x2] =	stream.indirect_vreg.gather [hbm4b:s3+s2], $0x80, v4, vm0, $0xb8;
	[tilespmem:$0x19400] =	vst v63  }
0xba: {  	s1 =	simm.s32 $0xFC00  }
0xbb: {  	[tilespmem:s1], [sflag:$0x2] =	stream.indirect_vreg.gather [hbm4b:s3+s2], $0x80, v3, vm0, $0xb8;
	[tilespmem:$0x19400] =	vst v63  }
0xbc: {  	v3 =	vld [tilespmem:$0xF0];
	_ =	sdelay $0x4  }
0xbd: {  	v55 =	vshll.u32 v3, $0x1  }
0xbe: {  	v3 =	vand.u32 $0x7, v3;
	v4 =	vand.u32 $0xFFFFFFF0, v55  }
0xbf: {  	v3 =	vor.u32 v3, v4  }
0xc0: {  	v4 =	vperm.xlane v3, v0;
	_ =	sdelay $0x1  }
0xc1: {  	v3 =	vperm.xlane v3, v2;
	v4 =	vadd.s32 v1, v4;
	_ =	sdelay $0x1  }
0xc2: {  	v3 =	vadd.s32 v1, v3;
	_ =	sdelay $0x1  }
0xc3: {  	s4 =	simm.s32 $0x10400  }
0xc4: {  	[tilespmem:s4], [sflag:$0x2] =	stream.indirect_vreg.gather [hbm4b:s3+s2], $0x80, v4, vm0, $0xb8;
	[tilespmem:$0x19400] =	vst v63  }
0xc5: {  	s1 =	simm.s32 $0x10C00  }
0xc6: {  	[tilespmem:s1], [sflag:$0x2] =	stream.indirect_vreg.gather [hbm4b:s3+s2], $0x80, v3, vm0, $0xb8;
	[tilespmem:$0x19400] =	vst v63  }
0xc7: {  	v3 =	vld [tilespmem:$0x100];
	_ =	sdelay $0x4  }
0xc8: {  	v56 =	vshll.u32 v3, $0x1  }
0xc9: {  	v3 =	vand.u32 $0x7, v3;
	v4 =	vand.u32 $0xFFFFFFF0, v56  }
0xca: {  	v3 =	vor.u32 v3, v4  }
0xcb: {  	v4 =	vperm.xlane v3, v0;
	_ =	sdelay $0x1  }
0xcc: {  	v3 =	vperm.xlane v3, v2;
	v4 =	vadd.s32 v1, v4;
	_ =	sdelay $0x1  }
0xcd: {  	v3 =	vadd.s32 v1, v3;
	_ =	sdelay $0x2  }
0xce: {  	[tilespmem:s5], [sflag:$0x3] =	stream.indirect_vreg.gather [hbm4b:s3+s2], $0x80, v4, vm0, $0xb8;
	[tilespmem:$0x19400] =	vst v63  }
0xcf: {  	s4 =	simm.s32 $0x11C00  }
0xd0: {  	[tilespmem:s4], [sflag:$0x3] =	stream.indirect_vreg.gather [hbm4b:s3+s2], $0x80, v3, vm0, $0xb8;
	[tilespmem:$0x19400] =	vst v63  }
0xd1: {  	v3 =	vld [tilespmem:$0x110];
	_ =	sdelay $0x4  }
0xd2: {  	v57 =	vshll.u32 v3, $0x1  }
0xd3: {  	v3 =	vand.u32 $0x7, v3;
	v4 =	vand.u32 $0xFFFFFFF0, v57  }
0xd4: {  	v3 =	vor.u32 v3, v4  }
0xd5: {  	v4 =	vperm.xlane v3, v0;
	_ =	sdelay $0x1  }
0xd6: {  	v3 =	vperm.xlane v3, v2;
	v4 =	vadd.s32 v1, v4;
	_ =	sdelay $0x1  }
0xd7: {  	v3 =	vadd.s32 v1, v3;
	_ =	sdelay $0x1  }
0xd8: {  	s1 =	simm.s32 $0x12400  }
0xd9: {  	[tilespmem:s1], [sflag:$0x3] =	stream.indirect_vreg.gather [hbm4b:s3+s2], $0x80, v4, vm0, $0xb8;
	[tilespmem:$0x19400] =	vst v63  }
0xda: {  	s4 =	simm.s32 $0x12C00  }
0xdb: {  	[tilespmem:s4], [sflag:$0x3] =	stream.indirect_vreg.gather [hbm4b:s3+s2], $0x80, v3, vm0, $0xb8;
	[tilespmem:$0x19400] =	vst v63  }
0xdc: {  	v3 =	vld [tilespmem:$0x120];
	_ =	sdelay $0x4  }
0xdd: {  	v58 =	vshll.u32 v3, $0x1  }
0xde: {  	v3 =	vand.u32 $0x7, v3;
	v4 =	vand.u32 $0xFFFFFFF0, v58  }
0xdf: {  	v3 =	vor.u32 v3, v4  }
0xe0: {  	v4 =	vperm.xlane v3, v0;
	_ =	sdelay $0x1  }
0xe1: {  	v3 =	vperm.xlane v3, v2;
	v4 =	vadd.s32 v1, v4;
	_ =	sdelay $0x1  }
0xe2: {  	v3 =	vadd.s32 v1, v3;
	_ =	sdelay $0x1  }
0xe3: {  	s1 =	simm.s32 $0x13400  }
0xe4: {  	[tilespmem:s1], [sflag:$0x3] =	stream.indirect_vreg.gather [hbm4b:s3+s2], $0x80, v4, vm0, $0xb8;
	[tilespmem:$0x19400] =	vst v63  }
0xe5: {  	s4 =	simm.s32 $0x13C00  }
0xe6: {  	[tilespmem:s4], [sflag:$0x3] =	stream.indirect_vreg.gather [hbm4b:s3+s2], $0x80, v3, vm0, $0xb8;
	[tilespmem:$0x19400] =	vst v63  }
0xe7: {  	v3 =	vld [tilespmem:$0x130];
	_ =	sdelay $0x4  }
0xe8: {  	v59 =	vshll.u32 v3, $0x1  }
0xe9: {  	v3 =	vand.u32 $0x7, v3;
	v4 =	vand.u32 $0xFFFFFFF0, v59  }
0xea: {  	v3 =	vor.u32 v3, v4  }
0xeb: {  	v4 =	vperm.xlane v3, v0;
	_ =	sdelay $0x1  }
0xec: {  	v3 =	vperm.xlane v3, v2;
	v4 =	vadd.s32 v1, v4;
	_ =	sdelay $0x1  }
0xed: {  	v3 =	vadd.s32 v1, v3;
	_ =	sdelay $0x1  }
0xee: {  	s1 =	simm.s32 $0x14400  }
0xef: {  	[tilespmem:s1], [sflag:$0x3] =	stream.indirect_vreg.gather [hbm4b:s3+s2], $0x80, v4, vm0, $0xb8;
	[tilespmem:$0x19400] =	vst v63  }
0xf0: {  	s4 =	simm.s32 $0x14C00  }
0xf1: {  	[tilespmem:s4], [sflag:$0x3] =	stream.indirect_vreg.gather [hbm4b:s3+s2], $0x80, v3, vm0, $0xb8;
	[tilespmem:$0x19400] =	vst v63  }
0xf2: {  	v3 =	vld [tilespmem:$0x140];
	_ =	sdelay $0x4  }
0xf3: {  	v60 =	vshll.u32 v3, $0x1  }
0xf4: {  	v3 =	vand.u32 $0x7, v3;
	v4 =	vand.u32 $0xFFFFFFF0, v60  }
0xf5: {  	v3 =	vor.u32 v3, v4  }
0xf6: {  	v4 =	vperm.xlane v3, v0;
	_ =	sdelay $0x1  }
0xf7: {  	v3 =	vperm.xlane v3, v2;
	v4 =	vadd.s32 v1, v4;
	_ =	sdelay $0x1  }
0xf8: {  	v3 =	vadd.s32 v1, v3;
	_ =	sdelay $0x1  }
0xf9: {  	s1 =	simm.s32 $0x15400  }
0xfa: {  	[tilespmem:s1], [sflag:$0x3] =	stream.indirect_vreg.gather [hbm4b:s3+s2], $0x80, v4, vm0, $0xb8;
	[tilespmem:$0x19400] =	vst v63  }
0xfb: {  	s4 =	simm.s32 $0x15C00  }
0xfc: {  	[tilespmem:s4], [sflag:$0x3] =	stream.indirect_vreg.gather [hbm4b:s3+s2], $0x80, v3, vm0, $0xb8;
	[tilespmem:$0x19400] =	vst v63  }
0xfd: {  	v3 =	vld [tilespmem:$0x150];
	_ =	sdelay $0x4  }
0xfe: {  	v61 =	vshll.u32 v3, $0x1  }
0xff: {  	v3 =	vand.u32 $0x7, v3;
	v4 =	vand.u32 $0xFFFFFFF0, v61  }
0x100: {  	v3 =	vor.u32 v3, v4  }
0x101: {  	v4 =	vperm.xlane v3, v0;
	_ =	sdelay $0x1  }
0x102: {  	v3 =	vperm.xlane v3, v2;
	v4 =	vadd.s32 v1, v4;
	_ =	sdelay $0x1  }
0x103: {  	v3 =	vadd.s32 v1, v3;
	_ =	sdelay $0x1  }
0x104: {  	s1 =	simm.s32 $0x16400  }
0x105: {  	[tilespmem:s1], [sflag:$0x3] =	stream.indirect_vreg.gather [hbm4b:s3+s2], $0x80, v4, vm0, $0xb8;
	[tilespmem:$0x19400] =	vst v63  }
0x106: {  	s4 =	simm.s32 $0x16C00  }
0x107: {  	[tilespmem:s4], [sflag:$0x3] =	stream.indirect_vreg.gather [hbm4b:s3+s2], $0x80, v3, vm0, $0xb8;
	[tilespmem:$0x19400] =	vst v63  }
0x108: {  	v3 =	vld [tilespmem:$0x160];
	_ =	sdelay $0x4  }
0x109: {  	v62 =	vshll.u32 v3, $0x1  }
0x10a: {  	v3 =	vand.u32 $0x7, v3;
	v4 =	vand.u32 $0xFFFFFFF0, v62  }
0x10b: {  	v3 =	vor.u32 v3, v4  }
0x10c: {  	v4 =	vperm.xlane v3, v0;
	_ =	sdelay $0x1  }
0x10d: {  	v3 =	vperm.xlane v3, v2;
	v4 =	vadd.s32 v1, v4;
	_ =	sdelay $0x1  }
0x10e: {  	v3 =	vadd.s32 v1, v3;
	_ =	sdelay $0x1  }
0x10f: {  	s1 =	simm.s32 $0x17400  }
0x110: {  	[tilespmem:s1], [sflag:$0x3] =	stream.indirect_vreg.gather [hbm4b:s3+s2], $0x80, v4, vm0, $0xb8;
	[tilespmem:$0x19400] =	vst v63  }
0x111: {  	s4 =	simm.s32 $0x17C00  }
0x112: {  	[tilespmem:s4], [sflag:$0x3] =	stream.indirect_vreg.gather [hbm4b:s3+s2], $0x80, v3, vm0, $0xb8;
	[tilespmem:$0x19400] =	vst v63  }
0x113: {  	v3 =	vld [tilespmem:$0x170];
	_ =	sdelay $0x4  }
0x114: {  	v63 =	vshll.u32 v3, $0x1  }
0x115: {  	v3 =	vand.u32 $0x7, v3;
	v4 =	vand.u32 $0xFFFFFFF0, v63  }
0x116: {  	v3 =	vor.u32 v3, v4  }
0x117: {  	v4 =	vperm.xlane v3, v0;
	_ =	sdelay $0x1  }
0x118: {  	v3 =	vperm.xlane v3, v2;
	v4 =	vadd.s32 v1, v4;
	_ =	sdelay $0x1  }
0x119: {  	v3 =	vadd.s32 v1, v3;
	_ =	sdelay $0x1  }
.Ltmp2:
0x11a: {  	s1 =	simm.s32 $0x18400;
	(pc) =	sbr.rel .LBB2_2-.Ltmp2, $4  }
0x11b: {  	[tilespmem:s1], [sflag:$0x3] =	stream.indirect_vreg.gather [hbm4b:s3+s2], $0x80, v4, vm0, $0xb8;
	[tilespmem:$0x19400] =	vst v63  }
0x11c: {  	s4 =	simm.s32 $0x18C00  }
0x11d: {  	[tilespmem:s4], [sflag:$0x3] =	stream.indirect_vreg.gather [hbm4b:s3+s2], $0x80, v3, vm0, $0xb8;
	[tilespmem:$0x19400] =	vst v63  }
0x11e: {  	s28 =	simm.s32 $0x0;
	s0 =	simm.s32 $0x2F0;
	s4 =	simm.s32 $0x0  }
.LBB2_7:
0x11f: {  	s4 =	sadd.s32 $0x3000, s4  }
0x120: {  	p0 =	sne.s32 s4, $0x2A000  }
.Ltmp3:
0x121: {  	_ = 	snop;
	(pc) =	sbr.rel @!p0 .LBB2_8-.Ltmp3, $2  }
0x122: {  	_ =	sdelay $0x2  }
0x123: {  	s28 =	sadd.s32 $0x1, s28;
	s0 =	sadd.s32 $0x180, s0  }
.LBB2_2:
0x124: {  	_ =	swait.ge [sflag:s29], $0x8000  }
0x125: {  	p0 =	seq.s32 s4, $0x27000;
	[sflag:s29] =	ssyncset.done $0x0  }
.Ltmp4:
0x126: {  	s1 =	sadd.s32 s4, s6;
	[sflag:s29] =	ssyncadd.s32 $0xFFFF8000;
	(pc) =	sbr.rel @p0 .LBB2_8-.Ltmp4, $4  }
0x127: {  	[hbm4b:s1+s2] =	stream.linear.scatter [tilespmem:s10], [sflag:$0x4], $0x8000, $0x38;
	[tilespmem:$0x19400] =	vst v63  }
0x128: {  	_ =	swait.ge [sflag:s9], $0x8000  }
0x129: {  	[sflag:s9] =	ssyncset.done $0x0  }
0x12a: {  	[sflag:s9] =	ssyncadd.s32 $0xFFFF8000  }
0x12b: {  	v3 =	vld [tilespmem:s0+$0xFFFFFE90];
	_ =	sdelay $0x4  }
0x12c: {  	v4 =	vshll.u32 v3, $0x1  }
0x12d: {  	v3 =	vand.u32 $0x7, v3;
	v4 =	vand.u32 $0xFFFFFFF0, v4  }
0x12e: {  	v3 =	vor.u32 v3, v4  }
0x12f: {  	v4 =	vperm.xlane v3, v0;
	_ =	sdelay $0x1  }
0x130: {  	v3 =	vperm.xlane v3, v2;
	v4 =	vadd.s32 v1, v4;
	_ =	sdelay $0x1  }
0x131: {  	v3 =	vadd.s32 v1, v3;
	_ =	sdelay $0x2  }
0x132: {  	[tilespmem:s10], [sflag:$0x1] =	stream.indirect_vreg.gather [hbm4b:s3+s2], $0x80, v4, vm0, $0xb8;
	[tilespmem:$0x19400] =	vst v63  }
0x133: {  	_ = 	snop  }
0x134: {  	[tilespmem:s11], [sflag:$0x1] =	stream.indirect_vreg.gather [hbm4b:s3+s2], $0x80, v3, vm0, $0xb8;
	[tilespmem:$0x19400] =	vst v63  }
0x135: {  	v3 =	vld [tilespmem:s0+$0xFFFFFEA0];
	_ =	sdelay $0x4  }
0x136: {  	v57 =	vshll.u32 v3, $0x1  }
0x137: {  	v3 =	vand.u32 $0x7, v3;
	v4 =	vand.u32 $0xFFFFFFF0, v57  }
0x138: {  	v3 =	vor.u32 v3, v4  }
0x139: {  	v4 =	vperm.xlane v3, v0;
	_ =	sdelay $0x1  }
0x13a: {  	v3 =	vperm.xlane v3, v2;
	v4 =	vadd.s32 v1, v4;
	_ =	sdelay $0x1  }
0x13b: {  	v3 =	vadd.s32 v1, v3;
	_ =	sdelay $0x2  }
0x13c: {  	[tilespmem:s12], [sflag:$0x1] =	stream.indirect_vreg.gather [hbm4b:s3+s2], $0x80, v4, vm0, $0xb8;
	[tilespmem:$0x19400] =	vst v63  }
0x13d: {  	_ = 	snop  }
0x13e: {  	[tilespmem:s13], [sflag:$0x1] =	stream.indirect_vreg.gather [hbm4b:s3+s2], $0x80, v3, vm0, $0xb8;
	[tilespmem:$0x19400] =	vst v63  }
0x13f: {  	v3 =	vld [tilespmem:s0+$0xFFFFFEB0];
	_ =	sdelay $0x4  }
0x140: {  	v58 =	vshll.u32 v3, $0x1  }
0x141: {  	v3 =	vand.u32 $0x7, v3;
	v4 =	vand.u32 $0xFFFFFFF0, v58  }
0x142: {  	v3 =	vor.u32 v3, v4  }
0x143: {  	v4 =	vperm.xlane v3, v0;
	_ =	sdelay $0x1  }
0x144: {  	v3 =	vperm.xlane v3, v2;
	v4 =	vadd.s32 v1, v4;
	_ =	sdelay $0x1  }
0x145: {  	v3 =	vadd.s32 v1, v3;
	_ =	sdelay $0x2  }
0x146: {  	[tilespmem:s14], [sflag:$0x1] =	stream.indirect_vreg.gather [hbm4b:s3+s2], $0x80, v4, vm0, $0xb8;
	[tilespmem:$0x19400] =	vst v63  }
0x147: {  	_ = 	snop  }
0x148: {  	[tilespmem:s15], [sflag:$0x1] =	stream.indirect_vreg.gather [hbm4b:s3+s2], $0x80, v3, vm0, $0xb8;
	[tilespmem:$0x19400] =	vst v63  }
0x149: {  	v3 =	vld [tilespmem:s0+$0xFFFFFEC0];
	_ =	sdelay $0x4  }
0x14a: {  	v59 =	vshll.u32 v3, $0x1  }
0x14b: {  	v3 =	vand.u32 $0x7, v3;
	v4 =	vand.u32 $0xFFFFFFF0, v59  }
0x14c: {  	v3 =	vor.u32 v3, v4  }
0x14d: {  	v4 =	vperm.xlane v3, v0;
	_ =	sdelay $0x1  }
0x14e: {  	v3 =	vperm.xlane v3, v2;
	v4 =	vadd.s32 v1, v4;
	_ =	sdelay $0x1  }
0x14f: {  	v3 =	vadd.s32 v1, v3;
	_ =	sdelay $0x2  }
0x150: {  	[tilespmem:s16], [sflag:$0x1] =	stream.indirect_vreg.gather [hbm4b:s3+s2], $0x80, v4, vm0, $0xb8;
	[tilespmem:$0x19400] =	vst v63  }
0x151: {  	_ = 	snop  }
0x152: {  	[tilespmem:s17], [sflag:$0x1] =	stream.indirect_vreg.gather [hbm4b:s3+s2], $0x80, v3, vm0, $0xb8;
	[tilespmem:$0x19400] =	vst v63  }
0x153: {  	v3 =	vld [tilespmem:s0+$0xFFFFFED0];
	_ =	sdelay $0x4  }
0x154: {  	v60 =	vshll.u32 v3, $0x1  }
0x155: {  	v3 =	vand.u32 $0x7, v3;
	v4 =	vand.u32 $0xFFFFFFF0, v60  }
0x156: {  	v3 =	vor.u32 v3, v4  }
0x157: {  	v4 =	vperm.xlane v3, v0;
	_ =	sdelay $0x1  }
0x158: {  	v3 =	vperm.xlane v3, v2;
	v4 =	vadd.s32 v1, v4;
	_ =	sdelay $0x1  }
0x159: {  	v3 =	vadd.s32 v1, v3;
	_ =	sdelay $0x2  }
0x15a: {  	[tilespmem:s18], [sflag:$0x1] =	stream.indirect_vreg.gather [hbm4b:s3+s2], $0x80, v4, vm0, $0xb8;
	[tilespmem:$0x19400] =	vst v63  }
0x15b: {  	_ = 	snop  }
0x15c: {  	[tilespmem:s19], [sflag:$0x1] =	stream.indirect_vreg.gather [hbm4b:s3+s2], $0x80, v3, vm0, $0xb8;
	[tilespmem:$0x19400] =	vst v63  }
0x15d: {  	v3 =	vld [tilespmem:s0+$0xFFFFFEE0];
	_ =	sdelay $0x4  }
0x15e: {  	v61 =	vshll.u32 v3, $0x1  }
0x15f: {  	v3 =	vand.u32 $0x7, v3;
	v4 =	vand.u32 $0xFFFFFFF0, v61  }
0x160: {  	v3 =	vor.u32 v3, v4  }
0x161: {  	v4 =	vperm.xlane v3, v0;
	_ =	sdelay $0x1  }
0x162: {  	v3 =	vperm.xlane v3, v2;
	v4 =	vadd.s32 v1, v4;
	_ =	sdelay $0x1  }
0x163: {  	v3 =	vadd.s32 v1, v3;
	_ =	sdelay $0x2  }
0x164: {  	[tilespmem:s20], [sflag:$0x1] =	stream.indirect_vreg.gather [hbm4b:s3+s2], $0x80, v4, vm0, $0xb8;
	[tilespmem:$0x19400] =	vst v63  }
0x165: {  	_ = 	snop  }
0x166: {  	[tilespmem:s21], [sflag:$0x1] =	stream.indirect_vreg.gather [hbm4b:s3+s2], $0x80, v3, vm0, $0xb8;
	[tilespmem:$0x19400] =	vst v63  }
0x167: {  	v3 =	vld [tilespmem:s0+$0xFFFFFEF0];
	_ =	sdelay $0x4  }
0x168: {  	v62 =	vshll.u32 v3, $0x1  }
0x169: {  	v3 =	vand.u32 $0x7, v3;
	v4 =	vand.u32 $0xFFFFFFF0, v62  }
0x16a: {  	v3 =	vor.u32 v3, v4  }
0x16b: {  	v4 =	vperm.xlane v3, v0;
	_ =	sdelay $0x1  }
0x16c: {  	v3 =	vperm.xlane v3, v2;
	v4 =	vadd.s32 v1, v4;
	_ =	sdelay $0x1  }
0x16d: {  	v3 =	vadd.s32 v1, v3;
	_ =	sdelay $0x2  }
0x16e: {  	[tilespmem:s22], [sflag:$0x1] =	stream.indirect_vreg.gather [hbm4b:s3+s2], $0x80, v4, vm0, $0xb8;
	[tilespmem:$0x19400] =	vst v63  }
0x16f: {  	_ = 	snop  }
0x170: {  	[tilespmem:s23], [sflag:$0x1] =	stream.indirect_vreg.gather [hbm4b:s3+s2], $0x80, v3, vm0, $0xb8;
	[tilespmem:$0x19400] =	vst v63  }
0x171: {  	v3 =	vld [tilespmem:s0+$0xFFFFFF00];
	_ =	sdelay $0x4  }
0x172: {  	v63 =	vshll.u32 v3, $0x1  }
0x173: {  	v3 =	vand.u32 $0x7, v3;
	v4 =	vand.u32 $0xFFFFFFF0, v63  }
0x174: {  	v3 =	vor.u32 v3, v4  }
0x175: {  	v4 =	vperm.xlane v3, v0;
	_ =	sdelay $0x1  }
0x176: {  	v3 =	vperm.xlane v3, v2;
	v4 =	vadd.s32 v1, v4;
	_ =	sdelay $0x1  }
0x177: {  	v3 =	vadd.s32 v1, v3;
	_ =	sdelay $0x2  }
0x178: {  	[tilespmem:s24], [sflag:$0x1] =	stream.indirect_vreg.gather [hbm4b:s3+s2], $0x80, v4, vm0, $0xb8;
	[tilespmem:$0x19400] =	vst v63  }
0x179: {  	_ = 	snop  }
0x17a: {  	[tilespmem:s25], [sflag:$0x1] =	stream.indirect_vreg.gather [hbm4b:s3+s2], $0x80, v3, vm0, $0xb8;
	[tilespmem:$0x19400] =	vst v63  }
0x17b: {  	_ =	swait.ge [sflag:s30], $0x8000  }
0x17c: {  	p0 =	sgt.u32 s28, $0xB;
	[sflag:s30] =	ssyncset.done $0x0  }
.Ltmp5:
0x17d: {  	s1 =	sadd.s32 s4, s7;
	[sflag:s30] =	ssyncadd.s32 $0xFFFF8000;
	(pc) =	sbr.rel @p0 .LBB2_5-.Ltmp5, $4  }
0x17e: {  	[hbm4b:s1+s2] =	stream.linear.scatter [tilespmem:s26], [sflag:$0x4], $0x8000, $0x38;
	[tilespmem:$0x19400] =	vst v63  }
0x17f: {  	_ =	swait.ge [sflag:s9], $0x8000  }
0x180: {  	[sflag:s9] =	ssyncset.done $0x0  }
0x181: {  	[sflag:s9] =	ssyncadd.s32 $0xFFFF8000  }
0x182: {  	v3 =	vld [tilespmem:s0+$0xFFFFFF10];
	_ =	sdelay $0x4  }
0x183: {  	v4 =	vshll.u32 v3, $0x1  }
0x184: {  	v3 =	vand.u32 $0x7, v3;
	v4 =	vand.u32 $0xFFFFFFF0, v4  }
0x185: {  	v3 =	vor.u32 v3, v4  }
0x186: {  	v4 =	vperm.xlane v3, v0;
	_ =	sdelay $0x1  }
0x187: {  	v3 =	vperm.xlane v3, v2;
	v4 =	vadd.s32 v1, v4;
	_ =	sdelay $0x1  }
0x188: {  	v3 =	vadd.s32 v1, v3;
	_ =	sdelay $0x2  }
0x189: {  	[tilespmem:s26], [sflag:$0x2] =	stream.indirect_vreg.gather [hbm4b:s3+s2], $0x80, v4, vm0, $0xb8;
	[tilespmem:$0x19400] =	vst v63  }
0x18a: {  	s1 =	simm.s32 $0x9C00  }
0x18b: {  	[tilespmem:s1], [sflag:$0x2] =	stream.indirect_vreg.gather [hbm4b:s3+s2], $0x80, v3, vm0, $0xb8;
	[tilespmem:$0x19400] =	vst v63  }
0x18c: {  	v3 =	vld [tilespmem:s0+$0xFFFFFF20];
	_ =	sdelay $0x4  }
0x18d: {  	v57 =	vshll.u32 v3, $0x1  }
0x18e: {  	v3 =	vand.u32 $0x7, v3;
	v4 =	vand.u32 $0xFFFFFFF0, v57  }
0x18f: {  	v3 =	vor.u32 v3, v4  }
0x190: {  	v4 =	vperm.xlane v3, v0;
	_ =	sdelay $0x1  }
0x191: {  	v3 =	vperm.xlane v3, v2;
	v4 =	vadd.s32 v1, v4;
	_ =	sdelay $0x1  }
0x192: {  	v3 =	vadd.s32 v1, v3;
	_ =	sdelay $0x1  }
0x193: {  	s1 =	simm.s32 $0xA400  }
0x194: {  	[tilespmem:s1], [sflag:$0x2] =	stream.indirect_vreg.gather [hbm4b:s3+s2], $0x80, v4, vm0, $0xb8;
	[tilespmem:$0x19400] =	vst v63  }
0x195: {  	s1 =	simm.s32 $0xAC00  }
0x196: {  	[tilespmem:s1], [sflag:$0x2] =	stream.indirect_vreg.gather [hbm4b:s3+s2], $0x80, v3, vm0, $0xb8;
	[tilespmem:$0x19400] =	vst v63  }
0x197: {  	v3 =	vld [tilespmem:s0+$0xFFFFFF30];
	_ =	sdelay $0x4  }
0x198: {  	v58 =	vshll.u32 v3, $0x1  }
0x199: {  	v3 =	vand.u32 $0x7, v3;
	v4 =	vand.u32 $0xFFFFFFF0, v58  }
0x19a: {  	v3 =	vor.u32 v3, v4  }
0x19b: {  	v4 =	vperm.xlane v3, v0;
	_ =	sdelay $0x1  }
0x19c: {  	v3 =	vperm.xlane v3, v2;
	v4 =	vadd.s32 v1, v4;
	_ =	sdelay $0x1  }
0x19d: {  	v3 =	vadd.s32 v1, v3;
	_ =	sdelay $0x1  }
0x19e: {  	s1 =	simm.s32 $0xB400  }
0x19f: {  	[tilespmem:s1], [sflag:$0x2] =	stream.indirect_vreg.gather [hbm4b:s3+s2], $0x80, v4, vm0, $0xb8;
	[tilespmem:$0x19400] =	vst v63  }
0x1a0: {  	s1 =	simm.s32 $0xBC00  }
0x1a1: {  	[tilespmem:s1], [sflag:$0x2] =	stream.indirect_vreg.gather [hbm4b:s3+s2], $0x80, v3, vm0, $0xb8;
	[tilespmem:$0x19400] =	vst v63  }
0x1a2: {  	v3 =	vld [tilespmem:s0+$0xFFFFFF40];
	_ =	sdelay $0x4  }
0x1a3: {  	v59 =	vshll.u32 v3, $0x1  }
0x1a4: {  	v3 =	vand.u32 $0x7, v3;
	v4 =	vand.u32 $0xFFFFFFF0, v59  }
0x1a5: {  	v3 =	vor.u32 v3, v4  }
0x1a6: {  	v4 =	vperm.xlane v3, v0;
	_ =	sdelay $0x1  }
0x1a7: {  	v3 =	vperm.xlane v3, v2;
	v4 =	vadd.s32 v1, v4;
	_ =	sdelay $0x1  }
0x1a8: {  	v3 =	vadd.s32 v1, v3;
	_ =	sdelay $0x1  }
0x1a9: {  	s1 =	simm.s32 $0xC400  }
0x1aa: {  	[tilespmem:s1], [sflag:$0x2] =	stream.indirect_vreg.gather [hbm4b:s3+s2], $0x80, v4, vm0, $0xb8;
	[tilespmem:$0x19400] =	vst v63  }
0x1ab: {  	s1 =	simm.s32 $0xCC00  }
0x1ac: {  	[tilespmem:s1], [sflag:$0x2] =	stream.indirect_vreg.gather [hbm4b:s3+s2], $0x80, v3, vm0, $0xb8;
	[tilespmem:$0x19400] =	vst v63  }
0x1ad: {  	v3 =	vld [tilespmem:s0+$0xFFFFFF50];
	_ =	sdelay $0x4  }
0x1ae: {  	v60 =	vshll.u32 v3, $0x1  }
0x1af: {  	v3 =	vand.u32 $0x7, v3;
	v4 =	vand.u32 $0xFFFFFFF0, v60  }
0x1b0: {  	v3 =	vor.u32 v3, v4  }
0x1b1: {  	v4 =	vperm.xlane v3, v0;
	_ =	sdelay $0x1  }
0x1b2: {  	v3 =	vperm.xlane v3, v2;
	v4 =	vadd.s32 v1, v4;
	_ =	sdelay $0x1  }
0x1b3: {  	v3 =	vadd.s32 v1, v3;
	_ =	sdelay $0x1  }
0x1b4: {  	s1 =	simm.s32 $0xD400  }
0x1b5: {  	[tilespmem:s1], [sflag:$0x2] =	stream.indirect_vreg.gather [hbm4b:s3+s2], $0x80, v4, vm0, $0xb8;
	[tilespmem:$0x19400] =	vst v63  }
0x1b6: {  	s1 =	simm.s32 $0xDC00  }
0x1b7: {  	[tilespmem:s1], [sflag:$0x2] =	stream.indirect_vreg.gather [hbm4b:s3+s2], $0x80, v3, vm0, $0xb8;
	[tilespmem:$0x19400] =	vst v63  }
0x1b8: {  	v3 =	vld [tilespmem:s0+$0xFFFFFF60];
	_ =	sdelay $0x4  }
0x1b9: {  	v61 =	vshll.u32 v3, $0x1  }
0x1ba: {  	v3 =	vand.u32 $0x7, v3;
	v4 =	vand.u32 $0xFFFFFFF0, v61  }
0x1bb: {  	v3 =	vor.u32 v3, v4  }
0x1bc: {  	v4 =	vperm.xlane v3, v0;
	_ =	sdelay $0x1  }
0x1bd: {  	v3 =	vperm.xlane v3, v2;
	v4 =	vadd.s32 v1, v4;
	_ =	sdelay $0x1  }
0x1be: {  	v3 =	vadd.s32 v1, v3;
	_ =	sdelay $0x1  }
0x1bf: {  	s1 =	simm.s32 $0xE400  }
0x1c0: {  	[tilespmem:s1], [sflag:$0x2] =	stream.indirect_vreg.gather [hbm4b:s3+s2], $0x80, v4, vm0, $0xb8;
	[tilespmem:$0x19400] =	vst v63  }
0x1c1: {  	s1 =	simm.s32 $0xEC00  }
0x1c2: {  	[tilespmem:s1], [sflag:$0x2] =	stream.indirect_vreg.gather [hbm4b:s3+s2], $0x80, v3, vm0, $0xb8;
	[tilespmem:$0x19400] =	vst v63  }
0x1c3: {  	v3 =	vld [tilespmem:s0+$0xFFFFFF70];
	_ =	sdelay $0x4  }
0x1c4: {  	v62 =	vshll.u32 v3, $0x1  }
0x1c5: {  	v3 =	vand.u32 $0x7, v3;
	v4 =	vand.u32 $0xFFFFFFF0, v62  }
0x1c6: {  	v3 =	vor.u32 v3, v4  }
0x1c7: {  	v4 =	vperm.xlane v3, v0;
	_ =	sdelay $0x1  }
0x1c8: {  	v3 =	vperm.xlane v3, v2;
	v4 =	vadd.s32 v1, v4;
	_ =	sdelay $0x1  }
0x1c9: {  	v3 =	vadd.s32 v1, v3;
	_ =	sdelay $0x1  }
0x1ca: {  	s1 =	simm.s32 $0xF400  }
0x1cb: {  	[tilespmem:s1], [sflag:$0x2] =	stream.indirect_vreg.gather [hbm4b:s3+s2], $0x80, v4, vm0, $0xb8;
	[tilespmem:$0x19400] =	vst v63  }
0x1cc: {  	s1 =	simm.s32 $0xFC00  }
0x1cd: {  	[tilespmem:s1], [sflag:$0x2] =	stream.indirect_vreg.gather [hbm4b:s3+s2], $0x80, v3, vm0, $0xb8;
	[tilespmem:$0x19400] =	vst v63  }
0x1ce: {  	v3 =	vld [tilespmem:s0+$0xFFFFFF80];
	_ =	sdelay $0x4  }
0x1cf: {  	v63 =	vshll.u32 v3, $0x1  }
0x1d0: {  	v3 =	vand.u32 $0x7, v3;
	v4 =	vand.u32 $0xFFFFFFF0, v63  }
0x1d1: {  	v3 =	vor.u32 v3, v4  }
0x1d2: {  	v4 =	vperm.xlane v3, v0;
	_ =	sdelay $0x1  }
0x1d3: {  	v3 =	vperm.xlane v3, v2;
	v4 =	vadd.s32 v1, v4;
	_ =	sdelay $0x1  }
0x1d4: {  	v3 =	vadd.s32 v1, v3;
	_ =	sdelay $0x1  }
0x1d5: {  	s1 =	simm.s32 $0x10400  }
0x1d6: {  	[tilespmem:s1], [sflag:$0x2] =	stream.indirect_vreg.gather [hbm4b:s3+s2], $0x80, v4, vm0, $0xb8;
	[tilespmem:$0x19400] =	vst v63  }
0x1d7: {  	s1 =	simm.s32 $0x10C00  }
0x1d8: {  	[tilespmem:s1], [sflag:$0x2] =	stream.indirect_vreg.gather [hbm4b:s3+s2], $0x80, v3, vm0, $0xb8;
	[tilespmem:$0x19400] =	vst v63  }
.LBB2_5:
0x1d9: {  	_ =	swait.ge [sflag:s31], $0x8000  }
0x1da: {  	[sflag:s31] =	ssyncset.done $0x0  }
.Ltmp6:
0x1db: {  	s1 =	sadd.s32 s4, s8;
	[sflag:s31] =	ssyncadd.s32 $0xFFFF8000;
	(pc) =	sbr.rel @p0 .LBB2_7-.Ltmp6, $4  }
0x1dc: {  	[hbm4b:s1+s2] =	stream.linear.scatter [tilespmem:s5], [sflag:$0x4], $0x8000, $0x38;
	[tilespmem:$0x19400] =	vst v63  }
0x1dd: {  	_ =	swait.ge [sflag:s9], $0x8000  }
0x1de: {  	[sflag:s9] =	ssyncset.done $0x0  }
0x1df: {  	[sflag:s9] =	ssyncadd.s32 $0xFFFF8000  }
0x1e0: {  	v3 =	vld [tilespmem:s0+$0xFFFFFF90];
	_ =	sdelay $0x4  }
0x1e1: {  	v4 =	vshll.u32 v3, $0x1  }
0x1e2: {  	v3 =	vand.u32 $0x7, v3;
	v4 =	vand.u32 $0xFFFFFFF0, v4  }
0x1e3: {  	v3 =	vor.u32 v3, v4  }
0x1e4: {  	v4 =	vperm.xlane v3, v0;
	_ =	sdelay $0x1  }
0x1e5: {  	v3 =	vperm.xlane v3, v2;
	v4 =	vadd.s32 v1, v4;
	_ =	sdelay $0x1  }
0x1e6: {  	v3 =	vadd.s32 v1, v3;
	_ =	sdelay $0x2  }
0x1e7: {  	[tilespmem:s5], [sflag:$0x3] =	stream.indirect_vreg.gather [hbm4b:s3+s2], $0x80, v4, vm0, $0xb8;
	[tilespmem:$0x19400] =	vst v63  }
0x1e8: {  	s1 =	simm.s32 $0x11C00  }
0x1e9: {  	[tilespmem:s1], [sflag:$0x3] =	stream.indirect_vreg.gather [hbm4b:s3+s2], $0x80, v3, vm0, $0xb8;
	[tilespmem:$0x19400] =	vst v63  }
0x1ea: {  	v3 =	vld [tilespmem:s0+$0xFFFFFFA0];
	_ =	sdelay $0x4  }
0x1eb: {  	v57 =	vshll.u32 v3, $0x1  }
0x1ec: {  	v3 =	vand.u32 $0x7, v3;
	v4 =	vand.u32 $0xFFFFFFF0, v57  }
0x1ed: {  	v3 =	vor.u32 v3, v4  }
0x1ee: {  	v4 =	vperm.xlane v3, v0;
	_ =	sdelay $0x1  }
0x1ef: {  	v3 =	vperm.xlane v3, v2;
	v4 =	vadd.s32 v1, v4;
	_ =	sdelay $0x1  }
0x1f0: {  	v3 =	vadd.s32 v1, v3;
	_ =	sdelay $0x1  }
0x1f1: {  	s1 =	simm.s32 $0x12400  }
0x1f2: {  	[tilespmem:s1], [sflag:$0x3] =	stream.indirect_vreg.gather [hbm4b:s3+s2], $0x80, v4, vm0, $0xb8;
	[tilespmem:$0x19400] =	vst v63  }
0x1f3: {  	s1 =	simm.s32 $0x12C00  }
0x1f4: {  	[tilespmem:s1], [sflag:$0x3] =	stream.indirect_vreg.gather [hbm4b:s3+s2], $0x80, v3, vm0, $0xb8;
	[tilespmem:$0x19400] =	vst v63  }
0x1f5: {  	v3 =	vld [tilespmem:s0+$0xFFFFFFB0];
	_ =	sdelay $0x4  }
0x1f6: {  	v58 =	vshll.u32 v3, $0x1  }
0x1f7: {  	v3 =	vand.u32 $0x7, v3;
	v4 =	vand.u32 $0xFFFFFFF0, v58  }
0x1f8: {  	v3 =	vor.u32 v3, v4  }
0x1f9: {  	v4 =	vperm.xlane v3, v0;
	_ =	sdelay $0x1  }
0x1fa: {  	v3 =	vperm.xlane v3, v2;
	v4 =	vadd.s32 v1, v4;
	_ =	sdelay $0x1  }
0x1fb: {  	v3 =	vadd.s32 v1, v3;
	_ =	sdelay $0x1  }
0x1fc: {  	s1 =	simm.s32 $0x13400  }
0x1fd: {  	[tilespmem:s1], [sflag:$0x3] =	stream.indirect_vreg.gather [hbm4b:s3+s2], $0x80, v4, vm0, $0xb8;
	[tilespmem:$0x19400] =	vst v63  }
0x1fe: {  	s1 =	simm.s32 $0x13C00  }
0x1ff: {  	[tilespmem:s1], [sflag:$0x3] =	stream.indirect_vreg.gather [hbm4b:s3+s2], $0x80, v3, vm0, $0xb8;
	[tilespmem:$0x19400] =	vst v63  }
0x200: {  	v3 =	vld [tilespmem:s0+$0xFFFFFFC0];
	_ =	sdelay $0x4  }
0x201: {  	v59 =	vshll.u32 v3, $0x1  }
0x202: {  	v3 =	vand.u32 $0x7, v3;
	v4 =	vand.u32 $0xFFFFFFF0, v59  }
0x203: {  	v3 =	vor.u32 v3, v4  }
0x204: {  	v4 =	vperm.xlane v3, v0;
	_ =	sdelay $0x1  }
0x205: {  	v3 =	vperm.xlane v3, v2;
	v4 =	vadd.s32 v1, v4;
	_ =	sdelay $0x1  }
0x206: {  	v3 =	vadd.s32 v1, v3;
	_ =	sdelay $0x1  }
0x207: {  	s1 =	simm.s32 $0x14400  }
0x208: {  	[tilespmem:s1], [sflag:$0x3] =	stream.indirect_vreg.gather [hbm4b:s3+s2], $0x80, v4, vm0, $0xb8;
	[tilespmem:$0x19400] =	vst v63  }
0x209: {  	s1 =	simm.s32 $0x14C00  }
0x20a: {  	[tilespmem:s1], [sflag:$0x3] =	stream.indirect_vreg.gather [hbm4b:s3+s2], $0x80, v3, vm0, $0xb8;
	[tilespmem:$0x19400] =	vst v63  }
0x20b: {  	v3 =	vld [tilespmem:s0+$0xFFFFFFD0];
	_ =	sdelay $0x4  }
0x20c: {  	v60 =	vshll.u32 v3, $0x1  }
0x20d: {  	v3 =	vand.u32 $0x7, v3;
	v4 =	vand.u32 $0xFFFFFFF0, v60  }
0x20e: {  	v3 =	vor.u32 v3, v4  }
0x20f: {  	v4 =	vperm.xlane v3, v0;
	_ =	sdelay $0x1  }
0x210: {  	v3 =	vperm.xlane v3, v2;
	v4 =	vadd.s32 v1, v4;
	_ =	sdelay $0x1  }
0x211: {  	v3 =	vadd.s32 v1, v3;
	_ =	sdelay $0x1  }
0x212: {  	s1 =	simm.s32 $0x15400  }
0x213: {  	[tilespmem:s1], [sflag:$0x3] =	stream.indirect_vreg.gather [hbm4b:s3+s2], $0x80, v4, vm0, $0xb8;
	[tilespmem:$0x19400] =	vst v63  }
0x214: {  	s1 =	simm.s32 $0x15C00  }
0x215: {  	[tilespmem:s1], [sflag:$0x3] =	stream.indirect_vreg.gather [hbm4b:s3+s2], $0x80, v3, vm0, $0xb8;
	[tilespmem:$0x19400] =	vst v63  }
0x216: {  	v3 =	vld [tilespmem:s0+$0xFFFFFFE0];
	_ =	sdelay $0x4  }
0x217: {  	v61 =	vshll.u32 v3, $0x1  }
0x218: {  	v3 =	vand.u32 $0x7, v3;
	v4 =	vand.u32 $0xFFFFFFF0, v61  }
0x219: {  	v3 =	vor.u32 v3, v4  }
0x21a: {  	v4 =	vperm.xlane v3, v0;
	_ =	sdelay $0x1  }
0x21b: {  	v3 =	vperm.xlane v3, v2;
	v4 =	vadd.s32 v1, v4;
	_ =	sdelay $0x1  }
0x21c: {  	v3 =	vadd.s32 v1, v3;
	_ =	sdelay $0x1  }
0x21d: {  	s1 =	simm.s32 $0x16400  }
0x21e: {  	[tilespmem:s1], [sflag:$0x3] =	stream.indirect_vreg.gather [hbm4b:s3+s2], $0x80, v4, vm0, $0xb8;
	[tilespmem:$0x19400] =	vst v63  }
0x21f: {  	s1 =	simm.s32 $0x16C00  }
0x220: {  	[tilespmem:s1], [sflag:$0x3] =	stream.indirect_vreg.gather [hbm4b:s3+s2], $0x80, v3, vm0, $0xb8;
	[tilespmem:$0x19400] =	vst v63  }
0x221: {  	v3 =	vld [tilespmem:s0+$0xFFFFFFF0];
	_ =	sdelay $0x4  }
0x222: {  	v62 =	vshll.u32 v3, $0x1  }
0x223: {  	v3 =	vand.u32 $0x7, v3;
	v4 =	vand.u32 $0xFFFFFFF0, v62  }
0x224: {  	v3 =	vor.u32 v3, v4  }
0x225: {  	v4 =	vperm.xlane v3, v0;
	_ =	sdelay $0x1  }
0x226: {  	v3 =	vperm.xlane v3, v2;
	v4 =	vadd.s32 v1, v4;
	_ =	sdelay $0x1  }
0x227: {  	v3 =	vadd.s32 v1, v3;
	_ =	sdelay $0x1  }
0x228: {  	s1 =	simm.s32 $0x17400  }
0x229: {  	[tilespmem:s1], [sflag:$0x3] =	stream.indirect_vreg.gather [hbm4b:s3+s2], $0x80, v4, vm0, $0xb8;
	[tilespmem:$0x19400] =	vst v63  }
0x22a: {  	s1 =	simm.s32 $0x17C00  }
0x22b: {  	[tilespmem:s1], [sflag:$0x3] =	stream.indirect_vreg.gather [hbm4b:s3+s2], $0x80, v3, vm0, $0xb8;
	[tilespmem:$0x19400] =	vst v63  }
0x22c: {  	v3 =	vld [tilespmem:s0+$0x0];
	_ =	sdelay $0x4  }
0x22d: {  	v63 =	vshll.u32 v3, $0x1  }
0x22e: {  	v3 =	vand.u32 $0x7, v3;
	v4 =	vand.u32 $0xFFFFFFF0, v63  }
0x22f: {  	v3 =	vor.u32 v3, v4  }
0x230: {  	v4 =	vperm.xlane v3, v0;
	_ =	sdelay $0x1  }
0x231: {  	v3 =	vperm.xlane v3, v2;
	v4 =	vadd.s32 v1, v4;
	_ =	sdelay $0x1  }
0x232: {  	v3 =	vadd.s32 v1, v3  }
.Ltmp7:
0x233: {  	_ = 	snop;
	(pc) =	sbr.rel .LBB2_7-.Ltmp7, $4  }
0x234: {  	s1 =	simm.s32 $0x18400  }
0x235: {  	[tilespmem:s1], [sflag:$0x3] =	stream.indirect_vreg.gather [hbm4b:s3+s2], $0x80, v4, vm0, $0xb8;
	[tilespmem:$0x19400] =	vst v63  }
0x236: {  	s1 =	simm.s32 $0x18C00  }
0x237: {  	[tilespmem:s1], [sflag:$0x3] =	stream.indirect_vreg.gather [hbm4b:s3+s2], $0x80, v3, vm0, $0xb8;
	[tilespmem:$0x19400] =	vst v63  }
.LBB2_9:
0x238: {  	_ =	sfence.sel $0x180000  }
0x239: {  	[bflag:$0x0] =	sbarrier.arrive $0xFFFF  }
0x23a: {  	_ =	strace $0x9000004A  }
0x23b: {  	s0 =	stileid.u32;
	[bflag:$0x2] =	sbarrier.arrive $0xFFFF  }
0x23c: {  	p0 =	sne.s32 s0, $0x0;
	s0 =	rddreg [dreg:$0x1]  }
0x23d: {  	s0 =	sadd.s32 @!p0 $0x100000, s0  }
0x23e: {  	[sflag:s0] =	ssyncadd.tile.s32 @!p0 $0x1;
	_ =	shalt  }
.Lfunc_end2:
_tile_overlayer_lowered:
.L_overlay_start_2:
0x23f: {  	(tag) =	ssettag $0x2  }
0x240: {  	s0 =	rddreg [dreg:$0x0];
	s2 =	stileid.u32  }
0x241: {  	s1 =	rddreg [dreg:$0x1];
	p0 =	sne.s32 s2, $0x0  }
0x242: {  	s3 =	rddreg [dreg:$0x2];
	[bflag:$0x3] =	sbarrier.arrive $0xFFFF;
	s2 =	simm.s32 @!p0 $0x1C04  }
0x243: {  	[timem:s3], [sflag:s2] =	dma.local @!p0 [hbm:s0], s1  }
0x244: {  	s0 =	simm.s32 @!p0 $0x4  }
0x245: {  	_ =	swait.ge @!p0 [sflag:s0], s1  }
0x246: {  	s1 =	ssub.s32 @!p0 $0x0, s1;
	[sflag:s0] =	ssyncset.done @!p0 $0x0  }
0x247: {  	[sflag:s0] =	ssyncadd.s32 @!p0 s1  }
0x248: {  	[bflag:$0x3] =	sbarrier.arrive $0xFFFF  }
0x249: {  	_ =	shalt  }

// kernel: kernel.15.cloned.1.call-start
scs
__scs_entry_jumppad:
0x0: {  	(pc) =	sbr.rel $0x88, $3  }
0x1: {  	(tag) =	ssettag $0x0;
	lr =	simm.s32 $0x1  }
0x2: {  	[smem:$0x3F54] =	sst lr;
	_ =	strace $0xD0000000  }
0x3: {  	_ = 	snop  }
0x4: {  	_ = 	snop  }
0x5: {  	_ = 	snop  }
0x6: {  	_ = 	snop  }
0x7: {  	_ = 	snop  }
__scs_overlays_trampoline_lowered:
0x8: {  	[smem:$0x3F63] =	sst s0  }
0x9: {  	[smem:$0x3F64] =	sst s1  }
0xa: {  	[smem:$0x3F65] =	sst s2  }
0xb: {  	[smem:$0x3F66] =	sst s3  }
0xc: {  	[smem:$0x3F67] =	sst s4  }
0xd: {  	[smem:$0x3F68] =	sst s5  }
0xe: {  	[smem:$0x3F69] =	sst s6  }
0xf: {  	[smem:$0x3F6A] =	sst s7  }
0x10: {  	[smem:$0x3F6B] =	sst s8  }
0x11: {  	[smem:$0x3F6C] =	sst s9;
	s0 =	simm.s32 @!p0 $0x0  }
0x12: {  	s1 =	sld [smem:$0x3F52];
	s0 =	simm.s32 @p0 $0x1  }
0x13: {  	[smem:$0x3F6D] =	sst s0;
	s0 =	simm.s32 @!p1 $0x0  }
0x14: {  	s2 =	sld [smem:$0x3F51];
	s0 =	simm.s32 @p1 $0x1  }
0x15: {  	[smem:$0x3F6E] =	sst s0;
	s0 =	simm.s32 @!p2 $0x0  }
0x16: {  	s3 =	sld [smem:$0x3FDB];
	s0 =	simm.s32 @p2 $0x1  }
0x17: {  	s4 =	simm.s32 $0x1BF5;
	[smem:$0x3F70] =	sst s0  }
0x18: {  	s0 =	sld [smem:$0x3F53];
	_ =	swait.ge [sflag:s4], $0x0  }
0x19: {  	s7 =	sld [smem:$0x3F54]  }
0x1a: {  	s8 =	sadd.s32 $0xFFFFE003, lr  }
0x1b: {  	s9 =	sadd.s32 $0xFFFFFEF7, lr;
	s5 =	simm.s32 $0xFFFFFFFF;
	p2 =	slt.u32 s8, $0xFFFFF086  }
0x1c: {  	p1 =	slt.u32 s9, $0xF7A;
	s5 =	simm.s32 @!p2 $0x0  }
0x1d: {  	s5 =	simm.s32 @p1 $0x1;
	p0 =	seq.s32 s7, s2  }
0x1e: {  	s7 =	smul.u32 @!p0 $0xF7A, s2;
	p2 =	seq.s32 @!p0 s5, $0x0  }
0x1f: {  	s9 =	smul.u32 $0xF7A, s1;
	s8 =	simm.s32 @!p0 $0x1BF5;
	p2 =	por !p2, p0  }
0x20: {  	[sflag:s8] =	ssyncset.s32 @!p0 $0xFFFFF086;
	s6 =	sadd.s32 @!p0 s3, s7;
	s7 =	simm.s32 @!p0 $0x108  }
0x21: {  	s3 =	sadd.s32 s3, s9;
	s6 =	sadd.s32 @!p0 $0x88, s6;
	s7 =	simm.s32 @p2 $0x1082  }
0x22: {  	[simem:s7], [sflag:s8] =	dma.local @!p0 [hbm:s6], $0xF7A  }
0x23: {  	s9 =	sor.u32 $0xD0000000, s2;
	s6 =	simm.s32 $0x108;
	_ =	swait.ge @!p0 [sflag:s8], $0x0  }
0x24: {  	s3 =	sadd.s32 $0x88, s3;
	s6 =	simm.s32 @!p1 $0x1082;
	[sflag:s4] =	ssyncset.s32 $0xFFFFF086  }
0x25: {  	[simem:s6], [sflag:s4] =	dma.local [hbm:s3], $0xF7A  }
0x26: {  	[smem:$0x3F54] =	sst s1;
	(tag) =	ssettag s2;
	_ =	strace s9  }
0x27: {  	s1 =	sld [smem:$0x3F64]  }
0x28: {  	s2 =	sld [smem:$0x3F65]  }
0x29: {  	s4 =	sld [smem:$0x3F67]  }
0x2a: {  	p0 =	seq.s32 s5, $0x0;
	s5 =	sld [smem:$0x3F68]  }
0x2b: {  	s6 =	sld [smem:$0x3F69]  }
0x2c: {  	s7 =	sld [smem:$0x3F6A]  }
0x2d: {  	s3 =	simm.s32 $0x108;
	s8 =	sld [smem:$0x3F6B]  }
0x2e: {  	s3 =	simm.s32 @!p0 $0x1082;
	s9 =	sld [smem:$0x3F6C]  }
0x2f: {  	lr =	sadd.s32 s0, s3;
	s0 =	sld [smem:$0x3F63]  }
0x30: {  	s3 =	sld [smem:$0x3F66]  }
0x31: {  	[smem:$0x3F6F] =	sst s10  }
0x32: {  	s10 =	sld [smem:$0x3F6D];
	_ =	sdelay $0x3  }
0x33: {  	p0 =	seq.s32 s10, $0x1;
	s10 =	sld [smem:$0x3F6F];
	_ =	sdelay $0x3  }
0x34: {  	[smem:$0x3F6F] =	sst s10  }
0x35: {  	s10 =	sld [smem:$0x3F6E];
	_ =	sdelay $0x3  }
0x36: {  	p1 =	seq.s32 s10, $0x1;
	s10 =	sld [smem:$0x3F6F];
	_ =	sdelay $0x3  }
0x37: {  	[smem:$0x3F6F] =	sst s10  }
0x38: {  	s10 =	sld [smem:$0x3F70]  }
0x39: {  	_ = 	snop;
	(pc) =	sbr.ind lr, $3  }
0x3a: {  	_ = 	snop  }
0x3b: {  	_ = 	snop  }
0x3c: {  	p2 =	seq.s32 s10, $0x1;
	s10 =	sld [smem:$0x3F6F]  }
0x3d: {  	_ =	shalt  }
0x3e: {  	_ =	shalt  }
0x3f: {  	_ =	shalt  }
0x40: {  	_ =	shalt  }
0x41: {  	_ =	shalt  }
0x42: {  	_ =	shalt  }
0x43: {  	_ =	shalt  }
0x44: {  	_ =	shalt  }
0x45: {  	_ =	shalt  }
0x46: {  	_ =	shalt  }
0x47: {  	_ =	shalt  }
0x48: {  	_ =	shalt  }
0x49: {  	_ =	shalt  }
0x4a: {  	_ =	shalt  }
0x4b: {  	_ =	shalt  }
0x4c: {  	_ =	shalt  }
0x4d: {  	_ =	shalt  }
0x4e: {  	_ =	shalt  }
0x4f: {  	_ =	shalt  }
0x50: {  	_ =	shalt  }
0x51: {  	_ =	shalt  }
0x52: {  	_ =	shalt  }
0x53: {  	_ =	shalt  }
0x54: {  	_ =	shalt  }
0x55: {  	_ =	shalt  }
0x56: {  	_ =	shalt  }
0x57: {  	_ =	shalt  }
0x58: {  	_ =	shalt  }
0x59: {  	_ =	shalt  }
0x5a: {  	_ =	shalt  }
0x5b: {  	_ =	shalt  }
0x5c: {  	_ =	shalt  }
0x5d: {  	_ =	shalt  }
0x5e: {  	_ =	shalt  }
0x5f: {  	_ =	shalt  }
0x60: {  	_ =	shalt  }
0x61: {  	_ =	shalt  }
0x62: {  	_ =	shalt  }
0x63: {  	_ =	shalt  }
0x64: {  	_ =	shalt  }
0x65: {  	_ =	shalt  }
0x66: {  	_ =	shalt  }
0x67: {  	_ =	shalt  }
0x68: {  	_ =	shalt  }
0x69: {  	_ =	shalt  }
0x6a: {  	_ =	shalt  }
0x6b: {  	_ =	shalt  }
0x6c: {  	_ =	shalt  }
0x6d: {  	_ =	shalt  }
0x6e: {  	_ =	shalt  }
0x6f: {  	_ =	shalt  }
0x70: {  	_ =	shalt  }
0x71: {  	_ =	shalt  }
0x72: {  	_ =	shalt  }
0x73: {  	_ =	shalt  }
0x74: {  	_ =	shalt  }
0x75: {  	_ =	shalt  }
0x76: {  	_ =	shalt  }
0x77: {  	_ =	shalt  }
0x78: {  	_ =	shalt  }
0x79: {  	_ =	shalt  }
0x7a: {  	_ =	shalt  }
0x7b: {  	_ =	shalt  }
0x7c: {  	_ =	shalt  }
0x7d: {  	_ =	shalt  }
0x7e: {  	_ =	shalt  }
0x7f: {  	_ =	shalt  }
0x80: {  	_ =	shalt  }
0x81: {  	_ =	shalt  }
0x82: {  	_ =	shalt  }
0x83: {  	_ =	shalt  }
0x84: {  	_ =	shalt  }
0x85: {  	_ =	shalt  }
0x86: {  	_ =	shalt  }
0x87: {  	_ =	shalt  }
.Lfunc_end0:
.L_simem_size_0:
called_computation.2_lowered:
.L_overlay_start_0:
0x88: {  	s2 =	sld [smem:$0x3FD9]  }
0x89: {  	s3 =	sld [smem:$0x3FFE];
	_ =	sdelay $0x1  }
0x8a: {  	s1 =	srdreg.scid  }
0x8b: {  	s0 =	sand.u32 $0x1, s1  }
0x8c: {  	s16 =	sshll.u32 s0, $0xA;
	s2 =	sadd.s32 s3, s2  }
0x8d: {  	s2 =	sadd.s32 s2, s16  }
0x8e: {  	[smem:$0x3F7B] =	sst s2  }
0x8f: {  	_ = 	snop  }
0x90: {  	(tm) =	ssettm $0x1  }
0x91: {  	s17 =	sld [smem:$0x3FFB];
	_ =	sdelay $0x3  }
0x92: {  	_ =	strace s17  }
0x93: {  	s2 =	sld [smem:$0x3FFC];
	_ =	sdelay $0x3  }
0x94: {  	_ =	strace s2  }
0x95: {  	s2 =	sld [smem:$0x3FFD];
	_ =	sdelay $0x3  }
0x96: {  	_ =	strace s2  }
0x97: {  	_ =	strace $0x8FFFFFFF  }
0x98: {  	s18 =	sld [smem:$0x3FDB];
	_ =	sdelay $0x1  }
0x99: {  	s19 =	simm.s32 $_scs_section_size  }
0x9a: {  	s4 =	simm.s32 $_size__tile_overlayer_lowered;
	s5 =	simm.s32 $_tile_overlayer_lowered  }
0x9b: {  	s22 =	simm.s32 $0x1BFF;
	s21 =	sshll.u32 s5, $0x1;
	s2 =	sadd.s32 s19, s18  }
0x9c: {  	s6 =	simm.s32 $0x0;
	s20 =	sshll.u32 s4, $0x1;
	s4 =	sadd.s32 s21, s2  }
0x9d: {  	[timem:s6], [sflag:s22] =	dma.local [hbm:s4], s20  }
0x9e: {  	_ =	swait.ge [sflag:s22], s20  }
0x9f: {  	s3 =	ssub.s32 $0x0, s20;
	[sflag:s22] =	ssyncset.done $0x0  }
0xa0: {  	[sflag:s22] =	ssyncadd.s32 s3;
	_ =	sdelay $0x1  }
0xa1: {  	s23 =	simm.s32 $0x1B8B  }
0xa2: {  	_ =	swait.ge [sflag:s23], $0x1  }
0xa3: {  	[sflag:s23] =	ssyncset.done $0x0  }
0xa4: {  	s25 =	simm.s32 $0x1B8E;
	s24 =	sld [smem:$0x3FFE];
	[sflag:s23] =	ssyncadd.s32 $0xFFFFFFFF  }
0xa5: {  	s26 =	simm.s32 $execute0_lowered;
	[smem:$0x3FD2] =	sst s25  }
0xa6: {  	s4 =	sshll.u32 s26, $0x1;
	_ =	strace $0x8000004C;
	[dreg:$0x1] =	wrdreg $0xFFFFFFFF  }
0xa7: {  	s28 =	simm.s32 $_size_execute0_lowered;
	s2 =	sadd.s32 s2, s4;
	[dreg:$0x0] =	wrdreg $0x0  }
0xa8: {  	s4 =	sshll.u32 s28, $0x1;
	[dreg:$0x2] =	wrdreg s2  }
0xa9: {  	[dreg:$0x3] =	wrdreg s4  }
0xaa: {  	[dreg:$0x4] =	wrdreg $0xC0  }
0xab: {  	_ =	task [dreg:s6], $0x5FFFF  }
0xac: {  	[dreg:$0x1] =	wrdreg $0xFFFFFFFF  }
0xad: {  	[dreg:$0x0] =	wrdreg $0x60  }
0xae: {  	[dreg:$0x2] =	wrdreg s24  }
0xaf: {  	[dreg:$0x3] =	wrdreg $0x9  }
0xb0: {  	_ =	task.clear_ibuf [dreg:s6], $0x4FFFF;
	_ =	strace $0x9000004C  }
0xb1: {  	s29 =	simm.s32 $0x9;
	_ =	strace $0x8000004E  }
0xb2: {  	_ =	swait.ge [sflag:s29], $0x1  }
0xb3: {  	[sflag:s29] =	ssyncadd.s32 $0xFFFFFFFF  }
0xb4: {  	_ =	strace $0x9000004E  }
0xb5: {  	_ =	sfence  }
0xb6: {  	s30 =	sld [smem:$0x0];
	_ =	sdelay $0x2  }
0xb7: {  	s31 =	sshll.u32 s1, $0xD;
	s1 =	sshrl.u32 s1, $0x2  }
0xb8: {  	s3 =	sand.u32 $0x4000, s31;
	s1 =	sadd.s32 s1, s30  }
0xb9: {  	s0 =	sor.u32 s3, s0;
	s1 =	sshll.u32 s1, $0x11  }
0xba: {  	s0 =	sor.u32 s1, s0  }
0xbb: {  	s0 =	sadd.s32 $0x8F2B, s0  }
0xbc: {  	[sflag:s0] =	ssyncadd.remote.s32 $0x1  }
0xbd: {  	_ =	sfence.sel $0xFFFF  }
0xbe: {  	[dreg:$0x0] =	wrdreg $0xFFFFFFFF;
	(pc) =	sbr.abs _section_cstart, $3  }
0xbf: {  	[dreg:$0x1] =	wrdreg $0xFFFFFFFF  }
0xc0: {  	_ =	task.clear_ibuf [dreg:s6], $0x2FFFF;
	_ =	strace $0x9FFFFFFF  }
0xc1: {  	(tm) =	ssettm $0x7FFFFFFF  }
tec
execute0_lowered:
.L_overlay_start_1:
0x0: {  	(tag) =	ssettag $0x1  }
0x1: {  	s0 =	srdreg.scid  }
0x2: {  	s9 =	stileid.u32;
	s1 =	rddreg [dreg:$0x0]  }
0x3: {  	s2 =	simm.s32 $0x0;
	s10 =	simm.s32 $0x1400;
	s11 =	simm.s32 $0x1C00  }
0x4: {  	s12 =	simm.s32 $0x2400;
	s13 =	simm.s32 $0x2C00;
	s14 =	simm.s32 $0x3400  }
0x5: {  	s15 =	simm.s32 $0x3C00;
	s16 =	simm.s32 $0x4400;
	s17 =	simm.s32 $0x4C00  }
0x6: {  	s18 =	simm.s32 $0x5400;
	s19 =	simm.s32 $0x5C00;
	s20 =	simm.s32 $0x6400  }
0x7: {  	s21 =	simm.s32 $0x6C00;
	s22 =	simm.s32 $0x7400;
	s23 =	simm.s32 $0x7C00  }
0x8: {  	s24 =	simm.s32 $0x8400;
	s29 =	simm.s32 $0x1;
	s30 =	simm.s32 $0x2  }
0x9: {  	s31 =	simm.s32 $0x3;
	s0 =	sand.u32 $0x1, s0;
	s6 =	smul.u32 $0x280000, s9  }
0xa: {  	s3 =	sshll.u32 s9, $0x1;
	[smem:$0x7FF] =	sst s2;
	s25 =	smul.u32 $0x50000, s9  }
0xb: {  	s9 =	simm.s32 $0x4;
	s3 =	sor.u32 s0, s3;
	s8 =	smul.u32 $0x140000, s0  }
0xc: {  	_ =	strace $0x8000004D;
	s5 =	ssub.s32 $0x2, s0;
	s4 =	smul.u32 $0x280, s3  }
0xd: {  	s0 =	smul.u32 $0x28000, s0;
	s3 =	sadd.s32 $0x118A00, s1;
	s7 =	sshrl.u32 s5, $0x1  }
0xe: {  	s5 =	ssub.s32 s5, s7;
	s6 =	sadd.s32 s8, s6;
	s4 =	sadd.s32 s4, s1  }
0xf: {  	s1 =	sadd.s32 $0x1B8A00, s1;
	s5 =	smax.u32 s5, $0x1;
	s26 =	sor.u32 $0x8000, s6  }
.Ltmp0:
0x10: {  	s8 =	sor.u32 $0x10000, s6;
	s4 =	sadd.s32 $0x113A00, s4;
	(pc) =	sbr.rel .LBB2_1-.Ltmp0, $4  }
0x11: {  	[dreg:$0x3] =	wrdreg s5;
	s5 =	sshrl.u32 s26, $0x3;
	s28 =	sshrl.u32 s8, $0x3  }
0x12: {  	v2 =	vlaneseq.u32;
	s26 =	simm.s32 $0x9400;
	[dreg:$0x2] =	wrdreg s4;
	s4 =	sadd.s32 s25, s1  }
0x13: {  	vm0 =	vmmov $0xffff;
	v1 =	vshrl.u32 v2, $0x3;
	s7 =	sadd.s32 s5, s1;
	s8 =	sadd.s32 s28, s1;
	s25 =	simm.s32 $0x8C00  }
0x14: {  	v0 =	vand.u32 $0x7, v2;
	v2 =	vor.u32 $0x8, v2;
	v1 =	vmul.u32 $0x8, v1;
	s5 =	simm.s32 $0x11400;
	s1 =	simm.s32 $0x0;
	s6 =	sadd.s32 s0, s4  }
.LBB2_8:
0x15: {  	s1 =	rddreg [dreg:$0x4]  }
0x16: {  	s0 =	rddreg [dreg:$0x3];
	s1 =	sadd.s32 $0x1, s1  }
0x17: {  	p0 =	sne.s32 s1, s0  }
.Ltmp1:
0x18: {  	_ = 	snop;
	(pc) =	sbr.rel @!p0 .LBB2_9-.Ltmp1, $1  }
0x19: {  	_ =	sdelay $0x3  }
.LBB2_1:
0x1a: {  	[dreg:$0x4] =	wrdreg s1  }
0x1b: {  	s0 =	rddreg [dreg:$0x2]  }
0x1c: {  	[tilespmem:s2], [sflag:$0x4] =	stream.linear.gather [hbm4b:s0+s2], $0x1400, $0x38;
	[tilespmem:$0x19400] =	vst v63  }
0x1d: {  	_ =	swait.ge [sflag:s9], $0x1400  }
0x1e: {  	[sflag:s9] =	ssyncset.done $0x0  }
0x1f: {  	[sflag:s9] =	ssyncadd.s32 $0xFFFFEC00  }
0x20: {  	v3 =	vld [tilespmem:$0x0];
	_ =	sdelay $0x4  }
0x21: {  	v4 =	vshll.u32 v3, $0x1  }
0x22: {  	v3 =	vand.u32 $0x7, v3;
	v4 =	vand.u32 $0xFFFFFFF0, v4  }
0x23: {  	v3 =	vor.u32 v3, v4  }
0x24: {  	v4 =	vperm.xlane v3, v0;
	_ =	sdelay $0x1  }
0x25: {  	v3 =	vperm.xlane v3, v2;
	v4 =	vadd.s32 v1, v4;
	_ =	sdelay $0x1  }
0x26: {  	v3 =	vadd.s32 v1, v3;
	_ =	sdelay $0x2  }
0x27: {  	[tilespmem:s10], [sflag:$0x1] =	stream.indirect_vreg.gather [hbm4b:s3+s2], $0x80, v4, vm0, $0xb8;
	[tilespmem:$0x19400] =	vst v63  }
0x28: {  	_ = 	snop  }
0x29: {  	[tilespmem:s11], [sflag:$0x1] =	stream.indirect_vreg.gather [hbm4b:s3+s2], $0x80, v3, vm0, $0xb8;
	[tilespmem:$0x19400] =	vst v63  }
0x2a: {  	v3 =	vld [tilespmem:$0x10];
	_ =	sdelay $0x4  }
0x2b: {  	v41 =	vshll.u32 v3, $0x1  }
0x2c: {  	v3 =	vand.u32 $0x7, v3;
	v4 =	vand.u32 $0xFFFFFFF0, v41  }
0x2d: {  	v3 =	vor.u32 v3, v4  }
0x2e: {  	v4 =	vperm.xlane v3, v0;
	_ =	sdelay $0x1  }
0x2f: {  	v3 =	vperm.xlane v3, v2;
	v4 =	vadd.s32 v1, v4;
	_ =	sdelay $0x1  }
0x30: {  	v3 =	vadd.s32 v1, v3;
	_ =	sdelay $0x2  }
0x31: {  	[tilespmem:s12], [sflag:$0x1] =	stream.indirect_vreg.gather [hbm4b:s3+s2], $0x80, v4, vm0, $0xb8;
	[tilespmem:$0x19400] =	vst v63  }
0x32: {  	_ = 	snop  }
0x33: {  	[tilespmem:s13], [sflag:$0x1] =	stream.indirect_vreg.gather [hbm4b:s3+s2], $0x80, v3, vm0, $0xb8;
	[tilespmem:$0x19400] =	vst v63  }
0x34: {  	v3 =	vld [tilespmem:$0x20];
	_ =	sdelay $0x4  }
0x35: {  	v42 =	vshll.u32 v3, $0x1  }
0x36: {  	v3 =	vand.u32 $0x7, v3;
	v4 =	vand.u32 $0xFFFFFFF0, v42  }
0x37: {  	v3 =	vor.u32 v3, v4  }
0x38: {  	v4 =	vperm.xlane v3, v0;
	_ =	sdelay $0x1  }
0x39: {  	v3 =	vperm.xlane v3, v2;
	v4 =	vadd.s32 v1, v4;
	_ =	sdelay $0x1  }
0x3a: {  	v3 =	vadd.s32 v1, v3;
	_ =	sdelay $0x2  }
0x3b: {  	[tilespmem:s14], [sflag:$0x1] =	stream.indirect_vreg.gather [hbm4b:s3+s2], $0x80, v4, vm0, $0xb8;
	[tilespmem:$0x19400] =	vst v63  }
0x3c: {  	_ = 	snop  }
0x3d: {  	[tilespmem:s15], [sflag:$0x1] =	stream.indirect_vreg.gather [hbm4b:s3+s2], $0x80, v3, vm0, $0xb8;
	[tilespmem:$0x19400] =	vst v63  }
0x3e: {  	v3 =	vld [tilespmem:$0x30];
	_ =	sdelay $0x4  }
0x3f: {  	v43 =	vshll.u32 v3, $0x1  }
0x40: {  	v3 =	vand.u32 $0x7, v3;
	v4 =	vand.u32 $0xFFFFFFF0, v43  }
0x41: {  	v3 =	vor.u32 v3, v4  }
0x42: {  	v4 =	vperm.xlane v3, v0;
	_ =	sdelay $0x1  }
0x43: {  	v3 =	vperm.xlane v3, v2;
	v4 =	vadd.s32 v1, v4;
	_ =	sdelay $0x1  }
0x44: {  	v3 =	vadd.s32 v1, v3;
	_ =	sdelay $0x2  }
0x45: {  	[tilespmem:s16], [sflag:$0x1] =	stream.indirect_vreg.gather [hbm4b:s3+s2], $0x80, v4, vm0, $0xb8;
	[tilespmem:$0x19400] =	vst v63  }
0x46: {  	_ = 	snop  }
0x47: {  	[tilespmem:s17], [sflag:$0x1] =	stream.indirect_vreg.gather [hbm4b:s3+s2], $0x80, v3, vm0, $0xb8;
	[tilespmem:$0x19400] =	vst v63  }
0x48: {  	v3 =	vld [tilespmem:$0x40];
	_ =	sdelay $0x4  }
0x49: {  	v44 =	vshll.u32 v3, $0x1  }
0x4a: {  	v3 =	vand.u32 $0x7, v3;
	v4 =	vand.u32 $0xFFFFFFF0, v44  }
0x4b: {  	v3 =	vor.u32 v3, v4  }
0x4c: {  	v4 =	vperm.xlane v3, v0;
	_ =	sdelay $0x1  }
0x4d: {  	v3 =	vperm.xlane v3, v2;
	v4 =	vadd.s32 v1, v4;
	_ =	sdelay $0x1  }
0x4e: {  	v3 =	vadd.s32 v1, v3;
	_ =	sdelay $0x2  }
0x4f: {  	[tilespmem:s18], [sflag:$0x1] =	stream.indirect_vreg.gather [hbm4b:s3+s2], $0x80, v4, vm0, $0xb8;
	[tilespmem:$0x19400] =	vst v63  }
0x50: {  	_ = 	snop  }
0x51: {  	[tilespmem:s19], [sflag:$0x1] =	stream.indirect_vreg.gather [hbm4b:s3+s2], $0x80, v3, vm0, $0xb8;
	[tilespmem:$0x19400] =	vst v63  }
0x52: {  	v3 =	vld [tilespmem:$0x50];
	_ =	sdelay $0x4  }
0x53: {  	v45 =	vshll.u32 v3, $0x1  }
0x54: {  	v3 =	vand.u32 $0x7, v3;
	v4 =	vand.u32 $0xFFFFFFF0, v45  }
0x55: {  	v3 =	vor.u32 v3, v4  }
0x56: {  	v4 =	vperm.xlane v3, v0;
	_ =	sdelay $0x1  }
0x57: {  	v3 =	vperm.xlane v3, v2;
	v4 =	vadd.s32 v1, v4;
	_ =	sdelay $0x1  }
0x58: {  	v3 =	vadd.s32 v1, v3;
	_ =	sdelay $0x2  }
0x59: {  	[tilespmem:s20], [sflag:$0x1] =	stream.indirect_vreg.gather [hbm4b:s3+s2], $0x80, v4, vm0, $0xb8;
	[tilespmem:$0x19400] =	vst v63  }
0x5a: {  	_ = 	snop  }
0x5b: {  	[tilespmem:s21], [sflag:$0x1] =	stream.indirect_vreg.gather [hbm4b:s3+s2], $0x80, v3, vm0, $0xb8;
	[tilespmem:$0x19400] =	vst v63  }
0x5c: {  	v3 =	vld [tilespmem:$0x60];
	_ =	sdelay $0x4  }
0x5d: {  	v46 =	vshll.u32 v3, $0x1  }
0x5e: {  	v3 =	vand.u32 $0x7, v3;
	v4 =	vand.u32 $0xFFFFFFF0, v46  }
0x5f: {  	v3 =	vor.u32 v3, v4  }
0x60: {  	v4 =	vperm.xlane v3, v0;
	_ =	sdelay $0x1  }
0x61: {  	v3 =	vperm.xlane v3, v2;
	v4 =	vadd.s32 v1, v4;
	_ =	sdelay $0x1  }
0x62: {  	v3 =	vadd.s32 v1, v3;
	_ =	sdelay $0x2  }
0x63: {  	[tilespmem:s22], [sflag:$0x1] =	stream.indirect_vreg.gather [hbm4b:s3+s2], $0x80, v4, vm0, $0xb8;
	[tilespmem:$0x19400] =	vst v63  }
0x64: {  	_ = 	snop  }
0x65: {  	[tilespmem:s23], [sflag:$0x1] =	stream.indirect_vreg.gather [hbm4b:s3+s2], $0x80, v3, vm0, $0xb8;
	[tilespmem:$0x19400] =	vst v63  }
0x66: {  	v3 =	vld [tilespmem:$0x70];
	_ =	sdelay $0x4  }
0x67: {  	v47 =	vshll.u32 v3, $0x1  }
0x68: {  	v3 =	vand.u32 $0x7, v3;
	v4 =	vand.u32 $0xFFFFFFF0, v47  }
0x69: {  	v3 =	vor.u32 v3, v4  }
0x6a: {  	v4 =	vperm.xlane v3, v0;
	_ =	sdelay $0x1  }
0x6b: {  	v3 =	vperm.xlane v3, v2;
	v4 =	vadd.s32 v1, v4;
	_ =	sdelay $0x1  }
0x6c: {  	v3 =	vadd.s32 v1, v3;
	_ =	sdelay $0x2  }
0x6d: {  	[tilespmem:s24], [sflag:$0x1] =	stream.indirect_vreg.gather [hbm4b:s3+s2], $0x80, v4, vm0, $0xb8;
	[tilespmem:$0x19400] =	vst v63  }
0x6e: {  	_ = 	snop  }
0x6f: {  	[tilespmem:s25], [sflag:$0x1] =	stream.indirect_vreg.gather [hbm4b:s3+s2], $0x80, v3, vm0, $0xb8;
	[tilespmem:$0x19400] =	vst v63  }
0x70: {  	v3 =	vld [tilespmem:$0x80];
	_ =	sdelay $0x4  }
0x71: {  	v48 =	vshll.u32 v3, $0x1  }
0x72: {  	v3 =	vand.u32 $0x7, v3;
	v4 =	vand.u32 $0xFFFFFFF0, v48  }
0x73: {  	v3 =	vor.u32 v3, v4  }
0x74: {  	v4 =	vperm.xlane v3, v0;
	_ =	sdelay $0x1  }
0x75: {  	v3 =	vperm.xlane v3, v2;
	v4 =	vadd.s32 v1, v4;
	_ =	sdelay $0x1  }
0x76: {  	v3 =	vadd.s32 v1, v3;
	_ =	sdelay $0x2  }
0x77: {  	[tilespmem:s26], [sflag:$0x2] =	stream.indirect_vreg.gather [hbm4b:s3+s2], $0x80, v4, vm0, $0xb8;
	[tilespmem:$0x19400] =	vst v63  }
0x78: {  	s1 =	simm.s32 $0x9C00  }
0x79: {  	[tilespmem:s1], [sflag:$0x2] =	stream.indirect_vreg.gather [hbm4b:s3+s2], $0x80, v3, vm0, $0xb8;
	[tilespmem:$0x19400] =	vst v63  }
0x7a: {  	v3 =	vld [tilespmem:$0x90];
	_ =	sdelay $0x4  }
0x7b: {  	v49 =	vshll.u32 v3, $0x1  }
0x7c: {  	v3 =	vand.u32 $0x7, v3;
	v4 =	vand.u32 $0xFFFFFFF0, v49  }
0x7d: {  	v3 =	vor.u32 v3, v4  }
0x7e: {  	v4 =	vperm.xlane v3, v0;
	_ =	sdelay $0x1  }
0x7f: {  	v3 =	vperm.xlane v3, v2;
	v4 =	vadd.s32 v1, v4;
	_ =	sdelay $0x1  }
0x80: {  	v3 =	vadd.s32 v1, v3;
	_ =	sdelay $0x1  }
0x81: {  	s4 =	simm.s32 $0xA400  }
0x82: {  	[tilespmem:s4], [sflag:$0x2] =	stream.indirect_vreg.gather [hbm4b:s3+s2], $0x80, v4, vm0, $0xb8;
	[tilespmem:$0x19400] =	vst v63  }
0x83: {  	s1 =	simm.s32 $0xAC00  }
0x84: {  	[tilespmem:s1], [sflag:$0x2] =	stream.indirect_vreg.gather [hbm4b:s3+s2], $0x80, v3, vm0, $0xb8;
	[tilespmem:$0x19400] =	vst v63  }
0x85: {  	v3 =	vld [tilespmem:$0xA0];
	_ =	sdelay $0x4  }
0x86: {  	v50 =	vshll.u32 v3, $0x1  }
0x87: {  	v3 =	vand.u32 $0x7, v3;
	v4 =	vand.u32 $0xFFFFFFF0, v50  }
0x88: {  	v3 =	vor.u32 v3, v4  }
0x89: {  	v4 =	vperm.xlane v3, v0;
	_ =	sdelay $0x1  }
0x8a: {  	v3 =	vperm.xlane v3, v2;
	v4 =	vadd.s32 v1, v4;
	_ =	sdelay $0x1  }
0x8b: {  	v3 =	vadd.s32 v1, v3;
	_ =	sdelay $0x1  }
0x8c: {  	s4 =	simm.s32 $0xB400  }
0x8d: {  	[tilespmem:s4], [sflag:$0x2] =	stream.indirect_vreg.gather [hbm4b:s3+s2], $0x80, v4, vm0, $0xb8;
	[tilespmem:$0x19400] =	vst v63  }
0x8e: {  	s1 =	simm.s32 $0xBC00  }
0x8f: {  	[tilespmem:s1], [sflag:$0x2] =	stream.indirect_vreg.gather [hbm4b:s3+s2], $0x80, v3, vm0, $0xb8;
	[tilespmem:$0x19400] =	vst v63  }
0x90: {  	v3 =	vld [tilespmem:$0xB0];
	_ =	sdelay $0x4  }
0x91: {  	v51 =	vshll.u32 v3, $0x1  }
0x92: {  	v3 =	vand.u32 $0x7, v3;
	v4 =	vand.u32 $0xFFFFFFF0, v51  }
0x93: {  	v3 =	vor.u32 v3, v4  }
0x94: {  	v4 =	vperm.xlane v3, v0;
	_ =	sdelay $0x1  }
0x95: {  	v3 =	vperm.xlane v3, v2;
	v4 =	vadd.s32 v1, v4;
	_ =	sdelay $0x1  }
0x96: {  	v3 =	vadd.s32 v1, v3;
	_ =	sdelay $0x1  }
0x97: {  	s4 =	simm.s32 $0xC400  }
0x98: {  	[tilespmem:s4], [sflag:$0x2] =	stream.indirect_vreg.gather [hbm4b:s3+s2], $0x80, v4, vm0, $0xb8;
	[tilespmem:$0x19400] =	vst v63  }
0x99: {  	s1 =	simm.s32 $0xCC00  }
0x9a: {  	[tilespmem:s1], [sflag:$0x2] =	stream.indirect_vreg.gather [hbm4b:s3+s2], $0x80, v3, vm0, $0xb8;
	[tilespmem:$0x19400] =	vst v63  }
0x9b: {  	v3 =	vld [tilespmem:$0xC0];
	_ =	sdelay $0x4  }
0x9c: {  	v52 =	vshll.u32 v3, $0x1  }
0x9d: {  	v3 =	vand.u32 $0x7, v3;
	v4 =	vand.u32 $0xFFFFFFF0, v52  }
0x9e: {  	v3 =	vor.u32 v3, v4  }
0x9f: {  	v4 =	vperm.xlane v3, v0;
	_ =	sdelay $0x1  }
0xa0: {  	v3 =	vperm.xlane v3, v2;
	v4 =	vadd.s32 v1, v4;
	_ =	sdelay $0x1  }
0xa1: {  	v3 =	vadd.s32 v1, v3;
	_ =	sdelay $0x1  }
0xa2: {  	s4 =	simm.s32 $0xD400  }
0xa3: {  	[tilespmem:s4], [sflag:$0x2] =	stream.indirect_vreg.gather [hbm4b:s3+s2], $0x80, v4, vm0, $0xb8;
	[tilespmem:$0x19400] =	vst v63  }
0xa4: {  	s1 =	simm.s32 $0xDC00  }
0xa5: {  	[tilespmem:s1], [sflag:$0x2] =	stream.indirect_vreg.gather [hbm4b:s3+s2], $0x80, v3, vm0, $0xb8;
	[tilespmem:$0x19400] =	vst v63  }
0xa6: {  	v3 =	vld [tilespmem:$0xD0];
	_ =	sdelay $0x4  }
0xa7: {  	v53 =	vshll.u32 v3, $0x1  }
0xa8: {  	v3 =	vand.u32 $0x7, v3;
	v4 =	vand.u32 $0xFFFFFFF0, v53  }
0xa9: {  	v3 =	vor.u32 v3, v4  }
0xaa: {  	v4 =	vperm.xlane v3, v0;
	_ =	sdelay $0x1  }
0xab: {  	v3 =	vperm.xlane v3, v2;
	v4 =	vadd.s32 v1, v4;
	_ =	sdelay $0x1  }
0xac: {  	v3 =	vadd.s32 v1, v3;
	_ =	sdelay $0x1  }
0xad: {  	s4 =	simm.s32 $0xE400  }
0xae: {  	[tilespmem:s4], [sflag:$0x2] =	stream.indirect_vreg.gather [hbm4b:s3+s2], $0x80, v4, vm0, $0xb8;
	[tilespmem:$0x19400] =	vst v63  }
0xaf: {  	s1 =	simm.s32 $0xEC00  }
0xb0: {  	[tilespmem:s1], [sflag:$0x2] =	stream.indirect_vreg.gather [hbm4b:s3+s2], $0x80, v3, vm0, $0xb8;
	[tilespmem:$0x19400] =	vst v63  }
0xb1: {  	v3 =	vld [tilespmem:$0xE0];
	_ =	sdelay $0x4  }
0xb2: {  	v54 =	vshll.u32 v3, $0x1  }
0xb3: {  	v3 =	vand.u32 $0x7, v3;
	v4 =	vand.u32 $0xFFFFFFF0, v54  }
0xb4: {  	v3 =	vor.u32 v3, v4  }
0xb5: {  	v4 =	vperm.xlane v3, v0;
	_ =	sdelay $0x1  }
0xb6: {  	v3 =	vperm.xlane v3, v2;
	v4 =	vadd.s32 v1, v4;
	_ =	sdelay $0x1  }
0xb7: {  	v3 =	vadd.s32 v1, v3;
	_ =	sdelay $0x1  }
0xb8: {  	s4 =	simm.s32 $0xF400  }
0xb9: {  	[tilespmem:s4], [sflag:$0x2] =	stream.indirect_vreg.gather [hbm4b:s3+s2], $0x80, v4, vm0, $0xb8;
	[tilespmem:$0x19400] =	vst v63  }
0xba: {  	s1 =	simm.s32 $0xFC00  }
0xbb: {  	[tilespmem:s1], [sflag:$0x2] =	stream.indirect_vreg.gather [hbm4b:s3+s2], $0x80, v3, vm0, $0xb8;
	[tilespmem:$0x19400] =	vst v63  }
0xbc: {  	v3 =	vld [tilespmem:$0xF0];
	_ =	sdelay $0x4  }
0xbd: {  	v55 =	vshll.u32 v3, $0x1  }
0xbe: {  	v3 =	vand.u32 $0x7, v3;
	v4 =	vand.u32 $0xFFFFFFF0, v55  }
0xbf: {  	v3 =	vor.u32 v3, v4  }
0xc0: {  	v4 =	vperm.xlane v3, v0;
	_ =	sdelay $0x1  }
0xc1: {  	v3 =	vperm.xlane v3, v2;
	v4 =	vadd.s32 v1, v4;
	_ =	sdelay $0x1  }
0xc2: {  	v3 =	vadd.s32 v1, v3;
	_ =	sdelay $0x1  }
0xc3: {  	s4 =	simm.s32 $0x10400  }
0xc4: {  	[tilespmem:s4], [sflag:$0x2] =	stream.indirect_vreg.gather [hbm4b:s3+s2], $0x80, v4, vm0, $0xb8;
	[tilespmem:$0x19400] =	vst v63  }
0xc5: {  	s1 =	simm.s32 $0x10C00  }
0xc6: {  	[tilespmem:s1], [sflag:$0x2] =	stream.indirect_vreg.gather [hbm4b:s3+s2], $0x80, v3, vm0, $0xb8;
	[tilespmem:$0x19400] =	vst v63  }
0xc7: {  	v3 =	vld [tilespmem:$0x100];
	_ =	sdelay $0x4  }
0xc8: {  	v56 =	vshll.u32 v3, $0x1  }
0xc9: {  	v3 =	vand.u32 $0x7, v3;
	v4 =	vand.u32 $0xFFFFFFF0, v56  }
0xca: {  	v3 =	vor.u32 v3, v4  }
0xcb: {  	v4 =	vperm.xlane v3, v0;
	_ =	sdelay $0x1  }
0xcc: {  	v3 =	vperm.xlane v3, v2;
	v4 =	vadd.s32 v1, v4;
	_ =	sdelay $0x1  }
0xcd: {  	v3 =	vadd.s32 v1, v3;
	_ =	sdelay $0x2  }
0xce: {  	[tilespmem:s5], [sflag:$0x3] =	stream.indirect_vreg.gather [hbm4b:s3+s2], $0x80, v4, vm0, $0xb8;
	[tilespmem:$0x19400] =	vst v63  }
0xcf: {  	s4 =	simm.s32 $0x11C00  }
0xd0: {  	[tilespmem:s4], [sflag:$0x3] =	stream.indirect_vreg.gather [hbm4b:s3+s2], $0x80, v3, vm0, $0xb8;
	[tilespmem:$0x19400] =	vst v63  }
0xd1: {  	v3 =	vld [tilespmem:$0x110];
	_ =	sdelay $0x4  }
0xd2: {  	v57 =	vshll.u32 v3, $0x1  }
0xd3: {  	v3 =	vand.u32 $0x7, v3;
	v4 =	vand.u32 $0xFFFFFFF0, v57  }
0xd4: {  	v3 =	vor.u32 v3, v4  }
0xd5: {  	v4 =	vperm.xlane v3, v0;
	_ =	sdelay $0x1  }
0xd6: {  	v3 =	vperm.xlane v3, v2;
	v4 =	vadd.s32 v1, v4;
	_ =	sdelay $0x1  }
0xd7: {  	v3 =	vadd.s32 v1, v3;
	_ =	sdelay $0x1  }
0xd8: {  	s1 =	simm.s32 $0x12400  }
0xd9: {  	[tilespmem:s1], [sflag:$0x3] =	stream.indirect_vreg.gather [hbm4b:s3+s2], $0x80, v4, vm0, $0xb8;
	[tilespmem:$0x19400] =	vst v63  }
0xda: {  	s4 =	simm.s32 $0x12C00  }
0xdb: {  	[tilespmem:s4], [sflag:$0x3] =	stream.indirect_vreg.gather [hbm4b:s3+s2], $0x80, v3, vm0, $0xb8;
	[tilespmem:$0x19400] =	vst v63  }
0xdc: {  	v3 =	vld [tilespmem:$0x120];
	_ =	sdelay $0x4  }
0xdd: {  	v58 =	vshll.u32 v3, $0x1  }
0xde: {  	v3 =	vand.u32 $0x7, v3;
	v4 =	vand.u32 $0xFFFFFFF0, v58  }
0xdf: {  	v3 =	vor.u32 v3, v4  }
0xe0: {  	v4 =	vperm.xlane v3, v0;
	_ =	sdelay $0x1  }
0xe1: {  	v3 =	vperm.xlane v3, v2;
	v4 =	vadd.s32 v1, v4;
	_ =	sdelay $0x1  }
0xe2: {  	v3 =	vadd.s32 v1, v3;
	_ =	sdelay $0x1  }
0xe3: {  	s1 =	simm.s32 $0x13400  }
0xe4: {  	[tilespmem:s1], [sflag:$0x3] =	stream.indirect_vreg.gather [hbm4b:s3+s2], $0x80, v4, vm0, $0xb8;
	[tilespmem:$0x19400] =	vst v63  }
0xe5: {  	s4 =	simm.s32 $0x13C00  }
0xe6: {  	[tilespmem:s4], [sflag:$0x3] =	stream.indirect_vreg.gather [hbm4b:s3+s2], $0x80, v3, vm0, $0xb8;
	[tilespmem:$0x19400] =	vst v63  }
0xe7: {  	v3 =	vld [tilespmem:$0x130];
	_ =	sdelay $0x4  }
0xe8: {  	v59 =	vshll.u32 v3, $0x1  }
0xe9: {  	v3 =	vand.u32 $0x7, v3;
	v4 =	vand.u32 $0xFFFFFFF0, v59  }
0xea: {  	v3 =	vor.u32 v3, v4  }
0xeb: {  	v4 =	vperm.xlane v3, v0;
	_ =	sdelay $0x1  }
0xec: {  	v3 =	vperm.xlane v3, v2;
	v4 =	vadd.s32 v1, v4;
	_ =	sdelay $0x1  }
0xed: {  	v3 =	vadd.s32 v1, v3;
	_ =	sdelay $0x1  }
0xee: {  	s1 =	simm.s32 $0x14400  }
0xef: {  	[tilespmem:s1], [sflag:$0x3] =	stream.indirect_vreg.gather [hbm4b:s3+s2], $0x80, v4, vm0, $0xb8;
	[tilespmem:$0x19400] =	vst v63  }
0xf0: {  	s4 =	simm.s32 $0x14C00  }
0xf1: {  	[tilespmem:s4], [sflag:$0x3] =	stream.indirect_vreg.gather [hbm4b:s3+s2], $0x80, v3, vm0, $0xb8;
	[tilespmem:$0x19400] =	vst v63  }
0xf2: {  	v3 =	vld [tilespmem:$0x140];
	_ =	sdelay $0x4  }
0xf3: {  	v60 =	vshll.u32 v3, $0x1  }
0xf4: {  	v3 =	vand.u32 $0x7, v3;
	v4 =	vand.u32 $0xFFFFFFF0, v60  }
0xf5: {  	v3 =	vor.u32 v3, v4  }
0xf6: {  	v4 =	vperm.xlane v3, v0;
	_ =	sdelay $0x1  }
0xf7: {  	v3 =	vperm.xlane v3, v2;
	v4 =	vadd.s32 v1, v4;
	_ =	sdelay $0x1  }
0xf8: {  	v3 =	vadd.s32 v1, v3;
	_ =	sdelay $0x1  }
0xf9: {  	s1 =	simm.s32 $0x15400  }
0xfa: {  	[tilespmem:s1], [sflag:$0x3] =	stream.indirect_vreg.gather [hbm4b:s3+s2], $0x80, v4, vm0, $0xb8;
	[tilespmem:$0x19400] =	vst v63  }
0xfb: {  	s4 =	simm.s32 $0x15C00  }
0xfc: {  	[tilespmem:s4], [sflag:$0x3] =	stream.indirect_vreg.gather [hbm4b:s3+s2], $0x80, v3, vm0, $0xb8;
	[tilespmem:$0x19400] =	vst v63  }
0xfd: {  	v3 =	vld [tilespmem:$0x150];
	_ =	sdelay $0x4  }
0xfe: {  	v61 =	vshll.u32 v3, $0x1  }
0xff: {  	v3 =	vand.u32 $0x7, v3;
	v4 =	vand.u32 $0xFFFFFFF0, v61  }
0x100: {  	v3 =	vor.u32 v3, v4  }
0x101: {  	v4 =	vperm.xlane v3, v0;
	_ =	sdelay $0x1  }
0x102: {  	v3 =	vperm.xlane v3, v2;
	v4 =	vadd.s32 v1, v4;
	_ =	sdelay $0x1  }
0x103: {  	v3 =	vadd.s32 v1, v3;
	_ =	sdelay $0x1  }
0x104: {  	s1 =	simm.s32 $0x16400  }
0x105: {  	[tilespmem:s1], [sflag:$0x3] =	stream.indirect_vreg.gather [hbm4b:s3+s2], $0x80, v4, vm0, $0xb8;
	[tilespmem:$0x19400] =	vst v63  }
0x106: {  	s4 =	simm.s32 $0x16C00  }
0x107: {  	[tilespmem:s4], [sflag:$0x3] =	stream.indirect_vreg.gather [hbm4b:s3+s2], $0x80, v3, vm0, $0xb8;
	[tilespmem:$0x19400] =	vst v63  }
0x108: {  	v3 =	vld [tilespmem:$0x160];
	_ =	sdelay $0x4  }
0x109: {  	v62 =	vshll.u32 v3, $0x1  }
0x10a: {  	v3 =	vand.u32 $0x7, v3;
	v4 =	vand.u32 $0xFFFFFFF0, v62  }
0x10b: {  	v3 =	vor.u32 v3, v4  }
0x10c: {  	v4 =	vperm.xlane v3, v0;
	_ =	sdelay $0x1  }
0x10d: {  	v3 =	vperm.xlane v3, v2;
	v4 =	vadd.s32 v1, v4;
	_ =	sdelay $0x1  }
0x10e: {  	v3 =	vadd.s32 v1, v3;
	_ =	sdelay $0x1  }
0x10f: {  	s1 =	simm.s32 $0x17400  }
0x110: {  	[tilespmem:s1], [sflag:$0x3] =	stream.indirect_vreg.gather [hbm4b:s3+s2], $0x80, v4, vm0, $0xb8;
	[tilespmem:$0x19400] =	vst v63  }
0x111: {  	s4 =	simm.s32 $0x17C00  }
0x112: {  	[tilespmem:s4], [sflag:$0x3] =	stream.indirect_vreg.gather [hbm4b:s3+s2], $0x80, v3, vm0, $0xb8;
	[tilespmem:$0x19400] =	vst v63  }
0x113: {  	v3 =	vld [tilespmem:$0x170];
	_ =	sdelay $0x4  }
0x114: {  	v63 =	vshll.u32 v3, $0x1  }
0x115: {  	v3 =	vand.u32 $0x7, v3;
	v4 =	vand.u32 $0xFFFFFFF0, v63  }
0x116: {  	v3 =	vor.u32 v3, v4  }
0x117: {  	v4 =	vperm.xlane v3, v0;
	_ =	sdelay $0x1  }
0x118: {  	v3 =	vperm.xlane v3, v2;
	v4 =	vadd.s32 v1, v4;
	_ =	sdelay $0x1  }
0x119: {  	v3 =	vadd.s32 v1, v3;
	_ =	sdelay $0x1  }
.Ltmp2:
0x11a: {  	s1 =	simm.s32 $0x18400;
	(pc) =	sbr.rel .LBB2_2-.Ltmp2, $4  }
0x11b: {  	[tilespmem:s1], [sflag:$0x3] =	stream.indirect_vreg.gather [hbm4b:s3+s2], $0x80, v4, vm0, $0xb8;
	[tilespmem:$0x19400] =	vst v63  }
0x11c: {  	s4 =	simm.s32 $0x18C00  }
0x11d: {  	[tilespmem:s4], [sflag:$0x3] =	stream.indirect_vreg.gather [hbm4b:s3+s2], $0x80, v3, vm0, $0xb8;
	[tilespmem:$0x19400] =	vst v63  }
0x11e: {  	s28 =	simm.s32 $0x0;
	s0 =	simm.s32 $0x2F0;
	s4 =	simm.s32 $0x0  }
.LBB2_7:
0x11f: {  	s4 =	sadd.s32 $0x3000, s4  }
0x120: {  	p0 =	sne.s32 s4, $0x2A000  }
.Ltmp3:
0x121: {  	_ = 	snop;
	(pc) =	sbr.rel @!p0 .LBB2_8-.Ltmp3, $2  }
0x122: {  	_ =	sdelay $0x2  }
0x123: {  	s28 =	sadd.s32 $0x1, s28;
	s0 =	sadd.s32 $0x180, s0  }
.LBB2_2:
0x124: {  	_ =	swait.ge [sflag:s29], $0x8000  }
0x125: {  	p0 =	seq.s32 s4, $0x27000;
	[sflag:s29] =	ssyncset.done $0x0  }
.Ltmp4:
0x126: {  	s1 =	sadd.s32 s4, s6;
	[sflag:s29] =	ssyncadd.s32 $0xFFFF8000;
	(pc) =	sbr.rel @p0 .LBB2_8-.Ltmp4, $4  }
0x127: {  	[hbm4b:s1+s2] =	stream.linear.scatter [tilespmem:s10], [sflag:$0x4], $0x8000, $0x38;
	[tilespmem:$0x19400] =	vst v63  }
0x128: {  	_ =	swait.ge [sflag:s9], $0x8000  }
0x129: {  	[sflag:s9] =	ssyncset.done $0x0  }
0x12a: {  	[sflag:s9] =	ssyncadd.s32 $0xFFFF8000  }
0x12b: {  	v3 =	vld [tilespmem:s0+$0xFFFFFE90];
	_ =	sdelay $0x4  }
0x12c: {  	v4 =	vshll.u32 v3, $0x1  }
0x12d: {  	v3 =	vand.u32 $0x7, v3;
	v4 =	vand.u32 $0xFFFFFFF0, v4  }
0x12e: {  	v3 =	vor.u32 v3, v4  }
0x12f: {  	v4 =	vperm.xlane v3, v0;
	_ =	sdelay $0x1  }
0x130: {  	v3 =	vperm.xlane v3, v2;
	v4 =	vadd.s32 v1, v4;
	_ =	sdelay $0x1  }
0x131: {  	v3 =	vadd.s32 v1, v3;
	_ =	sdelay $0x2  }
0x132: {  	[tilespmem:s10], [sflag:$0x1] =	stream.indirect_vreg.gather [hbm4b:s3+s2], $0x80, v4, vm0, $0xb8;
	[tilespmem:$0x19400] =	vst v63  }
0x133: {  	_ = 	snop  }
0x134: {  	[tilespmem:s11], [sflag:$0x1] =	stream.indirect_vreg.gather [hbm4b:s3+s2], $0x80, v3, vm0, $0xb8;
	[tilespmem:$0x19400] =	vst v63  }
0x135: {  	v3 =	vld [tilespmem:s0+$0xFFFFFEA0];
	_ =	sdelay $0x4  }
0x136: {  	v57 =	vshll.u32 v3, $0x1  }
0x137: {  	v3 =	vand.u32 $0x7, v3;
	v4 =	vand.u32 $0xFFFFFFF0, v57  }
0x138: {  	v3 =	vor.u32 v3, v4  }
0x139: {  	v4 =	vperm.xlane v3, v0;
	_ =	sdelay $0x1  }
0x13a: {  	v3 =	vperm.xlane v3, v2;
	v4 =	vadd.s32 v1, v4;
	_ =	sdelay $0x1  }
0x13b: {  	v3 =	vadd.s32 v1, v3;
	_ =	sdelay $0x2  }
0x13c: {  	[tilespmem:s12], [sflag:$0x1] =	stream.indirect_vreg.gather [hbm4b:s3+s2], $0x80, v4, vm0, $0xb8;
	[tilespmem:$0x19400] =	vst v63  }
0x13d: {  	_ = 	snop  }
0x13e: {  	[tilespmem:s13], [sflag:$0x1] =	stream.indirect_vreg.gather [hbm4b:s3+s2], $0x80, v3, vm0, $0xb8;
	[tilespmem:$0x19400] =	vst v63  }
0x13f: {  	v3 =	vld [tilespmem:s0+$0xFFFFFEB0];
	_ =	sdelay $0x4  }
0x140: {  	v58 =	vshll.u32 v3, $0x1  }
0x141: {  	v3 =	vand.u32 $0x7, v3;
	v4 =	vand.u32 $0xFFFFFFF0, v58  }
0x142: {  	v3 =	vor.u32 v3, v4  }
0x143: {  	v4 =	vperm.xlane v3, v0;
	_ =	sdelay $0x1  }
0x144: {  	v3 =	vperm.xlane v3, v2;
	v4 =	vadd.s32 v1, v4;
	_ =	sdelay $0x1  }
0x145: {  	v3 =	vadd.s32 v1, v3;
	_ =	sdelay $0x2  }
0x146: {  	[tilespmem:s14], [sflag:$0x1] =	stream.indirect_vreg.gather [hbm4b:s3+s2], $0x80, v4, vm0, $0xb8;
	[tilespmem:$0x19400] =	vst v63  }
0x147: {  	_ = 	snop  }
0x148: {  	[tilespmem:s15], [sflag:$0x1] =	stream.indirect_vreg.gather [hbm4b:s3+s2], $0x80, v3, vm0, $0xb8;
	[tilespmem:$0x19400] =	vst v63  }
0x149: {  	v3 =	vld [tilespmem:s0+$0xFFFFFEC0];
	_ =	sdelay $0x4  }
0x14a: {  	v59 =	vshll.u32 v3, $0x1  }
0x14b: {  	v3 =	vand.u32 $0x7, v3;
	v4 =	vand.u32 $0xFFFFFFF0, v59  }
0x14c: {  	v3 =	vor.u32 v3, v4  }
0x14d: {  	v4 =	vperm.xlane v3, v0;
	_ =	sdelay $0x1  }
0x14e: {  	v3 =	vperm.xlane v3, v2;
	v4 =	vadd.s32 v1, v4;
	_ =	sdelay $0x1  }
0x14f: {  	v3 =	vadd.s32 v1, v3;
	_ =	sdelay $0x2  }
0x150: {  	[tilespmem:s16], [sflag:$0x1] =	stream.indirect_vreg.gather [hbm4b:s3+s2], $0x80, v4, vm0, $0xb8;
	[tilespmem:$0x19400] =	vst v63  }
0x151: {  	_ = 	snop  }
0x152: {  	[tilespmem:s17], [sflag:$0x1] =	stream.indirect_vreg.gather [hbm4b:s3+s2], $0x80, v3, vm0, $0xb8;
	[tilespmem:$0x19400] =	vst v63  }
0x153: {  	v3 =	vld [tilespmem:s0+$0xFFFFFED0];
	_ =	sdelay $0x4  }
0x154: {  	v60 =	vshll.u32 v3, $0x1  }
0x155: {  	v3 =	vand.u32 $0x7, v3;
	v4 =	vand.u32 $0xFFFFFFF0, v60  }
0x156: {  	v3 =	vor.u32 v3, v4  }
0x157: {  	v4 =	vperm.xlane v3, v0;
	_ =	sdelay $0x1  }
0x158: {  	v3 =	vperm.xlane v3, v2;
	v4 =	vadd.s32 v1, v4;
	_ =	sdelay $0x1  }
0x159: {  	v3 =	vadd.s32 v1, v3;
	_ =	sdelay $0x2  }
0x15a: {  	[tilespmem:s18], [sflag:$0x1] =	stream.indirect_vreg.gather [hbm4b:s3+s2], $0x80, v4, vm0, $0xb8;
	[tilespmem:$0x19400] =	vst v63  }
0x15b: {  	_ = 	snop  }
0x15c: {  	[tilespmem:s19], [sflag:$0x1] =	stream.indirect_vreg.gather [hbm4b:s3+s2], $0x80, v3, vm0, $0xb8;
	[tilespmem:$0x19400] =	vst v63  }
0x15d: {  	v3 =	vld [tilespmem:s0+$0xFFFFFEE0];
	_ =	sdelay $0x4  }
0x15e: {  	v61 =	vshll.u32 v3, $0x1  }
0x15f: {  	v3 =	vand.u32 $0x7, v3;
	v4 =	vand.u32 $0xFFFFFFF0, v61  }
0x160: {  	v3 =	vor.u32 v3, v4  }
0x161: {  	v4 =	vperm.xlane v3, v0;
	_ =	sdelay $0x1  }
0x162: {  	v3 =	vperm.xlane v3, v2;
	v4 =	vadd.s32 v1, v4;
	_ =	sdelay $0x1  }
0x163: {  	v3 =	vadd.s32 v1, v3;
	_ =	sdelay $0x2  }
0x164: {  	[tilespmem:s20], [sflag:$0x1] =	stream.indirect_vreg.gather [hbm4b:s3+s2], $0x80, v4, vm0, $0xb8;
	[tilespmem:$0x19400] =	vst v63  }
0x165: {  	_ = 	snop  }
0x166: {  	[tilespmem:s21], [sflag:$0x1] =	stream.indirect_vreg.gather [hbm4b:s3+s2], $0x80, v3, vm0, $0xb8;
	[tilespmem:$0x19400] =	vst v63  }
0x167: {  	v3 =	vld [tilespmem:s0+$0xFFFFFEF0];
	_ =	sdelay $0x4  }
0x168: {  	v62 =	vshll.u32 v3, $0x1  }
0x169: {  	v3 =	vand.u32 $0x7, v3;
	v4 =	vand.u32 $0xFFFFFFF0, v62  }
0x16a: {  	v3 =	vor.u32 v3, v4  }
0x16b: {  	v4 =	vperm.xlane v3, v0;
	_ =	sdelay $0x1  }
0x16c: {  	v3 =	vperm.xlane v3, v2;
	v4 =	vadd.s32 v1, v4;
	_ =	sdelay $0x1  }
0x16d: {  	v3 =	vadd.s32 v1, v3;
	_ =	sdelay $0x2  }
0x16e: {  	[tilespmem:s22], [sflag:$0x1] =	stream.indirect_vreg.gather [hbm4b:s3+s2], $0x80, v4, vm0, $0xb8;
	[tilespmem:$0x19400] =	vst v63  }
0x16f: {  	_ = 	snop  }
0x170: {  	[tilespmem:s23], [sflag:$0x1] =	stream.indirect_vreg.gather [hbm4b:s3+s2], $0x80, v3, vm0, $0xb8;
	[tilespmem:$0x19400] =	vst v63  }
0x171: {  	v3 =	vld [tilespmem:s0+$0xFFFFFF00];
	_ =	sdelay $0x4  }
0x172: {  	v63 =	vshll.u32 v3, $0x1  }
0x173: {  	v3 =	vand.u32 $0x7, v3;
	v4 =	vand.u32 $0xFFFFFFF0, v63  }
0x174: {  	v3 =	vor.u32 v3, v4  }
0x175: {  	v4 =	vperm.xlane v3, v0;
	_ =	sdelay $0x1  }
0x176: {  	v3 =	vperm.xlane v3, v2;
	v4 =	vadd.s32 v1, v4;
	_ =	sdelay $0x1  }
0x177: {  	v3 =	vadd.s32 v1, v3;
	_ =	sdelay $0x2  }
0x178: {  	[tilespmem:s24], [sflag:$0x1] =	stream.indirect_vreg.gather [hbm4b:s3+s2], $0x80, v4, vm0, $0xb8;
	[tilespmem:$0x19400] =	vst v63  }
0x179: {  	_ = 	snop  }
0x17a: {  	[tilespmem:s25], [sflag:$0x1] =	stream.indirect_vreg.gather [hbm4b:s3+s2], $0x80, v3, vm0, $0xb8;
	[tilespmem:$0x19400] =	vst v63  }
0x17b: {  	_ =	swait.ge [sflag:s30], $0x8000  }
0x17c: {  	p0 =	sgt.u32 s28, $0xB;
	[sflag:s30] =	ssyncset.done $0x0  }
.Ltmp5:
0x17d: {  	s1 =	sadd.s32 s4, s7;
	[sflag:s30] =	ssyncadd.s32 $0xFFFF8000;
	(pc) =	sbr.rel @p0 .LBB2_5-.Ltmp5, $4  }
0x17e: {  	[hbm4b:s1+s2] =	stream.linear.scatter [tilespmem:s26], [sflag:$0x4], $0x8000, $0x38;
	[tilespmem:$0x19400] =	vst v63  }
0x17f: {  	_ =	swait.ge [sflag:s9], $0x8000  }
0x180: {  	[sflag:s9] =	ssyncset.done $0x0  }
0x181: {  	[sflag:s9] =	ssyncadd.s32 $0xFFFF8000  }
0x182: {  	v3 =	vld [tilespmem:s0+$0xFFFFFF10];
	_ =	sdelay $0x4  }
0x183: {  	v4 =	vshll.u32 v3, $0x1  }
0x184: {  	v3 =	vand.u32 $0x7, v3;
	v4 =	vand.u32 $0xFFFFFFF0, v4  }
0x185: {  	v3 =	vor.u32 v3, v4  }
0x186: {  	v4 =	vperm.xlane v3, v0;
	_ =	sdelay $0x1  }
0x187: {  	v3 =	vperm.xlane v3, v2;
	v4 =	vadd.s32 v1, v4;
	_ =	sdelay $0x1  }
0x188: {  	v3 =	vadd.s32 v1, v3;
	_ =	sdelay $0x2  }
0x189: {  	[tilespmem:s26], [sflag:$0x2] =	stream.indirect_vreg.gather [hbm4b:s3+s2], $0x80, v4, vm0, $0xb8;
	[tilespmem:$0x19400] =	vst v63  }
0x18a: {  	s1 =	simm.s32 $0x9C00  }
0x18b: {  	[tilespmem:s1], [sflag:$0x2] =	stream.indirect_vreg.gather [hbm4b:s3+s2], $0x80, v3, vm0, $0xb8;
	[tilespmem:$0x19400] =	vst v63  }
0x18c: {  	v3 =	vld [tilespmem:s0+$0xFFFFFF20];
	_ =	sdelay $0x4  }
0x18d: {  	v57 =	vshll.u32 v3, $0x1  }
0x18e: {  	v3 =	vand.u32 $0x7, v3;
	v4 =	vand.u32 $0xFFFFFFF0, v57  }
0x18f: {  	v3 =	vor.u32 v3, v4  }
0x190: {  	v4 =	vperm.xlane v3, v0;
	_ =	sdelay $0x1  }
0x191: {  	v3 =	vperm.xlane v3, v2;
	v4 =	vadd.s32 v1, v4;
	_ =	sdelay $0x1  }
0x192: {  	v3 =	vadd.s32 v1, v3;
	_ =	sdelay $0x1  }
0x193: {  	s1 =	simm.s32 $0xA400  }
0x194: {  	[tilespmem:s1], [sflag:$0x2] =	stream.indirect_vreg.gather [hbm4b:s3+s2], $0x80, v4, vm0, $0xb8;
	[tilespmem:$0x19400] =	vst v63  }
0x195: {  	s1 =	simm.s32 $0xAC00  }
0x196: {  	[tilespmem:s1], [sflag:$0x2] =	stream.indirect_vreg.gather [hbm4b:s3+s2], $0x80, v3, vm0, $0xb8;
	[tilespmem:$0x19400] =	vst v63  }
0x197: {  	v3 =	vld [tilespmem:s0+$0xFFFFFF30];
	_ =	sdelay $0x4  }
0x198: {  	v58 =	vshll.u32 v3, $0x1  }
0x199: {  	v3 =	vand.u32 $0x7, v3;
	v4 =	vand.u32 $0xFFFFFFF0, v58  }
0x19a: {  	v3 =	vor.u32 v3, v4  }
0x19b: {  	v4 =	vperm.xlane v3, v0;
	_ =	sdelay $0x1  }
0x19c: {  	v3 =	vperm.xlane v3, v2;
	v4 =	vadd.s32 v1, v4;
	_ =	sdelay $0x1  }
0x19d: {  	v3 =	vadd.s32 v1, v3;
	_ =	sdelay $0x1  }
0x19e: {  	s1 =	simm.s32 $0xB400  }
0x19f: {  	[tilespmem:s1], [sflag:$0x2] =	stream.indirect_vreg.gather [hbm4b:s3+s2], $0x80, v4, vm0, $0xb8;
	[tilespmem:$0x19400] =	vst v63  }
0x1a0: {  	s1 =	simm.s32 $0xBC00  }
0x1a1: {  	[tilespmem:s1], [sflag:$0x2] =	stream.indirect_vreg.gather [hbm4b:s3+s2], $0x80, v3, vm0, $0xb8;
	[tilespmem:$0x19400] =	vst v63  }
0x1a2: {  	v3 =	vld [tilespmem:s0+$0xFFFFFF40];
	_ =	sdelay $0x4  }
0x1a3: {  	v59 =	vshll.u32 v3, $0x1  }
0x1a4: {  	v3 =	vand.u32 $0x7, v3;
	v4 =	vand.u32 $0xFFFFFFF0, v59  }
0x1a5: {  	v3 =	vor.u32 v3, v4  }
0x1a6: {  	v4 =	vperm.xlane v3, v0;
	_ =	sdelay $0x1  }
0x1a7: {  	v3 =	vperm.xlane v3, v2;
	v4 =	vadd.s32 v1, v4;
	_ =	sdelay $0x1  }
0x1a8: {  	v3 =	vadd.s32 v1, v3;
	_ =	sdelay $0x1  }
0x1a9: {  	s1 =	simm.s32 $0xC400  }
0x1aa: {  	[tilespmem:s1], [sflag:$0x2] =	stream.indirect_vreg.gather [hbm4b:s3+s2], $0x80, v4, vm0, $0xb8;
	[tilespmem:$0x19400] =	vst v63  }
0x1ab: {  	s1 =	simm.s32 $0xCC00  }
0x1ac: {  	[tilespmem:s1], [sflag:$0x2] =	stream.indirect_vreg.gather [hbm4b:s3+s2], $0x80, v3, vm0, $0xb8;
	[tilespmem:$0x19400] =	vst v63  }
0x1ad: {  	v3 =	vld [tilespmem:s0+$0xFFFFFF50];
	_ =	sdelay $0x4  }
0x1ae: {  	v60 =	vshll.u32 v3, $0x1  }
0x1af: {  	v3 =	vand.u32 $0x7, v3;
	v4 =	vand.u32 $0xFFFFFFF0, v60  }
0x1b0: {  	v3 =	vor.u32 v3, v4  }
0x1b1: {  	v4 =	vperm.xlane v3, v0;
	_ =	sdelay $0x1  }
0x1b2: {  	v3 =	vperm.xlane v3, v2;
	v4 =	vadd.s32 v1, v4;
	_ =	sdelay $0x1  }
0x1b3: {  	v3 =	vadd.s32 v1, v3;
	_ =	sdelay $0x1  }
0x1b4: {  	s1 =	simm.s32 $0xD400  }
0x1b5: {  	[tilespmem:s1], [sflag:$0x2] =	stream.indirect_vreg.gather [hbm4b:s3+s2], $0x80, v4, vm0, $0xb8;
	[tilespmem:$0x19400] =	vst v63  }
0x1b6: {  	s1 =	simm.s32 $0xDC00  }
0x1b7: {  	[tilespmem:s1], [sflag:$0x2] =	stream.indirect_vreg.gather [hbm4b:s3+s2], $0x80, v3, vm0, $0xb8;
	[tilespmem:$0x19400] =	vst v63  }
0x1b8: {  	v3 =	vld [tilespmem:s0+$0xFFFFFF60];
	_ =	sdelay $0x4  }
0x1b9: {  	v61 =	vshll.u32 v3, $0x1  }
0x1ba: {  	v3 =	vand.u32 $0x7, v3;
	v4 =	vand.u32 $0xFFFFFFF0, v61  }
0x1bb: {  	v3 =	vor.u32 v3, v4  }
0x1bc: {  	v4 =	vperm.xlane v3, v0;
	_ =	sdelay $0x1  }
0x1bd: {  	v3 =	vperm.xlane v3, v2;
	v4 =	vadd.s32 v1, v4;
	_ =	sdelay $0x1  }
0x1be: {  	v3 =	vadd.s32 v1, v3;
	_ =	sdelay $0x1  }
0x1bf: {  	s1 =	simm.s32 $0xE400  }
0x1c0: {  	[tilespmem:s1], [sflag:$0x2] =	stream.indirect_vreg.gather [hbm4b:s3+s2], $0x80, v4, vm0, $0xb8;
	[tilespmem:$0x19400] =	vst v63  }
0x1c1: {  	s1 =	simm.s32 $0xEC00  }
0x1c2: {  	[tilespmem:s1], [sflag:$0x2] =	stream.indirect_vreg.gather [hbm4b:s3+s2], $0x80, v3, vm0, $0xb8;
	[tilespmem:$0x19400] =	vst v63  }
0x1c3: {  	v3 =	vld [tilespmem:s0+$0xFFFFFF70];
	_ =	sdelay $0x4  }
0x1c4: {  	v62 =	vshll.u32 v3, $0x1  }
0x1c5: {  	v3 =	vand.u32 $0x7, v3;
	v4 =	vand.u32 $0xFFFFFFF0, v62  }
0x1c6: {  	v3 =	vor.u32 v3, v4  }
0x1c7: {  	v4 =	vperm.xlane v3, v0;
	_ =	sdelay $0x1  }
0x1c8: {  	v3 =	vperm.xlane v3, v2;
	v4 =	vadd.s32 v1, v4;
	_ =	sdelay $0x1  }
0x1c9: {  	v3 =	vadd.s32 v1, v3;
	_ =	sdelay $0x1  }
0x1ca: {  	s1 =	simm.s32 $0xF400  }
0x1cb: {  	[tilespmem:s1], [sflag:$0x2] =	stream.indirect_vreg.gather [hbm4b:s3+s2], $0x80, v4, vm0, $0xb8;
	[tilespmem:$0x19400] =	vst v63  }
0x1cc: {  	s1 =	simm.s32 $0xFC00  }
0x1cd: {  	[tilespmem:s1], [sflag:$0x2] =	stream.indirect_vreg.gather [hbm4b:s3+s2], $0x80, v3, vm0, $0xb8;
	[tilespmem:$0x19400] =	vst v63  }
0x1ce: {  	v3 =	vld [tilespmem:s0+$0xFFFFFF80];
	_ =	sdelay $0x4  }
0x1cf: {  	v63 =	vshll.u32 v3, $0x1  }
0x1d0: {  	v3 =	vand.u32 $0x7, v3;
	v4 =	vand.u32 $0xFFFFFFF0, v63  }
0x1d1: {  	v3 =	vor.u32 v3, v4  }
0x1d2: {  	v4 =	vperm.xlane v3, v0;
	_ =	sdelay $0x1  }
0x1d3: {  	v3 =	vperm.xlane v3, v2;
	v4 =	vadd.s32 v1, v4;
	_ =	sdelay $0x1  }
0x1d4: {  	v3 =	vadd.s32 v1, v3;
	_ =	sdelay $0x1  }
0x1d5: {  	s1 =	simm.s32 $0x10400  }
0x1d6: {  	[tilespmem:s1], [sflag:$0x2] =	stream.indirect_vreg.gather [hbm4b:s3+s2], $0x80, v4, vm0, $0xb8;
	[tilespmem:$0x19400] =	vst v63  }
0x1d7: {  	s1 =	simm.s32 $0x10C00  }
0x1d8: {  	[tilespmem:s1], [sflag:$0x2] =	stream.indirect_vreg.gather [hbm4b:s3+s2], $0x80, v3, vm0, $0xb8;
	[tilespmem:$0x19400] =	vst v63  }
.LBB2_5:
0x1d9: {  	_ =	swait.ge [sflag:s31], $0x8000  }
0x1da: {  	[sflag:s31] =	ssyncset.done $0x0  }
.Ltmp6:
0x1db: {  	s1 =	sadd.s32 s4, s8;
	[sflag:s31] =	ssyncadd.s32 $0xFFFF8000;
	(pc) =	sbr.rel @p0 .LBB2_7-.Ltmp6, $4  }
0x1dc: {  	[hbm4b:s1+s2] =	stream.linear.scatter [tilespmem:s5], [sflag:$0x4], $0x8000, $0x38;
	[tilespmem:$0x19400] =	vst v63  }
0x1dd: {  	_ =	swait.ge [sflag:s9], $0x8000  }
0x1de: {  	[sflag:s9] =	ssyncset.done $0x0  }
0x1df: {  	[sflag:s9] =	ssyncadd.s32 $0xFFFF8000  }
0x1e0: {  	v3 =	vld [tilespmem:s0+$0xFFFFFF90];
	_ =	sdelay $0x4  }
0x1e1: {  	v4 =	vshll.u32 v3, $0x1  }
0x1e2: {  	v3 =	vand.u32 $0x7, v3;
	v4 =	vand.u32 $0xFFFFFFF0, v4  }
0x1e3: {  	v3 =	vor.u32 v3, v4  }
0x1e4: {  	v4 =	vperm.xlane v3, v0;
	_ =	sdelay $0x1  }
0x1e5: {  	v3 =	vperm.xlane v3, v2;
	v4 =	vadd.s32 v1, v4;
	_ =	sdelay $0x1  }
0x1e6: {  	v3 =	vadd.s32 v1, v3;
	_ =	sdelay $0x2  }
0x1e7: {  	[tilespmem:s5], [sflag:$0x3] =	stream.indirect_vreg.gather [hbm4b:s3+s2], $0x80, v4, vm0, $0xb8;
	[tilespmem:$0x19400] =	vst v63  }
0x1e8: {  	s1 =	simm.s32 $0x11C00  }
0x1e9: {  	[tilespmem:s1], [sflag:$0x3] =	stream.indirect_vreg.gather [hbm4b:s3+s2], $0x80, v3, vm0, $0xb8;
	[tilespmem:$0x19400] =	vst v63  }
0x1ea: {  	v3 =	vld [tilespmem:s0+$0xFFFFFFA0];
	_ =	sdelay $0x4  }
0x1eb: {  	v57 =	vshll.u32 v3, $0x1  }
0x1ec: {  	v3 =	vand.u32 $0x7, v3;
	v4 =	vand.u32 $0xFFFFFFF0, v57  }
0x1ed: {  	v3 =	vor.u32 v3, v4  }
0x1ee: {  	v4 =	vperm.xlane v3, v0;
	_ =	sdelay $0x1  }
0x1ef: {  	v3 =	vperm.xlane v3, v2;
	v4 =	vadd.s32 v1, v4;
	_ =	sdelay $0x1  }
0x1f0: {  	v3 =	vadd.s32 v1, v3;
	_ =	sdelay $0x1  }
0x1f1: {  	s1 =	simm.s32 $0x12400  }
0x1f2: {  	[tilespmem:s1], [sflag:$0x3] =	stream.indirect_vreg.gather [hbm4b:s3+s2], $0x80, v4, vm0, $0xb8;
	[tilespmem:$0x19400] =	vst v63  }
0x1f3: {  	s1 =	simm.s32 $0x12C00  }
0x1f4: {  	[tilespmem:s1], [sflag:$0x3] =	stream.indirect_vreg.gather [hbm4b:s3+s2], $0x80, v3, vm0, $0xb8;
	[tilespmem:$0x19400] =	vst v63  }
0x1f5: {  	v3 =	vld [tilespmem:s0+$0xFFFFFFB0];
	_ =	sdelay $0x4  }
0x1f6: {  	v58 =	vshll.u32 v3, $0x1  }
0x1f7: {  	v3 =	vand.u32 $0x7, v3;
	v4 =	vand.u32 $0xFFFFFFF0, v58  }
0x1f8: {  	v3 =	vor.u32 v3, v4  }
0x1f9: {  	v4 =	vperm.xlane v3, v0;
	_ =	sdelay $0x1  }
0x1fa: {  	v3 =	vperm.xlane v3, v2;
	v4 =	vadd.s32 v1, v4;
	_ =	sdelay $0x1  }
0x1fb: {  	v3 =	vadd.s32 v1, v3;
	_ =	sdelay $0x1  }
0x1fc: {  	s1 =	simm.s32 $0x13400  }
0x1fd: {  	[tilespmem:s1], [sflag:$0x3] =	stream.indirect_vreg.gather [hbm4b:s3+s2], $0x80, v4, vm0, $0xb8;
	[tilespmem:$0x19400] =	vst v63  }
0x1fe: {  	s1 =	simm.s32 $0x13C00  }
0x1ff: {  	[tilespmem:s1], [sflag:$0x3] =	stream.indirect_vreg.gather [hbm4b:s3+s2], $0x80, v3, vm0, $0xb8;
	[tilespmem:$0x19400] =	vst v63  }
0x200: {  	v3 =	vld [tilespmem:s0+$0xFFFFFFC0];
	_ =	sdelay $0x4  }
0x201: {  	v59 =	vshll.u32 v3, $0x1  }
0x202: {  	v3 =	vand.u32 $0x7, v3;
	v4 =	vand.u32 $0xFFFFFFF0, v59  }
0x203: {  	v3 =	vor.u32 v3, v4  }
0x204: {  	v4 =	vperm.xlane v3, v0;
	_ =	sdelay $0x1  }
0x205: {  	v3 =	vperm.xlane v3, v2;
	v4 =	vadd.s32 v1, v4;
	_ =	sdelay $0x1  }
0x206: {  	v3 =	vadd.s32 v1, v3;
	_ =	sdelay $0x1  }
0x207: {  	s1 =	simm.s32 $0x14400  }
0x208: {  	[tilespmem:s1], [sflag:$0x3] =	stream.indirect_vreg.gather [hbm4b:s3+s2], $0x80, v4, vm0, $0xb8;
	[tilespmem:$0x19400] =	vst v63  }
0x209: {  	s1 =	simm.s32 $0x14C00  }
0x20a: {  	[tilespmem:s1], [sflag:$0x3] =	stream.indirect_vreg.gather [hbm4b:s3+s2], $0x80, v3, vm0, $0xb8;
	[tilespmem:$0x19400] =	vst v63  }
0x20b: {  	v3 =	vld [tilespmem:s0+$0xFFFFFFD0];
	_ =	sdelay $0x4  }
0x20c: {  	v60 =	vshll.u32 v3, $0x1  }
0x20d: {  	v3 =	vand.u32 $0x7, v3;
	v4 =	vand.u32 $0xFFFFFFF0, v60  }
0x20e: {  	v3 =	vor.u32 v3, v4  }
0x20f: {  	v4 =	vperm.xlane v3, v0;
	_ =	sdelay $0x1  }
0x210: {  	v3 =	vperm.xlane v3, v2;
	v4 =	vadd.s32 v1, v4;
	_ =	sdelay $0x1  }
0x211: {  	v3 =	vadd.s32 v1, v3;
	_ =	sdelay $0x1  }
0x212: {  	s1 =	simm.s32 $0x15400  }
0x213: {  	[tilespmem:s1], [sflag:$0x3] =	stream.indirect_vreg.gather [hbm4b:s3+s2], $0x80, v4, vm0, $0xb8;
	[tilespmem:$0x19400] =	vst v63  }
0x214: {  	s1 =	simm.s32 $0x15C00  }
0x215: {  	[tilespmem:s1], [sflag:$0x3] =	stream.indirect_vreg.gather [hbm4b:s3+s2], $0x80, v3, vm0, $0xb8;
	[tilespmem:$0x19400] =	vst v63  }
0x216: {  	v3 =	vld [tilespmem:s0+$0xFFFFFFE0];
	_ =	sdelay $0x4  }
0x217: {  	v61 =	vshll.u32 v3, $0x1  }
0x218: {  	v3 =	vand.u32 $0x7, v3;
	v4 =	vand.u32 $0xFFFFFFF0, v61  }
0x219: {  	v3 =	vor.u32 v3, v4  }
0x21a: {  	v4 =	vperm.xlane v3, v0;
	_ =	sdelay $0x1  }
0x21b: {  	v3 =	vperm.xlane v3, v2;
	v4 =	vadd.s32 v1, v4;
	_ =	sdelay $0x1  }
0x21c: {  	v3 =	vadd.s32 v1, v3;
	_ =	sdelay $0x1  }
0x21d: {  	s1 =	simm.s32 $0x16400  }
0x21e: {  	[tilespmem:s1], [sflag:$0x3] =	stream.indirect_vreg.gather [hbm4b:s3+s2], $0x80, v4, vm0, $0xb8;
	[tilespmem:$0x19400] =	vst v63  }
0x21f: {  	s1 =	simm.s32 $0x16C00  }
0x220: {  	[tilespmem:s1], [sflag:$0x3] =	stream.indirect_vreg.gather [hbm4b:s3+s2], $0x80, v3, vm0, $0xb8;
	[tilespmem:$0x19400] =	vst v63  }
0x221: {  	v3 =	vld [tilespmem:s0+$0xFFFFFFF0];
	_ =	sdelay $0x4  }
0x222: {  	v62 =	vshll.u32 v3, $0x1  }
0x223: {  	v3 =	vand.u32 $0x7, v3;
	v4 =	vand.u32 $0xFFFFFFF0, v62  }
0x224: {  	v3 =	vor.u32 v3, v4  }
0x225: {  	v4 =	vperm.xlane v3, v0;
	_ =	sdelay $0x1  }
0x226: {  	v3 =	vperm.xlane v3, v2;
	v4 =	vadd.s32 v1, v4;
	_ =	sdelay $0x1  }
0x227: {  	v3 =	vadd.s32 v1, v3;
	_ =	sdelay $0x1  }
0x228: {  	s1 =	simm.s32 $0x17400  }
0x229: {  	[tilespmem:s1], [sflag:$0x3] =	stream.indirect_vreg.gather [hbm4b:s3+s2], $0x80, v4, vm0, $0xb8;
	[tilespmem:$0x19400] =	vst v63  }
0x22a: {  	s1 =	simm.s32 $0x17C00  }
0x22b: {  	[tilespmem:s1], [sflag:$0x3] =	stream.indirect_vreg.gather [hbm4b:s3+s2], $0x80, v3, vm0, $0xb8;
	[tilespmem:$0x19400] =	vst v63  }
0x22c: {  	v3 =	vld [tilespmem:s0+$0x0];
	_ =	sdelay $0x4  }
0x22d: {  	v63 =	vshll.u32 v3, $0x1  }
0x22e: {  	v3 =	vand.u32 $0x7, v3;
	v4 =	vand.u32 $0xFFFFFFF0, v63  }
0x22f: {  	v3 =	vor.u32 v3, v4  }
0x230: {  	v4 =	vperm.xlane v3, v0;
	_ =	sdelay $0x1  }
0x231: {  	v3 =	vperm.xlane v3, v2;
	v4 =	vadd.s32 v1, v4;
	_ =	sdelay $0x1  }
0x232: {  	v3 =	vadd.s32 v1, v3  }
.Ltmp7:
0x233: {  	_ = 	snop;
	(pc) =	sbr.rel .LBB2_7-.Ltmp7, $4  }
0x234: {  	s1 =	simm.s32 $0x18400  }
0x235: {  	[tilespmem:s1], [sflag:$0x3] =	stream.indirect_vreg.gather [hbm4b:s3+s2], $0x80, v4, vm0, $0xb8;
	[tilespmem:$0x19400] =	vst v63  }
0x236: {  	s1 =	simm.s32 $0x18C00  }
0x237: {  	[tilespmem:s1], [sflag:$0x3] =	stream.indirect_vreg.gather [hbm4b:s3+s2], $0x80, v3, vm0, $0xb8;
	[tilespmem:$0x19400] =	vst v63  }
.LBB2_9:
0x238: {  	_ =	sfence.sel $0x180000  }
0x239: {  	[bflag:$0x0] =	sbarrier.arrive $0xFFFF  }
0x23a: {  	_ =	strace $0x9000004D  }
0x23b: {  	s0 =	stileid.u32;
	[bflag:$0x2] =	sbarrier.arrive $0xFFFF  }
0x23c: {  	p0 =	sne.s32 s0, $0x0;
	s0 =	rddreg [dreg:$0x1]  }
0x23d: {  	s0 =	sadd.s32 @!p0 $0x100000, s0  }
0x23e: {  	[sflag:s0] =	ssyncadd.tile.s32 @!p0 $0x1;
	_ =	shalt  }
.Lfunc_end2:
_tile_overlayer_lowered:
.L_overlay_start_2:
0x23f: {  	(tag) =	ssettag $0x2  }
0x240: {  	s0 =	rddreg [dreg:$0x0];
	s2 =	stileid.u32  }
0x241: {  	s1 =	rddreg [dreg:$0x1];
	p0 =	sne.s32 s2, $0x0  }
0x242: {  	s3 =	rddreg [dreg:$0x2];
	[bflag:$0x3] =	sbarrier.arrive $0xFFFF;
	s2 =	simm.s32 @!p0 $0x1C04  }
0x243: {  	[timem:s3], [sflag:s2] =	dma.local @!p0 [hbm:s0], s1  }
0x244: {  	s0 =	simm.s32 @!p0 $0x4  }
0x245: {  	_ =	swait.ge @!p0 [sflag:s0], s1  }
0x246: {  	s1 =	ssub.s32 @!p0 $0x0, s1;
	[sflag:s0] =	ssyncset.done @!p0 $0x0  }
0x247: {  	[sflag:s0] =	ssyncadd.s32 @!p0 s1  }
0x248: {  	[bflag:$0x3] =	sbarrier.arrive $0xFFFF  }
0x249: {  	_ =	shalt  }

// kernel: kernel.18.cloned.1.call-start
scs
__scs_entry_jumppad:
0x0: {  	(pc) =	sbr.rel $0x88, $3  }
0x1: {  	(tag) =	ssettag $0x0;
	lr =	simm.s32 $0x1  }
0x2: {  	[smem:$0x3F54] =	sst lr;
	_ =	strace $0xD0000000  }
0x3: {  	_ = 	snop  }
0x4: {  	_ = 	snop  }
0x5: {  	_ = 	snop  }
0x6: {  	_ = 	snop  }
0x7: {  	_ = 	snop  }
__scs_overlays_trampoline_lowered:
0x8: {  	[smem:$0x3F63] =	sst s0  }
0x9: {  	[smem:$0x3F64] =	sst s1  }
0xa: {  	[smem:$0x3F65] =	sst s2  }
0xb: {  	[smem:$0x3F66] =	sst s3  }
0xc: {  	[smem:$0x3F67] =	sst s4  }
0xd: {  	[smem:$0x3F68] =	sst s5  }
0xe: {  	[smem:$0x3F69] =	sst s6  }
0xf: {  	[smem:$0x3F6A] =	sst s7  }
0x10: {  	[smem:$0x3F6B] =	sst s8  }
0x11: {  	[smem:$0x3F6C] =	sst s9;
	s0 =	simm.s32 @!p0 $0x0  }
0x12: {  	s1 =	sld [smem:$0x3F52];
	s0 =	simm.s32 @p0 $0x1  }
0x13: {  	[smem:$0x3F6D] =	sst s0;
	s0 =	simm.s32 @!p1 $0x0  }
0x14: {  	s2 =	sld [smem:$0x3F51];
	s0 =	simm.s32 @p1 $0x1  }
0x15: {  	[smem:$0x3F6E] =	sst s0;
	s0 =	simm.s32 @!p2 $0x0  }
0x16: {  	s3 =	sld [smem:$0x3FDB];
	s0 =	simm.s32 @p2 $0x1  }
0x17: {  	s4 =	simm.s32 $0x1BF5;
	[smem:$0x3F70] =	sst s0  }
0x18: {  	s0 =	sld [smem:$0x3F53];
	_ =	swait.ge [sflag:s4], $0x0  }
0x19: {  	s7 =	sld [smem:$0x3F54]  }
0x1a: {  	s8 =	sadd.s32 $0xFFFFE003, lr  }
0x1b: {  	s9 =	sadd.s32 $0xFFFFFEF7, lr;
	s5 =	simm.s32 $0xFFFFFFFF;
	p2 =	slt.u32 s8, $0xFFFFF086  }
0x1c: {  	p1 =	slt.u32 s9, $0xF7A;
	s5 =	simm.s32 @!p2 $0x0  }
0x1d: {  	s5 =	simm.s32 @p1 $0x1;
	p0 =	seq.s32 s7, s2  }
0x1e: {  	s7 =	smul.u32 @!p0 $0xF7A, s2;
	p2 =	seq.s32 @!p0 s5, $0x0  }
0x1f: {  	s9 =	smul.u32 $0xF7A, s1;
	s8 =	simm.s32 @!p0 $0x1BF5;
	p2 =	por !p2, p0  }
0x20: {  	[sflag:s8] =	ssyncset.s32 @!p0 $0xFFFFF086;
	s6 =	sadd.s32 @!p0 s3, s7;
	s7 =	simm.s32 @!p0 $0x108  }
0x21: {  	s3 =	sadd.s32 s3, s9;
	s6 =	sadd.s32 @!p0 $0x88, s6;
	s7 =	simm.s32 @p2 $0x1082  }
0x22: {  	[simem:s7], [sflag:s8] =	dma.local @!p0 [hbm:s6], $0xF7A  }
0x23: {  	s9 =	sor.u32 $0xD0000000, s2;
	s6 =	simm.s32 $0x108;
	_ =	swait.ge @!p0 [sflag:s8], $0x0  }
0x24: {  	s3 =	sadd.s32 $0x88, s3;
	s6 =	simm.s32 @!p1 $0x1082;
	[sflag:s4] =	ssyncset.s32 $0xFFFFF086  }
0x25: {  	[simem:s6], [sflag:s4] =	dma.local [hbm:s3], $0xF7A  }
0x26: {  	[smem:$0x3F54] =	sst s1;
	(tag) =	ssettag s2;
	_ =	strace s9  }
0x27: {  	s1 =	sld [smem:$0x3F64]  }
0x28: {  	s2 =	sld [smem:$0x3F65]  }
0x29: {  	s4 =	sld [smem:$0x3F67]  }
0x2a: {  	p0 =	seq.s32 s5, $0x0;
	s5 =	sld [smem:$0x3F68]  }
0x2b: {  	s6 =	sld [smem:$0x3F69]  }
0x2c: {  	s7 =	sld [smem:$0x3F6A]  }
0x2d: {  	s3 =	simm.s32 $0x108;
	s8 =	sld [smem:$0x3F6B]  }
0x2e: {  	s3 =	simm.s32 @!p0 $0x1082;
	s9 =	sld [smem:$0x3F6C]  }
0x2f: {  	lr =	sadd.s32 s0, s3;
	s0 =	sld [smem:$0x3F63]  }
0x30: {  	s3 =	sld [smem:$0x3F66]  }
0x31: {  	[smem:$0x3F6F] =	sst s10  }
0x32: {  	s10 =	sld [smem:$0x3F6D];
	_ =	sdelay $0x3  }
0x33: {  	p0 =	seq.s32 s10, $0x1;
	s10 =	sld [smem:$0x3F6F];
	_ =	sdelay $0x3  }
0x34: {  	[smem:$0x3F6F] =	sst s10  }
0x35: {  	s10 =	sld [smem:$0x3F6E];
	_ =	sdelay $0x3  }
0x36: {  	p1 =	seq.s32 s10, $0x1;
	s10 =	sld [smem:$0x3F6F];
	_ =	sdelay $0x3  }
0x37: {  	[smem:$0x3F6F] =	sst s10  }
0x38: {  	s10 =	sld [smem:$0x3F70]  }
0x39: {  	_ = 	snop;
	(pc) =	sbr.ind lr, $3  }
0x3a: {  	_ = 	snop  }
0x3b: {  	_ = 	snop  }
0x3c: {  	p2 =	seq.s32 s10, $0x1;
	s10 =	sld [smem:$0x3F6F]  }
0x3d: {  	_ =	shalt  }
0x3e: {  	_ =	shalt  }
0x3f: {  	_ =	shalt  }
0x40: {  	_ =	shalt  }
0x41: {  	_ =	shalt  }
0x42: {  	_ =	shalt  }
0x43: {  	_ =	shalt  }
0x44: {  	_ =	shalt  }
0x45: {  	_ =	shalt  }
0x46: {  	_ =	shalt  }
0x47: {  	_ =	shalt  }
0x48: {  	_ =	shalt  }
0x49: {  	_ =	shalt  }
0x4a: {  	_ =	shalt  }
0x4b: {  	_ =	shalt  }
0x4c: {  	_ =	shalt  }
0x4d: {  	_ =	shalt  }
0x4e: {  	_ =	shalt  }
0x4f: {  	_ =	shalt  }
0x50: {  	_ =	shalt  }
0x51: {  	_ =	shalt  }
0x52: {  	_ =	shalt  }
0x53: {  	_ =	shalt  }
0x54: {  	_ =	shalt  }
0x55: {  	_ =	shalt  }
0x56: {  	_ =	shalt  }
0x57: {  	_ =	shalt  }
0x58: {  	_ =	shalt  }
0x59: {  	_ =	shalt  }
0x5a: {  	_ =	shalt  }
0x5b: {  	_ =	shalt  }
0x5c: {  	_ =	shalt  }
0x5d: {  	_ =	shalt  }
0x5e: {  	_ =	shalt  }
0x5f: {  	_ =	shalt  }
0x60: {  	_ =	shalt  }
0x61: {  	_ =	shalt  }
0x62: {  	_ =	shalt  }
0x63: {  	_ =	shalt  }
0x64: {  	_ =	shalt  }
0x65: {  	_ =	shalt  }
0x66: {  	_ =	shalt  }
0x67: {  	_ =	shalt  }
0x68: {  	_ =	shalt  }
0x69: {  	_ =	shalt  }
0x6a: {  	_ =	shalt  }
0x6b: {  	_ =	shalt  }
0x6c: {  	_ =	shalt  }
0x6d: {  	_ =	shalt  }
0x6e: {  	_ =	shalt  }
0x6f: {  	_ =	shalt  }
0x70: {  	_ =	shalt  }
0x71: {  	_ =	shalt  }
0x72: {  	_ =	shalt  }
0x73: {  	_ =	shalt  }
0x74: {  	_ =	shalt  }
0x75: {  	_ =	shalt  }
0x76: {  	_ =	shalt  }
0x77: {  	_ =	shalt  }
0x78: {  	_ =	shalt  }
0x79: {  	_ =	shalt  }
0x7a: {  	_ =	shalt  }
0x7b: {  	_ =	shalt  }
0x7c: {  	_ =	shalt  }
0x7d: {  	_ =	shalt  }
0x7e: {  	_ =	shalt  }
0x7f: {  	_ =	shalt  }
0x80: {  	_ =	shalt  }
0x81: {  	_ =	shalt  }
0x82: {  	_ =	shalt  }
0x83: {  	_ =	shalt  }
0x84: {  	_ =	shalt  }
0x85: {  	_ =	shalt  }
0x86: {  	_ =	shalt  }
0x87: {  	_ =	shalt  }
.Lfunc_end0:
.L_simem_size_0:
called_computation.3_lowered:
.L_overlay_start_0:
0x88: {  	s2 =	sld [smem:$0x3FD9]  }
0x89: {  	s3 =	sld [smem:$0x3FFE];
	_ =	sdelay $0x1  }
0x8a: {  	s1 =	srdreg.scid  }
0x8b: {  	s0 =	sand.u32 $0x1, s1  }
0x8c: {  	s16 =	sshll.u32 s0, $0xA;
	s2 =	sadd.s32 s3, s2  }
0x8d: {  	s2 =	sadd.s32 s2, s16  }
0x8e: {  	[smem:$0x3F7B] =	sst s2  }
0x8f: {  	_ = 	snop  }
0x90: {  	(tm) =	ssettm $0x1  }
0x91: {  	s17 =	sld [smem:$0x3FFB];
	_ =	sdelay $0x3  }
0x92: {  	_ =	strace s17  }
0x93: {  	s2 =	sld [smem:$0x3FFC];
	_ =	sdelay $0x3  }
0x94: {  	_ =	strace s2  }
0x95: {  	s2 =	sld [smem:$0x3FFD];
	_ =	sdelay $0x3  }
0x96: {  	_ =	strace s2  }
0x97: {  	_ =	strace $0x8FFFFFFF  }
0x98: {  	s18 =	sld [smem:$0x3FDB];
	_ =	sdelay $0x1  }
0x99: {  	s19 =	simm.s32 $_scs_section_size  }
0x9a: {  	s4 =	simm.s32 $_size__tile_overlayer_lowered;
	s5 =	simm.s32 $_tile_overlayer_lowered  }
0x9b: {  	s22 =	simm.s32 $0x1BFF;
	s21 =	sshll.u32 s5, $0x1;
	s2 =	sadd.s32 s19, s18  }
0x9c: {  	s6 =	simm.s32 $0x0;
	s20 =	sshll.u32 s4, $0x1;
	s4 =	sadd.s32 s21, s2  }
0x9d: {  	[timem:s6], [sflag:s22] =	dma.local [hbm:s4], s20  }
0x9e: {  	_ =	swait.ge [sflag:s22], s20  }
0x9f: {  	s3 =	ssub.s32 $0x0, s20;
	[sflag:s22] =	ssyncset.done $0x0  }
0xa0: {  	[sflag:s22] =	ssyncadd.s32 s3;
	_ =	sdelay $0x1  }
0xa1: {  	s23 =	simm.s32 $0x1B8B  }
0xa2: {  	_ =	swait.ge [sflag:s23], $0x1  }
0xa3: {  	[sflag:s23] =	ssyncset.done $0x0  }
0xa4: {  	s25 =	simm.s32 $0x1B8E;
	s24 =	sld [smem:$0x3FFE];
	[sflag:s23] =	ssyncadd.s32 $0xFFFFFFFF  }
0xa5: {  	s26 =	simm.s32 $execute0_lowered;
	[smem:$0x3FD2] =	sst s25  }
0xa6: {  	s4 =	sshll.u32 s26, $0x1;
	_ =	strace $0x8000004F;
	[dreg:$0x1] =	wrdreg $0xFFFFFFFF  }
0xa7: {  	s28 =	simm.s32 $_size_execute0_lowered;
	s2 =	sadd.s32 s2, s4;
	[dreg:$0x0] =	wrdreg $0x0  }
0xa8: {  	s4 =	sshll.u32 s28, $0x1;
	[dreg:$0x2] =	wrdreg s2  }
0xa9: {  	[dreg:$0x3] =	wrdreg s4  }
0xaa: {  	[dreg:$0x4] =	wrdreg $0xC0  }
0xab: {  	_ =	task [dreg:s6], $0x5FFFF  }
0xac: {  	[dreg:$0x1] =	wrdreg $0xFFFFFFFF  }
0xad: {  	[dreg:$0x0] =	wrdreg $0x60  }
0xae: {  	[dreg:$0x2] =	wrdreg s24  }
0xaf: {  	[dreg:$0x3] =	wrdreg $0x9  }
0xb0: {  	_ =	task.clear_ibuf [dreg:s6], $0x4FFFF;
	_ =	strace $0x9000004F  }
0xb1: {  	s29 =	simm.s32 $0x9;
	_ =	strace $0x80000051  }
0xb2: {  	_ =	swait.ge [sflag:s29], $0x1  }
0xb3: {  	[sflag:s29] =	ssyncadd.s32 $0xFFFFFFFF  }
0xb4: {  	_ =	strace $0x90000051  }
0xb5: {  	_ =	sfence  }
0xb6: {  	s30 =	sld [smem:$0x0];
	_ =	sdelay $0x2  }
0xb7: {  	s31 =	sshll.u32 s1, $0xD;
	s1 =	sshrl.u32 s1, $0x2  }
0xb8: {  	s3 =	sand.u32 $0x4000, s31;
	s1 =	sadd.s32 s1, s30  }
0xb9: {  	s0 =	sor.u32 s3, s0;
	s1 =	sshll.u32 s1, $0x11  }
0xba: {  	s0 =	sor.u32 s1, s0  }
0xbb: {  	s0 =	sadd.s32 $0x8F2B, s0  }
0xbc: {  	[sflag:s0] =	ssyncadd.remote.s32 $0x1  }
0xbd: {  	_ =	sfence.sel $0xFFFF  }
0xbe: {  	[dreg:$0x0] =	wrdreg $0xFFFFFFFF;
	(pc) =	sbr.abs _section_cstart, $3  }
0xbf: {  	[dreg:$0x1] =	wrdreg $0xFFFFFFFF  }
0xc0: {  	_ =	task.clear_ibuf [dreg:s6], $0x2FFFF;
	_ =	strace $0x9FFFFFFF  }
0xc1: {  	(tm) =	ssettm $0x7FFFFFFF  }
tec
execute0_lowered:
.L_overlay_start_1:
0x0: {  	(tag) =	ssettag $0x1  }
0x1: {  	s0 =	srdreg.scid  }
0x2: {  	s9 =	stileid.u32;
	s1 =	rddreg [dreg:$0x0]  }
0x3: {  	s2 =	simm.s32 $0x0;
	s10 =	simm.s32 $0x1400;
	s11 =	simm.s32 $0x1C00  }
0x4: {  	s12 =	simm.s32 $0x2400;
	s13 =	simm.s32 $0x2C00;
	s14 =	simm.s32 $0x3400  }
0x5: {  	s15 =	simm.s32 $0x3C00;
	s16 =	simm.s32 $0x4400;
	s17 =	simm.s32 $0x4C00  }
0x6: {  	s18 =	simm.s32 $0x5400;
	s19 =	simm.s32 $0x5C00;
	s20 =	simm.s32 $0x6400  }
0x7: {  	s21 =	simm.s32 $0x6C00;
	s22 =	simm.s32 $0x7400;
	s23 =	simm.s32 $0x7C00  }
0x8: {  	s24 =	simm.s32 $0x8400;
	s29 =	simm.s32 $0x1;
	s30 =	simm.s32 $0x2  }
0x9: {  	s31 =	simm.s32 $0x3;
	s0 =	sand.u32 $0x1, s0;
	s6 =	smul.u32 $0x280000, s9  }
0xa: {  	s3 =	sshll.u32 s9, $0x1;
	[smem:$0x7FF] =	sst s2;
	s25 =	smul.u32 $0x50000, s9  }
0xb: {  	s9 =	simm.s32 $0x4;
	s3 =	sor.u32 s0, s3;
	s8 =	smul.u32 $0x140000, s0  }
0xc: {  	_ =	strace $0x80000050;
	s5 =	ssub.s32 $0x2, s0;
	s4 =	smul.u32 $0x280, s3  }
0xd: {  	s0 =	smul.u32 $0x28000, s0;
	s3 =	sadd.s32 $0x5FC00, s1;
	s7 =	sshrl.u32 s5, $0x1  }
0xe: {  	s5 =	ssub.s32 s5, s7;
	s6 =	sadd.s32 s8, s6;
	s4 =	sadd.s32 s4, s1  }
0xf: {  	s1 =	sadd.s32 $0x118A00, s1;
	s5 =	smax.u32 s5, $0x1;
	s26 =	sor.u32 $0x8000, s6  }
.Ltmp0:
0x10: {  	s8 =	sor.u32 $0x10000, s6;
	s4 =	sadd.s32 $0x113A00, s4;
	(pc) =	sbr.rel .LBB2_1-.Ltmp0, $4  }
0x11: {  	[dreg:$0x3] =	wrdreg s5;
	s5 =	sshrl.u32 s26, $0x3;
	s28 =	sshrl.u32 s8, $0x3  }
0x12: {  	v2 =	vlaneseq.u32;
	s26 =	simm.s32 $0x9400;
	[dreg:$0x2] =	wrdreg s4;
	s4 =	sadd.s32 s25, s1  }
0x13: {  	vm0 =	vmmov $0xffff;
	v1 =	vshrl.u32 v2, $0x3;
	s7 =	sadd.s32 s5, s1;
	s8 =	sadd.s32 s28, s1;
	s25 =	simm.s32 $0x8C00  }
0x14: {  	v0 =	vand.u32 $0x7, v2;
	v2 =	vor.u32 $0x8, v2;
	v1 =	vmul.u32 $0x8, v1;
	s5 =	simm.s32 $0x11400;
	s1 =	simm.s32 $0x0;
	s6 =	sadd.s32 s0, s4  }
.LBB2_8:
0x15: {  	s1 =	rddreg [dreg:$0x4]  }
0x16: {  	s0 =	rddreg [dreg:$0x3];
	s1 =	sadd.s32 $0x1, s1  }
0x17: {  	p0 =	sne.s32 s1, s0  }
.Ltmp1:
0x18: {  	_ = 	snop;
	(pc) =	sbr.rel @!p0 .LBB2_9-.Ltmp1, $1  }
0x19: {  	_ =	sdelay $0x3  }
.LBB2_1:
0x1a: {  	[dreg:$0x4] =	wrdreg s1  }
0x1b: {  	s0 =	rddreg [dreg:$0x2]  }
0x1c: {  	[tilespmem:s2], [sflag:$0x4] =	stream.linear.gather [hbm4b:s0+s2], $0x1400, $0x38;
	[tilespmem:$0x19400] =	vst v63  }
0x1d: {  	_ =	swait.ge [sflag:s9], $0x1400  }
0x1e: {  	[sflag:s9] =	ssyncset.done $0x0  }
0x1f: {  	[sflag:s9] =	ssyncadd.s32 $0xFFFFEC00  }
0x20: {  	v3 =	vld [tilespmem:$0x0];
	_ =	sdelay $0x4  }
0x21: {  	v4 =	vshll.u32 v3, $0x1  }
0x22: {  	v3 =	vand.u32 $0x7, v3;
	v4 =	vand.u32 $0xFFFFFFF0, v4  }
0x23: {  	v3 =	vor.u32 v3, v4  }
0x24: {  	v4 =	vperm.xlane v3, v0;
	_ =	sdelay $0x1  }
0x25: {  	v3 =	vperm.xlane v3, v2;
	v4 =	vadd.s32 v1, v4;
	_ =	sdelay $0x1  }
0x26: {  	v3 =	vadd.s32 v1, v3;
	_ =	sdelay $0x2  }
0x27: {  	[tilespmem:s10], [sflag:$0x1] =	stream.indirect_vreg.gather [hbm4b:s3+s2], $0x80, v4, vm0, $0xb8;
	[tilespmem:$0x19400] =	vst v63  }
0x28: {  	_ = 	snop  }
0x29: {  	[tilespmem:s11], [sflag:$0x1] =	stream.indirect_vreg.gather [hbm4b:s3+s2], $0x80, v3, vm0, $0xb8;
	[tilespmem:$0x19400] =	vst v63  }
0x2a: {  	v3 =	vld [tilespmem:$0x10];
	_ =	sdelay $0x4  }
0x2b: {  	v41 =	vshll.u32 v3, $0x1  }
0x2c: {  	v3 =	vand.u32 $0x7, v3;
	v4 =	vand.u32 $0xFFFFFFF0, v41  }
0x2d: {  	v3 =	vor.u32 v3, v4  }
0x2e: {  	v4 =	vperm.xlane v3, v0;
	_ =	sdelay $0x1  }
0x2f: {  	v3 =	vperm.xlane v3, v2;
	v4 =	vadd.s32 v1, v4;
	_ =	sdelay $0x1  }
0x30: {  	v3 =	vadd.s32 v1, v3;
	_ =	sdelay $0x2  }
0x31: {  	[tilespmem:s12], [sflag:$0x1] =	stream.indirect_vreg.gather [hbm4b:s3+s2], $0x80, v4, vm0, $0xb8;
	[tilespmem:$0x19400] =	vst v63  }
0x32: {  	_ = 	snop  }
0x33: {  	[tilespmem:s13], [sflag:$0x1] =	stream.indirect_vreg.gather [hbm4b:s3+s2], $0x80, v3, vm0, $0xb8;
	[tilespmem:$0x19400] =	vst v63  }
0x34: {  	v3 =	vld [tilespmem:$0x20];
	_ =	sdelay $0x4  }
0x35: {  	v42 =	vshll.u32 v3, $0x1  }
0x36: {  	v3 =	vand.u32 $0x7, v3;
	v4 =	vand.u32 $0xFFFFFFF0, v42  }
0x37: {  	v3 =	vor.u32 v3, v4  }
0x38: {  	v4 =	vperm.xlane v3, v0;
	_ =	sdelay $0x1  }
0x39: {  	v3 =	vperm.xlane v3, v2;
	v4 =	vadd.s32 v1, v4;
	_ =	sdelay $0x1  }
0x3a: {  	v3 =	vadd.s32 v1, v3;
	_ =	sdelay $0x2  }
0x3b: {  	[tilespmem:s14], [sflag:$0x1] =	stream.indirect_vreg.gather [hbm4b:s3+s2], $0x80, v4, vm0, $0xb8;
	[tilespmem:$0x19400] =	vst v63  }
0x3c: {  	_ = 	snop  }
0x3d: {  	[tilespmem:s15], [sflag:$0x1] =	stream.indirect_vreg.gather [hbm4b:s3+s2], $0x80, v3, vm0, $0xb8;
	[tilespmem:$0x19400] =	vst v63  }
0x3e: {  	v3 =	vld [tilespmem:$0x30];
	_ =	sdelay $0x4  }
0x3f: {  	v43 =	vshll.u32 v3, $0x1  }
0x40: {  	v3 =	vand.u32 $0x7, v3;
	v4 =	vand.u32 $0xFFFFFFF0, v43  }
0x41: {  	v3 =	vor.u32 v3, v4  }
0x42: {  	v4 =	vperm.xlane v3, v0;
	_ =	sdelay $0x1  }
0x43: {  	v3 =	vperm.xlane v3, v2;
	v4 =	vadd.s32 v1, v4;
	_ =	sdelay $0x1  }
0x44: {  	v3 =	vadd.s32 v1, v3;
	_ =	sdelay $0x2  }
0x45: {  	[tilespmem:s16], [sflag:$0x1] =	stream.indirect_vreg.gather [hbm4b:s3+s2], $0x80, v4, vm0, $0xb8;
	[tilespmem:$0x19400] =	vst v63  }
0x46: {  	_ = 	snop  }
0x47: {  	[tilespmem:s17], [sflag:$0x1] =	stream.indirect_vreg.gather [hbm4b:s3+s2], $0x80, v3, vm0, $0xb8;
	[tilespmem:$0x19400] =	vst v63  }
0x48: {  	v3 =	vld [tilespmem:$0x40];
	_ =	sdelay $0x4  }
0x49: {  	v44 =	vshll.u32 v3, $0x1  }
0x4a: {  	v3 =	vand.u32 $0x7, v3;
	v4 =	vand.u32 $0xFFFFFFF0, v44  }
0x4b: {  	v3 =	vor.u32 v3, v4  }
0x4c: {  	v4 =	vperm.xlane v3, v0;
	_ =	sdelay $0x1  }
0x4d: {  	v3 =	vperm.xlane v3, v2;
	v4 =	vadd.s32 v1, v4;
	_ =	sdelay $0x1  }
0x4e: {  	v3 =	vadd.s32 v1, v3;
	_ =	sdelay $0x2  }
0x4f: {  	[tilespmem:s18], [sflag:$0x1] =	stream.indirect_vreg.gather [hbm4b:s3+s2], $0x80, v4, vm0, $0xb8;
	[tilespmem:$0x19400] =	vst v63  }
0x50: {  	_ = 	snop  }
0x51: {  	[tilespmem:s19], [sflag:$0x1] =	stream.indirect_vreg.gather [hbm4b:s3+s2], $0x80, v3, vm0, $0xb8;
	[tilespmem:$0x19400] =	vst v63  }
0x52: {  	v3 =	vld [tilespmem:$0x50];
	_ =	sdelay $0x4  }
0x53: {  	v45 =	vshll.u32 v3, $0x1  }
0x54: {  	v3 =	vand.u32 $0x7, v3;
	v4 =	vand.u32 $0xFFFFFFF0, v45  }
0x55: {  	v3 =	vor.u32 v3, v4  }
0x56: {  	v4 =	vperm.xlane v3, v0;
	_ =	sdelay $0x1  }
0x57: {  	v3 =	vperm.xlane v3, v2;
	v4 =	vadd.s32 v1, v4;
	_ =	sdelay $0x1  }
0x58: {  	v3 =	vadd.s32 v1, v3;
	_ =	sdelay $0x2  }
0x59: {  	[tilespmem:s20], [sflag:$0x1] =	stream.indirect_vreg.gather [hbm4b:s3+s2], $0x80, v4, vm0, $0xb8;
	[tilespmem:$0x19400] =	vst v63  }
0x5a: {  	_ = 	snop  }
0x5b: {  	[tilespmem:s21], [sflag:$0x1] =	stream.indirect_vreg.gather [hbm4b:s3+s2], $0x80, v3, vm0, $0xb8;
	[tilespmem:$0x19400] =	vst v63  }
0x5c: {  	v3 =	vld [tilespmem:$0x60];
	_ =	sdelay $0x4  }
0x5d: {  	v46 =	vshll.u32 v3, $0x1  }
0x5e: {  	v3 =	vand.u32 $0x7, v3;
	v4 =	vand.u32 $0xFFFFFFF0, v46  }
0x5f: {  	v3 =	vor.u32 v3, v4  }
0x60: {  	v4 =	vperm.xlane v3, v0;
	_ =	sdelay $0x1  }
0x61: {  	v3 =	vperm.xlane v3, v2;
	v4 =	vadd.s32 v1, v4;
	_ =	sdelay $0x1  }
0x62: {  	v3 =	vadd.s32 v1, v3;
	_ =	sdelay $0x2  }
0x63: {  	[tilespmem:s22], [sflag:$0x1] =	stream.indirect_vreg.gather [hbm4b:s3+s2], $0x80, v4, vm0, $0xb8;
	[tilespmem:$0x19400] =	vst v63  }
0x64: {  	_ = 	snop  }
0x65: {  	[tilespmem:s23], [sflag:$0x1] =	stream.indirect_vreg.gather [hbm4b:s3+s2], $0x80, v3, vm0, $0xb8;
	[tilespmem:$0x19400] =	vst v63  }
0x66: {  	v3 =	vld [tilespmem:$0x70];
	_ =	sdelay $0x4  }
0x67: {  	v47 =	vshll.u32 v3, $0x1  }
0x68: {  	v3 =	vand.u32 $0x7, v3;
	v4 =	vand.u32 $0xFFFFFFF0, v47  }
0x69: {  	v3 =	vor.u32 v3, v4  }
0x6a: {  	v4 =	vperm.xlane v3, v0;
	_ =	sdelay $0x1  }
0x6b: {  	v3 =	vperm.xlane v3, v2;
	v4 =	vadd.s32 v1, v4;
	_ =	sdelay $0x1  }
0x6c: {  	v3 =	vadd.s32 v1, v3;
	_ =	sdelay $0x2  }
0x6d: {  	[tilespmem:s24], [sflag:$0x1] =	stream.indirect_vreg.gather [hbm4b:s3+s2], $0x80, v4, vm0, $0xb8;
	[tilespmem:$0x19400] =	vst v63  }
0x6e: {  	_ = 	snop  }
0x6f: {  	[tilespmem:s25], [sflag:$0x1] =	stream.indirect_vreg.gather [hbm4b:s3+s2], $0x80, v3, vm0, $0xb8;
	[tilespmem:$0x19400] =	vst v63  }
0x70: {  	v3 =	vld [tilespmem:$0x80];
	_ =	sdelay $0x4  }
0x71: {  	v48 =	vshll.u32 v3, $0x1  }
0x72: {  	v3 =	vand.u32 $0x7, v3;
	v4 =	vand.u32 $0xFFFFFFF0, v48  }
0x73: {  	v3 =	vor.u32 v3, v4  }
0x74: {  	v4 =	vperm.xlane v3, v0;
	_ =	sdelay $0x1  }
0x75: {  	v3 =	vperm.xlane v3, v2;
	v4 =	vadd.s32 v1, v4;
	_ =	sdelay $0x1  }
0x76: {  	v3 =	vadd.s32 v1, v3;
	_ =	sdelay $0x2  }
0x77: {  	[tilespmem:s26], [sflag:$0x2] =	stream.indirect_vreg.gather [hbm4b:s3+s2], $0x80, v4, vm0, $0xb8;
	[tilespmem:$0x19400] =	vst v63  }
0x78: {  	s1 =	simm.s32 $0x9C00  }
0x79: {  	[tilespmem:s1], [sflag:$0x2] =	stream.indirect_vreg.gather [hbm4b:s3+s2], $0x80, v3, vm0, $0xb8;
	[tilespmem:$0x19400] =	vst v63  }
0x7a: {  	v3 =	vld [tilespmem:$0x90];
	_ =	sdelay $0x4  }
0x7b: {  	v49 =	vshll.u32 v3, $0x1  }
0x7c: {  	v3 =	vand.u32 $0x7, v3;
	v4 =	vand.u32 $0xFFFFFFF0, v49  }
0x7d: {  	v3 =	vor.u32 v3, v4  }
0x7e: {  	v4 =	vperm.xlane v3, v0;
	_ =	sdelay $0x1  }
0x7f: {  	v3 =	vperm.xlane v3, v2;
	v4 =	vadd.s32 v1, v4;
	_ =	sdelay $0x1  }
0x80: {  	v3 =	vadd.s32 v1, v3;
	_ =	sdelay $0x1  }
0x81: {  	s4 =	simm.s32 $0xA400  }
0x82: {  	[tilespmem:s4], [sflag:$0x2] =	stream.indirect_vreg.gather [hbm4b:s3+s2], $0x80, v4, vm0, $0xb8;
	[tilespmem:$0x19400] =	vst v63  }
0x83: {  	s1 =	simm.s32 $0xAC00  }
0x84: {  	[tilespmem:s1], [sflag:$0x2] =	stream.indirect_vreg.gather [hbm4b:s3+s2], $0x80, v3, vm0, $0xb8;
	[tilespmem:$0x19400] =	vst v63  }
0x85: {  	v3 =	vld [tilespmem:$0xA0];
	_ =	sdelay $0x4  }
0x86: {  	v50 =	vshll.u32 v3, $0x1  }
0x87: {  	v3 =	vand.u32 $0x7, v3;
	v4 =	vand.u32 $0xFFFFFFF0, v50  }
0x88: {  	v3 =	vor.u32 v3, v4  }
0x89: {  	v4 =	vperm.xlane v3, v0;
	_ =	sdelay $0x1  }
0x8a: {  	v3 =	vperm.xlane v3, v2;
	v4 =	vadd.s32 v1, v4;
	_ =	sdelay $0x1  }
0x8b: {  	v3 =	vadd.s32 v1, v3;
	_ =	sdelay $0x1  }
0x8c: {  	s4 =	simm.s32 $0xB400  }
0x8d: {  	[tilespmem:s4], [sflag:$0x2] =	stream.indirect_vreg.gather [hbm4b:s3+s2], $0x80, v4, vm0, $0xb8;
	[tilespmem:$0x19400] =	vst v63  }
0x8e: {  	s1 =	simm.s32 $0xBC00  }
0x8f: {  	[tilespmem:s1], [sflag:$0x2] =	stream.indirect_vreg.gather [hbm4b:s3+s2], $0x80, v3, vm0, $0xb8;
	[tilespmem:$0x19400] =	vst v63  }
0x90: {  	v3 =	vld [tilespmem:$0xB0];
	_ =	sdelay $0x4  }
0x91: {  	v51 =	vshll.u32 v3, $0x1  }
0x92: {  	v3 =	vand.u32 $0x7, v3;
	v4 =	vand.u32 $0xFFFFFFF0, v51  }
0x93: {  	v3 =	vor.u32 v3, v4  }
0x94: {  	v4 =	vperm.xlane v3, v0;
	_ =	sdelay $0x1  }
0x95: {  	v3 =	vperm.xlane v3, v2;
	v4 =	vadd.s32 v1, v4;
	_ =	sdelay $0x1  }
0x96: {  	v3 =	vadd.s32 v1, v3;
	_ =	sdelay $0x1  }
0x97: {  	s4 =	simm.s32 $0xC400  }
0x98: {  	[tilespmem:s4], [sflag:$0x2] =	stream.indirect_vreg.gather [hbm4b:s3+s2], $0x80, v4, vm0, $0xb8;
	[tilespmem:$0x19400] =	vst v63  }
0x99: {  	s1 =	simm.s32 $0xCC00  }
0x9a: {  	[tilespmem:s1], [sflag:$0x2] =	stream.indirect_vreg.gather [hbm4b:s3+s2], $0x80, v3, vm0, $0xb8;
	[tilespmem:$0x19400] =	vst v63  }
0x9b: {  	v3 =	vld [tilespmem:$0xC0];
	_ =	sdelay $0x4  }
0x9c: {  	v52 =	vshll.u32 v3, $0x1  }
0x9d: {  	v3 =	vand.u32 $0x7, v3;
	v4 =	vand.u32 $0xFFFFFFF0, v52  }
0x9e: {  	v3 =	vor.u32 v3, v4  }
0x9f: {  	v4 =	vperm.xlane v3, v0;
	_ =	sdelay $0x1  }
0xa0: {  	v3 =	vperm.xlane v3, v2;
	v4 =	vadd.s32 v1, v4;
	_ =	sdelay $0x1  }
0xa1: {  	v3 =	vadd.s32 v1, v3;
	_ =	sdelay $0x1  }
0xa2: {  	s4 =	simm.s32 $0xD400  }
0xa3: {  	[tilespmem:s4], [sflag:$0x2] =	stream.indirect_vreg.gather [hbm4b:s3+s2], $0x80, v4, vm0, $0xb8;
	[tilespmem:$0x19400] =	vst v63  }
0xa4: {  	s1 =	simm.s32 $0xDC00  }
0xa5: {  	[tilespmem:s1], [sflag:$0x2] =	stream.indirect_vreg.gather [hbm4b:s3+s2], $0x80, v3, vm0, $0xb8;
	[tilespmem:$0x19400] =	vst v63  }
0xa6: {  	v3 =	vld [tilespmem:$0xD0];
	_ =	sdelay $0x4  }
0xa7: {  	v53 =	vshll.u32 v3, $0x1  }
0xa8: {  	v3 =	vand.u32 $0x7, v3;
	v4 =	vand.u32 $0xFFFFFFF0, v53  }
0xa9: {  	v3 =	vor.u32 v3, v4  }
0xaa: {  	v4 =	vperm.xlane v3, v0;
	_ =	sdelay $0x1  }
0xab: {  	v3 =	vperm.xlane v3, v2;
	v4 =	vadd.s32 v1, v4;
	_ =	sdelay $0x1  }
0xac: {  	v3 =	vadd.s32 v1, v3;
	_ =	sdelay $0x1  }
0xad: {  	s4 =	simm.s32 $0xE400  }
0xae: {  	[tilespmem:s4], [sflag:$0x2] =	stream.indirect_vreg.gather [hbm4b:s3+s2], $0x80, v4, vm0, $0xb8;
	[tilespmem:$0x19400] =	vst v63  }
0xaf: {  	s1 =	simm.s32 $0xEC00  }
0xb0: {  	[tilespmem:s1], [sflag:$0x2] =	stream.indirect_vreg.gather [hbm4b:s3+s2], $0x80, v3, vm0, $0xb8;
	[tilespmem:$0x19400] =	vst v63  }
0xb1: {  	v3 =	vld [tilespmem:$0xE0];
	_ =	sdelay $0x4  }
0xb2: {  	v54 =	vshll.u32 v3, $0x1  }
0xb3: {  	v3 =	vand.u32 $0x7, v3;
	v4 =	vand.u32 $0xFFFFFFF0, v54  }
0xb4: {  	v3 =	vor.u32 v3, v4  }
0xb5: {  	v4 =	vperm.xlane v3, v0;
	_ =	sdelay $0x1  }
0xb6: {  	v3 =	vperm.xlane v3, v2;
	v4 =	vadd.s32 v1, v4;
	_ =	sdelay $0x1  }
0xb7: {  	v3 =	vadd.s32 v1, v3;
	_ =	sdelay $0x1  }
0xb8: {  	s4 =	simm.s32 $0xF400  }
0xb9: {  	[tilespmem:s4], [sflag:$0x2] =	stream.indirect_vreg.gather [hbm4b:s3+s2], $0x80, v4, vm0, $0xb8;
	[tilespmem:$0x19400] =	vst v63  }
0xba: {  	s1 =	simm.s32 $0xFC00  }
0xbb: {  	[tilespmem:s1], [sflag:$0x2] =	stream.indirect_vreg.gather [hbm4b:s3+s2], $0x80, v3, vm0, $0xb8;
	[tilespmem:$0x19400] =	vst v63  }
0xbc: {  	v3 =	vld [tilespmem:$0xF0];
	_ =	sdelay $0x4  }
0xbd: {  	v55 =	vshll.u32 v3, $0x1  }
0xbe: {  	v3 =	vand.u32 $0x7, v3;
	v4 =	vand.u32 $0xFFFFFFF0, v55  }
0xbf: {  	v3 =	vor.u32 v3, v4  }
0xc0: {  	v4 =	vperm.xlane v3, v0;
	_ =	sdelay $0x1  }
0xc1: {  	v3 =	vperm.xlane v3, v2;
	v4 =	vadd.s32 v1, v4;
	_ =	sdelay $0x1  }
0xc2: {  	v3 =	vadd.s32 v1, v3;
	_ =	sdelay $0x1  }
0xc3: {  	s4 =	simm.s32 $0x10400  }
0xc4: {  	[tilespmem:s4], [sflag:$0x2] =	stream.indirect_vreg.gather [hbm4b:s3+s2], $0x80, v4, vm0, $0xb8;
	[tilespmem:$0x19400] =	vst v63  }
0xc5: {  	s1 =	simm.s32 $0x10C00  }
0xc6: {  	[tilespmem:s1], [sflag:$0x2] =	stream.indirect_vreg.gather [hbm4b:s3+s2], $0x80, v3, vm0, $0xb8;
	[tilespmem:$0x19400] =	vst v63  }
0xc7: {  	v3 =	vld [tilespmem:$0x100];
	_ =	sdelay $0x4  }
0xc8: {  	v56 =	vshll.u32 v3, $0x1  }
0xc9: {  	v3 =	vand.u32 $0x7, v3;
	v4 =	vand.u32 $0xFFFFFFF0, v56  }
0xca: {  	v3 =	vor.u32 v3, v4  }
0xcb: {  	v4 =	vperm.xlane v3, v0;
	_ =	sdelay $0x1  }
0xcc: {  	v3 =	vperm.xlane v3, v2;
	v4 =	vadd.s32 v1, v4;
	_ =	sdelay $0x1  }
0xcd: {  	v3 =	vadd.s32 v1, v3;
	_ =	sdelay $0x2  }
0xce: {  	[tilespmem:s5], [sflag:$0x3] =	stream.indirect_vreg.gather [hbm4b:s3+s2], $0x80, v4, vm0, $0xb8;
	[tilespmem:$0x19400] =	vst v63  }
0xcf: {  	s4 =	simm.s32 $0x11C00  }
0xd0: {  	[tilespmem:s4], [sflag:$0x3] =	stream.indirect_vreg.gather [hbm4b:s3+s2], $0x80, v3, vm0, $0xb8;
	[tilespmem:$0x19400] =	vst v63  }
0xd1: {  	v3 =	vld [tilespmem:$0x110];
	_ =	sdelay $0x4  }
0xd2: {  	v57 =	vshll.u32 v3, $0x1  }
0xd3: {  	v3 =	vand.u32 $0x7, v3;
	v4 =	vand.u32 $0xFFFFFFF0, v57  }
0xd4: {  	v3 =	vor.u32 v3, v4  }
0xd5: {  	v4 =	vperm.xlane v3, v0;
	_ =	sdelay $0x1  }
0xd6: {  	v3 =	vperm.xlane v3, v2;
	v4 =	vadd.s32 v1, v4;
	_ =	sdelay $0x1  }
0xd7: {  	v3 =	vadd.s32 v1, v3;
	_ =	sdelay $0x1  }
0xd8: {  	s1 =	simm.s32 $0x12400  }
0xd9: {  	[tilespmem:s1], [sflag:$0x3] =	stream.indirect_vreg.gather [hbm4b:s3+s2], $0x80, v4, vm0, $0xb8;
	[tilespmem:$0x19400] =	vst v63  }
0xda: {  	s4 =	simm.s32 $0x12C00  }
0xdb: {  	[tilespmem:s4], [sflag:$0x3] =	stream.indirect_vreg.gather [hbm4b:s3+s2], $0x80, v3, vm0, $0xb8;
	[tilespmem:$0x19400] =	vst v63  }
0xdc: {  	v3 =	vld [tilespmem:$0x120];
	_ =	sdelay $0x4  }
0xdd: {  	v58 =	vshll.u32 v3, $0x1  }
0xde: {  	v3 =	vand.u32 $0x7, v3;
	v4 =	vand.u32 $0xFFFFFFF0, v58  }
0xdf: {  	v3 =	vor.u32 v3, v4  }
0xe0: {  	v4 =	vperm.xlane v3, v0;
	_ =	sdelay $0x1  }
0xe1: {  	v3 =	vperm.xlane v3, v2;
	v4 =	vadd.s32 v1, v4;
	_ =	sdelay $0x1  }
0xe2: {  	v3 =	vadd.s32 v1, v3;
	_ =	sdelay $0x1  }
0xe3: {  	s1 =	simm.s32 $0x13400  }
0xe4: {  	[tilespmem:s1], [sflag:$0x3] =	stream.indirect_vreg.gather [hbm4b:s3+s2], $0x80, v4, vm0, $0xb8;
	[tilespmem:$0x19400] =	vst v63  }
0xe5: {  	s4 =	simm.s32 $0x13C00  }
0xe6: {  	[tilespmem:s4], [sflag:$0x3] =	stream.indirect_vreg.gather [hbm4b:s3+s2], $0x80, v3, vm0, $0xb8;
	[tilespmem:$0x19400] =	vst v63  }
0xe7: {  	v3 =	vld [tilespmem:$0x130];
	_ =	sdelay $0x4  }
0xe8: {  	v59 =	vshll.u32 v3, $0x1  }
0xe9: {  	v3 =	vand.u32 $0x7, v3;
	v4 =	vand.u32 $0xFFFFFFF0, v59  }
0xea: {  	v3 =	vor.u32 v3, v4  }
0xeb: {  	v4 =	vperm.xlane v3, v0;
	_ =	sdelay $0x1  }
0xec: {  	v3 =	vperm.xlane v3, v2;
	v4 =	vadd.s32 v1, v4;
	_ =	sdelay $0x1  }
0xed: {  	v3 =	vadd.s32 v1, v3;
	_ =	sdelay $0x1  }
0xee: {  	s1 =	simm.s32 $0x14400  }
0xef: {  	[tilespmem:s1], [sflag:$0x3] =	stream.indirect_vreg.gather [hbm4b:s3+s2], $0x80, v4, vm0, $0xb8;
	[tilespmem:$0x19400] =	vst v63  }
0xf0: {  	s4 =	simm.s32 $0x14C00  }
0xf1: {  	[tilespmem:s4], [sflag:$0x3] =	stream.indirect_vreg.gather [hbm4b:s3+s2], $0x80, v3, vm0, $0xb8;
	[tilespmem:$0x19400] =	vst v63  }
0xf2: {  	v3 =	vld [tilespmem:$0x140];
	_ =	sdelay $0x4  }
0xf3: {  	v60 =	vshll.u32 v3, $0x1  }
0xf4: {  	v3 =	vand.u32 $0x7, v3;
	v4 =	vand.u32 $0xFFFFFFF0, v60  }
0xf5: {  	v3 =	vor.u32 v3, v4  }
0xf6: {  	v4 =	vperm.xlane v3, v0;
	_ =	sdelay $0x1  }
0xf7: {  	v3 =	vperm.xlane v3, v2;
	v4 =	vadd.s32 v1, v4;
	_ =	sdelay $0x1  }
0xf8: {  	v3 =	vadd.s32 v1, v3;
	_ =	sdelay $0x1  }
0xf9: {  	s1 =	simm.s32 $0x15400  }
0xfa: {  	[tilespmem:s1], [sflag:$0x3] =	stream.indirect_vreg.gather [hbm4b:s3+s2], $0x80, v4, vm0, $0xb8;
	[tilespmem:$0x19400] =	vst v63  }
0xfb: {  	s4 =	simm.s32 $0x15C00  }
0xfc: {  	[tilespmem:s4], [sflag:$0x3] =	stream.indirect_vreg.gather [hbm4b:s3+s2], $0x80, v3, vm0, $0xb8;
	[tilespmem:$0x19400] =	vst v63  }
0xfd: {  	v3 =	vld [tilespmem:$0x150];
	_ =	sdelay $0x4  }
0xfe: {  	v61 =	vshll.u32 v3, $0x1  }
0xff: {  	v3 =	vand.u32 $0x7, v3;
	v4 =	vand.u32 $0xFFFFFFF0, v61  }
0x100: {  	v3 =	vor.u32 v3, v4  }
0x101: {  	v4 =	vperm.xlane v3, v0;
	_ =	sdelay $0x1  }
0x102: {  	v3 =	vperm.xlane v3, v2;
	v4 =	vadd.s32 v1, v4;
	_ =	sdelay $0x1  }
0x103: {  	v3 =	vadd.s32 v1, v3;
	_ =	sdelay $0x1  }
0x104: {  	s1 =	simm.s32 $0x16400  }
0x105: {  	[tilespmem:s1], [sflag:$0x3] =	stream.indirect_vreg.gather [hbm4b:s3+s2], $0x80, v4, vm0, $0xb8;
	[tilespmem:$0x19400] =	vst v63  }
0x106: {  	s4 =	simm.s32 $0x16C00  }
0x107: {  	[tilespmem:s4], [sflag:$0x3] =	stream.indirect_vreg.gather [hbm4b:s3+s2], $0x80, v3, vm0, $0xb8;
	[tilespmem:$0x19400] =	vst v63  }
0x108: {  	v3 =	vld [tilespmem:$0x160];
	_ =	sdelay $0x4  }
0x109: {  	v62 =	vshll.u32 v3, $0x1  }
0x10a: {  	v3 =	vand.u32 $0x7, v3;
	v4 =	vand.u32 $0xFFFFFFF0, v62  }
0x10b: {  	v3 =	vor.u32 v3, v4  }
0x10c: {  	v4 =	vperm.xlane v3, v0;
	_ =	sdelay $0x1  }
0x10d: {  	v3 =	vperm.xlane v3, v2;
	v4 =	vadd.s32 v1, v4;
	_ =	sdelay $0x1  }
0x10e: {  	v3 =	vadd.s32 v1, v3;
	_ =	sdelay $0x1  }
0x10f: {  	s1 =	simm.s32 $0x17400  }
0x110: {  	[tilespmem:s1], [sflag:$0x3] =	stream.indirect_vreg.gather [hbm4b:s3+s2], $0x80, v4, vm0, $0xb8;
	[tilespmem:$0x19400] =	vst v63  }
0x111: {  	s4 =	simm.s32 $0x17C00  }
0x112: {  	[tilespmem:s4], [sflag:$0x3] =	stream.indirect_vreg.gather [hbm4b:s3+s2], $0x80, v3, vm0, $0xb8;
	[tilespmem:$0x19400] =	vst v63  }
0x113: {  	v3 =	vld [tilespmem:$0x170];
	_ =	sdelay $0x4  }
0x114: {  	v63 =	vshll.u32 v3, $0x1  }
0x115: {  	v3 =	vand.u32 $0x7, v3;
	v4 =	vand.u32 $0xFFFFFFF0, v63  }
0x116: {  	v3 =	vor.u32 v3, v4  }
0x117: {  	v4 =	vperm.xlane v3, v0;
	_ =	sdelay $0x1  }
0x118: {  	v3 =	vperm.xlane v3, v2;
	v4 =	vadd.s32 v1, v4;
	_ =	sdelay $0x1  }
0x119: {  	v3 =	vadd.s32 v1, v3;
	_ =	sdelay $0x1  }
.Ltmp2:
0x11a: {  	s1 =	simm.s32 $0x18400;
	(pc) =	sbr.rel .LBB2_2-.Ltmp2, $4  }
0x11b: {  	[tilespmem:s1], [sflag:$0x3] =	stream.indirect_vreg.gather [hbm4b:s3+s2], $0x80, v4, vm0, $0xb8;
	[tilespmem:$0x19400] =	vst v63  }
0x11c: {  	s4 =	simm.s32 $0x18C00  }
0x11d: {  	[tilespmem:s4], [sflag:$0x3] =	stream.indirect_vreg.gather [hbm4b:s3+s2], $0x80, v3, vm0, $0xb8;
	[tilespmem:$0x19400] =	vst v63  }
0x11e: {  	s28 =	simm.s32 $0x0;
	s0 =	simm.s32 $0x2F0;
	s4 =	simm.s32 $0x0  }
.LBB2_7:
0x11f: {  	s4 =	sadd.s32 $0x3000, s4  }
0x120: {  	p0 =	sne.s32 s4, $0x2A000  }
.Ltmp3:
0x121: {  	_ = 	snop;
	(pc) =	sbr.rel @!p0 .LBB2_8-.Ltmp3, $2  }
0x122: {  	_ =	sdelay $0x2  }
0x123: {  	s28 =	sadd.s32 $0x1, s28;
	s0 =	sadd.s32 $0x180, s0  }
.LBB2_2:
0x124: {  	_ =	swait.ge [sflag:s29], $0x8000  }
0x125: {  	p0 =	seq.s32 s4, $0x27000;
	[sflag:s29] =	ssyncset.done $0x0  }
.Ltmp4:
0x126: {  	s1 =	sadd.s32 s4, s6;
	[sflag:s29] =	ssyncadd.s32 $0xFFFF8000;
	(pc) =	sbr.rel @p0 .LBB2_8-.Ltmp4, $4  }
0x127: {  	[hbm4b:s1+s2] =	stream.linear.scatter [tilespmem:s10], [sflag:$0x4], $0x8000, $0x38;
	[tilespmem:$0x19400] =	vst v63  }
0x128: {  	_ =	swait.ge [sflag:s9], $0x8000  }
0x129: {  	[sflag:s9] =	ssyncset.done $0x0  }
0x12a: {  	[sflag:s9] =	ssyncadd.s32 $0xFFFF8000  }
0x12b: {  	v3 =	vld [tilespmem:s0+$0xFFFFFE90];
	_ =	sdelay $0x4  }
0x12c: {  	v4 =	vshll.u32 v3, $0x1  }
0x12d: {  	v3 =	vand.u32 $0x7, v3;
	v4 =	vand.u32 $0xFFFFFFF0, v4  }
0x12e: {  	v3 =	vor.u32 v3, v4  }
0x12f: {  	v4 =	vperm.xlane v3, v0;
	_ =	sdelay $0x1  }
0x130: {  	v3 =	vperm.xlane v3, v2;
	v4 =	vadd.s32 v1, v4;
	_ =	sdelay $0x1  }
0x131: {  	v3 =	vadd.s32 v1, v3;
	_ =	sdelay $0x2  }
0x132: {  	[tilespmem:s10], [sflag:$0x1] =	stream.indirect_vreg.gather [hbm4b:s3+s2], $0x80, v4, vm0, $0xb8;
	[tilespmem:$0x19400] =	vst v63  }
0x133: {  	_ = 	snop  }
0x134: {  	[tilespmem:s11], [sflag:$0x1] =	stream.indirect_vreg.gather [hbm4b:s3+s2], $0x80, v3, vm0, $0xb8;
	[tilespmem:$0x19400] =	vst v63  }
0x135: {  	v3 =	vld [tilespmem:s0+$0xFFFFFEA0];
	_ =	sdelay $0x4  }
0x136: {  	v57 =	vshll.u32 v3, $0x1  }
0x137: {  	v3 =	vand.u32 $0x7, v3;
	v4 =	vand.u32 $0xFFFFFFF0, v57  }
0x138: {  	v3 =	vor.u32 v3, v4  }
0x139: {  	v4 =	vperm.xlane v3, v0;
	_ =	sdelay $0x1  }
0x13a: {  	v3 =	vperm.xlane v3, v2;
	v4 =	vadd.s32 v1, v4;
	_ =	sdelay $0x1  }
0x13b: {  	v3 =	vadd.s32 v1, v3;
	_ =	sdelay $0x2  }
0x13c: {  	[tilespmem:s12], [sflag:$0x1] =	stream.indirect_vreg.gather [hbm4b:s3+s2], $0x80, v4, vm0, $0xb8;
	[tilespmem:$0x19400] =	vst v63  }
0x13d: {  	_ = 	snop  }
0x13e: {  	[tilespmem:s13], [sflag:$0x1] =	stream.indirect_vreg.gather [hbm4b:s3+s2], $0x80, v3, vm0, $0xb8;
	[tilespmem:$0x19400] =	vst v63  }
0x13f: {  	v3 =	vld [tilespmem:s0+$0xFFFFFEB0];
	_ =	sdelay $0x4  }
0x140: {  	v58 =	vshll.u32 v3, $0x1  }
0x141: {  	v3 =	vand.u32 $0x7, v3;
	v4 =	vand.u32 $0xFFFFFFF0, v58  }
0x142: {  	v3 =	vor.u32 v3, v4  }
0x143: {  	v4 =	vperm.xlane v3, v0;
	_ =	sdelay $0x1  }
0x144: {  	v3 =	vperm.xlane v3, v2;
	v4 =	vadd.s32 v1, v4;
	_ =	sdelay $0x1  }
0x145: {  	v3 =	vadd.s32 v1, v3;
	_ =	sdelay $0x2  }
0x146: {  	[tilespmem:s14], [sflag:$0x1] =	stream.indirect_vreg.gather [hbm4b:s3+s2], $0x80, v4, vm0, $0xb8;
	[tilespmem:$0x19400] =	vst v63  }
0x147: {  	_ = 	snop  }
0x148: {  	[tilespmem:s15], [sflag:$0x1] =	stream.indirect_vreg.gather [hbm4b:s3+s2], $0x80, v3, vm0, $0xb8;
	[tilespmem:$0x19400] =	vst v63  }
0x149: {  	v3 =	vld [tilespmem:s0+$0xFFFFFEC0];
	_ =	sdelay $0x4  }
0x14a: {  	v59 =	vshll.u32 v3, $0x1  }
0x14b: {  	v3 =	vand.u32 $0x7, v3;
	v4 =	vand.u32 $0xFFFFFFF0, v59  }
0x14c: {  	v3 =	vor.u32 v3, v4  }
0x14d: {  	v4 =	vperm.xlane v3, v0;
	_ =	sdelay $0x1  }
0x14e: {  	v3 =	vperm.xlane v3, v2;
	v4 =	vadd.s32 v1, v4;
	_ =	sdelay $0x1  }
0x14f: {  	v3 =	vadd.s32 v1, v3;
	_ =	sdelay $0x2  }
0x150: {  	[tilespmem:s16], [sflag:$0x1] =	stream.indirect_vreg.gather [hbm4b:s3+s2], $0x80, v4, vm0, $0xb8;
	[tilespmem:$0x19400] =	vst v63  }
0x151: {  	_ = 	snop  }
0x152: {  	[tilespmem:s17], [sflag:$0x1] =	stream.indirect_vreg.gather [hbm4b:s3+s2], $0x80, v3, vm0, $0xb8;
	[tilespmem:$0x19400] =	vst v63  }
0x153: {  	v3 =	vld [tilespmem:s0+$0xFFFFFED0];
	_ =	sdelay $0x4  }
0x154: {  	v60 =	vshll.u32 v3, $0x1  }
0x155: {  	v3 =	vand.u32 $0x7, v3;
	v4 =	vand.u32 $0xFFFFFFF0, v60  }
0x156: {  	v3 =	vor.u32 v3, v4  }
0x157: {  	v4 =	vperm.xlane v3, v0;
	_ =	sdelay $0x1  }
0x158: {  	v3 =	vperm.xlane v3, v2;
	v4 =	vadd.s32 v1, v4;
	_ =	sdelay $0x1  }
0x159: {  	v3 =	vadd.s32 v1, v3;
	_ =	sdelay $0x2  }
0x15a: {  	[tilespmem:s18], [sflag:$0x1] =	stream.indirect_vreg.gather [hbm4b:s3+s2], $0x80, v4, vm0, $0xb8;
	[tilespmem:$0x19400] =	vst v63  }
0x15b: {  	_ = 	snop  }
0x15c: {  	[tilespmem:s19], [sflag:$0x1] =	stream.indirect_vreg.gather [hbm4b:s3+s2], $0x80, v3, vm0, $0xb8;
	[tilespmem:$0x19400] =	vst v63  }
0x15d: {  	v3 =	vld [tilespmem:s0+$0xFFFFFEE0];
	_ =	sdelay $0x4  }
0x15e: {  	v61 =	vshll.u32 v3, $0x1  }
0x15f: {  	v3 =	vand.u32 $0x7, v3;
	v4 =	vand.u32 $0xFFFFFFF0, v61  }
0x160: {  	v3 =	vor.u32 v3, v4  }
0x161: {  	v4 =	vperm.xlane v3, v0;
	_ =	sdelay $0x1  }
0x162: {  	v3 =	vperm.xlane v3, v2;
	v4 =	vadd.s32 v1, v4;
	_ =	sdelay $0x1  }
0x163: {  	v3 =	vadd.s32 v1, v3;
	_ =	sdelay $0x2  }
0x164: {  	[tilespmem:s20], [sflag:$0x1] =	stream.indirect_vreg.gather [hbm4b:s3+s2], $0x80, v4, vm0, $0xb8;
	[tilespmem:$0x19400] =	vst v63  }
0x165: {  	_ = 	snop  }
0x166: {  	[tilespmem:s21], [sflag:$0x1] =	stream.indirect_vreg.gather [hbm4b:s3+s2], $0x80, v3, vm0, $0xb8;
	[tilespmem:$0x19400] =	vst v63  }
0x167: {  	v3 =	vld [tilespmem:s0+$0xFFFFFEF0];
	_ =	sdelay $0x4  }
0x168: {  	v62 =	vshll.u32 v3, $0x1  }
0x169: {  	v3 =	vand.u32 $0x7, v3;
	v4 =	vand.u32 $0xFFFFFFF0, v62  }
0x16a: {  	v3 =	vor.u32 v3, v4  }
0x16b: {  	v4 =	vperm.xlane v3, v0;
	_ =	sdelay $0x1  }
0x16c: {  	v3 =	vperm.xlane v3, v2;
	v4 =	vadd.s32 v1, v4;
	_ =	sdelay $0x1  }
0x16d: {  	v3 =	vadd.s32 v1, v3;
	_ =	sdelay $0x2  }
0x16e: {  	[tilespmem:s22], [sflag:$0x1] =	stream.indirect_vreg.gather [hbm4b:s3+s2], $0x80, v4, vm0, $0xb8;
	[tilespmem:$0x19400] =	vst v63  }
0x16f: {  	_ = 	snop  }
0x170: {  	[tilespmem:s23], [sflag:$0x1] =	stream.indirect_vreg.gather [hbm4b:s3+s2], $0x80, v3, vm0, $0xb8;
	[tilespmem:$0x19400] =	vst v63  }
0x171: {  	v3 =	vld [tilespmem:s0+$0xFFFFFF00];
	_ =	sdelay $0x4  }
0x172: {  	v63 =	vshll.u32 v3, $0x1  }
0x173: {  	v3 =	vand.u32 $0x7, v3;
	v4 =	vand.u32 $0xFFFFFFF0, v63  }
0x174: {  	v3 =	vor.u32 v3, v4  }
0x175: {  	v4 =	vperm.xlane v3, v0;
	_ =	sdelay $0x1  }
0x176: {  	v3 =	vperm.xlane v3, v2;
	v4 =	vadd.s32 v1, v4;
	_ =	sdelay $0x1  }
0x177: {  	v3 =	vadd.s32 v1, v3;
	_ =	sdelay $0x2  }
0x178: {  	[tilespmem:s24], [sflag:$0x1] =	stream.indirect_vreg.gather [hbm4b:s3+s2], $0x80, v4, vm0, $0xb8;
	[tilespmem:$0x19400] =	vst v63  }
0x179: {  	_ = 	snop  }
0x17a: {  	[tilespmem:s25], [sflag:$0x1] =	stream.indirect_vreg.gather [hbm4b:s3+s2], $0x80, v3, vm0, $0xb8;
	[tilespmem:$0x19400] =	vst v63  }
0x17b: {  	_ =	swait.ge [sflag:s30], $0x8000  }
0x17c: {  	p0 =	sgt.u32 s28, $0xB;
	[sflag:s30] =	ssyncset.done $0x0  }
.Ltmp5:
0x17d: {  	s1 =	sadd.s32 s4, s7;
	[sflag:s30] =	ssyncadd.s32 $0xFFFF8000;
	(pc) =	sbr.rel @p0 .LBB2_5-.Ltmp5, $4  }
0x17e: {  	[hbm4b:s1+s2] =	stream.linear.scatter [tilespmem:s26], [sflag:$0x4], $0x8000, $0x38;
	[tilespmem:$0x19400] =	vst v63  }
0x17f: {  	_ =	swait.ge [sflag:s9], $0x8000  }
0x180: {  	[sflag:s9] =	ssyncset.done $0x0  }
0x181: {  	[sflag:s9] =	ssyncadd.s32 $0xFFFF8000  }
0x182: {  	v3 =	vld [tilespmem:s0+$0xFFFFFF10];
	_ =	sdelay $0x4  }
0x183: {  	v4 =	vshll.u32 v3, $0x1  }
0x184: {  	v3 =	vand.u32 $0x7, v3;
	v4 =	vand.u32 $0xFFFFFFF0, v4  }
0x185: {  	v3 =	vor.u32 v3, v4  }
0x186: {  	v4 =	vperm.xlane v3, v0;
	_ =	sdelay $0x1  }
0x187: {  	v3 =	vperm.xlane v3, v2;
	v4 =	vadd.s32 v1, v4;
	_ =	sdelay $0x1  }
0x188: {  	v3 =	vadd.s32 v1, v3;
	_ =	sdelay $0x2  }
0x189: {  	[tilespmem:s26], [sflag:$0x2] =	stream.indirect_vreg.gather [hbm4b:s3+s2], $0x80, v4, vm0, $0xb8;
	[tilespmem:$0x19400] =	vst v63  }
0x18a: {  	s1 =	simm.s32 $0x9C00  }
0x18b: {  	[tilespmem:s1], [sflag:$0x2] =	stream.indirect_vreg.gather [hbm4b:s3+s2], $0x80, v3, vm0, $0xb8;
	[tilespmem:$0x19400] =	vst v63  }
0x18c: {  	v3 =	vld [tilespmem:s0+$0xFFFFFF20];
	_ =	sdelay $0x4  }
0x18d: {  	v57 =	vshll.u32 v3, $0x1  }
0x18e: {  	v3 =	vand.u32 $0x7, v3;
	v4 =	vand.u32 $0xFFFFFFF0, v57  }
0x18f: {  	v3 =	vor.u32 v3, v4  }
0x190: {  	v4 =	vperm.xlane v3, v0;
	_ =	sdelay $0x1  }
0x191: {  	v3 =	vperm.xlane v3, v2;
	v4 =	vadd.s32 v1, v4;
	_ =	sdelay $0x1  }
0x192: {  	v3 =	vadd.s32 v1, v3;
	_ =	sdelay $0x1  }
0x193: {  	s1 =	simm.s32 $0xA400  }
0x194: {  	[tilespmem:s1], [sflag:$0x2] =	stream.indirect_vreg.gather [hbm4b:s3+s2], $0x80, v4, vm0, $0xb8;
	[tilespmem:$0x19400] =	vst v63  }
0x195: {  	s1 =	simm.s32 $0xAC00  }
0x196: {  	[tilespmem:s1], [sflag:$0x2] =	stream.indirect_vreg.gather [hbm4b:s3+s2], $0x80, v3, vm0, $0xb8;
	[tilespmem:$0x19400] =	vst v63  }
0x197: {  	v3 =	vld [tilespmem:s0+$0xFFFFFF30];
	_ =	sdelay $0x4  }
0x198: {  	v58 =	vshll.u32 v3, $0x1  }
0x199: {  	v3 =	vand.u32 $0x7, v3;
	v4 =	vand.u32 $0xFFFFFFF0, v58  }
0x19a: {  	v3 =	vor.u32 v3, v4  }
0x19b: {  	v4 =	vperm.xlane v3, v0;
	_ =	sdelay $0x1  }
0x19c: {  	v3 =	vperm.xlane v3, v2;
	v4 =	vadd.s32 v1, v4;
	_ =	sdelay $0x1  }
0x19d: {  	v3 =	vadd.s32 v1, v3;
	_ =	sdelay $0x1  }
0x19e: {  	s1 =	simm.s32 $0xB400  }
0x19f: {  	[tilespmem:s1], [sflag:$0x2] =	stream.indirect_vreg.gather [hbm4b:s3+s2], $0x80, v4, vm0, $0xb8;
	[tilespmem:$0x19400] =	vst v63  }
0x1a0: {  	s1 =	simm.s32 $0xBC00  }
0x1a1: {  	[tilespmem:s1], [sflag:$0x2] =	stream.indirect_vreg.gather [hbm4b:s3+s2], $0x80, v3, vm0, $0xb8;
	[tilespmem:$0x19400] =	vst v63  }
0x1a2: {  	v3 =	vld [tilespmem:s0+$0xFFFFFF40];
	_ =	sdelay $0x4  }
0x1a3: {  	v59 =	vshll.u32 v3, $0x1  }
0x1a4: {  	v3 =	vand.u32 $0x7, v3;
	v4 =	vand.u32 $0xFFFFFFF0, v59  }
0x1a5: {  	v3 =	vor.u32 v3, v4  }
0x1a6: {  	v4 =	vperm.xlane v3, v0;
	_ =	sdelay $0x1  }
0x1a7: {  	v3 =	vperm.xlane v3, v2;
	v4 =	vadd.s32 v1, v4;
	_ =	sdelay $0x1  }
0x1a8: {  	v3 =	vadd.s32 v1, v3;
	_ =	sdelay $0x1  }
0x1a9: {  	s1 =	simm.s32 $0xC400  }
0x1aa: {  	[tilespmem:s1], [sflag:$0x2] =	stream.indirect_vreg.gather [hbm4b:s3+s2], $0x80, v4, vm0, $0xb8;
	[tilespmem:$0x19400] =	vst v63  }
0x1ab: {  	s1 =	simm.s32 $0xCC00  }
0x1ac: {  	[tilespmem:s1], [sflag:$0x2] =	stream.indirect_vreg.gather [hbm4b:s3+s2], $0x80, v3, vm0, $0xb8;
	[tilespmem:$0x19400] =	vst v63  }
0x1ad: {  	v3 =	vld [tilespmem:s0+$0xFFFFFF50];
	_ =	sdelay $0x4  }
0x1ae: {  	v60 =	vshll.u32 v3, $0x1  }
0x1af: {  	v3 =	vand.u32 $0x7, v3;
	v4 =	vand.u32 $0xFFFFFFF0, v60  }
0x1b0: {  	v3 =	vor.u32 v3, v4  }
0x1b1: {  	v4 =	vperm.xlane v3, v0;
	_ =	sdelay $0x1  }
0x1b2: {  	v3 =	vperm.xlane v3, v2;
	v4 =	vadd.s32 v1, v4;
	_ =	sdelay $0x1  }
0x1b3: {  	v3 =	vadd.s32 v1, v3;
	_ =	sdelay $0x1  }
0x1b4: {  	s1 =	simm.s32 $0xD400  }
0x1b5: {  	[tilespmem:s1], [sflag:$0x2] =	stream.indirect_vreg.gather [hbm4b:s3+s2], $0x80, v4, vm0, $0xb8;
	[tilespmem:$0x19400] =	vst v63  }
0x1b6: {  	s1 =	simm.s32 $0xDC00  }
0x1b7: {  	[tilespmem:s1], [sflag:$0x2] =	stream.indirect_vreg.gather [hbm4b:s3+s2], $0x80, v3, vm0, $0xb8;
	[tilespmem:$0x19400] =	vst v63  }
0x1b8: {  	v3 =	vld [tilespmem:s0+$0xFFFFFF60];
	_ =	sdelay $0x4  }
0x1b9: {  	v61 =	vshll.u32 v3, $0x1  }
0x1ba: {  	v3 =	vand.u32 $0x7, v3;
	v4 =	vand.u32 $0xFFFFFFF0, v61  }
0x1bb: {  	v3 =	vor.u32 v3, v4  }
0x1bc: {  	v4 =	vperm.xlane v3, v0;
	_ =	sdelay $0x1  }
0x1bd: {  	v3 =	vperm.xlane v3, v2;
	v4 =	vadd.s32 v1, v4;
	_ =	sdelay $0x1  }
0x1be: {  	v3 =	vadd.s32 v1, v3;
	_ =	sdelay $0x1  }
0x1bf: {  	s1 =	simm.s32 $0xE400  }
0x1c0: {  	[tilespmem:s1], [sflag:$0x2] =	stream.indirect_vreg.gather [hbm4b:s3+s2], $0x80, v4, vm0, $0xb8;
	[tilespmem:$0x19400] =	vst v63  }
0x1c1: {  	s1 =	simm.s32 $0xEC00  }
0x1c2: {  	[tilespmem:s1], [sflag:$0x2] =	stream.indirect_vreg.gather [hbm4b:s3+s2], $0x80, v3, vm0, $0xb8;
	[tilespmem:$0x19400] =	vst v63  }
0x1c3: {  	v3 =	vld [tilespmem:s0+$0xFFFFFF70];
	_ =	sdelay $0x4  }
0x1c4: {  	v62 =	vshll.u32 v3, $0x1  }
0x1c5: {  	v3 =	vand.u32 $0x7, v3;
	v4 =	vand.u32 $0xFFFFFFF0, v62  }
0x1c6: {  	v3 =	vor.u32 v3, v4  }
0x1c7: {  	v4 =	vperm.xlane v3, v0;
	_ =	sdelay $0x1  }
0x1c8: {  	v3 =	vperm.xlane v3, v2;
	v4 =	vadd.s32 v1, v4;
	_ =	sdelay $0x1  }
0x1c9: {  	v3 =	vadd.s32 v1, v3;
	_ =	sdelay $0x1  }
0x1ca: {  	s1 =	simm.s32 $0xF400  }
0x1cb: {  	[tilespmem:s1], [sflag:$0x2] =	stream.indirect_vreg.gather [hbm4b:s3+s2], $0x80, v4, vm0, $0xb8;
	[tilespmem:$0x19400] =	vst v63  }
0x1cc: {  	s1 =	simm.s32 $0xFC00  }
0x1cd: {  	[tilespmem:s1], [sflag:$0x2] =	stream.indirect_vreg.gather [hbm4b:s3+s2], $0x80, v3, vm0, $0xb8;
	[tilespmem:$0x19400] =	vst v63  }
0x1ce: {  	v3 =	vld [tilespmem:s0+$0xFFFFFF80];
	_ =	sdelay $0x4  }
0x1cf: {  	v63 =	vshll.u32 v3, $0x1  }
0x1d0: {  	v3 =	vand.u32 $0x7, v3;
	v4 =	vand.u32 $0xFFFFFFF0, v63  }
0x1d1: {  	v3 =	vor.u32 v3, v4  }
0x1d2: {  	v4 =	vperm.xlane v3, v0;
	_ =	sdelay $0x1  }
0x1d3: {  	v3 =	vperm.xlane v3, v2;
	v4 =	vadd.s32 v1, v4;
	_ =	sdelay $0x1  }
0x1d4: {  	v3 =	vadd.s32 v1, v3;
	_ =	sdelay $0x1  }
0x1d5: {  	s1 =	simm.s32 $0x10400  }
0x1d6: {  	[tilespmem:s1], [sflag:$0x2] =	stream.indirect_vreg.gather [hbm4b:s3+s2], $0x80, v4, vm0, $0xb8;
	[tilespmem:$0x19400] =	vst v63  }
0x1d7: {  	s1 =	simm.s32 $0x10C00  }
0x1d8: {  	[tilespmem:s1], [sflag:$0x2] =	stream.indirect_vreg.gather [hbm4b:s3+s2], $0x80, v3, vm0, $0xb8;
	[tilespmem:$0x19400] =	vst v63  }
.LBB2_5:
0x1d9: {  	_ =	swait.ge [sflag:s31], $0x8000  }
0x1da: {  	[sflag:s31] =	ssyncset.done $0x0  }
.Ltmp6:
0x1db: {  	s1 =	sadd.s32 s4, s8;
	[sflag:s31] =	ssyncadd.s32 $0xFFFF8000;
	(pc) =	sbr.rel @p0 .LBB2_7-.Ltmp6, $4  }
0x1dc: {  	[hbm4b:s1+s2] =	stream.linear.scatter [tilespmem:s5], [sflag:$0x4], $0x8000, $0x38;
	[tilespmem:$0x19400] =	vst v63  }
0x1dd: {  	_ =	swait.ge [sflag:s9], $0x8000  }
0x1de: {  	[sflag:s9] =	ssyncset.done $0x0  }
0x1df: {  	[sflag:s9] =	ssyncadd.s32 $0xFFFF8000  }
0x1e0: {  	v3 =	vld [tilespmem:s0+$0xFFFFFF90];
	_ =	sdelay $0x4  }
0x1e1: {  	v4 =	vshll.u32 v3, $0x1  }
0x1e2: {  	v3 =	vand.u32 $0x7, v3;
	v4 =	vand.u32 $0xFFFFFFF0, v4  }
0x1e3: {  	v3 =	vor.u32 v3, v4  }
0x1e4: {  	v4 =	vperm.xlane v3, v0;
	_ =	sdelay $0x1  }
0x1e5: {  	v3 =	vperm.xlane v3, v2;
	v4 =	vadd.s32 v1, v4;
	_ =	sdelay $0x1  }
0x1e6: {  	v3 =	vadd.s32 v1, v3;
	_ =	sdelay $0x2  }
0x1e7: {  	[tilespmem:s5], [sflag:$0x3] =	stream.indirect_vreg.gather [hbm4b:s3+s2], $0x80, v4, vm0, $0xb8;
	[tilespmem:$0x19400] =	vst v63  }
0x1e8: {  	s1 =	simm.s32 $0x11C00  }
0x1e9: {  	[tilespmem:s1], [sflag:$0x3] =	stream.indirect_vreg.gather [hbm4b:s3+s2], $0x80, v3, vm0, $0xb8;
	[tilespmem:$0x19400] =	vst v63  }
0x1ea: {  	v3 =	vld [tilespmem:s0+$0xFFFFFFA0];
	_ =	sdelay $0x4  }
0x1eb: {  	v57 =	vshll.u32 v3, $0x1  }
0x1ec: {  	v3 =	vand.u32 $0x7, v3;
	v4 =	vand.u32 $0xFFFFFFF0, v57  }
0x1ed: {  	v3 =	vor.u32 v3, v4  }
0x1ee: {  	v4 =	vperm.xlane v3, v0;
	_ =	sdelay $0x1  }
0x1ef: {  	v3 =	vperm.xlane v3, v2;
	v4 =	vadd.s32 v1, v4;
	_ =	sdelay $0x1  }
0x1f0: {  	v3 =	vadd.s32 v1, v3;
	_ =	sdelay $0x1  }
0x1f1: {  	s1 =	simm.s32 $0x12400  }
0x1f2: {  	[tilespmem:s1], [sflag:$0x3] =	stream.indirect_vreg.gather [hbm4b:s3+s2], $0x80, v4, vm0, $0xb8;
	[tilespmem:$0x19400] =	vst v63  }
0x1f3: {  	s1 =	simm.s32 $0x12C00  }
0x1f4: {  	[tilespmem:s1], [sflag:$0x3] =	stream.indirect_vreg.gather [hbm4b:s3+s2], $0x80, v3, vm0, $0xb8;
	[tilespmem:$0x19400] =	vst v63  }
0x1f5: {  	v3 =	vld [tilespmem:s0+$0xFFFFFFB0];
	_ =	sdelay $0x4  }
0x1f6: {  	v58 =	vshll.u32 v3, $0x1  }
0x1f7: {  	v3 =	vand.u32 $0x7, v3;
	v4 =	vand.u32 $0xFFFFFFF0, v58  }
0x1f8: {  	v3 =	vor.u32 v3, v4  }
0x1f9: {  	v4 =	vperm.xlane v3, v0;
	_ =	sdelay $0x1  }
0x1fa: {  	v3 =	vperm.xlane v3, v2;
	v4 =	vadd.s32 v1, v4;
	_ =	sdelay $0x1  }
0x1fb: {  	v3 =	vadd.s32 v1, v3;
	_ =	sdelay $0x1  }
0x1fc: {  	s1 =	simm.s32 $0x13400  }
0x1fd: {  	[tilespmem:s1], [sflag:$0x3] =	stream.indirect_vreg.gather [hbm4b:s3+s2], $0x80, v4, vm0, $0xb8;
	[tilespmem:$0x19400] =	vst v63  }
0x1fe: {  	s1 =	simm.s32 $0x13C00  }
0x1ff: {  	[tilespmem:s1], [sflag:$0x3] =	stream.indirect_vreg.gather [hbm4b:s3+s2], $0x80, v3, vm0, $0xb8;
	[tilespmem:$0x19400] =	vst v63  }
0x200: {  	v3 =	vld [tilespmem:s0+$0xFFFFFFC0];
	_ =	sdelay $0x4  }
0x201: {  	v59 =	vshll.u32 v3, $0x1  }
0x202: {  	v3 =	vand.u32 $0x7, v3;
	v4 =	vand.u32 $0xFFFFFFF0, v59  }
0x203: {  	v3 =	vor.u32 v3, v4  }
0x204: {  	v4 =	vperm.xlane v3, v0;
	_ =	sdelay $0x1  }
0x205: {  	v3 =	vperm.xlane v3, v2;
	v4 =	vadd.s32 v1, v4;
	_ =	sdelay $0x1  }
0x206: {  	v3 =	vadd.s32 v1, v3;
	_ =	sdelay $0x1  }
0x207: {  	s1 =	simm.s32 $0x14400  }
0x208: {  	[tilespmem:s1], [sflag:$0x3] =	stream.indirect_vreg.gather [hbm4b:s3+s2], $0x80, v4, vm0, $0xb8;
	[tilespmem:$0x19400] =	vst v63  }
0x209: {  	s1 =	simm.s32 $0x14C00  }
0x20a: {  	[tilespmem:s1], [sflag:$0x3] =	stream.indirect_vreg.gather [hbm4b:s3+s2], $0x80, v3, vm0, $0xb8;
	[tilespmem:$0x19400] =	vst v63  }
0x20b: {  	v3 =	vld [tilespmem:s0+$0xFFFFFFD0];
	_ =	sdelay $0x4  }
0x20c: {  	v60 =	vshll.u32 v3, $0x1  }
0x20d: {  	v3 =	vand.u32 $0x7, v3;
	v4 =	vand.u32 $0xFFFFFFF0, v60  }
0x20e: {  	v3 =	vor.u32 v3, v4  }
0x20f: {  	v4 =	vperm.xlane v3, v0;
	_ =	sdelay $0x1  }
0x210: {  	v3 =	vperm.xlane v3, v2;
	v4 =	vadd.s32 v1, v4;
	_ =	sdelay $0x1  }
0x211: {  	v3 =	vadd.s32 v1, v3;
	_ =	sdelay $0x1  }
0x212: {  	s1 =	simm.s32 $0x15400  }
0x213: {  	[tilespmem:s1], [sflag:$0x3] =	stream.indirect_vreg.gather [hbm4b:s3+s2], $0x80, v4, vm0, $0xb8;
	[tilespmem:$0x19400] =	vst v63  }
0x214: {  	s1 =	simm.s32 $0x15C00  }
0x215: {  	[tilespmem:s1], [sflag:$0x3] =	stream.indirect_vreg.gather [hbm4b:s3+s2], $0x80, v3, vm0, $0xb8;
	[tilespmem:$0x19400] =	vst v63  }
0x216: {  	v3 =	vld [tilespmem:s0+$0xFFFFFFE0];
	_ =	sdelay $0x4  }
0x217: {  	v61 =	vshll.u32 v3, $0x1  }
0x218: {  	v3 =	vand.u32 $0x7, v3;
	v4 =	vand.u32 $0xFFFFFFF0, v61  }
0x219: {  	v3 =	vor.u32 v3, v4  }
0x21a: {  	v4 =	vperm.xlane v3, v0;
	_ =	sdelay $0x1  }
0x21b: {  	v3 =	vperm.xlane v3, v2;
	v4 =	vadd.s32 v1, v4;
	_ =	sdelay $0x1  }
0x21c: {  	v3 =	vadd.s32 v1, v3;
	_ =	sdelay $0x1  }
0x21d: {  	s1 =	simm.s32 $0x16400  }
0x21e: {  	[tilespmem:s1], [sflag:$0x3] =	stream.indirect_vreg.gather [hbm4b:s3+s2], $0x80, v4, vm0, $0xb8;
	[tilespmem:$0x19400] =	vst v63  }
0x21f: {  	s1 =	simm.s32 $0x16C00  }
0x220: {  	[tilespmem:s1], [sflag:$0x3] =	stream.indirect_vreg.gather [hbm4b:s3+s2], $0x80, v3, vm0, $0xb8;
	[tilespmem:$0x19400] =	vst v63  }
0x221: {  	v3 =	vld [tilespmem:s0+$0xFFFFFFF0];
	_ =	sdelay $0x4  }
0x222: {  	v62 =	vshll.u32 v3, $0x1  }
0x223: {  	v3 =	vand.u32 $0x7, v3;
	v4 =	vand.u32 $0xFFFFFFF0, v62  }
0x224: {  	v3 =	vor.u32 v3, v4  }
0x225: {  	v4 =	vperm.xlane v3, v0;
	_ =	sdelay $0x1  }
0x226: {  	v3 =	vperm.xlane v3, v2;
	v4 =	vadd.s32 v1, v4;
	_ =	sdelay $0x1  }
0x227: {  	v3 =	vadd.s32 v1, v3;
	_ =	sdelay $0x1  }
0x228: {  	s1 =	simm.s32 $0x17400  }
0x229: {  	[tilespmem:s1], [sflag:$0x3] =	stream.indirect_vreg.gather [hbm4b:s3+s2], $0x80, v4, vm0, $0xb8;
	[tilespmem:$0x19400] =	vst v63  }
0x22a: {  	s1 =	simm.s32 $0x17C00  }
0x22b: {  	[tilespmem:s1], [sflag:$0x3] =	stream.indirect_vreg.gather [hbm4b:s3+s2], $0x80, v3, vm0, $0xb8;
	[tilespmem:$0x19400] =	vst v63  }
0x22c: {  	v3 =	vld [tilespmem:s0+$0x0];
	_ =	sdelay $0x4  }
0x22d: {  	v63 =	vshll.u32 v3, $0x1  }
0x22e: {  	v3 =	vand.u32 $0x7, v3;
	v4 =	vand.u32 $0xFFFFFFF0, v63  }
0x22f: {  	v3 =	vor.u32 v3, v4  }
0x230: {  	v4 =	vperm.xlane v3, v0;
	_ =	sdelay $0x1  }
0x231: {  	v3 =	vperm.xlane v3, v2;
	v4 =	vadd.s32 v1, v4;
	_ =	sdelay $0x1  }
0x232: {  	v3 =	vadd.s32 v1, v3  }
.Ltmp7:
0x233: {  	_ = 	snop;
	(pc) =	sbr.rel .LBB2_7-.Ltmp7, $4  }
0x234: {  	s1 =	simm.s32 $0x18400  }
0x235: {  	[tilespmem:s1], [sflag:$0x3] =	stream.indirect_vreg.gather [hbm4b:s3+s2], $0x80, v4, vm0, $0xb8;
	[tilespmem:$0x19400] =	vst v63  }
0x236: {  	s1 =	simm.s32 $0x18C00  }
0x237: {  	[tilespmem:s1], [sflag:$0x3] =	stream.indirect_vreg.gather [hbm4b:s3+s2], $0x80, v3, vm0, $0xb8;
	[tilespmem:$0x19400] =	vst v63  }
.LBB2_9:
0x238: {  	_ =	sfence.sel $0x180000  }
0x239: {  	[bflag:$0x0] =	sbarrier.arrive $0xFFFF  }
0x23a: {  	_ =	strace $0x90000050  }
0x23b: {  	s0 =	stileid.u32;
	[bflag:$0x2] =	sbarrier.arrive $0xFFFF  }
0x23c: {  	p0 =	sne.s32 s0, $0x0;
	s0 =	rddreg [dreg:$0x1]  }
0x23d: {  	s0 =	sadd.s32 @!p0 $0x100000, s0  }
0x23e: {  	[sflag:s0] =	ssyncadd.tile.s32 @!p0 $0x1;
	_ =	shalt  }
.Lfunc_end2:
_tile_overlayer_lowered:
.L_overlay_start_2:
0x23f: {  	(tag) =	ssettag $0x2  }
0x240: {  	s0 =	rddreg [dreg:$0x0];
	s2 =	stileid.u32  }
0x241: {  	s1 =	rddreg [dreg:$0x1];
	p0 =	sne.s32 s2, $0x0  }
0x242: {  	s3 =	rddreg [dreg:$0x2];
	[bflag:$0x3] =	sbarrier.arrive $0xFFFF;
	s2 =	simm.s32 @!p0 $0x1C04  }
0x243: {  	[timem:s3], [sflag:s2] =	dma.local @!p0 [hbm:s0], s1  }
0x244: {  	s0 =	simm.s32 @!p0 $0x4  }
0x245: {  	_ =	swait.ge @!p0 [sflag:s0], s1  }
0x246: {  	s1 =	ssub.s32 @!p0 $0x0, s1;
	[sflag:s0] =	ssyncset.done @!p0 $0x0  }
0x247: {  	[sflag:s0] =	ssyncadd.s32 @!p0 s1  }
0x248: {  	[bflag:$0x3] =	sbarrier.arrive $0xFFFF  }
0x249: {  	_ =	shalt  }

// kernel: kernel.9.cloned.1.call-start
scs
__scs_entry_jumppad:
0x0: {  	(pc) =	sbr.rel $0x88, $3  }
0x1: {  	(tag) =	ssettag $0x0;
	lr =	simm.s32 $0x1  }
0x2: {  	[smem:$0x3F54] =	sst lr;
	_ =	strace $0xD0000000  }
0x3: {  	_ = 	snop  }
0x4: {  	_ = 	snop  }
0x5: {  	_ = 	snop  }
0x6: {  	_ = 	snop  }
0x7: {  	_ = 	snop  }
__scs_overlays_trampoline_lowered:
0x8: {  	[smem:$0x3F63] =	sst s0  }
0x9: {  	[smem:$0x3F64] =	sst s1  }
0xa: {  	[smem:$0x3F65] =	sst s2  }
0xb: {  	[smem:$0x3F66] =	sst s3  }
0xc: {  	[smem:$0x3F67] =	sst s4  }
0xd: {  	[smem:$0x3F68] =	sst s5  }
0xe: {  	[smem:$0x3F69] =	sst s6  }
0xf: {  	[smem:$0x3F6A] =	sst s7  }
0x10: {  	[smem:$0x3F6B] =	sst s8  }
0x11: {  	[smem:$0x3F6C] =	sst s9;
	s0 =	simm.s32 @!p0 $0x0  }
0x12: {  	s1 =	sld [smem:$0x3F52];
	s0 =	simm.s32 @p0 $0x1  }
0x13: {  	[smem:$0x3F6D] =	sst s0;
	s0 =	simm.s32 @!p1 $0x0  }
0x14: {  	s2 =	sld [smem:$0x3F51];
	s0 =	simm.s32 @p1 $0x1  }
0x15: {  	[smem:$0x3F6E] =	sst s0;
	s0 =	simm.s32 @!p2 $0x0  }
0x16: {  	s3 =	sld [smem:$0x3FDB];
	s0 =	simm.s32 @p2 $0x1  }
0x17: {  	s4 =	simm.s32 $0x1BF5;
	[smem:$0x3F70] =	sst s0  }
0x18: {  	s0 =	sld [smem:$0x3F53];
	_ =	swait.ge [sflag:s4], $0x0  }
0x19: {  	s7 =	sld [smem:$0x3F54]  }
0x1a: {  	s8 =	sadd.s32 $0xFFFFE003, lr  }
0x1b: {  	s9 =	sadd.s32 $0xFFFFFEF7, lr;
	s5 =	simm.s32 $0xFFFFFFFF;
	p2 =	slt.u32 s8, $0xFFFFF086  }
0x1c: {  	p1 =	slt.u32 s9, $0xF7A;
	s5 =	simm.s32 @!p2 $0x0  }
0x1d: {  	s5 =	simm.s32 @p1 $0x1;
	p0 =	seq.s32 s7, s2  }
0x1e: {  	s7 =	smul.u32 @!p0 $0xF7A, s2;
	p2 =	seq.s32 @!p0 s5, $0x0  }
0x1f: {  	s9 =	smul.u32 $0xF7A, s1;
	s8 =	simm.s32 @!p0 $0x1BF5;
	p2 =	por !p2, p0  }
0x20: {  	[sflag:s8] =	ssyncset.s32 @!p0 $0xFFFFF086;
	s6 =	sadd.s32 @!p0 s3, s7;
	s7 =	simm.s32 @!p0 $0x108  }
0x21: {  	s3 =	sadd.s32 s3, s9;
	s6 =	sadd.s32 @!p0 $0x88, s6;
	s7 =	simm.s32 @p2 $0x1082  }
0x22: {  	[simem:s7], [sflag:s8] =	dma.local @!p0 [hbm:s6], $0xF7A  }
0x23: {  	s9 =	sor.u32 $0xD0000000, s2;
	s6 =	simm.s32 $0x108;
	_ =	swait.ge @!p0 [sflag:s8], $0x0  }
0x24: {  	s3 =	sadd.s32 $0x88, s3;
	s6 =	simm.s32 @!p1 $0x1082;
	[sflag:s4] =	ssyncset.s32 $0xFFFFF086  }
0x25: {  	[simem:s6], [sflag:s4] =	dma.local [hbm:s3], $0xF7A  }
0x26: {  	[smem:$0x3F54] =	sst s1;
	(tag) =	ssettag s2;
	_ =	strace s9  }
0x27: {  	s1 =	sld [smem:$0x3F64]  }
0x28: {  	s2 =	sld [smem:$0x3F65]  }
0x29: {  	s4 =	sld [smem:$0x3F67]  }
0x2a: {  	p0 =	seq.s32 s5, $0x0;
	s5 =	sld [smem:$0x3F68]  }
0x2b: {  	s6 =	sld [smem:$0x3F69]  }
0x2c: {  	s7 =	sld [smem:$0x3F6A]  }
0x2d: {  	s3 =	simm.s32 $0x108;
	s8 =	sld [smem:$0x3F6B]  }
0x2e: {  	s3 =	simm.s32 @!p0 $0x1082;
	s9 =	sld [smem:$0x3F6C]  }
0x2f: {  	lr =	sadd.s32 s0, s3;
	s0 =	sld [smem:$0x3F63]  }
0x30: {  	s3 =	sld [smem:$0x3F66]  }
0x31: {  	[smem:$0x3F6F] =	sst s10  }
0x32: {  	s10 =	sld [smem:$0x3F6D];
	_ =	sdelay $0x3  }
0x33: {  	p0 =	seq.s32 s10, $0x1;
	s10 =	sld [smem:$0x3F6F];
	_ =	sdelay $0x3  }
0x34: {  	[smem:$0x3F6F] =	sst s10  }
0x35: {  	s10 =	sld [smem:$0x3F6E];
	_ =	sdelay $0x3  }
0x36: {  	p1 =	seq.s32 s10, $0x1;
	s10 =	sld [smem:$0x3F6F];
	_ =	sdelay $0x3  }
0x37: {  	[smem:$0x3F6F] =	sst s10  }
0x38: {  	s10 =	sld [smem:$0x3F70]  }
0x39: {  	_ = 	snop;
	(pc) =	sbr.ind lr, $3  }
0x3a: {  	_ = 	snop  }
0x3b: {  	_ = 	snop  }
0x3c: {  	p2 =	seq.s32 s10, $0x1;
	s10 =	sld [smem:$0x3F6F]  }
0x3d: {  	_ =	shalt  }
0x3e: {  	_ =	shalt  }
0x3f: {  	_ =	shalt  }
0x40: {  	_ =	shalt  }
0x41: {  	_ =	shalt  }
0x42: {  	_ =	shalt  }
0x43: {  	_ =	shalt  }
0x44: {  	_ =	shalt  }
0x45: {  	_ =	shalt  }
0x46: {  	_ =	shalt  }
0x47: {  	_ =	shalt  }
0x48: {  	_ =	shalt  }
0x49: {  	_ =	shalt  }
0x4a: {  	_ =	shalt  }
0x4b: {  	_ =	shalt  }
0x4c: {  	_ =	shalt  }
0x4d: {  	_ =	shalt  }
0x4e: {  	_ =	shalt  }
0x4f: {  	_ =	shalt  }
0x50: {  	_ =	shalt  }
0x51: {  	_ =	shalt  }
0x52: {  	_ =	shalt  }
0x53: {  	_ =	shalt  }
0x54: {  	_ =	shalt  }
0x55: {  	_ =	shalt  }
0x56: {  	_ =	shalt  }
0x57: {  	_ =	shalt  }
0x58: {  	_ =	shalt  }
0x59: {  	_ =	shalt  }
0x5a: {  	_ =	shalt  }
0x5b: {  	_ =	shalt  }
0x5c: {  	_ =	shalt  }
0x5d: {  	_ =	shalt  }
0x5e: {  	_ =	shalt  }
0x5f: {  	_ =	shalt  }
0x60: {  	_ =	shalt  }
0x61: {  	_ =	shalt  }
0x62: {  	_ =	shalt  }
0x63: {  	_ =	shalt  }
0x64: {  	_ =	shalt  }
0x65: {  	_ =	shalt  }
0x66: {  	_ =	shalt  }
0x67: {  	_ =	shalt  }
0x68: {  	_ =	shalt  }
0x69: {  	_ =	shalt  }
0x6a: {  	_ =	shalt  }
0x6b: {  	_ =	shalt  }
0x6c: {  	_ =	shalt  }
0x6d: {  	_ =	shalt  }
0x6e: {  	_ =	shalt  }
0x6f: {  	_ =	shalt  }
0x70: {  	_ =	shalt  }
0x71: {  	_ =	shalt  }
0x72: {  	_ =	shalt  }
0x73: {  	_ =	shalt  }
0x74: {  	_ =	shalt  }
0x75: {  	_ =	shalt  }
0x76: {  	_ =	shalt  }
0x77: {  	_ =	shalt  }
0x78: {  	_ =	shalt  }
0x79: {  	_ =	shalt  }
0x7a: {  	_ =	shalt  }
0x7b: {  	_ =	shalt  }
0x7c: {  	_ =	shalt  }
0x7d: {  	_ =	shalt  }
0x7e: {  	_ =	shalt  }
0x7f: {  	_ =	shalt  }
0x80: {  	_ =	shalt  }
0x81: {  	_ =	shalt  }
0x82: {  	_ =	shalt  }
0x83: {  	_ =	shalt  }
0x84: {  	_ =	shalt  }
0x85: {  	_ =	shalt  }
0x86: {  	_ =	shalt  }
0x87: {  	_ =	shalt  }
.Lfunc_end0:
.L_simem_size_0:
called_computation_lowered:
.L_overlay_start_0:
0x88: {  	s2 =	sld [smem:$0x3FD9]  }
0x89: {  	s3 =	sld [smem:$0x3FFE];
	_ =	sdelay $0x1  }
0x8a: {  	s1 =	srdreg.scid  }
0x8b: {  	s0 =	sand.u32 $0x1, s1  }
0x8c: {  	s16 =	sshll.u32 s0, $0xA;
	s2 =	sadd.s32 s3, s2  }
0x8d: {  	s2 =	sadd.s32 s2, s16  }
0x8e: {  	[smem:$0x3F7B] =	sst s2  }
0x8f: {  	_ = 	snop  }
0x90: {  	(tm) =	ssettm $0x1  }
0x91: {  	s17 =	sld [smem:$0x3FFB];
	_ =	sdelay $0x3  }
0x92: {  	_ =	strace s17  }
0x93: {  	s2 =	sld [smem:$0x3FFC];
	_ =	sdelay $0x3  }
0x94: {  	_ =	strace s2  }
0x95: {  	s2 =	sld [smem:$0x3FFD];
	_ =	sdelay $0x3  }
0x96: {  	_ =	strace s2  }
0x97: {  	_ =	strace $0x8FFFFFFF  }
0x98: {  	s18 =	sld [smem:$0x3FDB];
	_ =	sdelay $0x1  }
0x99: {  	s19 =	simm.s32 $_scs_section_size  }
0x9a: {  	s4 =	simm.s32 $_size__tile_overlayer_lowered;
	s5 =	simm.s32 $_tile_overlayer_lowered  }
0x9b: {  	s22 =	simm.s32 $0x1BFF;
	s21 =	sshll.u32 s5, $0x1;
	s2 =	sadd.s32 s19, s18  }
0x9c: {  	s6 =	simm.s32 $0x0;
	s20 =	sshll.u32 s4, $0x1;
	s4 =	sadd.s32 s21, s2  }
0x9d: {  	[timem:s6], [sflag:s22] =	dma.local [hbm:s4], s20  }
0x9e: {  	_ =	swait.ge [sflag:s22], s20  }
0x9f: {  	s3 =	ssub.s32 $0x0, s20;
	[sflag:s22] =	ssyncset.done $0x0  }
0xa0: {  	[sflag:s22] =	ssyncadd.s32 s3;
	_ =	sdelay $0x1  }
0xa1: {  	s23 =	simm.s32 $0x1B8B  }
0xa2: {  	_ =	swait.ge [sflag:s23], $0x1  }
0xa3: {  	[sflag:s23] =	ssyncset.done $0x0  }
0xa4: {  	s25 =	simm.s32 $0x1B8E;
	s24 =	sld [smem:$0x3FFE];
	[sflag:s23] =	ssyncadd.s32 $0xFFFFFFFF  }
0xa5: {  	s26 =	simm.s32 $execute0_lowered;
	[smem:$0x3FD2] =	sst s25  }
0xa6: {  	s4 =	sshll.u32 s26, $0x1;
	_ =	strace $0x80000046;
	[dreg:$0x1] =	wrdreg $0xFFFFFFFF  }
0xa7: {  	s28 =	simm.s32 $_size_execute0_lowered;
	s2 =	sadd.s32 s2, s4;
	[dreg:$0x0] =	wrdreg $0x0  }
0xa8: {  	s4 =	sshll.u32 s28, $0x1;
	[dreg:$0x2] =	wrdreg s2  }
0xa9: {  	[dreg:$0x3] =	wrdreg s4  }
0xaa: {  	[dreg:$0x4] =	wrdreg $0xC0  }
0xab: {  	_ =	task [dreg:s6], $0x5FFFF  }
0xac: {  	[dreg:$0x1] =	wrdreg $0xFFFFFFFF  }
0xad: {  	[dreg:$0x0] =	wrdreg $0x60  }
0xae: {  	[dreg:$0x2] =	wrdreg s24  }
0xaf: {  	[dreg:$0x3] =	wrdreg $0x9  }
0xb0: {  	_ =	task.clear_ibuf [dreg:s6], $0x4FFFF;
	_ =	strace $0x90000046  }
0xb1: {  	s29 =	simm.s32 $0x9;
	_ =	strace $0x80000048  }
0xb2: {  	_ =	swait.ge [sflag:s29], $0x1  }
0xb3: {  	[sflag:s29] =	ssyncadd.s32 $0xFFFFFFFF  }
0xb4: {  	_ =	strace $0x90000048  }
0xb5: {  	_ =	sfence  }
0xb6: {  	s30 =	sld [smem:$0x0];
	_ =	sdelay $0x2  }
0xb7: {  	s31 =	sshll.u32 s1, $0xD;
	s1 =	sshrl.u32 s1, $0x2  }
0xb8: {  	s3 =	sand.u32 $0x4000, s31;
	s1 =	sadd.s32 s1, s30  }
0xb9: {  	s0 =	sor.u32 s3, s0;
	s1 =	sshll.u32 s1, $0x11  }
0xba: {  	s0 =	sor.u32 s1, s0  }
0xbb: {  	s0 =	sadd.s32 $0x8F2B, s0  }
0xbc: {  	[sflag:s0] =	ssyncadd.remote.s32 $0x1  }
0xbd: {  	_ =	sfence.sel $0xFFFF  }
0xbe: {  	[dreg:$0x0] =	wrdreg $0xFFFFFFFF;
	(pc) =	sbr.abs _section_cstart, $3  }
0xbf: {  	[dreg:$0x1] =	wrdreg $0xFFFFFFFF  }
0xc0: {  	_ =	task.clear_ibuf [dreg:s6], $0x2FFFF;
	_ =	strace $0x9FFFFFFF  }
0xc1: {  	(tm) =	ssettm $0x7FFFFFFF  }
tec
execute0_lowered:
.L_overlay_start_1:
0x0: {  	(tag) =	ssettag $0x1  }
0x1: {  	s4 =	rddreg [dreg:$0x0]  }
0x2: {  	s0 =	rddreg [dreg:$0x1];
	s3 =	srdreg.scid  }
0x3: {  	s1 =	stileid.u32;
	s2 =	simm.s32 $0x0;
	s15 =	simm.s32 $0x1400  }
0x4: {  	s16 =	simm.s32 $0x2400;
	s17 =	simm.s32 $0x100;
	s18 =	simm.s32 $0x3400  }
0x5: {  	s19 =	simm.s32 $0x1;
	s20 =	simm.s32 $0x2;
	s11 =	smul.u32 $0x50000, s1  }
0x6: {  	s21 =	simm.s32 $0x3;
	s10 =	sand.u32 $0x1, s3;
	s14 =	smul.u32 $0xA000, s1  }
0x7: {  	s22 =	simm.s32 $0x0;
	s23 =	sshll.u32 s1, $0x1;
	s13 =	smul.u32 $0x28000, s10  }
0x8: {  	s5 =	sor.u32 s10, s23;
	s7 =	ssub.s32 $0x2, s10;
	s10 =	smul.u32 $0x5000, s10  }
0x9: {  	[smem:$0x7FF] =	sst s2;
	s3 =	sadd.s32 $0xFC00, s4;
	s6 =	smul.u32 $0x280, s5  }
0xa: {  	s12 =	sadd.s32 $0x1EA00, s4;
	_ =	strace $0x80000047;
	s9 =	smul.u32 $0x28000, s5  }
0xb: {  	s8 =	sshrl.u32 s7, $0x1;
	s24 =	smul.u32 $0x5000, s5;
	s28 =	sadd.s32 s14, s12  }
0xc: {  	s14 =	simm.s32 $0x80;
	s7 =	ssub.s32 s7, s8;
	s11 =	sadd.s32 s13, s11  }
0xd: {  	s10 =	sadd.s32 s10, s28;
	s13 =	simm.s32 $0x4;
	s6 =	sadd.s32 s6, s4  }
0xe: {  	s5 =	smax.u32 s7, $0x1;
	s25 =	sadd.s32 s12, s24;
	s26 =	sshrl.u32 s9, $0x3  }
0xf: {  	s29 =	sor.u32 $0x2000, s11;
	s11 =	sor.u32 $0x1000, s11;
	s4 =	sadd.s32 $0x19A00, s6  }
0x10: {  	s6 =	sadd.s32 $0x4E00, s25;
	s9 =	sadd.s32 s12, s26;
	s7 =	sadd.s32 $0x4800, s25  }
0x11: {  	s30 =	sshrl.u32 s29, $0x3;
	s31 =	sshrl.u32 s11, $0x3;
	s8 =	sadd.s32 $0x4A00, s9  }
0x12: {  	s9 =	sadd.s32 $0x4C00, s9;
	s11 =	sadd.s32 s30, s12;
	s12 =	sadd.s32 s31, s12  }
.LBB2_1:
0x13: {  	[tilespmem:s2], [sflag:$0x4] =	stream.linear.gather [hbm4b:s4+s2], $0x1400, $0x38;
	[tilespmem:$0x4400] =	vst v63  }
0x14: {  	_ =	swait.ge [sflag:s13], $0x1400  }
0x15: {  	[sflag:s13] =	ssyncset.done $0x0  }
0x16: {  	[sflag:s13] =	ssyncadd.s32 $0xFFFFEC00  }
0x17: {  	[tilespmem:s15], [sflag:$0x1] =	stream.indirect.gather [hbm4b:s3+s14], $0x20, s2, s14, $0xb8;
	[tilespmem:$0x4400] =	vst v63  }
0x18: {  	_ = 	snop  }
0x19: {  	[tilespmem:s16], [sflag:$0x2] =	stream.indirect.gather [hbm4b:s3+s14], $0x20, s14, s14, $0xb8;
	[tilespmem:$0x4400] =	vst v63  }
0x1a: {  	_ = 	snop  }
0x1b: {  	[tilespmem:s18], [sflag:$0x3] =	stream.indirect.gather [hbm4b:s3+s14], $0x20, s17, s14, $0xb8;
	[tilespmem:$0x4400] =	vst v63  }
0x1c: {  	_ =	swait.ge [sflag:s19], $0x1000  }
0x1d: {  	[sflag:s19] =	ssyncset.done $0x0  }
0x1e: {  	s23 =	sadd.s32 $0x0, s10;
	[sflag:s19] =	ssyncadd.s32 $0xFFFFF000  }
0x1f: {  	[hbm4b:s23+s2] =	stream.linear.scatter [tilespmem:s15], [sflag:$0x4], $0x1000, $0x38;
	[tilespmem:$0x4400] =	vst v63  }
0x20: {  	_ =	swait.ge [sflag:s13], $0x1000  }
0x21: {  	[sflag:s13] =	ssyncset.done $0x0  }
0x22: {  	s28 =	simm.s32 $0x180;
	[sflag:s13] =	ssyncadd.s32 $0xFFFFF000  }
0x23: {  	[tilespmem:s15], [sflag:$0x1] =	stream.indirect.gather [hbm4b:s3+s14], $0x20, s28, s14, $0xb8;
	[tilespmem:$0x4400] =	vst v63  }
0x24: {  	_ =	swait.ge [sflag:s20], $0x1000  }
0x25: {  	[sflag:s20] =	ssyncset.done $0x0  }
0x26: {  	s29 =	sadd.s32 $0x0, s12;
	[sflag:s20] =	ssyncadd.s32 $0xFFFFF000  }
0x27: {  	[hbm4b:s29+s2] =	stream.linear.scatter [tilespmem:s16], [sflag:$0x4], $0x1000, $0x38;
	[tilespmem:$0x4400] =	vst v63  }
0x28: {  	_ =	swait.ge [sflag:s13], $0x1000  }
0x29: {  	[sflag:s13] =	ssyncset.done $0x0  }
0x2a: {  	s30 =	simm.s32 $0x200;
	[sflag:s13] =	ssyncadd.s32 $0xFFFFF000  }
0x2b: {  	[tilespmem:s16], [sflag:$0x2] =	stream.indirect.gather [hbm4b:s3+s14], $0x20, s30, s14, $0xb8;
	[tilespmem:$0x4400] =	vst v63  }
0x2c: {  	_ =	swait.ge [sflag:s21], $0x1000  }
0x2d: {  	[sflag:s21] =	ssyncset.done $0x0  }
0x2e: {  	s31 =	sadd.s32 $0x0, s11;
	[sflag:s21] =	ssyncadd.s32 $0xFFFFF000  }
0x2f: {  	[hbm4b:s31+s2] =	stream.linear.scatter [tilespmem:s18], [sflag:$0x4], $0x1000, $0x38;
	[tilespmem:$0x4400] =	vst v63  }
0x30: {  	_ =	swait.ge [sflag:s13], $0x1000  }
0x31: {  	[sflag:s13] =	ssyncset.done $0x0  }
0x32: {  	s24 =	simm.s32 $0x280;
	s23 =	simm.s32 $0x600;
	[sflag:s13] =	ssyncadd.s32 $0xFFFFF000  }
.LBB2_2:
0x33: {  	[tilespmem:s18], [sflag:$0x3] =	stream.indirect.gather [hbm4b:s3+s14], $0x20, s24, s14, $0xb8;
	[tilespmem:$0x4400] =	vst v63  }
0x34: {  	s24 =	smov.u32 s23;
	s23 =	sadd.s32 $0x600, s23;
	_ =	swait.ge [sflag:s19], $0x1000  }
0x35: {  	p0 =	sne.s32 s23, $0x4800;
	[sflag:s19] =	ssyncset.done $0x0  }
0x36: {  	s25 =	sadd.s32 s24, s10;
	[sflag:s19] =	ssyncadd.s32 $0xFFFFF000  }
0x37: {  	[hbm4b:s25+s2] =	stream.linear.scatter [tilespmem:s15], [sflag:$0x4], $0x1000, $0x38;
	[tilespmem:$0x4400] =	vst v63  }
0x38: {  	_ =	swait.ge [sflag:s13], $0x1000  }
0x39: {  	s25 =	sshra.s32 s24, $0x2;
	[sflag:s13] =	ssyncset.done $0x0  }
0x3a: {  	s26 =	sadd.s32 $0x180, s25;
	[sflag:s13] =	ssyncadd.s32 $0xFFFFF000  }
0x3b: {  	[tilespmem:s15], [sflag:$0x1] =	stream.indirect.gather [hbm4b:s3+s14], $0x20, s26, s14, $0xb8;
	[tilespmem:$0x4400] =	vst v63  }
0x3c: {  	_ =	swait.ge [sflag:s20], $0x1000  }
0x3d: {  	[sflag:s20] =	ssyncset.done $0x0  }
0x3e: {  	s26 =	sadd.s32 s24, s12;
	[sflag:s20] =	ssyncadd.s32 $0xFFFFF000  }
0x3f: {  	[hbm4b:s26+s2] =	stream.linear.scatter [tilespmem:s16], [sflag:$0x4], $0x1000, $0x38;
	[tilespmem:$0x4400] =	vst v63  }
0x40: {  	_ =	swait.ge [sflag:s13], $0x1000  }
0x41: {  	[sflag:s13] =	ssyncset.done $0x0  }
0x42: {  	s26 =	sadd.s32 $0x200, s25;
	[sflag:s13] =	ssyncadd.s32 $0xFFFFF000  }
0x43: {  	[tilespmem:s16], [sflag:$0x2] =	stream.indirect.gather [hbm4b:s3+s14], $0x20, s26, s14, $0xb8;
	[tilespmem:$0x4400] =	vst v63  }
0x44: {  	_ =	swait.ge [sflag:s21], $0x1000  }
0x45: {  	[sflag:s21] =	ssyncset.done $0x0  }
.Ltmp0:
0x46: {  	s24 =	sadd.s32 s24, s11;
	[sflag:s21] =	ssyncadd.s32 $0xFFFFF000;
	(pc) =	sbr.rel @p0 .LBB2_2-.Ltmp0, $4  }
0x47: {  	[hbm4b:s24+s2] =	stream.linear.scatter [tilespmem:s18], [sflag:$0x4], $0x1000, $0x38;
	[tilespmem:$0x4400] =	vst v63  }
0x48: {  	_ =	swait.ge [sflag:s13], $0x1000  }
0x49: {  	[sflag:s13] =	ssyncset.done $0x0  }
0x4a: {  	s24 =	sadd.s32 $0x280, s25;
	[sflag:s13] =	ssyncadd.s32 $0xFFFFF000  }
0x4b: {  	[tilespmem:s18], [sflag:$0x3] =	stream.indirect.gather [hbm4b:s3+s14], $0x20, s24, s14, $0xb8;
	[tilespmem:$0x4400] =	vst v63  }
0x4c: {  	_ =	swait.ge [sflag:s19], $0x1000  }
0x4d: {  	[sflag:s19] =	ssyncset.done $0x0  }
0x4e: {  	[sflag:s19] =	ssyncadd.s32 $0xFFFFF000  }
0x4f: {  	[hbm4b:s7+s2] =	stream.linear.scatter [tilespmem:s15], [sflag:$0x4], $0x1000, $0x38;
	[tilespmem:$0x4400] =	vst v63  }
0x50: {  	_ =	swait.ge [sflag:s13], $0x1000  }
0x51: {  	s23 =	sshra.s32 s23, $0x2;
	[sflag:s13] =	ssyncset.done $0x0  }
0x52: {  	s23 =	sadd.s32 $0x180, s23;
	[sflag:s13] =	ssyncadd.s32 $0xFFFFF000  }
0x53: {  	[tilespmem:s15], [sflag:$0x1] =	stream.indirect.gather [hbm4b:s3+s14], $0x20, s23, s14, $0xb8;
	[tilespmem:$0x4400] =	vst v63  }
0x54: {  	_ =	swait.ge [sflag:s20], $0x1000  }
0x55: {  	[sflag:s20] =	ssyncset.done $0x0  }
0x56: {  	[sflag:s20] =	ssyncadd.s32 $0xFFFFF000  }
0x57: {  	[hbm4b:s8+s2] =	stream.linear.scatter [tilespmem:s16], [sflag:$0x4], $0x1000, $0x38;
	[tilespmem:$0x4400] =	vst v63  }
0x58: {  	_ =	swait.ge [sflag:s13], $0x1000  }
0x59: {  	[sflag:s13] =	ssyncset.done $0x0  }
0x5a: {  	[sflag:s13] =	ssyncadd.s32 $0xFFFFF000  }
0x5b: {  	_ =	swait.ge [sflag:s21], $0x1000  }
0x5c: {  	[sflag:s21] =	ssyncset.done $0x0  }
0x5d: {  	[sflag:s21] =	ssyncadd.s32 $0xFFFFF000  }
0x5e: {  	[hbm4b:s9+s2] =	stream.linear.scatter [tilespmem:s18], [sflag:$0x4], $0x1000, $0x38;
	[tilespmem:$0x4400] =	vst v63  }
0x5f: {  	_ =	swait.ge [sflag:s13], $0x1000  }
0x60: {  	[sflag:s13] =	ssyncset.done $0x0  }
0x61: {  	[sflag:s13] =	ssyncadd.s32 $0xFFFFF000  }
0x62: {  	s22 =	sadd.s32 $0x1, s22;
	_ =	swait.ge [sflag:s19], $0x1000  }
0x63: {  	p0 =	sne.s32 s22, s5;
	[sflag:s19] =	ssyncset.done $0x0  }
.Ltmp1:
0x64: {  	[sflag:s19] =	ssyncadd.s32 $0xFFFFF000;
	(pc) =	sbr.rel @p0 .LBB2_1-.Ltmp1, $4  }
0x65: {  	[hbm4b:s6+s2] =	stream.linear.scatter [tilespmem:s15], [sflag:$0x4], $0x1000, $0x38;
	[tilespmem:$0x4400] =	vst v63  }
0x66: {  	_ =	swait.ge [sflag:s13], $0x1000  }
0x67: {  	[sflag:s13] =	ssyncset.done $0x0  }
0x68: {  	[sflag:s13] =	ssyncadd.s32 $0xFFFFF000  }
0x69: {  	_ =	sfence.sel $0x180000  }
0x6a: {  	[bflag:$0x0] =	sbarrier.arrive $0xFFFF  }
0x6b: {  	p0 =	sne.s32 s1, $0x0;
	_ =	strace $0x90000047  }
0x6c: {  	s0 =	sadd.s32 @!p0 $0x100000, s0;
	[bflag:$0x2] =	sbarrier.arrive $0xFFFF  }
0x6d: {  	[sflag:s0] =	ssyncadd.tile.s32 @!p0 $0x1;
	_ =	shalt  }
.Lfunc_end2:
_tile_overlayer_lowered:
.L_overlay_start_2:
0x6e: {  	(tag) =	ssettag $0x2  }
0x6f: {  	s0 =	rddreg [dreg:$0x0];
	s2 =	stileid.u32  }
0x70: {  	s1 =	rddreg [dreg:$0x1];
	p0 =	sne.s32 s2, $0x0  }
0x71: {  	s3 =	rddreg [dreg:$0x2];
	[bflag:$0x3] =	sbarrier.arrive $0xFFFF;
	s2 =	simm.s32 @!p0 $0x1C04  }
0x72: {  	[timem:s3], [sflag:s2] =	dma.local @!p0 [hbm:s0], s1  }
0x73: {  	s0 =	simm.s32 @!p0 $0x4  }
0x74: {  	_ =	swait.ge @!p0 [sflag:s0], s1  }
0x75: {  	s1 =	ssub.s32 @!p0 $0x0, s1;
	[sflag:s0] =	ssyncset.done @!p0 $0x0  }
0x76: {  	[sflag:s0] =	ssyncadd.s32 @!p0 s1  }
0x77: {  	[bflag:$0x3] =	sbarrier.arrive $0xFFFF  }
0x78: {  	_ =	shalt  }

</sc_bundles>
